<compile_context>
chip_gen: v7x
topology: tpu7x:2x2x1
jax: 0.10.2.dev20260603
libtpu: 0.0.44.dev20260713+nightly
codegen_flags: <defaults>
</compile_context>

<pallas_src>
import functools

import jax
import jax.numpy as jnp
from jax import lax
from jax.experimental import pallas as pl
from jax.experimental.pallas import tpu as pltpu
from jax.experimental.pallas import tpu_sc as plsc

V = 53
D = 64
B = 16384
S = 200
NC = 2
NS = 16
NW = NC * NS
BTPW = 4
BPW = BTPW * 128
NBUF = 2
CHW = 8 * BTPW * 8 * 128

_mesh = plsc.VectorSubcoreMesh(core_axis_name="c", subcore_axis_name="s")


@functools.partial(
    pl.kernel,
    mesh=_mesh,
    compiler_params=pltpu.CompilerParams(
        use_tc_tiling_on_sc=False, needs_layout_passes=False
    ),
    out_type=jax.ShapeDtypeStruct((S, 8, 128, 8, 128), jnp.float32),
    scratch_types=[
        pltpu.VMEM((D * V,), jnp.float32),
        pltpu.VMEM((NBUF, BPW), jnp.int32),
        pltpu.VMEM((NBUF, 1, 8, BTPW, 8, 128), jnp.float32),
        pltpu.SemaphoreType.DMA,
        pltpu.SemaphoreType.DMA,
        pltpu.SemaphoreType.DMA,
        pltpu.SemaphoreType.DMA,
    ],
)
def _sc_lookup_t(xt_hbm, tab_hbm, out_hbm, tab_v, idx_v, rows_v,
                 is0, is1, os0, os1):
    idx_sem = (is0, is1)
    o_sem = (os0, os1)
    wid = lax.axis_index("s") * NC + lax.axis_index("c")
    bbase = wid * BPW
    btbase = wid * BTPW

    pltpu.sync_copy(tab_hbm, tab_v)

    for b in range(NBUF):
        pltpu.make_async_copy(
            xt_hbm.at[pl.ds(b * B + bbase, BPW)], idx_v.at[b], idx_sem[b]
        ).start()

    def chunk_body(s, b):
        @pl.when(s >= NBUF)
        def _():
            pltpu.make_async_copy(
                rows_v.at[b],
                out_hbm.at[pl.ds(0, 1), :, pl.ds(btbase, BTPW)],
                o_sem[b],
            ).wait()
        pltpu.make_async_copy(
            xt_hbm.at[pl.ds(0, BPW)], idx_v.at[b], idx_sem[b]
        ).wait()

        @plsc.parallel_loop(0, BTPW * 8)
        def _(gg):
            btg = gg // 8
            gr = gg % 8
            iv = idx_v[b, pl.ds(gg * 16, 16)]
            for dt in range(8):
                for dr in range(8):
                    vals = plsc.load_gather(tab_v, [iv + (dt * 8 + dr) * V])
                    rows_v[b, 0, dt, btg, dr, pl.ds(gr * 16, 16)] = vals

        @pl.when(s + NBUF < S)
        def _():
            pltpu.make_async_copy(
                xt_hbm.at[pl.ds((s + NBUF) * B + bbase, BPW)],
                idx_v.at[b],
                idx_sem[b],
            ).start()
        pltpu.make_async_copy(
            rows_v.at[b],
            out_hbm.at[pl.ds(s, 1), :, pl.ds(btbase, BTPW)],
            o_sem[b],
        ).start()

    def pair_body(g2, carry):
        for b in range(NBUF):
            chunk_body(g2 * NBUF + b, b)
        return carry

    lax.fori_loop(0, S // NBUF, pair_body, 0)

    for b in range(NBUF):
        pltpu.make_async_copy(
            rows_v.at[b],
            out_hbm.at[pl.ds(0, 1), :, pl.ds(btbase, BTPW)],
            o_sem[b],
        ).wait()


def kernel(x, token_embedding):
    xt = jnp.transpose(x).reshape(S * B).astype(jnp.int32)
    tabt = jnp.transpose(token_embedding.astype(jnp.float32)).reshape(D * V)
    out5 = _sc_lookup_t(xt, tabt)
    out = jnp.transpose(out5, (2, 4, 0, 1, 3)).reshape(B, S, D)
    return out

# --- scband reference (transcript-rebuilt; emitter-appended) ---
"""Pipeline reference for scband-value-encoder-11304353923156 (READ-ONLY COPY).

The authoritative reference and input builder live on the scoring server;
editing this copy changes nothing except your own understanding.
"""

import jax, jax.numpy as jnp
import numpy as np

NBINS = 51
EMBED_DIM = 64
VOCAB = max(NBINS + 2, 2)
BATCH = 16384
SEQ = 200


def setup_inputs(seed: int = 0) -> dict:
    key = jax.random.key(seed)
    k1, k2 = jax.random.split(key)
    x = jax.random.randint(k1, (BATCH, SEQ), 0, VOCAB)
    token_embedding = jax.random.normal(k2, (VOCAB, EMBED_DIM), dtype=jnp.float32)
    return {"x": x, "token_embedding": token_embedding}


def reference(x, token_embedding):
    # x is integer-typed -> discrete bin path: nn.Embedding lookup
    return jnp.take(token_embedding, x, axis=0)

if __name__ == "__main__":
    import jax
    _d = setup_inputs()
    print(jax.jit(kernel)(*tuple(_d.values())))

</pallas_src>

<mosaic_0001>
#map = affine_map<(d0, d1) -> (0)>
#map1 = affine_map<(d0, d1) -> (0, 0, 0, 0, 0)>
module attributes {stable_mosaic.version = 14 : i64} {
  func.func @_sc_lookup_t(%arg0: i32, %arg1: i32, %arg2: memref<3276800xi32, #tpu.memory_space<hbm>>, %arg3: memref<3392xf32, #tpu.memory_space<hbm>>, %arg4: memref<200x8x128x8x128xf32, #tpu.memory_space<hbm>>, %arg5: memref<3392xf32, #tpu.memory_space<vmem>>, %arg6: memref<2x512xi32, #tpu.memory_space<vmem>>, %arg7: memref<2x1x8x4x8x128xf32, #tpu.memory_space<vmem>>, %arg8: memref<!tpu.dma_semaphore, #tpu.memory_space<semaphore_mem>>, %arg9: memref<!tpu.dma_semaphore, #tpu.memory_space<semaphore_mem>>, %arg10: memref<!tpu.dma_semaphore, #tpu.memory_space<semaphore_mem>>, %arg11: memref<!tpu.dma_semaphore, #tpu.memory_space<semaphore_mem>>) attributes {dimension_semantics = [#tpu.dimension_semantics<core_parallel>, #tpu.dimension_semantics<subcore_parallel>], iteration_bounds = array<i64: 2, 16>, scalar_prefetch = 0 : i64, scratch_operands = 7 : i64, tpu.core_type = #tpu.core_type<sc_vector_subcore>, window_params = [{transform_indices = #map}, {transform_indices = #map}, {transform_indices = #map1}]} {
    %mul3A = arith.constant 2 : i32
    %mul3A_0 = arith.muli %arg1, %mul3A : i32
    %add3A = arith.addi %mul3A_0, %arg0 : i32
    %mul3A_1 = arith.constant 512 : i32
    %mul3A_2 = arith.muli %add3A, %mul3A_1 : i32
    %mul3A_3 = arith.constant 4 : i32
    %mul3A_4 = arith.muli %add3A, %mul3A_3 : i32
    "tpu.region"() ({
      %run_scoped3A = tpu.sem_alloc : memref<!tpu.dma_semaphore, #tpu.memory_space<semaphore_mem>>
      tpu.enqueue_dma source(%arg3 : memref<3392xf32, #tpu.memory_space<hbm>>) target(%arg5 : memref<3392xf32, #tpu.memory_space<vmem>>) target_semaphore(%run_scoped3A : memref<!tpu.dma_semaphore, #tpu.memory_space<semaphore_mem>>)
      tpu.wait_dma2 semaphore(%run_scoped3A : memref<!tpu.dma_semaphore, #tpu.memory_space<semaphore_mem>>) src(%arg3 : memref<3392xf32, #tpu.memory_space<hbm>>) dst(%arg5 : memref<3392xf32, #tpu.memory_space<vmem>>)
      tpu.yield
    }) : () -> ()
    %add3A_5 = arith.constant 0 : i32
    %add3A_6 = arith.addi %add3A_5, %mul3A_2 : i32
    %dma_start3A = arith.constant 0 : i32
    %dma_start3A_7 = arith.constant 0 : i32
    %dma_start3A_8 = tpu.memref_slice %arg6[%dma_start3A, %dma_start3A_7] : memref<2x512xi32, #tpu.memory_space<vmem>> -> memref<1x512xi32, #tpu.memory_space<vmem>>
    %dma_start3A_9 = tpu.memref_squeeze %dma_start3A_8 : memref<1x512xi32, #tpu.memory_space<vmem>> -> memref<512xi32, #tpu.memory_space<vmem>>
    %dma_start3A_10 = tpu.memref_slice %arg2[%add3A_6] : memref<3276800xi32, #tpu.memory_space<hbm>> -> memref<512xi32, #tpu.memory_space<hbm>>
    %dma_start3A_11 = arith.constant 0 : i32
    %dma_start3A_12 = tpu.memref_slice %arg6[%dma_start3A, %dma_start3A_11] : memref<2x512xi32, #tpu.memory_space<vmem>> -> memref<1x512xi32, #tpu.memory_space<vmem>>
    %dma_start3A_13 = tpu.memref_squeeze %dma_start3A_12 : memref<1x512xi32, #tpu.memory_space<vmem>> -> memref<512xi32, #tpu.memory_space<vmem>>
    %dma_start3A_14 = tpu.memref_slice %arg2[%add3A_6] : memref<3276800xi32, #tpu.memory_space<hbm>> -> memref<512xi32, #tpu.memory_space<hbm>>
    tpu.enqueue_dma source(%dma_start3A_14 : memref<512xi32, #tpu.memory_space<hbm>>) target(%dma_start3A_13 : memref<512xi32, #tpu.memory_space<vmem>>) target_semaphore(%arg8 : memref<!tpu.dma_semaphore, #tpu.memory_space<semaphore_mem>>)
    %add3A_15 = arith.constant 16384 : i32
    %add3A_16 = arith.addi %add3A_15, %mul3A_2 : i32
    %dma_start3A_17 = arith.constant 1 : i32
    %dma_start3A_18 = arith.constant 0 : i32
    %dma_start3A_19 = tpu.memref_slice %arg6[%dma_start3A_17, %dma_start3A_18] : memref<2x512xi32, #tpu.memory_space<vmem>> -> memref<1x512xi32, #tpu.memory_space<vmem>>
    %dma_start3A_20 = tpu.memref_squeeze %dma_start3A_19 : memref<1x512xi32, #tpu.memory_space<vmem>> -> memref<512xi32, #tpu.memory_space<vmem>>
    %dma_start3A_21 = tpu.memref_slice %arg2[%add3A_16] : memref<3276800xi32, #tpu.memory_space<hbm>> -> memref<512xi32, #tpu.memory_space<hbm>>
    %dma_start3A_22 = arith.constant 0 : i32
    %dma_start3A_23 = tpu.memref_slice %arg6[%dma_start3A_17, %dma_start3A_22] : memref<2x512xi32, #tpu.memory_space<vmem>> -> memref<1x512xi32, #tpu.memory_space<vmem>>
    %dma_start3A_24 = tpu.memref_squeeze %dma_start3A_23 : memref<1x512xi32, #tpu.memory_space<vmem>> -> memref<512xi32, #tpu.memory_space<vmem>>
    %dma_start3A_25 = tpu.memref_slice %arg2[%add3A_16] : memref<3276800xi32, #tpu.memory_space<hbm>> -> memref<512xi32, #tpu.memory_space<hbm>>
    tpu.enqueue_dma source(%dma_start3A_25 : memref<512xi32, #tpu.memory_space<hbm>>) target(%dma_start3A_24 : memref<512xi32, #tpu.memory_space<vmem>>) target_semaphore(%arg9 : memref<!tpu.dma_semaphore, #tpu.memory_space<semaphore_mem>>)
    %scan3A = arith.constant 0 : i32
    %scan3A_26 = arith.constant 0 : i32
    %scan3A_27 = arith.constant 100 : i32
    %scan3A_28 = arith.addi %scan3A_26, %scan3A_27 : i32
    %scan3A_29 = arith.constant 1 : i32
    scf.for %scan3A_80 = %scan3A_26 to %scan3A_28 step %scan3A_29  : i32 {
      %mul3A_81 = arith.constant 2 : i32
      %mul3A_82 = arith.muli %scan3A_80, %mul3A_81 : i32
      %add3A_83 = arith.constant 0 : i32
      %add3A_84 = arith.addi %mul3A_82, %add3A_83 : i32
      %ge3A = arith.constant 2 : i32
      %ge3A_85 = arith.cmpi sge, %add3A_84, %ge3A : i32
      %convert_element_type3A = arith.extui %ge3A_85 : i1 to i32
      %cond3A = arith.constant 0 : i32
      %cond3A_86 = arith.cmpi ne, %convert_element_type3A, %cond3A : i32
      scf.if %cond3A_86 {
        %dma_wait3A_182 = arith.constant 0 : i32
        %dma_wait3A_183 = arith.constant 0 : i32
        %dma_wait3A_184 = arith.constant 0 : i32
        %dma_wait3A_185 = arith.constant 0 : i32
        %dma_wait3A_186 = arith.constant 0 : i32
        %dma_wait3A_187 = arith.constant 0 : i32
        %dma_wait3A_188 = tpu.memref_slice %arg7[%dma_wait3A_182, %dma_wait3A_183, %dma_wait3A_184, %dma_wait3A_185, %dma_wait3A_186, %dma_wait3A_187] : memref<2x1x8x4x8x128xf32, #tpu.memory_space<vmem>> -> memref<1x1x8x4x8x128xf32, #tpu.memory_space<vmem>>
        %dma_wait3A_189 = tpu.memref_squeeze %dma_wait3A_188 : memref<1x1x8x4x8x128xf32, #tpu.memory_space<vmem>> -> memref<1x8x4x8x128xf32, #tpu.memory_space<vmem>>
        %dma_wait3A_190 = arith.constant 0 : i32
        %dma_wait3A_191 = arith.constant 0 : i32
        %dma_wait3A_192 = arith.constant 0 : i32
        %dma_wait3A_193 = arith.constant 0 : i32
        %dma_wait3A_194 = tpu.memref_slice %arg4[%dma_wait3A_190, %dma_wait3A_191, %mul3A_4, %dma_wait3A_192, %dma_wait3A_193] : memref<200x8x128x8x128xf32, #tpu.memory_space<hbm>> -> memref<1x8x4x8x128xf32, #tpu.memory_space<hbm>>
        %dma_wait3A_195 = arith.constant 0 : i32
        %dma_wait3A_196 = arith.constant 0 : i32
        %dma_wait3A_197 = arith.constant 0 : i32
        %dma_wait3A_198 = arith.constant 0 : i32
        %dma_wait3A_199 = tpu.memref_slice %arg4[%dma_wait3A_195, %dma_wait3A_196, %mul3A_4, %dma_wait3A_197, %dma_wait3A_198] : memref<200x8x128x8x128xf32, #tpu.memory_space<hbm>> -> memref<1x8x4x8x128xf32, #tpu.memory_space<hbm>>
        %dma_wait3A_200 = arith.constant 0 : i32
        %dma_wait3A_201 = arith.constant 0 : i32
        %dma_wait3A_202 = arith.constant 0 : i32
        %dma_wait3A_203 = arith.constant 0 : i32
        %dma_wait3A_204 = arith.constant 0 : i32
        %dma_wait3A_205 = tpu.memref_slice %arg7[%dma_wait3A_182, %dma_wait3A_200, %dma_wait3A_201, %dma_wait3A_202, %dma_wait3A_203, %dma_wait3A_204] : memref<2x1x8x4x8x128xf32, #tpu.memory_space<vmem>> -> memref<1x1x8x4x8x128xf32, #tpu.memory_space<vmem>>
        %dma_wait3A_206 = tpu.memref_squeeze %dma_wait3A_205 : memref<1x1x8x4x8x128xf32, #tpu.memory_space<vmem>> -> memref<1x8x4x8x128xf32, #tpu.memory_space<vmem>>
        tpu.wait_dma2 semaphore(%arg10 : memref<!tpu.dma_semaphore, #tpu.memory_space<semaphore_mem>>) src(%dma_wait3A_206 : memref<1x8x4x8x128xf32, #tpu.memory_space<vmem>>) dst(%dma_wait3A_199 : memref<1x8x4x8x128xf32, #tpu.memory_space<hbm>>)
      } else {
      }
      %dma_wait3A_87 = arith.constant 0 : i32
      %dma_wait3A_88 = arith.constant 0 : i32
      %dma_wait3A_89 = tpu.memref_slice %arg6[%dma_wait3A_87, %dma_wait3A_88] : memref<2x512xi32, #tpu.memory_space<vmem>> -> memref<1x512xi32, #tpu.memory_space<vmem>>
      %dma_wait3A_90 = tpu.memref_squeeze %dma_wait3A_89 : memref<1x512xi32, #tpu.memory_space<vmem>> -> memref<512xi32, #tpu.memory_space<vmem>>
      %dma_wait3A_91 = arith.constant 0 : i32
      %dma_wait3A_92 = tpu.memref_slice %arg2[%dma_wait3A_91] : memref<3276800xi32, #tpu.memory_space<hbm>> -> memref<512xi32, #tpu.memory_space<hbm>>
      %dma_wait3A_93 = arith.constant 0 : i32
      %dma_wait3A_94 = tpu.memref_slice %arg6[%dma_wait3A_87, %dma_wait3A_93] : memref<2x512xi32, #tpu.memory_space<vmem>> -> memref<1x512xi32, #tpu.memory_space<vmem>>
      %dma_wait3A_95 = tpu.memref_squeeze %dma_wait3A_94 : memref<1x512xi32, #tpu.memory_space<vmem>> -> memref<512xi32, #tpu.memory_space<vmem>>
      %dma_wait3A_96 = arith.constant 0 : i32
      %dma_wait3A_97 = tpu.memref_slice %arg2[%dma_wait3A_96] : memref<3276800xi32, #tpu.memory_space<hbm>> -> memref<512xi32, #tpu.memory_space<hbm>>
      tpu.wait_dma2 semaphore(%arg8 : memref<!tpu.dma_semaphore, #tpu.memory_space<semaphore_mem>>) src(%dma_wait3A_97 : memref<512xi32, #tpu.memory_space<hbm>>) dst(%dma_wait3A_95 : memref<512xi32, #tpu.memory_space<vmem>>)
      %parallel_loop3A = arith.constant 0 : i32
      %parallel_loop3A_98 = arith.constant 32 : i32
      %parallel_loop3A_99 = arith.constant 1 : i32
      scf.for %parallel_loop3A_182 = %parallel_loop3A to %parallel_loop3A_98 step %parallel_loop3A_99  : i32 {
        %parallel_loop3A_183 = arith.constant 8 : i32
        %parallel_loop3A_184 = arith.divsi %parallel_loop3A_182, %parallel_loop3A_183 : i32
        %parallel_loop3A_185 = arith.constant 0 : i32
        %parallel_loop3A_186 = arith.cmpi sgt, %parallel_loop3A_182, %parallel_loop3A_185 : i32
        %parallel_loop3A_187 = arith.extui %parallel_loop3A_186 : i1 to i32
        %parallel_loop3A_188 = arith.constant 0 : i32
        %parallel_loop3A_189 = arith.cmpi slt, %parallel_loop3A_182, %parallel_loop3A_188 : i32
        %parallel_loop3A_190 = arith.extui %parallel_loop3A_189 : i1 to i32
        %parallel_loop3A_191 = arith.subi %parallel_loop3A_187, %parallel_loop3A_190 : i32
        %parallel_loop3A_192 = arith.constant 0 : i32
        %parallel_loop3A_193 = arith.cmpi sgt, %parallel_loop3A_183, %parallel_loop3A_192 : i32
        %parallel_loop3A_194 = arith.extui %parallel_loop3A_193 : i1 to i32
        %parallel_loop3A_195 = arith.constant 0 : i32
        %parallel_loop3A_196 = arith.cmpi slt, %parallel_loop3A_183, %parallel_loop3A_195 : i32
        %parallel_loop3A_197 = arith.extui %parallel_loop3A_196 : i1 to i32
        %parallel_loop3A_198 = arith.subi %parallel_loop3A_194, %parallel_loop3A_197 : i32
        %parallel_loop3A_199 = arith.cmpi ne, %parallel_loop3A_191, %parallel_loop3A_198 : i32
        %parallel_loop3A_200 = arith.remsi %parallel_loop3A_182, %parallel_loop3A_183 : i32
        %parallel_loop3A_201 = arith.constant 0 : i32
        %parallel_loop3A_202 = arith.cmpi ne, %parallel_loop3A_200, %parallel_loop3A_201 : i32
        %parallel_loop3A_203 = arith.andi %parallel_loop3A_199, %parallel_loop3A_202 : i1
        %parallel_loop3A_204 = arith.constant 1 : i32
        %parallel_loop3A_205 = arith.subi %parallel_loop3A_184, %parallel_loop3A_204 : i32
        %parallel_loop3A_206 = arith.select %parallel_loop3A_203, %parallel_loop3A_205, %parallel_loop3A_184 : i32
        %parallel_loop3A_207 = arith.constant 8 : i32
        %parallel_loop3A_208 = arith.constant 0 : i32
        %parallel_loop3A_209 = arith.cmpi eq, %parallel_loop3A_207, %parallel_loop3A_208 : i32
        %parallel_loop3A_210 = arith.constant 1 : i32
        %parallel_loop3A_211 = arith.select %parallel_loop3A_209, %parallel_loop3A_210, %parallel_loop3A_207 : i32
        %parallel_loop3A_212 = arith.remsi %parallel_loop3A_182, %parallel_loop3A_211 : i32
        %parallel_loop3A_213 = arith.constant 0 : i32
        %parallel_loop3A_214 = arith.cmpi ne, %parallel_loop3A_212, %parallel_loop3A_213 : i32
        %parallel_loop3A_215 = arith.constant 0 : i32
        %parallel_loop3A_216 = arith.cmpi slt, %parallel_loop3A_212, %parallel_loop3A_215 : i32
        %parallel_loop3A_217 = arith.constant 0 : i32
        %parallel_loop3A_218 = arith.cmpi slt, %parallel_loop3A_211, %parallel_loop3A_217 : i32
        %parallel_loop3A_219 = arith.xori %parallel_loop3A_216, %parallel_loop3A_218 : i1
        %parallel_loop3A_220 = arith.andi %parallel_loop3A_219, %parallel_loop3A_214 : i1
        %parallel_loop3A_221 = arith.addi %parallel_loop3A_212, %parallel_loop3A_211 : i32
        %parallel_loop3A_222 = arith.select %parallel_loop3A_220, %parallel_loop3A_221, %parallel_loop3A_212 : i32
        %parallel_loop3A_223 = arith.constant 16 : i32
        %parallel_loop3A_224 = arith.muli %parallel_loop3A_182, %parallel_loop3A_223 : i32
        %parallel_loop3A_225 = arith.constant 0 : i32
        %parallel_loop3A_226 = arith.index_cast %parallel_loop3A_225 : i32 to index
        %parallel_loop3A_227 = arith.index_cast %parallel_loop3A_224 : i32 to index
        %parallel_loop3A_228 = tpu.vector_load %arg6[%parallel_loop3A_226, %parallel_loop3A_227] {strides = array<i32>} : memref<2x512xi32, #tpu.memory_space<vmem>>, vector<16xi32>,
        %parallel_loop3A_229 = arith.constant 0 : i32
        %parallel_loop3A_230 = vector.broadcast %parallel_loop3A_229 : i32 to vector<16xi32>
        %parallel_loop3A_231 = arith.addi %parallel_loop3A_228, %parallel_loop3A_230 : vector<16xi32>
        %parallel_loop3A_232 = tpu.vector_load_idx %arg5[%parallel_loop3A_231] : memref<3392xf32, #tpu.memory_space<vmem>>[vector<16xi32>], vector<16xf32>,
        %parallel_loop3A_233 = arith.constant 16 : i32
        %parallel_loop3A_234 = arith.muli %parallel_loop3A_222, %parallel_loop3A_233 : i32
        %parallel_loop3A_235 = arith.constant 0 : i32
        %parallel_loop3A_236 = arith.constant 0 : i32
        %parallel_loop3A_237 = arith.constant 0 : i32
        %parallel_loop3A_238 = arith.constant 0 : i32
        %parallel_loop3A_239 = arith.index_cast %parallel_loop3A_235 : i32 to index
        %parallel_loop3A_240 = arith.index_cast %parallel_loop3A_236 : i32 to index
        %parallel_loop3A_241 = arith.index_cast %parallel_loop3A_237 : i32 to index
        %parallel_loop3A_242 = arith.index_cast %parallel_loop3A_206 : i32 to index
        %parallel_loop3A_243 = arith.index_cast %parallel_loop3A_238 : i32 to index
        %parallel_loop3A_244 = arith.index_cast %parallel_loop3A_234 : i32 to index
        %parallel_loop3A_245 = tpu.vector_load %arg7[%parallel_loop3A_239, %parallel_loop3A_240, %parallel_loop3A_241, %parallel_loop3A_242, %parallel_loop3A_243, %parallel_loop3A_244] {strides = array<i32>} : memref<2x1x8x4x8x128xf32, #tpu.memory_space<vmem>>, vector<16xf32>,
        tpu.vector_store %arg7[%parallel_loop3A_239, %parallel_loop3A_240, %parallel_loop3A_241, %parallel_loop3A_242, %parallel_loop3A_243, %parallel_loop3A_244], %parallel_loop3A_232 {strides = array<i32>} : memref<2x1x8x4x8x128xf32, #tpu.memory_space<vmem>>, vector<16xf32>,
        %parallel_loop3A_246 = arith.constant 53 : i32
        %parallel_loop3A_247 = vector.broadcast %parallel_loop3A_246 : i32 to vector<16xi32>
        %parallel_loop3A_248 = arith.addi %parallel_loop3A_228, %parallel_loop3A_247 : vector<16xi32>
        %parallel_loop3A_249 = tpu.vector_load_idx %arg5[%parallel_loop3A_248] : memref<3392xf32, #tpu.memory_space<vmem>>[vector<16xi32>], vector<16xf32>,
        %parallel_loop3A_250 = arith.constant 16 : i32
        %parallel_loop3A_251 = arith.muli %parallel_loop3A_222, %parallel_loop3A_250 : i32
        %parallel_loop3A_252 = arith.constant 0 : i32
        %parallel_loop3A_253 = arith.constant 0 : i32
        %parallel_loop3A_254 = arith.constant 0 : i32
        %parallel_loop3A_255 = arith.constant 1 : i32
        %parallel_loop3A_256 = arith.index_cast %parallel_loop3A_252 : i32 to index
        %parallel_loop3A_257 = arith.index_cast %parallel_loop3A_253 : i32 to index
        %parallel_loop3A_258 = arith.index_cast %parallel_loop3A_254 : i32 to index
        %parallel_loop3A_259 = arith.index_cast %parallel_loop3A_206 : i32 to index
        %parallel_loop3A_260 = arith.index_cast %parallel_loop3A_255 : i32 to index
        %parallel_loop3A_261 = arith.index_cast %parallel_loop3A_251 : i32 to index
        %parallel_loop3A_262 = tpu.vector_load %arg7[%parallel_loop3A_256, %parallel_loop3A_257, %parallel_loop3A_258, %parallel_loop3A_259, %parallel_loop3A_260, %parallel_loop3A_261] {strides = array<i32>} : memref<2x1x8x4x8x128xf32, #tpu.memory_space<vmem>>, vector<16xf32>,
        tpu.vector_store %arg7[%parallel_loop3A_256, %parallel_loop3A_257, %parallel_loop3A_258, %parallel_loop3A_259, %parallel_loop3A_260, %parallel_loop3A_261], %parallel_loop3A_249 {strides = array<i32>} : memref<2x1x8x4x8x128xf32, #tpu.memory_space<vmem>>, vector<16xf32>,
        %parallel_loop3A_263 = arith.constant 106 : i32
        %parallel_loop3A_264 = vector.broadcast %parallel_loop3A_263 : i32 to vector<16xi32>
        %parallel_loop3A_265 = arith.addi %parallel_loop3A_228, %parallel_loop3A_264 : vector<16xi32>
        %parallel_loop3A_266 = tpu.vector_load_idx %arg5[%parallel_loop3A_265] : memref<3392xf32, #tpu.memory_space<vmem>>[vector<16xi32>], vector<16xf32>,
        %parallel_loop3A_267 = arith.constant 16 : i32
        %parallel_loop3A_268 = arith.muli %parallel_loop3A_222, %parallel_loop3A_267 : i32
        %parallel_loop3A_269 = arith.constant 0 : i32
        %parallel_loop3A_270 = arith.constant 0 : i32
        %parallel_loop3A_271 = arith.constant 0 : i32
        %parallel_loop3A_272 = arith.constant 2 : i32
        %parallel_loop3A_273 = arith.index_cast %parallel_loop3A_269 : i32 to index
        %parallel_loop3A_274 = arith.index_cast %parallel_loop3A_270 : i32 to index
        %parallel_loop3A_275 = arith.index_cast %parallel_loop3A_271 : i32 to index
        %parallel_loop3A_276 = arith.index_cast %parallel_loop3A_206 : i32 to index
        %parallel_loop3A_277 = arith.index_cast %parallel_loop3A_272 : i32 to index
        %parallel_loop3A_278 = arith.index_cast %parallel_loop3A_268 : i32 to index
        %parallel_loop3A_279 = tpu.vector_load %arg7[%parallel_loop3A_273, %parallel_loop3A_274, %parallel_loop3A_275, %parallel_loop3A_276, %parallel_loop3A_277, %parallel_loop3A_278] {strides = array<i32>} : memref<2x1x8x4x8x128xf32, #tpu.memory_space<vmem>>, vector<16xf32>,
        tpu.vector_store %arg7[%parallel_loop3A_273, %parallel_loop3A_274, %parallel_loop3A_275, %parallel_loop3A_276, %parallel_loop3A_277, %parallel_loop3A_278], %parallel_loop3A_266 {strides = array<i32>} : memref<2x1x8x4x8x128xf32, #tpu.memory_space<vmem>>, vector<16xf32>,
        %parallel_loop3A_280 = arith.constant 159 : i32
        %parallel_loop3A_281 = vector.broadcast %parallel_loop3A_280 : i32 to vector<16xi32>
        %parallel_loop3A_282 = arith.addi %parallel_loop3A_228, %parallel_loop3A_281 : vector<16xi32>
        %parallel_loop3A_283 = tpu.vector_load_idx %arg5[%parallel_loop3A_282] : memref<3392xf32, #tpu.memory_space<vmem>>[vector<16xi32>], vector<16xf32>,
        %parallel_loop3A_284 = arith.constant 16 : i32
        %parallel_loop3A_285 = arith.muli %parallel_loop3A_222, %parallel_loop3A_284 : i32
        %parallel_loop3A_286 = arith.constant 0 : i32
        %parallel_loop3A_287 = arith.constant 0 : i32
        %parallel_loop3A_288 = arith.constant 0 : i32
        %parallel_loop3A_289 = arith.constant 3 : i32
        %parallel_loop3A_290 = arith.index_cast %parallel_loop3A_286 : i32 to index
        %parallel_loop3A_291 = arith.index_cast %parallel_loop3A_287 : i32 to index
        %parallel_loop3A_292 = arith.index_cast %parallel_loop3A_288 : i32 to index
        %parallel_loop3A_293 = arith.index_cast %parallel_loop3A_206 : i32 to index
        %parallel_loop3A_294 = arith.index_cast %parallel_loop3A_289 : i32 to index
        %parallel_loop3A_295 = arith.index_cast %parallel_loop3A_285 : i32 to index
        %parallel_loop3A_296 = tpu.vector_load %arg7[%parallel_loop3A_290, %parallel_loop3A_291, %parallel_loop3A_292, %parallel_loop3A_293, %parallel_loop3A_294, %parallel_loop3A_295] {strides = array<i32>} : memref<2x1x8x4x8x128xf32, #tpu.memory_space<vmem>>, vector<16xf32>,
        tpu.vector_store %arg7[%parallel_loop3A_290, %parallel_loop3A_291, %parallel_loop3A_292, %parallel_loop3A_293, %parallel_loop3A_294, %parallel_loop3A_295], %parallel_loop3A_283 {strides = array<i32>} : memref<2x1x8x4x8x128xf32, #tpu.memory_space<vmem>>, vector<16xf32>,
        %parallel_loop3A_297 = arith.constant 212 : i32
        %parallel_loop3A_298 = vector.broadcast %parallel_loop3A_297 : i32 to vector<16xi32>
        %parallel_loop3A_299 = arith.addi %parallel_loop3A_228, %parallel_loop3A_298 : vector<16xi32>
        %parallel_loop3A_300 = tpu.vector_load_idx %arg5[%parallel_loop3A_299] : memref<3392xf32, #tpu.memory_space<vmem>>[vector<16xi32>], vector<16xf32>,
        %parallel_loop3A_301 = arith.constant 16 : i32
        %parallel_loop3A_302 = arith.muli %parallel_loop3A_222, %parallel_loop3A_301 : i32
        %parallel_loop3A_303 = arith.constant 0 : i32
        %parallel_loop3A_304 = arith.constant 0 : i32
        %parallel_loop3A_305 = arith.constant 0 : i32
        %parallel_loop3A_306 = arith.constant 4 : i32
        %parallel_loop3A_307 = arith.index_cast %parallel_loop3A_303 : i32 to index
        %parallel_loop3A_308 = arith.index_cast %parallel_loop3A_304 : i32 to index
        %parallel_loop3A_309 = arith.index_cast %parallel_loop3A_305 : i32 to index
        %parallel_loop3A_310 = arith.index_cast %parallel_loop3A_206 : i32 to index
        %parallel_loop3A_311 = arith.index_cast %parallel_loop3A_306 : i32 to index
        %parallel_loop3A_312 = arith.index_cast %parallel_loop3A_302 : i32 to index
        %parallel_loop3A_313 = tpu.vector_load %arg7[%parallel_loop3A_307, %parallel_loop3A_308, %parallel_loop3A_309, %parallel_loop3A_310, %parallel_loop3A_311, %parallel_loop3A_312] {strides = array<i32>} : memref<2x1x8x4x8x128xf32, #tpu.memory_space<vmem>>, vector<16xf32>,
        tpu.vector_store %arg7[%parallel_loop3A_307, %parallel_loop3A_308, %parallel_loop3A_309, %parallel_loop3A_310, %parallel_loop3A_311, %parallel_loop3A_312], %parallel_loop3A_300 {strides = array<i32>} : memref<2x1x8x4x8x128xf32, #tpu.memory_space<vmem>>, vector<16xf32>,
        %parallel_loop3A_314 = arith.constant 265 : i32
        %parallel_loop3A_315 = vector.broadcast %parallel_loop3A_314 : i32 to vector<16xi32>
        %parallel_loop3A_316 = arith.addi %parallel_loop3A_228, %parallel_loop3A_315 : vector<16xi32>
        %parallel_loop3A_317 = tpu.vector_load_idx %arg5[%parallel_loop3A_316] : memref<3392xf32, #tpu.memory_space<vmem>>[vector<16xi32>], vector<16xf32>,
        %parallel_loop3A_318 = arith.constant 16 : i32
        %parallel_loop3A_319 = arith.muli %parallel_loop3A_222, %parallel_loop3A_318 : i32
        %parallel_loop3A_320 = arith.constant 0 : i32
        %parallel_loop3A_321 = arith.constant 0 : i32
        %parallel_loop3A_322 = arith.constant 0 : i32
        %parallel_loop3A_323 = arith.constant 5 : i32
        %parallel_loop3A_324 = arith.index_cast %parallel_loop3A_320 : i32 to index
        %parallel_loop3A_325 = arith.index_cast %parallel_loop3A_321 : i32 to index
        %parallel_loop3A_326 = arith.index_cast %parallel_loop3A_322 : i32 to index
        %parallel_loop3A_327 = arith.index_cast %parallel_loop3A_206 : i32 to index
        %parallel_loop3A_328 = arith.index_cast %parallel_loop3A_323 : i32 to index
        %parallel_loop3A_329 = arith.index_cast %parallel_loop3A_319 : i32 to index
        %parallel_loop3A_330 = tpu.vector_load %arg7[%parallel_loop3A_324, %parallel_loop3A_325, %parallel_loop3A_326, %parallel_loop3A_327, %parallel_loop3A_328, %parallel_loop3A_329] {strides = array<i32>} : memref<2x1x8x4x8x128xf32, #tpu.memory_space<vmem>>, vector<16xf32>,
        tpu.vector_store %arg7[%parallel_loop3A_324, %parallel_loop3A_325, %parallel_loop3A_326, %parallel_loop3A_327, %parallel_loop3A_328, %parallel_loop3A_329], %parallel_loop3A_317 {strides = array<i32>} : memref<2x1x8x4x8x128xf32, #tpu.memory_space<vmem>>, vector<16xf32>,
        %parallel_loop3A_331 = arith.constant 318 : i32
        %parallel_loop3A_332 = vector.broadcast %parallel_loop3A_331 : i32 to vector<16xi32>
        %parallel_loop3A_333 = arith.addi %parallel_loop3A_228, %parallel_loop3A_332 : vector<16xi32>
        %parallel_loop3A_334 = tpu.vector_load_idx %arg5[%parallel_loop3A_333] : memref<3392xf32, #tpu.memory_space<vmem>>[vector<16xi32>], vector<16xf32>,
        %parallel_loop3A_335 = arith.constant 16 : i32
        %parallel_loop3A_336 = arith.muli %parallel_loop3A_222, %parallel_loop3A_335 : i32
        %parallel_loop3A_337 = arith.constant 0 : i32
        %parallel_loop3A_338 = arith.constant 0 : i32
        %parallel_loop3A_339 = arith.constant 0 : i32
        %parallel_loop3A_340 = arith.constant 6 : i32
        %parallel_loop3A_341 = arith.index_cast %parallel_loop3A_337 : i32 to index
        %parallel_loop3A_342 = arith.index_cast %parallel_loop3A_338 : i32 to index
        %parallel_loop3A_343 = arith.index_cast %parallel_loop3A_339 : i32 to index
        %parallel_loop3A_344 = arith.index_cast %parallel_loop3A_206 : i32 to index
        %parallel_loop3A_345 = arith.index_cast %parallel_loop3A_340 : i32 to index
        %parallel_loop3A_346 = arith.index_cast %parallel_loop3A_336 : i32 to index
        %parallel_loop3A_347 = tpu.vector_load %arg7[%parallel_loop3A_341, %parallel_loop3A_342, %parallel_loop3A_343, %parallel_loop3A_344, %parallel_loop3A_345, %parallel_loop3A_346] {strides = array<i32>} : memref<2x1x8x4x8x128xf32, #tpu.memory_space<vmem>>, vector<16xf32>,
        tpu.vector_store %arg7[%parallel_loop3A_341, %parallel_loop3A_342, %parallel_loop3A_343, %parallel_loop3A_344, %parallel_loop3A_345, %parallel_loop3A_346], %parallel_loop3A_334 {strides = array<i32>} : memref<2x1x8x4x8x128xf32, #tpu.memory_space<vmem>>, vector<16xf32>,
        %parallel_loop3A_348 = arith.constant 371 : i32
        %parallel_loop3A_349 = vector.broadcast %parallel_loop3A_348 : i32 to vector<16xi32>
        %parallel_loop3A_350 = arith.addi %parallel_loop3A_228, %parallel_loop3A_349 : vector<16xi32>
        %parallel_loop3A_351 = tpu.vector_load_idx %arg5[%parallel_loop3A_350] : memref<3392xf32, #tpu.memory_space<vmem>>[vector<16xi32>], vector<16xf32>,
        %parallel_loop3A_352 = arith.constant 16 : i32
        %parallel_loop3A_353 = arith.muli %parallel_loop3A_222, %parallel_loop3A_352 : i32
        %parallel_loop3A_354 = arith.constant 0 : i32
        %parallel_loop3A_355 = arith.constant 0 : i32
        %parallel_loop3A_356 = arith.constant 0 : i32
        %parallel_loop3A_357 = arith.constant 7 : i32
        %parallel_loop3A_358 = arith.index_cast %parallel_loop3A_354 : i32 to index
        %parallel_loop3A_359 = arith.index_cast %parallel_loop3A_355 : i32 to index
        %parallel_loop3A_360 = arith.index_cast %parallel_loop3A_356 : i32 to index
        %parallel_loop3A_361 = arith.index_cast %parallel_loop3A_206 : i32 to index
        %parallel_loop3A_362 = arith.index_cast %parallel_loop3A_357 : i32 to index
        %parallel_loop3A_363 = arith.index_cast %parallel_loop3A_353 : i32 to index
        %parallel_loop3A_364 = tpu.vector_load %arg7[%parallel_loop3A_358, %parallel_loop3A_359, %parallel_loop3A_360, %parallel_loop3A_361, %parallel_loop3A_362, %parallel_loop3A_363] {strides = array<i32>} : memref<2x1x8x4x8x128xf32, #tpu.memory_space<vmem>>, vector<16xf32>,
        tpu.vector_store %arg7[%parallel_loop3A_358, %parallel_loop3A_359, %parallel_loop3A_360, %parallel_loop3A_361, %parallel_loop3A_362, %parallel_loop3A_363], %parallel_loop3A_351 {strides = array<i32>} : memref<2x1x8x4x8x128xf32, #tpu.memory_space<vmem>>, vector<16xf32>,
        %parallel_loop3A_365 = arith.constant 424 : i32
        %parallel_loop3A_366 = vector.broadcast %parallel_loop3A_365 : i32 to vector<16xi32>
        %parallel_loop3A_367 = arith.addi %parallel_loop3A_228, %parallel_loop3A_366 : vector<16xi32>
        %parallel_loop3A_368 = tpu.vector_load_idx %arg5[%parallel_loop3A_367] : memref<3392xf32, #tpu.memory_space<vmem>>[vector<16xi32>], vector<16xf32>,
        %parallel_loop3A_369 = arith.constant 16 : i32
        %parallel_loop3A_370 = arith.muli %parallel_loop3A_222, %parallel_loop3A_369 : i32
        %parallel_loop3A_371 = arith.constant 0 : i32
        %parallel_loop3A_372 = arith.constant 0 : i32
        %parallel_loop3A_373 = arith.constant 1 : i32
        %parallel_loop3A_374 = arith.constant 0 : i32
        %parallel_loop3A_375 = arith.index_cast %parallel_loop3A_371 : i32 to index
        %parallel_loop3A_376 = arith.index_cast %parallel_loop3A_372 : i32 to index
        %parallel_loop3A_377 = arith.index_cast %parallel_loop3A_373 : i32 to index
        %parallel_loop3A_378 = arith.index_cast %parallel_loop3A_206 : i32 to index
        %parallel_loop3A_379 = arith.index_cast %parallel_loop3A_374 : i32 to index
        %parallel_loop3A_380 = arith.index_cast %parallel_loop3A_370 : i32 to index
        %parallel_loop3A_381 = tpu.vector_load %arg7[%parallel_loop3A_375, %parallel_loop3A_376, %parallel_loop3A_377, %parallel_loop3A_378, %parallel_loop3A_379, %parallel_loop3A_380] {strides = array<i32>} : memref<2x1x8x4x8x128xf32, #tpu.memory_space<vmem>>, vector<16xf32>,
        tpu.vector_store %arg7[%parallel_loop3A_375, %parallel_loop3A_376, %parallel_loop3A_377, %parallel_loop3A_378, %parallel_loop3A_379, %parallel_loop3A_380], %parallel_loop3A_368 {strides = array<i32>} : memref<2x1x8x4x8x128xf32, #tpu.memory_space<vmem>>, vector<16xf32>,
        %parallel_loop3A_382 = arith.constant 477 : i32
        %parallel_loop3A_383 = vector.broadcast %parallel_loop3A_382 : i32 to vector<16xi32>
        %parallel_loop3A_384 = arith.addi %parallel_loop3A_228, %parallel_loop3A_383 : vector<16xi32>
        %parallel_loop3A_385 = tpu.vector_load_idx %arg5[%parallel_loop3A_384] : memref<3392xf32, #tpu.memory_space<vmem>>[vector<16xi32>], vector<16xf32>,
        %parallel_loop3A_386 = arith.constant 16 : i32
        %parallel_loop3A_387 = arith.muli %parallel_loop3A_222, %parallel_loop3A_386 : i32
        %parallel_loop3A_388 = arith.constant 0 : i32
        %parallel_loop3A_389 = arith.constant 0 : i32
        %parallel_loop3A_390 = arith.constant 1 : i32
        %parallel_loop3A_391 = arith.constant 1 : i32
        %parallel_loop3A_392 = arith.index_cast %parallel_loop3A_388 : i32 to index
        %parallel_loop3A_393 = arith.index_cast %parallel_loop3A_389 : i32 to index
        %parallel_loop3A_394 = arith.index_cast %parallel_loop3A_390 : i32 to index
        %parallel_loop3A_395 = arith.index_cast %parallel_loop3A_206 : i32 to index
        %parallel_loop3A_396 = arith.index_cast %parallel_loop3A_391 : i32 to index
        %parallel_loop3A_397 = arith.index_cast %parallel_loop3A_387 : i32 to index
        %parallel_loop3A_398 = tpu.vector_load %arg7[%parallel_loop3A_392, %parallel_loop3A_393, %parallel_loop3A_394, %parallel_loop3A_395, %parallel_loop3A_396, %parallel_loop3A_397] {strides = array<i32>} : memref<2x1x8x4x8x128xf32, #tpu.memory_space<vmem>>, vector<16xf32>,
        tpu.vector_store %arg7[%parallel_loop3A_392, %parallel_loop3A_393, %parallel_loop3A_394, %parallel_loop3A_395, %parallel_loop3A_396, %parallel_loop3A_397], %parallel_loop3A_385 {strides = array<i32>} : memref<2x1x8x4x8x128xf32, #tpu.memory_space<vmem>>, vector<16xf32>,
        %parallel_loop3A_399 = arith.constant 530 : i32
        %parallel_loop3A_400 = vector.broadcast %parallel_loop3A_399 : i32 to vector<16xi32>
        %parallel_loop3A_401 = arith.addi %parallel_loop3A_228, %parallel_loop3A_400 : vector<16xi32>
        %parallel_loop3A_402 = tpu.vector_load_idx %arg5[%parallel_loop3A_401] : memref<3392xf32, #tpu.memory_space<vmem>>[vector<16xi32>], vector<16xf32>,
        %parallel_loop3A_403 = arith.constant 16 : i32
        %parallel_loop3A_404 = arith.muli %parallel_loop3A_222, %parallel_loop3A_403 : i32
        %parallel_loop3A_405 = arith.constant 0 : i32
        %parallel_loop3A_406 = arith.constant 0 : i32
        %parallel_loop3A_407 = arith.constant 1 : i32
        %parallel_loop3A_408 = arith.constant 2 : i32
        %parallel_loop3A_409 = arith.index_cast %parallel_loop3A_405 : i32 to index
        %parallel_loop3A_410 = arith.index_cast %parallel_loop3A_406 : i32 to index
        %parallel_loop3A_411 = arith.index_cast %parallel_loop3A_407 : i32 to index
        %parallel_loop3A_412 = arith.index_cast %parallel_loop3A_206 : i32 to index
        %parallel_loop3A_413 = arith.index_cast %parallel_loop3A_408 : i32 to index
        %parallel_loop3A_414 = arith.index_cast %parallel_loop3A_404 : i32 to index
        %parallel_loop3A_415 = tpu.vector_load %arg7[%parallel_loop3A_409, %parallel_loop3A_410, %parallel_loop3A_411, %parallel_loop3A_412, %parallel_loop3A_413, %parallel_loop3A_414] {strides = array<i32>} : memref<2x1x8x4x8x128xf32, #tpu.memory_space<vmem>>, vector<16xf32>,
        tpu.vector_store %arg7[%parallel_loop3A_409, %parallel_loop3A_410, %parallel_loop3A_411, %parallel_loop3A_412, %parallel_loop3A_413, %parallel_loop3A_414], %parallel_loop3A_402 {strides = array<i32>} : memref<2x1x8x4x8x128xf32, #tpu.memory_space<vmem>>, vector<16xf32>,
        %parallel_loop3A_416 = arith.constant 583 : i32
        %parallel_loop3A_417 = vector.broadcast %parallel_loop3A_416 : i32 to vector<16xi32>
        %parallel_loop3A_418 = arith.addi %parallel_loop3A_228, %parallel_loop3A_417 : vector<16xi32>
        %parallel_loop3A_419 = tpu.vector_load_idx %arg5[%parallel_loop3A_418] : memref<3392xf32, #tpu.memory_space<vmem>>[vector<16xi32>], vector<16xf32>,
        %parallel_loop3A_420 = arith.constant 16 : i32
        %parallel_loop3A_421 = arith.muli %parallel_loop3A_222, %parallel_loop3A_420 : i32
        %parallel_loop3A_422 = arith.constant 0 : i32
        %parallel_loop3A_423 = arith.constant 0 : i32
        %parallel_loop3A_424 = arith.constant 1 : i32
        %parallel_loop3A_425 = arith.constant 3 : i32
        %parallel_loop3A_426 = arith.index_cast %parallel_loop3A_422 : i32 to index
        %parallel_loop3A_427 = arith.index_cast %parallel_loop3A_423 : i32 to index
        %parallel_loop3A_428 = arith.index_cast %parallel_loop3A_424 : i32 to index
        %parallel_loop3A_429 = arith.index_cast %parallel_loop3A_206 : i32 to index
        %parallel_loop3A_430 = arith.index_cast %parallel_loop3A_425 : i32 to index
        %parallel_loop3A_431 = arith.index_cast %parallel_loop3A_421 : i32 to index
        %parallel_loop3A_432 = tpu.vector_load %arg7[%parallel_loop3A_426, %parallel_loop3A_427, %parallel_loop3A_428, %parallel_loop3A_429, %parallel_loop3A_430, %parallel_loop3A_431] {strides = array<i32>} : memref<2x1x8x4x8x128xf32, #tpu.memory_space<vmem>>, vector<16xf32>,
        tpu.vector_store %arg7[%parallel_loop3A_426, %parallel_loop3A_427, %parallel_loop3A_428, %parallel_loop3A_429, %parallel_loop3A_430, %parallel_loop3A_431], %parallel_loop3A_419 {strides = array<i32>} : memref<2x1x8x4x8x128xf32, #tpu.memory_space<vmem>>, vector<16xf32>,
        %parallel_loop3A_433 = arith.constant 636 : i32
        %parallel_loop3A_434 = vector.broadcast %parallel_loop3A_433 : i32 to vector<16xi32>
        %parallel_loop3A_435 = arith.addi %parallel_loop3A_228, %parallel_loop3A_434 : vector<16xi32>
        %parallel_loop3A_436 = tpu.vector_load_idx %arg5[%parallel_loop3A_435] : memref<3392xf32, #tpu.memory_space<vmem>>[vector<16xi32>], vector<16xf32>,
        %parallel_loop3A_437 = arith.constant 16 : i32
        %parallel_loop3A_438 = arith.muli %parallel_loop3A_222, %parallel_loop3A_437 : i32
        %parallel_loop3A_439 = arith.constant 0 : i32
        %parallel_loop3A_440 = arith.constant 0 : i32
        %parallel_loop3A_441 = arith.constant 1 : i32
        %parallel_loop3A_442 = arith.constant 4 : i32
        %parallel_loop3A_443 = arith.index_cast %parallel_loop3A_439 : i32 to index
        %parallel_loop3A_444 = arith.index_cast %parallel_loop3A_440 : i32 to index
        %parallel_loop3A_445 = arith.index_cast %parallel_loop3A_441 : i32 to index
        %parallel_loop3A_446 = arith.index_cast %parallel_loop3A_206 : i32 to index
        %parallel_loop3A_447 = arith.index_cast %parallel_loop3A_442 : i32 to index
        %parallel_loop3A_448 = arith.index_cast %parallel_loop3A_438 : i32 to index
        %parallel_loop3A_449 = tpu.vector_load %arg7[%parallel_loop3A_443, %parallel_loop3A_444, %parallel_loop3A_445, %parallel_loop3A_446, %parallel_loop3A_447, %parallel_loop3A_448] {strides = array<i32>} : memref<2x1x8x4x8x128xf32, #tpu.memory_space<vmem>>, vector<16xf32>,
        tpu.vector_store %arg7[%parallel_loop3A_443, %parallel_loop3A_444, %parallel_loop3A_445, %parallel_loop3A_446, %parallel_loop3A_447, %parallel_loop3A_448], %parallel_loop3A_436 {strides = array<i32>} : memref<2x1x8x4x8x128xf32, #tpu.memory_space<vmem>>, vector<16xf32>,
        %parallel_loop3A_450 = arith.constant 689 : i32
        %parallel_loop3A_451 = vector.broadcast %parallel_loop3A_450 : i32 to vector<16xi32>
        %parallel_loop3A_452 = arith.addi %parallel_loop3A_228, %parallel_loop3A_451 : vector<16xi32>
        %parallel_loop3A_453 = tpu.vector_load_idx %arg5[%parallel_loop3A_452] : memref<3392xf32, #tpu.memory_space<vmem>>[vector<16xi32>], vector<16xf32>,
        %parallel_loop3A_454 = arith.constant 16 : i32
        %parallel_loop3A_455 = arith.muli %parallel_loop3A_222, %parallel_loop3A_454 : i32
        %parallel_loop3A_456 = arith.constant 0 : i32
        %parallel_loop3A_457 = arith.constant 0 : i32
        %parallel_loop3A_458 = arith.constant 1 : i32
        %parallel_loop3A_459 = arith.constant 5 : i32
        %parallel_loop3A_460 = arith.index_cast %parallel_loop3A_456 : i32 to index
        %parallel_loop3A_461 = arith.index_cast %parallel_loop3A_457 : i32 to index
        %parallel_loop3A_462 = arith.index_cast %parallel_loop3A_458 : i32 to index
        %parallel_loop3A_463 = arith.index_cast %parallel_loop3A_206 : i32 to index
        %parallel_loop3A_464 = arith.index_cast %parallel_loop3A_459 : i32 to index
        %parallel_loop3A_465 = arith.index_cast %parallel_loop3A_455 : i32 to index
        %parallel_loop3A_466 = tpu.vector_load %arg7[%parallel_loop3A_460, %parallel_loop3A_461, %parallel_loop3A_462, %parallel_loop3A_463, %parallel_loop3A_464, %parallel_loop3A_465] {strides = array<i32>} : memref<2x1x8x4x8x128xf32, #tpu.memory_space<vmem>>, vector<16xf32>,
        tpu.vector_store %arg7[%parallel_loop3A_460, %parallel_loop3A_461, %parallel_loop3A_462, %parallel_loop3A_463, %parallel_loop3A_464, %parallel_loop3A_465], %parallel_loop3A_453 {strides = array<i32>} : memref<2x1x8x4x8x128xf32, #tpu.memory_space<vmem>>, vector<16xf32>,
        %parallel_loop3A_467 = arith.constant 742 : i32
        %parallel_loop3A_468 = vector.broadcast %parallel_loop3A_467 : i32 to vector<16xi32>
        %parallel_loop3A_469 = arith.addi %parallel_loop3A_228, %parallel_loop3A_468 : vector<16xi32>
        %parallel_loop3A_470 = tpu.vector_load_idx %arg5[%parallel_loop3A_469] : memref<3392xf32, #tpu.memory_space<vmem>>[vector<16xi32>], vector<16xf32>,
        %parallel_loop3A_471 = arith.constant 16 : i32
        %parallel_loop3A_472 = arith.muli %parallel_loop3A_222, %parallel_loop3A_471 : i32
        %parallel_loop3A_473 = arith.constant 0 : i32
        %parallel_loop3A_474 = arith.constant 0 : i32
        %parallel_loop3A_475 = arith.constant 1 : i32
        %parallel_loop3A_476 = arith.constant 6 : i32
        %parallel_loop3A_477 = arith.index_cast %parallel_loop3A_473 : i32 to index
        %parallel_loop3A_478 = arith.index_cast %parallel_loop3A_474 : i32 to index
        %parallel_loop3A_479 = arith.index_cast %parallel_loop3A_475 : i32 to index
        %parallel_loop3A_480 = arith.index_cast %parallel_loop3A_206 : i32 to index
        %parallel_loop3A_481 = arith.index_cast %parallel_loop3A_476 : i32 to index
        %parallel_loop3A_482 = arith.index_cast %parallel_loop3A_472 : i32 to index
        %parallel_loop3A_483 = tpu.vector_load %arg7[%parallel_loop3A_477, %parallel_loop3A_478, %parallel_loop3A_479, %parallel_loop3A_480, %parallel_loop3A_481, %parallel_loop3A_482] {strides = array<i32>} : memref<2x1x8x4x8x128xf32, #tpu.memory_space<vmem>>, vector<16xf32>,
        tpu.vector_store %arg7[%parallel_loop3A_477, %parallel_loop3A_478, %parallel_loop3A_479, %parallel_loop3A_480, %parallel_loop3A_481, %parallel_loop3A_482], %parallel_loop3A_470 {strides = array<i32>} : memref<2x1x8x4x8x128xf32, #tpu.memory_space<vmem>>, vector<16xf32>,
        %parallel_loop3A_484 = arith.constant 795 : i32
        %parallel_loop3A_485 = vector.broadcast %parallel_loop3A_484 : i32 to vector<16xi32>
        %parallel_loop3A_486 = arith.addi %parallel_loop3A_228, %parallel_loop3A_485 : vector<16xi32>
        %parallel_loop3A_487 = tpu.vector_load_idx %arg5[%parallel_loop3A_486] : memref<3392xf32, #tpu.memory_space<vmem>>[vector<16xi32>], vector<16xf32>,
        %parallel_loop3A_488 = arith.constant 16 : i32
        %parallel_loop3A_489 = arith.muli %parallel_loop3A_222, %parallel_loop3A_488 : i32
        %parallel_loop3A_490 = arith.constant 0 : i32
        %parallel_loop3A_491 = arith.constant 0 : i32
        %parallel_loop3A_492 = arith.constant 1 : i32
        %parallel_loop3A_493 = arith.constant 7 : i32
        %parallel_loop3A_494 = arith.index_cast %parallel_loop3A_490 : i32 to index
        %parallel_loop3A_495 = arith.index_cast %parallel_loop3A_491 : i32 to index
        %parallel_loop3A_496 = arith.index_cast %parallel_loop3A_492 : i32 to index
        %parallel_loop3A_497 = arith.index_cast %parallel_loop3A_206 : i32 to index
        %parallel_loop3A_498 = arith.index_cast %parallel_loop3A_493 : i32 to index
        %parallel_loop3A_499 = arith.index_cast %parallel_loop3A_489 : i32 to index
        %parallel_loop3A_500 = tpu.vector_load %arg7[%parallel_loop3A_494, %parallel_loop3A_495, %parallel_loop3A_496, %parallel_loop3A_497, %parallel_loop3A_498, %parallel_loop3A_499] {strides = array<i32>} : memref<2x1x8x4x8x128xf32, #tpu.memory_space<vmem>>, vector<16xf32>,
        tpu.vector_store %arg7[%parallel_loop3A_494, %parallel_loop3A_495, %parallel_loop3A_496, %parallel_loop3A_497, %parallel_loop3A_498, %parallel_loop3A_499], %parallel_loop3A_487 {strides = array<i32>} : memref<2x1x8x4x8x128xf32, #tpu.memory_space<vmem>>, vector<16xf32>,
        %parallel_loop3A_501 = arith.constant 848 : i32
        %parallel_loop3A_502 = vector.broadcast %parallel_loop3A_501 : i32 to vector<16xi32>
        %parallel_loop3A_503 = arith.addi %parallel_loop3A_228, %parallel_loop3A_502 : vector<16xi32>
        %parallel_loop3A_504 = tpu.vector_load_idx %arg5[%parallel_loop3A_503] : memref<3392xf32, #tpu.memory_space<vmem>>[vector<16xi32>], vector<16xf32>,
        %parallel_loop3A_505 = arith.constant 16 : i32
        %parallel_loop3A_506 = arith.muli %parallel_loop3A_222, %parallel_loop3A_505 : i32
        %parallel_loop3A_507 = arith.constant 0 : i32
        %parallel_loop3A_508 = arith.constant 0 : i32
        %parallel_loop3A_509 = arith.constant 2 : i32
        %parallel_loop3A_510 = arith.constant 0 : i32
        %parallel_loop3A_511 = arith.index_cast %parallel_loop3A_507 : i32 to index
        %parallel_loop3A_512 = arith.index_cast %parallel_loop3A_508 : i32 to index
        %parallel_loop3A_513 = arith.index_cast %parallel_loop3A_509 : i32 to index
        %parallel_loop3A_514 = arith.index_cast %parallel_loop3A_206 : i32 to index
        %parallel_loop3A_515 = arith.index_cast %parallel_loop3A_510 : i32 to index
        %parallel_loop3A_516 = arith.index_cast %parallel_loop3A_506 : i32 to index
        %parallel_loop3A_517 = tpu.vector_load %arg7[%parallel_loop3A_511, %parallel_loop3A_512, %parallel_loop3A_513, %parallel_loop3A_514, %parallel_loop3A_515, %parallel_loop3A_516] {strides = array<i32>} : memref<2x1x8x4x8x128xf32, #tpu.memory_space<vmem>>, vector<16xf32>,
        tpu.vector_store %arg7[%parallel_loop3A_511, %parallel_loop3A_512, %parallel_loop3A_513, %parallel_loop3A_514, %parallel_loop3A_515, %parallel_loop3A_516], %parallel_loop3A_504 {strides = array<i32>} : memref<2x1x8x4x8x128xf32, #tpu.memory_space<vmem>>, vector<16xf32>,
        %parallel_loop3A_518 = arith.constant 901 : i32
        %parallel_loop3A_519 = vector.broadcast %parallel_loop3A_518 : i32 to vector<16xi32>
        %parallel_loop3A_520 = arith.addi %parallel_loop3A_228, %parallel_loop3A_519 : vector<16xi32>
        %parallel_loop3A_521 = tpu.vector_load_idx %arg5[%parallel_loop3A_520] : memref<3392xf32, #tpu.memory_space<vmem>>[vector<16xi32>], vector<16xf32>,
        %parallel_loop3A_522 = arith.constant 16 : i32
        %parallel_loop3A_523 = arith.muli %parallel_loop3A_222, %parallel_loop3A_522 : i32
        %parallel_loop3A_524 = arith.constant 0 : i32
        %parallel_loop3A_525 = arith.constant 0 : i32
        %parallel_loop3A_526 = arith.constant 2 : i32
        %parallel_loop3A_527 = arith.constant 1 : i32
        %parallel_loop3A_528 = arith.index_cast %parallel_loop3A_524 : i32 to index
        %parallel_loop3A_529 = arith.index_cast %parallel_loop3A_525 : i32 to index
        %parallel_loop3A_530 = arith.index_cast %parallel_loop3A_526 : i32 to index
        %parallel_loop3A_531 = arith.index_cast %parallel_loop3A_206 : i32 to index
        %parallel_loop3A_532 = arith.index_cast %parallel_loop3A_527 : i32 to index
        %parallel_loop3A_533 = arith.index_cast %parallel_loop3A_523 : i32 to index
        %parallel_loop3A_534 = tpu.vector_load %arg7[%parallel_loop3A_528, %parallel_loop3A_529, %parallel_loop3A_530, %parallel_loop3A_531, %parallel_loop3A_532, %parallel_loop3A_533] {strides = array<i32>} : memref<2x1x8x4x8x128xf32, #tpu.memory_space<vmem>>, vector<16xf32>,
        tpu.vector_store %arg7[%parallel_loop3A_528, %parallel_loop3A_529, %parallel_loop3A_530, %parallel_loop3A_531, %parallel_loop3A_532, %parallel_loop3A_533], %parallel_loop3A_521 {strides = array<i32>} : memref<2x1x8x4x8x128xf32, #tpu.memory_space<vmem>>, vector<16xf32>,
        %parallel_loop3A_535 = arith.constant 954 : i32
        %parallel_loop3A_536 = vector.broadcast %parallel_loop3A_535 : i32 to vector<16xi32>
        %parallel_loop3A_537 = arith.addi %parallel_loop3A_228, %parallel_loop3A_536 : vector<16xi32>
        %parallel_loop3A_538 = tpu.vector_load_idx %arg5[%parallel_loop3A_537] : memref<3392xf32, #tpu.memory_space<vmem>>[vector<16xi32>], vector<16xf32>,
        %parallel_loop3A_539 = arith.constant 16 : i32
        %parallel_loop3A_540 = arith.muli %parallel_loop3A_222, %parallel_loop3A_539 : i32
        %parallel_loop3A_541 = arith.constant 0 : i32
        %parallel_loop3A_542 = arith.constant 0 : i32
        %parallel_loop3A_543 = arith.constant 2 : i32
        %parallel_loop3A_544 = arith.constant 2 : i32
        %parallel_loop3A_545 = arith.index_cast %parallel_loop3A_541 : i32 to index
        %parallel_loop3A_546 = arith.index_cast %parallel_loop3A_542 : i32 to index
        %parallel_loop3A_547 = arith.index_cast %parallel_loop3A_543 : i32 to index
        %parallel_loop3A_548 = arith.index_cast %parallel_loop3A_206 : i32 to index
        %parallel_loop3A_549 = arith.index_cast %parallel_loop3A_544 : i32 to index
        %parallel_loop3A_550 = arith.index_cast %parallel_loop3A_540 : i32 to index
        %parallel_loop3A_551 = tpu.vector_load %arg7[%parallel_loop3A_545, %parallel_loop3A_546, %parallel_loop3A_547, %parallel_loop3A_548, %parallel_loop3A_549, %parallel_loop3A_550] {strides = array<i32>} : memref<2x1x8x4x8x128xf32, #tpu.memory_space<vmem>>, vector<16xf32>,
        tpu.vector_store %arg7[%parallel_loop3A_545, %parallel_loop3A_546, %parallel_loop3A_547, %parallel_loop3A_548, %parallel_loop3A_549, %parallel_loop3A_550], %parallel_loop3A_538 {strides = array<i32>} : memref<2x1x8x4x8x128xf32, #tpu.memory_space<vmem>>, vector<16xf32>,
        %parallel_loop3A_552 = arith.constant 1007 : i32
        %parallel_loop3A_553 = vector.broadcast %parallel_loop3A_552 : i32 to vector<16xi32>
        %parallel_loop3A_554 = arith.addi %parallel_loop3A_228, %parallel_loop3A_553 : vector<16xi32>
        %parallel_loop3A_555 = tpu.vector_load_idx %arg5[%parallel_loop3A_554] : memref<3392xf32, #tpu.memory_space<vmem>>[vector<16xi32>], vector<16xf32>,
        %parallel_loop3A_556 = arith.constant 16 : i32
        %parallel_loop3A_557 = arith.muli %parallel_loop3A_222, %parallel_loop3A_556 : i32
        %parallel_loop3A_558 = arith.constant 0 : i32
        %parallel_loop3A_559 = arith.constant 0 : i32
        %parallel_loop3A_560 = arith.constant 2 : i32
        %parallel_loop3A_561 = arith.constant 3 : i32
        %parallel_loop3A_562 = arith.index_cast %parallel_loop3A_558 : i32 to index
        %parallel_loop3A_563 = arith.index_cast %parallel_loop3A_559 : i32 to index
        %parallel_loop3A_564 = arith.index_cast %parallel_loop3A_560 : i32 to index
        %parallel_loop3A_565 = arith.index_cast %parallel_loop3A_206 : i32 to index
        %parallel_loop3A_566 = arith.index_cast %parallel_loop3A_561 : i32 to index
        %parallel_loop3A_567 = arith.index_cast %parallel_loop3A_557 : i32 to index
        %parallel_loop3A_568 = tpu.vector_load %arg7[%parallel_loop3A_562, %parallel_loop3A_563, %parallel_loop3A_564, %parallel_loop3A_565, %parallel_loop3A_566, %parallel_loop3A_567] {strides = array<i32>} : memref<2x1x8x4x8x128xf32, #tpu.memory_space<vmem>>, vector<16xf32>,
        tpu.vector_store %arg7[%parallel_loop3A_562, %parallel_loop3A_563, %parallel_loop3A_564, %parallel_loop3A_565, %parallel_loop3A_566, %parallel_loop3A_567], %parallel_loop3A_555 {strides = array<i32>} : memref<2x1x8x4x8x128xf32, #tpu.memory_space<vmem>>, vector<16xf32>,
        %parallel_loop3A_569 = arith.constant 1060 : i32
        %parallel_loop3A_570 = vector.broadcast %parallel_loop3A_569 : i32 to vector<16xi32>
        %parallel_loop3A_571 = arith.addi %parallel_loop3A_228, %parallel_loop3A_570 : vector<16xi32>
        %parallel_loop3A_572 = tpu.vector_load_idx %arg5[%parallel_loop3A_571] : memref<3392xf32, #tpu.memory_space<vmem>>[vector<16xi32>], vector<16xf32>,
        %parallel_loop3A_573 = arith.constant 16 : i32
        %parallel_loop3A_574 = arith.muli %parallel_loop3A_222, %parallel_loop3A_573 : i32
        %parallel_loop3A_575 = arith.constant 0 : i32
        %parallel_loop3A_576 = arith.constant 0 : i32
        %parallel_loop3A_577 = arith.constant 2 : i32
        %parallel_loop3A_578 = arith.constant 4 : i32
        %parallel_loop3A_579 = arith.index_cast %parallel_loop3A_575 : i32 to index
        %parallel_loop3A_580 = arith.index_cast %parallel_loop3A_576 : i32 to index
        %parallel_loop3A_581 = arith.index_cast %parallel_loop3A_577 : i32 to index
        %parallel_loop3A_582 = arith.index_cast %parallel_loop3A_206 : i32 to index
        %parallel_loop3A_583 = arith.index_cast %parallel_loop3A_578 : i32 to index
        %parallel_loop3A_584 = arith.index_cast %parallel_loop3A_574 : i32 to index
        %parallel_loop3A_585 = tpu.vector_load %arg7[%parallel_loop3A_579, %parallel_loop3A_580, %parallel_loop3A_581, %parallel_loop3A_582, %parallel_loop3A_583, %parallel_loop3A_584] {strides = array<i32>} : memref<2x1x8x4x8x128xf32, #tpu.memory_space<vmem>>, vector<16xf32>,
        tpu.vector_store %arg7[%parallel_loop3A_579, %parallel_loop3A_580, %parallel_loop3A_581, %parallel_loop3A_582, %parallel_loop3A_583, %parallel_loop3A_584], %parallel_loop3A_572 {strides = array<i32>} : memref<2x1x8x4x8x128xf32, #tpu.memory_space<vmem>>, vector<16xf32>,
        %parallel_loop3A_586 = arith.constant 1113 : i32
        %parallel_loop3A_587 = vector.broadcast %parallel_loop3A_586 : i32 to vector<16xi32>
        %parallel_loop3A_588 = arith.addi %parallel_loop3A_228, %parallel_loop3A_587 : vector<16xi32>
        %parallel_loop3A_589 = tpu.vector_load_idx %arg5[%parallel_loop3A_588] : memref<3392xf32, #tpu.memory_space<vmem>>[vector<16xi32>], vector<16xf32>,
        %parallel_loop3A_590 = arith.constant 16 : i32
        %parallel_loop3A_591 = arith.muli %parallel_loop3A_222, %parallel_loop3A_590 : i32
        %parallel_loop3A_592 = arith.constant 0 : i32
        %parallel_loop3A_593 = arith.constant 0 : i32
        %parallel_loop3A_594 = arith.constant 2 : i32
        %parallel_loop3A_595 = arith.constant 5 : i32
        %parallel_loop3A_596 = arith.index_cast %parallel_loop3A_592 : i32 to index
        %parallel_loop3A_597 = arith.index_cast %parallel_loop3A_593 : i32 to index
        %parallel_loop3A_598 = arith.index_cast %parallel_loop3A_594 : i32 to index
        %parallel_loop3A_599 = arith.index_cast %parallel_loop3A_206 : i32 to index
        %parallel_loop3A_600 = arith.index_cast %parallel_loop3A_595 : i32 to index
        %parallel_loop3A_601 = arith.index_cast %parallel_loop3A_591 : i32 to index
        %parallel_loop3A_602 = tpu.vector_load %arg7[%parallel_loop3A_596, %parallel_loop3A_597, %parallel_loop3A_598, %parallel_loop3A_599, %parallel_loop3A_600, %parallel_loop3A_601] {strides = array<i32>} : memref<2x1x8x4x8x128xf32, #tpu.memory_space<vmem>>, vector<16xf32>,
        tpu.vector_store %arg7[%parallel_loop3A_596, %parallel_loop3A_597, %parallel_loop3A_598, %parallel_loop3A_599, %parallel_loop3A_600, %parallel_loop3A_601], %parallel_loop3A_589 {strides = array<i32>} : memref<2x1x8x4x8x128xf32, #tpu.memory_space<vmem>>, vector<16xf32>,
        %parallel_loop3A_603 = arith.constant 1166 : i32
        %parallel_loop3A_604 = vector.broadcast %parallel_loop3A_603 : i32 to vector<16xi32>
        %parallel_loop3A_605 = arith.addi %parallel_loop3A_228, %parallel_loop3A_604 : vector<16xi32>
        %parallel_loop3A_606 = tpu.vector_load_idx %arg5[%parallel_loop3A_605] : memref<3392xf32, #tpu.memory_space<vmem>>[vector<16xi32>], vector<16xf32>,
        %parallel_loop3A_607 = arith.constant 16 : i32
        %parallel_loop3A_608 = arith.muli %parallel_loop3A_222, %parallel_loop3A_607 : i32
        %parallel_loop3A_609 = arith.constant 0 : i32
        %parallel_loop3A_610 = arith.constant 0 : i32
        %parallel_loop3A_611 = arith.constant 2 : i32
        %parallel_loop3A_612 = arith.constant 6 : i32
        %parallel_loop3A_613 = arith.index_cast %parallel_loop3A_609 : i32 to index
        %parallel_loop3A_614 = arith.index_cast %parallel_loop3A_610 : i32 to index
        %parallel_loop3A_615 = arith.index_cast %parallel_loop3A_611 : i32 to index
        %parallel_loop3A_616 = arith.index_cast %parallel_loop3A_206 : i32 to index
        %parallel_loop3A_617 = arith.index_cast %parallel_loop3A_612 : i32 to index
        %parallel_loop3A_618 = arith.index_cast %parallel_loop3A_608 : i32 to index
        %parallel_loop3A_619 = tpu.vector_load %arg7[%parallel_loop3A_613, %parallel_loop3A_614, %parallel_loop3A_615, %parallel_loop3A_616, %parallel_loop3A_617, %parallel_loop3A_618] {strides = array<i32>} : memref<2x1x8x4x8x128xf32, #tpu.memory_space<vmem>>, vector<16xf32>,
        tpu.vector_store %arg7[%parallel_loop3A_613, %parallel_loop3A_614, %parallel_loop3A_615, %parallel_loop3A_616, %parallel_loop3A_617, %parallel_loop3A_618], %parallel_loop3A_606 {strides = array<i32>} : memref<2x1x8x4x8x128xf32, #tpu.memory_space<vmem>>, vector<16xf32>,
        %parallel_loop3A_620 = arith.constant 1219 : i32
        %parallel_loop3A_621 = vector.broadcast %parallel_loop3A_620 : i32 to vector<16xi32>
        %parallel_loop3A_622 = arith.addi %parallel_loop3A_228, %parallel_loop3A_621 : vector<16xi32>
        %parallel_loop3A_623 = tpu.vector_load_idx %arg5[%parallel_loop3A_622] : memref<3392xf32, #tpu.memory_space<vmem>>[vector<16xi32>], vector<16xf32>,
        %parallel_loop3A_624 = arith.constant 16 : i32
        %parallel_loop3A_625 = arith.muli %parallel_loop3A_222, %parallel_loop3A_624 : i32
        %parallel_loop3A_626 = arith.constant 0 : i32
        %parallel_loop3A_627 = arith.constant 0 : i32
        %parallel_loop3A_628 = arith.constant 2 : i32
        %parallel_loop3A_629 = arith.constant 7 : i32
        %parallel_loop3A_630 = arith.index_cast %parallel_loop3A_626 : i32 to index
        %parallel_loop3A_631 = arith.index_cast %parallel_loop3A_627 : i32 to index
        %parallel_loop3A_632 = arith.index_cast %parallel_loop3A_628 : i32 to index
        %parallel_loop3A_633 = arith.index_cast %parallel_loop3A_206 : i32 to index
        %parallel_loop3A_634 = arith.index_cast %parallel_loop3A_629 : i32 to index
        %parallel_loop3A_635 = arith.index_cast %parallel_loop3A_625 : i32 to index
        %parallel_loop3A_636 = tpu.vector_load %arg7[%parallel_loop3A_630, %parallel_loop3A_631, %parallel_loop3A_632, %parallel_loop3A_633, %parallel_loop3A_634, %parallel_loop3A_635] {strides = array<i32>} : memref<2x1x8x4x8x128xf32, #tpu.memory_space<vmem>>, vector<16xf32>,
        tpu.vector_store %arg7[%parallel_loop3A_630, %parallel_loop3A_631, %parallel_loop3A_632, %parallel_loop3A_633, %parallel_loop3A_634, %parallel_loop3A_635], %parallel_loop3A_623 {strides = array<i32>} : memref<2x1x8x4x8x128xf32, #tpu.memory_space<vmem>>, vector<16xf32>,
        %parallel_loop3A_637 = arith.constant 1272 : i32
        %parallel_loop3A_638 = vector.broadcast %parallel_loop3A_637 : i32 to vector<16xi32>
        %parallel_loop3A_639 = arith.addi %parallel_loop3A_228, %parallel_loop3A_638 : vector<16xi32>
        %parallel_loop3A_640 = tpu.vector_load_idx %arg5[%parallel_loop3A_639] : memref<3392xf32, #tpu.memory_space<vmem>>[vector<16xi32>], vector<16xf32>,
        %parallel_loop3A_641 = arith.constant 16 : i32
        %parallel_loop3A_642 = arith.muli %parallel_loop3A_222, %parallel_loop3A_641 : i32
        %parallel_loop3A_643 = arith.constant 0 : i32
        %parallel_loop3A_644 = arith.constant 0 : i32
        %parallel_loop3A_645 = arith.constant 3 : i32
        %parallel_loop3A_646 = arith.constant 0 : i32
        %parallel_loop3A_647 = arith.index_cast %parallel_loop3A_643 : i32 to index
        %parallel_loop3A_648 = arith.index_cast %parallel_loop3A_644 : i32 to index
        %parallel_loop3A_649 = arith.index_cast %parallel_loop3A_645 : i32 to index
        %parallel_loop3A_650 = arith.index_cast %parallel_loop3A_206 : i32 to index
        %parallel_loop3A_651 = arith.index_cast %parallel_loop3A_646 : i32 to index
        %parallel_loop3A_652 = arith.index_cast %parallel_loop3A_642 : i32 to index
        %parallel_loop3A_653 = tpu.vector_load %arg7[%parallel_loop3A_647, %parallel_loop3A_648, %parallel_loop3A_649, %parallel_loop3A_650, %parallel_loop3A_651, %parallel_loop3A_652] {strides = array<i32>} : memref<2x1x8x4x8x128xf32, #tpu.memory_space<vmem>>, vector<16xf32>,
        tpu.vector_store %arg7[%parallel_loop3A_647, %parallel_loop3A_648, %parallel_loop3A_649, %parallel_loop3A_650, %parallel_loop3A_651, %parallel_loop3A_652], %parallel_loop3A_640 {strides = array<i32>} : memref<2x1x8x4x8x128xf32, #tpu.memory_space<vmem>>, vector<16xf32>,
        %parallel_loop3A_654 = arith.constant 1325 : i32
        %parallel_loop3A_655 = vector.broadcast %parallel_loop3A_654 : i32 to vector<16xi32>
        %parallel_loop3A_656 = arith.addi %parallel_loop3A_228, %parallel_loop3A_655 : vector<16xi32>
        %parallel_loop3A_657 = tpu.vector_load_idx %arg5[%parallel_loop3A_656] : memref<3392xf32, #tpu.memory_space<vmem>>[vector<16xi32>], vector<16xf32>,
        %parallel_loop3A_658 = arith.constant 16 : i32
        %parallel_loop3A_659 = arith.muli %parallel_loop3A_222, %parallel_loop3A_658 : i32
        %parallel_loop3A_660 = arith.constant 0 : i32
        %parallel_loop3A_661 = arith.constant 0 : i32
        %parallel_loop3A_662 = arith.constant 3 : i32
        %parallel_loop3A_663 = arith.constant 1 : i32
        %parallel_loop3A_664 = arith.index_cast %parallel_loop3A_660 : i32 to index
        %parallel_loop3A_665 = arith.index_cast %parallel_loop3A_661 : i32 to index
        %parallel_loop3A_666 = arith.index_cast %parallel_loop3A_662 : i32 to index
        %parallel_loop3A_667 = arith.index_cast %parallel_loop3A_206 : i32 to index
        %parallel_loop3A_668 = arith.index_cast %parallel_loop3A_663 : i32 to index
        %parallel_loop3A_669 = arith.index_cast %parallel_loop3A_659 : i32 to index
        %parallel_loop3A_670 = tpu.vector_load %arg7[%parallel_loop3A_664, %parallel_loop3A_665, %parallel_loop3A_666, %parallel_loop3A_667, %parallel_loop3A_668, %parallel_loop3A_669] {strides = array<i32>} : memref<2x1x8x4x8x128xf32, #tpu.memory_space<vmem>>, vector<16xf32>,
        tpu.vector_store %arg7[%parallel_loop3A_664, %parallel_loop3A_665, %parallel_loop3A_666, %parallel_loop3A_667, %parallel_loop3A_668, %parallel_loop3A_669], %parallel_loop3A_657 {strides = array<i32>} : memref<2x1x8x4x8x128xf32, #tpu.memory_space<vmem>>, vector<16xf32>,
        %parallel_loop3A_671 = arith.constant 1378 : i32
        %parallel_loop3A_672 = vector.broadcast %parallel_loop3A_671 : i32 to vector<16xi32>
        %parallel_loop3A_673 = arith.addi %parallel_loop3A_228, %parallel_loop3A_672 : vector<16xi32>
        %parallel_loop3A_674 = tpu.vector_load_idx %arg5[%parallel_loop3A_673] : memref<3392xf32, #tpu.memory_space<vmem>>[vector<16xi32>], vector<16xf32>,
        %parallel_loop3A_675 = arith.constant 16 : i32
        %parallel_loop3A_676 = arith.muli %parallel_loop3A_222, %parallel_loop3A_675 : i32
        %parallel_loop3A_677 = arith.constant 0 : i32
        %parallel_loop3A_678 = arith.constant 0 : i32
        %parallel_loop3A_679 = arith.constant 3 : i32
        %parallel_loop3A_680 = arith.constant 2 : i32
        %parallel_loop3A_681 = arith.index_cast %parallel_loop3A_677 : i32 to index
        %parallel_loop3A_682 = arith.index_cast %parallel_loop3A_678 : i32 to index
        %parallel_loop3A_683 = arith.index_cast %parallel_loop3A_679 : i32 to index
        %parallel_loop3A_684 = arith.index_cast %parallel_loop3A_206 : i32 to index
        %parallel_loop3A_685 = arith.index_cast %parallel_loop3A_680 : i32 to index
        %parallel_loop3A_686 = arith.index_cast %parallel_loop3A_676 : i32 to index
        %parallel_loop3A_687 = tpu.vector_load %arg7[%parallel_loop3A_681, %parallel_loop3A_682, %parallel_loop3A_683, %parallel_loop3A_684, %parallel_loop3A_685, %parallel_loop3A_686] {strides = array<i32>} : memref<2x1x8x4x8x128xf32, #tpu.memory_space<vmem>>, vector<16xf32>,
        tpu.vector_store %arg7[%parallel_loop3A_681, %parallel_loop3A_682, %parallel_loop3A_683, %parallel_loop3A_684, %parallel_loop3A_685, %parallel_loop3A_686], %parallel_loop3A_674 {strides = array<i32>} : memref<2x1x8x4x8x128xf32, #tpu.memory_space<vmem>>, vector<16xf32>,
        %parallel_loop3A_688 = arith.constant 1431 : i32
        %parallel_loop3A_689 = vector.broadcast %parallel_loop3A_688 : i32 to vector<16xi32>
        %parallel_loop3A_690 = arith.addi %parallel_loop3A_228, %parallel_loop3A_689 : vector<16xi32>
        %parallel_loop3A_691 = tpu.vector_load_idx %arg5[%parallel_loop3A_690] : memref<3392xf32, #tpu.memory_space<vmem>>[vector<16xi32>], vector<16xf32>,
        %parallel_loop3A_692 = arith.constant 16 : i32
        %parallel_loop3A_693 = arith.muli %parallel_loop3A_222, %parallel_loop3A_692 : i32
        %parallel_loop3A_694 = arith.constant 0 : i32
        %parallel_loop3A_695 = arith.constant 0 : i32
        %parallel_loop3A_696 = arith.constant 3 : i32
        %parallel_loop3A_697 = arith.constant 3 : i32
        %parallel_loop3A_698 = arith.index_cast %parallel_loop3A_694 : i32 to index
        %parallel_loop3A_699 = arith.index_cast %parallel_loop3A_695 : i32 to index
        %parallel_loop3A_700 = arith.index_cast %parallel_loop3A_696 : i32 to index
        %parallel_loop3A_701 = arith.index_cast %parallel_loop3A_206 : i32 to index
        %parallel_loop3A_702 = arith.index_cast %parallel_loop3A_697 : i32 to index
        %parallel_loop3A_703 = arith.index_cast %parallel_loop3A_693 : i32 to index
        %parallel_loop3A_704 = tpu.vector_load %arg7[%parallel_loop3A_698, %parallel_loop3A_699, %parallel_loop3A_700, %parallel_loop3A_701, %parallel_loop3A_702, %parallel_loop3A_703] {strides = array<i32>} : memref<2x1x8x4x8x128xf32, #tpu.memory_space<vmem>>, vector<16xf32>,
        tpu.vector_store %arg7[%parallel_loop3A_698, %parallel_loop3A_699, %parallel_loop3A_700, %parallel_loop3A_701, %parallel_loop3A_702, %parallel_loop3A_703], %parallel_loop3A_691 {strides = array<i32>} : memref<2x1x8x4x8x128xf32, #tpu.memory_space<vmem>>, vector<16xf32>,
        %parallel_loop3A_705 = arith.constant 1484 : i32
        %parallel_loop3A_706 = vector.broadcast %parallel_loop3A_705 : i32 to vector<16xi32>
        %parallel_loop3A_707 = arith.addi %parallel_loop3A_228, %parallel_loop3A_706 : vector<16xi32>
        %parallel_loop3A_708 = tpu.vector_load_idx %arg5[%parallel_loop3A_707] : memref<3392xf32, #tpu.memory_space<vmem>>[vector<16xi32>], vector<16xf32>,
        %parallel_loop3A_709 = arith.constant 16 : i32
        %parallel_loop3A_710 = arith.muli %parallel_loop3A_222, %parallel_loop3A_709 : i32
        %parallel_loop3A_711 = arith.constant 0 : i32
        %parallel_loop3A_712 = arith.constant 0 : i32
        %parallel_loop3A_713 = arith.constant 3 : i32
        %parallel_loop3A_714 = arith.constant 4 : i32
        %parallel_loop3A_715 = arith.index_cast %parallel_loop3A_711 : i32 to index
        %parallel_loop3A_716 = arith.index_cast %parallel_loop3A_712 : i32 to index
        %parallel_loop3A_717 = arith.index_cast %parallel_loop3A_713 : i32 to index
        %parallel_loop3A_718 = arith.index_cast %parallel_loop3A_206 : i32 to index
        %parallel_loop3A_719 = arith.index_cast %parallel_loop3A_714 : i32 to index
        %parallel_loop3A_720 = arith.index_cast %parallel_loop3A_710 : i32 to index
        %parallel_loop3A_721 = tpu.vector_load %arg7[%parallel_loop3A_715, %parallel_loop3A_716, %parallel_loop3A_717, %parallel_loop3A_718, %parallel_loop3A_719, %parallel_loop3A_720] {strides = array<i32>} : memref<2x1x8x4x8x128xf32, #tpu.memory_space<vmem>>, vector<16xf32>,
        tpu.vector_store %arg7[%parallel_loop3A_715, %parallel_loop3A_716, %parallel_loop3A_717, %parallel_loop3A_718, %parallel_loop3A_719, %parallel_loop3A_720], %parallel_loop3A_708 {strides = array<i32>} : memref<2x1x8x4x8x128xf32, #tpu.memory_space<vmem>>, vector<16xf32>,
        %parallel_loop3A_722 = arith.constant 1537 : i32
        %parallel_loop3A_723 = vector.broadcast %parallel_loop3A_722 : i32 to vector<16xi32>
        %parallel_loop3A_724 = arith.addi %parallel_loop3A_228, %parallel_loop3A_723 : vector<16xi32>
        %parallel_loop3A_725 = tpu.vector_load_idx %arg5[%parallel_loop3A_724] : memref<3392xf32, #tpu.memory_space<vmem>>[vector<16xi32>], vector<16xf32>,
        %parallel_loop3A_726 = arith.constant 16 : i32
        %parallel_loop3A_727 = arith.muli %parallel_loop3A_222, %parallel_loop3A_726 : i32
        %parallel_loop3A_728 = arith.constant 0 : i32
        %parallel_loop3A_729 = arith.constant 0 : i32
        %parallel_loop3A_730 = arith.constant 3 : i32
        %parallel_loop3A_731 = arith.constant 5 : i32
        %parallel_loop3A_732 = arith.index_cast %parallel_loop3A_728 : i32 to index
        %parallel_loop3A_733 = arith.index_cast %parallel_loop3A_729 : i32 to index
        %parallel_loop3A_734 = arith.index_cast %parallel_loop3A_730 : i32 to index
        %parallel_loop3A_735 = arith.index_cast %parallel_loop3A_206 : i32 to index
        %parallel_loop3A_736 = arith.index_cast %parallel_loop3A_731 : i32 to index
        %parallel_loop3A_737 = arith.index_cast %parallel_loop3A_727 : i32 to index
        %parallel_loop3A_738 = tpu.vector_load %arg7[%parallel_loop3A_732, %parallel_loop3A_733, %parallel_loop3A_734, %parallel_loop3A_735, %parallel_loop3A_736, %parallel_loop3A_737] {strides = array<i32>} : memref<2x1x8x4x8x128xf32, #tpu.memory_space<vmem>>, vector<16xf32>,
        tpu.vector_store %arg7[%parallel_loop3A_732, %parallel_loop3A_733, %parallel_loop3A_734, %parallel_loop3A_735, %parallel_loop3A_736, %parallel_loop3A_737], %parallel_loop3A_725 {strides = array<i32>} : memref<2x1x8x4x8x128xf32, #tpu.memory_space<vmem>>, vector<16xf32>,
        %parallel_loop3A_739 = arith.constant 1590 : i32
        %parallel_loop3A_740 = vector.broadcast %parallel_loop3A_739 : i32 to vector<16xi32>
        %parallel_loop3A_741 = arith.addi %parallel_loop3A_228, %parallel_loop3A_740 : vector<16xi32>
        %parallel_loop3A_742 = tpu.vector_load_idx %arg5[%parallel_loop3A_741] : memref<3392xf32, #tpu.memory_space<vmem>>[vector<16xi32>], vector<16xf32>,
        %parallel_loop3A_743 = arith.constant 16 : i32
        %parallel_loop3A_744 = arith.muli %parallel_loop3A_222, %parallel_loop3A_743 : i32
        %parallel_loop3A_745 = arith.constant 0 : i32
        %parallel_loop3A_746 = arith.constant 0 : i32
        %parallel_loop3A_747 = arith.constant 3 : i32
        %parallel_loop3A_748 = arith.constant 6 : i32
        %parallel_loop3A_749 = arith.index_cast %parallel_loop3A_745 : i32 to index
        %parallel_loop3A_750 = arith.index_cast %parallel_loop3A_746 : i32 to index
        %parallel_loop3A_751 = arith.index_cast %parallel_loop3A_747 : i32 to index
        %parallel_loop3A_752 = arith.index_cast %parallel_loop3A_206 : i32 to index
        %parallel_loop3A_753 = arith.index_cast %parallel_loop3A_748 : i32 to index
        %parallel_loop3A_754 = arith.index_cast %parallel_loop3A_744 : i32 to index
        %parallel_loop3A_755 = tpu.vector_load %arg7[%parallel_loop3A_749, %parallel_loop3A_750, %parallel_loop3A_751, %parallel_loop3A_752, %parallel_loop3A_753, %parallel_loop3A_754] {strides = array<i32>} : memref<2x1x8x4x8x128xf32, #tpu.memory_space<vmem>>, vector<16xf32>,
        tpu.vector_store %arg7[%parallel_loop3A_749, %parallel_loop3A_750, %parallel_loop3A_751, %parallel_loop3A_752, %parallel_loop3A_753, %parallel_loop3A_754], %parallel_loop3A_742 {strides = array<i32>} : memref<2x1x8x4x8x128xf32, #tpu.memory_space<vmem>>, vector<16xf32>,
        %parallel_loop3A_756 = arith.constant 1643 : i32
        %parallel_loop3A_757 = vector.broadcast %parallel_loop3A_756 : i32 to vector<16xi32>
        %parallel_loop3A_758 = arith.addi %parallel_loop3A_228, %parallel_loop3A_757 : vector<16xi32>
        %parallel_loop3A_759 = tpu.vector_load_idx %arg5[%parallel_loop3A_758] : memref<3392xf32, #tpu.memory_space<vmem>>[vector<16xi32>], vector<16xf32>,
        %parallel_loop3A_760 = arith.constant 16 : i32
        %parallel_loop3A_761 = arith.muli %parallel_loop3A_222, %parallel_loop3A_760 : i32
        %parallel_loop3A_762 = arith.constant 0 : i32
        %parallel_loop3A_763 = arith.constant 0 : i32
        %parallel_loop3A_764 = arith.constant 3 : i32
        %parallel_loop3A_765 = arith.constant 7 : i32
        %parallel_loop3A_766 = arith.index_cast %parallel_loop3A_762 : i32 to index
        %parallel_loop3A_767 = arith.index_cast %parallel_loop3A_763 : i32 to index
        %parallel_loop3A_768 = arith.index_cast %parallel_loop3A_764 : i32 to index
        %parallel_loop3A_769 = arith.index_cast %parallel_loop3A_206 : i32 to index
        %parallel_loop3A_770 = arith.index_cast %parallel_loop3A_765 : i32 to index
        %parallel_loop3A_771 = arith.index_cast %parallel_loop3A_761 : i32 to index
        %parallel_loop3A_772 = tpu.vector_load %arg7[%parallel_loop3A_766, %parallel_loop3A_767, %parallel_loop3A_768, %parallel_loop3A_769, %parallel_loop3A_770, %parallel_loop3A_771] {strides = array<i32>} : memref<2x1x8x4x8x128xf32, #tpu.memory_space<vmem>>, vector<16xf32>,
        tpu.vector_store %arg7[%parallel_loop3A_766, %parallel_loop3A_767, %parallel_loop3A_768, %parallel_loop3A_769, %parallel_loop3A_770, %parallel_loop3A_771], %parallel_loop3A_759 {strides = array<i32>} : memref<2x1x8x4x8x128xf32, #tpu.memory_space<vmem>>, vector<16xf32>,
        %parallel_loop3A_773 = arith.constant 1696 : i32
        %parallel_loop3A_774 = vector.broadcast %parallel_loop3A_773 : i32 to vector<16xi32>
        %parallel_loop3A_775 = arith.addi %parallel_loop3A_228, %parallel_loop3A_774 : vector<16xi32>
        %parallel_loop3A_776 = tpu.vector_load_idx %arg5[%parallel_loop3A_775] : memref<3392xf32, #tpu.memory_space<vmem>>[vector<16xi32>], vector<16xf32>,
        %parallel_loop3A_777 = arith.constant 16 : i32
        %parallel_loop3A_778 = arith.muli %parallel_loop3A_222, %parallel_loop3A_777 : i32
        %parallel_loop3A_779 = arith.constant 0 : i32
        %parallel_loop3A_780 = arith.constant 0 : i32
        %parallel_loop3A_781 = arith.constant 4 : i32
        %parallel_loop3A_782 = arith.constant 0 : i32
        %parallel_loop3A_783 = arith.index_cast %parallel_loop3A_779 : i32 to index
        %parallel_loop3A_784 = arith.index_cast %parallel_loop3A_780 : i32 to index
        %parallel_loop3A_785 = arith.index_cast %parallel_loop3A_781 : i32 to index
        %parallel_loop3A_786 = arith.index_cast %parallel_loop3A_206 : i32 to index
        %parallel_loop3A_787 = arith.index_cast %parallel_loop3A_782 : i32 to index
        %parallel_loop3A_788 = arith.index_cast %parallel_loop3A_778 : i32 to index
        %parallel_loop3A_789 = tpu.vector_load %arg7[%parallel_loop3A_783, %parallel_loop3A_784, %parallel_loop3A_785, %parallel_loop3A_786, %parallel_loop3A_787, %parallel_loop3A_788] {strides = array<i32>} : memref<2x1x8x4x8x128xf32, #tpu.memory_space<vmem>>, vector<16xf32>,
        tpu.vector_store %arg7[%parallel_loop3A_783, %parallel_loop3A_784, %parallel_loop3A_785, %parallel_loop3A_786, %parallel_loop3A_787, %parallel_loop3A_788], %parallel_loop3A_776 {strides = array<i32>} : memref<2x1x8x4x8x128xf32, #tpu.memory_space<vmem>>, vector<16xf32>,
        %parallel_loop3A_790 = arith.constant 1749 : i32
        %parallel_loop3A_791 = vector.broadcast %parallel_loop3A_790 : i32 to vector<16xi32>
        %parallel_loop3A_792 = arith.addi %parallel_loop3A_228, %parallel_loop3A_791 : vector<16xi32>
        %parallel_loop3A_793 = tpu.vector_load_idx %arg5[%parallel_loop3A_792] : memref<3392xf32, #tpu.memory_space<vmem>>[vector<16xi32>], vector<16xf32>,
        %parallel_loop3A_794 = arith.constant 16 : i32
        %parallel_loop3A_795 = arith.muli %parallel_loop3A_222, %parallel_loop3A_794 : i32
        %parallel_loop3A_796 = arith.constant 0 : i32
        %parallel_loop3A_797 = arith.constant 0 : i32
        %parallel_loop3A_798 = arith.constant 4 : i32
        %parallel_loop3A_799 = arith.constant 1 : i32
        %parallel_loop3A_800 = arith.index_cast %parallel_loop3A_796 : i32 to index
        %parallel_loop3A_801 = arith.index_cast %parallel_loop3A_797 : i32 to index
        %parallel_loop3A_802 = arith.index_cast %parallel_loop3A_798 : i32 to index
        %parallel_loop3A_803 = arith.index_cast %parallel_loop3A_206 : i32 to index
        %parallel_loop3A_804 = arith.index_cast %parallel_loop3A_799 : i32 to index
        %parallel_loop3A_805 = arith.index_cast %parallel_loop3A_795 : i32 to index
        %parallel_loop3A_806 = tpu.vector_load %arg7[%parallel_loop3A_800, %parallel_loop3A_801, %parallel_loop3A_802, %parallel_loop3A_803, %parallel_loop3A_804, %parallel_loop3A_805] {strides = array<i32>} : memref<2x1x8x4x8x128xf32, #tpu.memory_space<vmem>>, vector<16xf32>,
        tpu.vector_store %arg7[%parallel_loop3A_800, %parallel_loop3A_801, %parallel_loop3A_802, %parallel_loop3A_803, %parallel_loop3A_804, %parallel_loop3A_805], %parallel_loop3A_793 {strides = array<i32>} : memref<2x1x8x4x8x128xf32, #tpu.memory_space<vmem>>, vector<16xf32>,
        %parallel_loop3A_807 = arith.constant 1802 : i32
        %parallel_loop3A_808 = vector.broadcast %parallel_loop3A_807 : i32 to vector<16xi32>
        %parallel_loop3A_809 = arith.addi %parallel_loop3A_228, %parallel_loop3A_808 : vector<16xi32>
        %parallel_loop3A_810 = tpu.vector_load_idx %arg5[%parallel_loop3A_809] : memref<3392xf32, #tpu.memory_space<vmem>>[vector<16xi32>], vector<16xf32>,
        %parallel_loop3A_811 = arith.constant 16 : i32
        %parallel_loop3A_812 = arith.muli %parallel_loop3A_222, %parallel_loop3A_811 : i32
        %parallel_loop3A_813 = arith.constant 0 : i32
        %parallel_loop3A_814 = arith.constant 0 : i32
        %parallel_loop3A_815 = arith.constant 4 : i32
        %parallel_loop3A_816 = arith.constant 2 : i32
        %parallel_loop3A_817 = arith.index_cast %parallel_loop3A_813 : i32 to index
        %parallel_loop3A_818 = arith.index_cast %parallel_loop3A_814 : i32 to index
        %parallel_loop3A_819 = arith.index_cast %parallel_loop3A_815 : i32 to index
        %parallel_loop3A_820 = arith.index_cast %parallel_loop3A_206 : i32 to index
        %parallel_loop3A_821 = arith.index_cast %parallel_loop3A_816 : i32 to index
        %parallel_loop3A_822 = arith.index_cast %parallel_loop3A_812 : i32 to index
        %parallel_loop3A_823 = tpu.vector_load %arg7[%parallel_loop3A_817, %parallel_loop3A_818, %parallel_loop3A_819, %parallel_loop3A_820, %parallel_loop3A_821, %parallel_loop3A_822] {strides = array<i32>} : memref<2x1x8x4x8x128xf32, #tpu.memory_space<vmem>>, vector<16xf32>,
        tpu.vector_store %arg7[%parallel_loop3A_817, %parallel_loop3A_818, %parallel_loop3A_819, %parallel_loop3A_820, %parallel_loop3A_821, %parallel_loop3A_822], %parallel_loop3A_810 {strides = array<i32>} : memref<2x1x8x4x8x128xf32, #tpu.memory_space<vmem>>, vector<16xf32>,
        %parallel_loop3A_824 = arith.constant 1855 : i32
        %parallel_loop3A_825 = vector.broadcast %parallel_loop3A_824 : i32 to vector<16xi32>
        %parallel_loop3A_826 = arith.addi %parallel_loop3A_228, %parallel_loop3A_825 : vector<16xi32>
        %parallel_loop3A_827 = tpu.vector_load_idx %arg5[%parallel_loop3A_826] : memref<3392xf32, #tpu.memory_space<vmem>>[vector<16xi32>], vector<16xf32>,
        %parallel_loop3A_828 = arith.constant 16 : i32
        %parallel_loop3A_829 = arith.muli %parallel_loop3A_222, %parallel_loop3A_828 : i32
        %parallel_loop3A_830 = arith.constant 0 : i32
        %parallel_loop3A_831 = arith.constant 0 : i32
        %parallel_loop3A_832 = arith.constant 4 : i32
        %parallel_loop3A_833 = arith.constant 3 : i32
        %parallel_loop3A_834 = arith.index_cast %parallel_loop3A_830 : i32 to index
        %parallel_loop3A_835 = arith.index_cast %parallel_loop3A_831 : i32 to index
        %parallel_loop3A_836 = arith.index_cast %parallel_loop3A_832 : i32 to index
        %parallel_loop3A_837 = arith.index_cast %parallel_loop3A_206 : i32 to index
        %parallel_loop3A_838 = arith.index_cast %parallel_loop3A_833 : i32 to index
        %parallel_loop3A_839 = arith.index_cast %parallel_loop3A_829 : i32 to index
        %parallel_loop3A_840 = tpu.vector_load %arg7[%parallel_loop3A_834, %parallel_loop3A_835, %parallel_loop3A_836, %parallel_loop3A_837, %parallel_loop3A_838, %parallel_loop3A_839] {strides = array<i32>} : memref<2x1x8x4x8x128xf32, #tpu.memory_space<vmem>>, vector<16xf32>,
        tpu.vector_store %arg7[%parallel_loop3A_834, %parallel_loop3A_835, %parallel_loop3A_836, %parallel_loop3A_837, %parallel_loop3A_838, %parallel_loop3A_839], %parallel_loop3A_827 {strides = array<i32>} : memref<2x1x8x4x8x128xf32, #tpu.memory_space<vmem>>, vector<16xf32>,
        %parallel_loop3A_841 = arith.constant 1908 : i32
        %parallel_loop3A_842 = vector.broadcast %parallel_loop3A_841 : i32 to vector<16xi32>
        %parallel_loop3A_843 = arith.addi %parallel_loop3A_228, %parallel_loop3A_842 : vector<16xi32>
        %parallel_loop3A_844 = tpu.vector_load_idx %arg5[%parallel_loop3A_843] : memref<3392xf32, #tpu.memory_space<vmem>>[vector<16xi32>], vector<16xf32>,
        %parallel_loop3A_845 = arith.constant 16 : i32
        %parallel_loop3A_846 = arith.muli %parallel_loop3A_222, %parallel_loop3A_845 : i32
        %parallel_loop3A_847 = arith.constant 0 : i32
        %parallel_loop3A_848 = arith.constant 0 : i32
        %parallel_loop3A_849 = arith.constant 4 : i32
        %parallel_loop3A_850 = arith.constant 4 : i32
        %parallel_loop3A_851 = arith.index_cast %parallel_loop3A_847 : i32 to index
        %parallel_loop3A_852 = arith.index_cast %parallel_loop3A_848 : i32 to index
        %parallel_loop3A_853 = arith.index_cast %parallel_loop3A_849 : i32 to index
        %parallel_loop3A_854 = arith.index_cast %parallel_loop3A_206 : i32 to index
        %parallel_loop3A_855 = arith.index_cast %parallel_loop3A_850 : i32 to index
        %parallel_loop3A_856 = arith.index_cast %parallel_loop3A_846 : i32 to index
        %parallel_loop3A_857 = tpu.vector_load %arg7[%parallel_loop3A_851, %parallel_loop3A_852, %parallel_loop3A_853, %parallel_loop3A_854, %parallel_loop3A_855, %parallel_loop3A_856] {strides = array<i32>} : memref<2x1x8x4x8x128xf32, #tpu.memory_space<vmem>>, vector<16xf32>,
        tpu.vector_store %arg7[%parallel_loop3A_851, %parallel_loop3A_852, %parallel_loop3A_853, %parallel_loop3A_854, %parallel_loop3A_855, %parallel_loop3A_856], %parallel_loop3A_844 {strides = array<i32>} : memref<2x1x8x4x8x128xf32, #tpu.memory_space<vmem>>, vector<16xf32>,
        %parallel_loop3A_858 = arith.constant 1961 : i32
        %parallel_loop3A_859 = vector.broadcast %parallel_loop3A_858 : i32 to vector<16xi32>
        %parallel_loop3A_860 = arith.addi %parallel_loop3A_228, %parallel_loop3A_859 : vector<16xi32>
        %parallel_loop3A_861 = tpu.vector_load_idx %arg5[%parallel_loop3A_860] : memref<3392xf32, #tpu.memory_space<vmem>>[vector<16xi32>], vector<16xf32>,
        %parallel_loop3A_862 = arith.constant 16 : i32
        %parallel_loop3A_863 = arith.muli %parallel_loop3A_222, %parallel_loop3A_862 : i32
        %parallel_loop3A_864 = arith.constant 0 : i32
        %parallel_loop3A_865 = arith.constant 0 : i32
        %parallel_loop3A_866 = arith.constant 4 : i32
        %parallel_loop3A_867 = arith.constant 5 : i32
        %parallel_loop3A_868 = arith.index_cast %parallel_loop3A_864 : i32 to index
        %parallel_loop3A_869 = arith.index_cast %parallel_loop3A_865 : i32 to index
        %parallel_loop3A_870 = arith.index_cast %parallel_loop3A_866 : i32 to index
        %parallel_loop3A_871 = arith.index_cast %parallel_loop3A_206 : i32 to index
        %parallel_loop3A_872 = arith.index_cast %parallel_loop3A_867 : i32 to index
        %parallel_loop3A_873 = arith.index_cast %parallel_loop3A_863 : i32 to index
        %parallel_loop3A_874 = tpu.vector_load %arg7[%parallel_loop3A_868, %parallel_loop3A_869, %parallel_loop3A_870, %parallel_loop3A_871, %parallel_loop3A_872, %parallel_loop3A_873] {strides = array<i32>} : memref<2x1x8x4x8x128xf32, #tpu.memory_space<vmem>>, vector<16xf32>,
        tpu.vector_store %arg7[%parallel_loop3A_868, %parallel_loop3A_869, %parallel_loop3A_870, %parallel_loop3A_871, %parallel_loop3A_872, %parallel_loop3A_873], %parallel_loop3A_861 {strides = array<i32>} : memref<2x1x8x4x8x128xf32, #tpu.memory_space<vmem>>, vector<16xf32>,
        %parallel_loop3A_875 = arith.constant 2014 : i32
        %parallel_loop3A_876 = vector.broadcast %parallel_loop3A_875 : i32 to vector<16xi32>
        %parallel_loop3A_877 = arith.addi %parallel_loop3A_228, %parallel_loop3A_876 : vector<16xi32>
        %parallel_loop3A_878 = tpu.vector_load_idx %arg5[%parallel_loop3A_877] : memref<3392xf32, #tpu.memory_space<vmem>>[vector<16xi32>], vector<16xf32>,
        %parallel_loop3A_879 = arith.constant 16 : i32
        %parallel_loop3A_880 = arith.muli %parallel_loop3A_222, %parallel_loop3A_879 : i32
        %parallel_loop3A_881 = arith.constant 0 : i32
        %parallel_loop3A_882 = arith.constant 0 : i32
        %parallel_loop3A_883 = arith.constant 4 : i32
        %parallel_loop3A_884 = arith.constant 6 : i32
        %parallel_loop3A_885 = arith.index_cast %parallel_loop3A_881 : i32 to index
        %parallel_loop3A_886 = arith.index_cast %parallel_loop3A_882 : i32 to index
        %parallel_loop3A_887 = arith.index_cast %parallel_loop3A_883 : i32 to index
        %parallel_loop3A_888 = arith.index_cast %parallel_loop3A_206 : i32 to index
        %parallel_loop3A_889 = arith.index_cast %parallel_loop3A_884 : i32 to index
        %parallel_loop3A_890 = arith.index_cast %parallel_loop3A_880 : i32 to index
        %parallel_loop3A_891 = tpu.vector_load %arg7[%parallel_loop3A_885, %parallel_loop3A_886, %parallel_loop3A_887, %parallel_loop3A_888, %parallel_loop3A_889, %parallel_loop3A_890] {strides = array<i32>} : memref<2x1x8x4x8x128xf32, #tpu.memory_space<vmem>>, vector<16xf32>,
        tpu.vector_store %arg7[%parallel_loop3A_885, %parallel_loop3A_886, %parallel_loop3A_887, %parallel_loop3A_888, %parallel_loop3A_889, %parallel_loop3A_890], %parallel_loop3A_878 {strides = array<i32>} : memref<2x1x8x4x8x128xf32, #tpu.memory_space<vmem>>, vector<16xf32>,
        %parallel_loop3A_892 = arith.constant 2067 : i32
        %parallel_loop3A_893 = vector.broadcast %parallel_loop3A_892 : i32 to vector<16xi32>
        %parallel_loop3A_894 = arith.addi %parallel_loop3A_228, %parallel_loop3A_893 : vector<16xi32>
        %parallel_loop3A_895 = tpu.vector_load_idx %arg5[%parallel_loop3A_894] : memref<3392xf32, #tpu.memory_space<vmem>>[vector<16xi32>], vector<16xf32>,
        %parallel_loop3A_896 = arith.constant 16 : i32
        %parallel_loop3A_897 = arith.muli %parallel_loop3A_222, %parallel_loop3A_896 : i32
        %parallel_loop3A_898 = arith.constant 0 : i32
        %parallel_loop3A_899 = arith.constant 0 : i32
        %parallel_loop3A_900 = arith.constant 4 : i32
        %parallel_loop3A_901 = arith.constant 7 : i32
        %parallel_loop3A_902 = arith.index_cast %parallel_loop3A_898 : i32 to index
        %parallel_loop3A_903 = arith.index_cast %parallel_loop3A_899 : i32 to index
        %parallel_loop3A_904 = arith.index_cast %parallel_loop3A_900 : i32 to index
        %parallel_loop3A_905 = arith.index_cast %parallel_loop3A_206 : i32 to index
        %parallel_loop3A_906 = arith.index_cast %parallel_loop3A_901 : i32 to index
        %parallel_loop3A_907 = arith.index_cast %parallel_loop3A_897 : i32 to index
        %parallel_loop3A_908 = tpu.vector_load %arg7[%parallel_loop3A_902, %parallel_loop3A_903, %parallel_loop3A_904, %parallel_loop3A_905, %parallel_loop3A_906, %parallel_loop3A_907] {strides = array<i32>} : memref<2x1x8x4x8x128xf32, #tpu.memory_space<vmem>>, vector<16xf32>,
        tpu.vector_store %arg7[%parallel_loop3A_902, %parallel_loop3A_903, %parallel_loop3A_904, %parallel_loop3A_905, %parallel_loop3A_906, %parallel_loop3A_907], %parallel_loop3A_895 {strides = array<i32>} : memref<2x1x8x4x8x128xf32, #tpu.memory_space<vmem>>, vector<16xf32>,
        %parallel_loop3A_909 = arith.constant 2120 : i32
        %parallel_loop3A_910 = vector.broadcast %parallel_loop3A_909 : i32 to vector<16xi32>
        %parallel_loop3A_911 = arith.addi %parallel_loop3A_228, %parallel_loop3A_910 : vector<16xi32>
        %parallel_loop3A_912 = tpu.vector_load_idx %arg5[%parallel_loop3A_911] : memref<3392xf32, #tpu.memory_space<vmem>>[vector<16xi32>], vector<16xf32>,
        %parallel_loop3A_913 = arith.constant 16 : i32
        %parallel_loop3A_914 = arith.muli %parallel_loop3A_222, %parallel_loop3A_913 : i32
        %parallel_loop3A_915 = arith.constant 0 : i32
        %parallel_loop3A_916 = arith.constant 0 : i32
        %parallel_loop3A_917 = arith.constant 5 : i32
        %parallel_loop3A_918 = arith.constant 0 : i32
        %parallel_loop3A_919 = arith.index_cast %parallel_loop3A_915 : i32 to index
        %parallel_loop3A_920 = arith.index_cast %parallel_loop3A_916 : i32 to index
        %parallel_loop3A_921 = arith.index_cast %parallel_loop3A_917 : i32 to index
        %parallel_loop3A_922 = arith.index_cast %parallel_loop3A_206 : i32 to index
        %parallel_loop3A_923 = arith.index_cast %parallel_loop3A_918 : i32 to index
        %parallel_loop3A_924 = arith.index_cast %parallel_loop3A_914 : i32 to index
        %parallel_loop3A_925 = tpu.vector_load %arg7[%parallel_loop3A_919, %parallel_loop3A_920, %parallel_loop3A_921, %parallel_loop3A_922, %parallel_loop3A_923, %parallel_loop3A_924] {strides = array<i32>} : memref<2x1x8x4x8x128xf32, #tpu.memory_space<vmem>>, vector<16xf32>,
        tpu.vector_store %arg7[%parallel_loop3A_919, %parallel_loop3A_920, %parallel_loop3A_921, %parallel_loop3A_922, %parallel_loop3A_923, %parallel_loop3A_924], %parallel_loop3A_912 {strides = array<i32>} : memref<2x1x8x4x8x128xf32, #tpu.memory_space<vmem>>, vector<16xf32>,
        %parallel_loop3A_926 = arith.constant 2173 : i32
        %parallel_loop3A_927 = vector.broadcast %parallel_loop3A_926 : i32 to vector<16xi32>
        %parallel_loop3A_928 = arith.addi %parallel_loop3A_228, %parallel_loop3A_927 : vector<16xi32>
        %parallel_loop3A_929 = tpu.vector_load_idx %arg5[%parallel_loop3A_928] : memref<3392xf32, #tpu.memory_space<vmem>>[vector<16xi32>], vector<16xf32>,
        %parallel_loop3A_930 = arith.constant 16 : i32
        %parallel_loop3A_931 = arith.muli %parallel_loop3A_222, %parallel_loop3A_930 : i32
        %parallel_loop3A_932 = arith.constant 0 : i32
        %parallel_loop3A_933 = arith.constant 0 : i32
        %parallel_loop3A_934 = arith.constant 5 : i32
        %parallel_loop3A_935 = arith.constant 1 : i32
        %parallel_loop3A_936 = arith.index_cast %parallel_loop3A_932 : i32 to index
        %parallel_loop3A_937 = arith.index_cast %parallel_loop3A_933 : i32 to index
        %parallel_loop3A_938 = arith.index_cast %parallel_loop3A_934 : i32 to index
        %parallel_loop3A_939 = arith.index_cast %parallel_loop3A_206 : i32 to index
        %parallel_loop3A_940 = arith.index_cast %parallel_loop3A_935 : i32 to index
        %parallel_loop3A_941 = arith.index_cast %parallel_loop3A_931 : i32 to index
        %parallel_loop3A_942 = tpu.vector_load %arg7[%parallel_loop3A_936, %parallel_loop3A_937, %parallel_loop3A_938, %parallel_loop3A_939, %parallel_loop3A_940, %parallel_loop3A_941] {strides = array<i32>} : memref<2x1x8x4x8x128xf32, #tpu.memory_space<vmem>>, vector<16xf32>,
        tpu.vector_store %arg7[%parallel_loop3A_936, %parallel_loop3A_937, %parallel_loop3A_938, %parallel_loop3A_939, %parallel_loop3A_940, %parallel_loop3A_941], %parallel_loop3A_929 {strides = array<i32>} : memref<2x1x8x4x8x128xf32, #tpu.memory_space<vmem>>, vector<16xf32>,
        %parallel_loop3A_943 = arith.constant 2226 : i32
        %parallel_loop3A_944 = vector.broadcast %parallel_loop3A_943 : i32 to vector<16xi32>
        %parallel_loop3A_945 = arith.addi %parallel_loop3A_228, %parallel_loop3A_944 : vector<16xi32>
        %parallel_loop3A_946 = tpu.vector_load_idx %arg5[%parallel_loop3A_945] : memref<3392xf32, #tpu.memory_space<vmem>>[vector<16xi32>], vector<16xf32>,
        %parallel_loop3A_947 = arith.constant 16 : i32
        %parallel_loop3A_948 = arith.muli %parallel_loop3A_222, %parallel_loop3A_947 : i32
        %parallel_loop3A_949 = arith.constant 0 : i32
        %parallel_loop3A_950 = arith.constant 0 : i32
        %parallel_loop3A_951 = arith.constant 5 : i32
        %parallel_loop3A_952 = arith.constant 2 : i32
        %parallel_loop3A_953 = arith.index_cast %parallel_loop3A_949 : i32 to index
        %parallel_loop3A_954 = arith.index_cast %parallel_loop3A_950 : i32 to index
        %parallel_loop3A_955 = arith.index_cast %parallel_loop3A_951 : i32 to index
        %parallel_loop3A_956 = arith.index_cast %parallel_loop3A_206 : i32 to index
        %parallel_loop3A_957 = arith.index_cast %parallel_loop3A_952 : i32 to index
        %parallel_loop3A_958 = arith.index_cast %parallel_loop3A_948 : i32 to index
        %parallel_loop3A_959 = tpu.vector_load %arg7[%parallel_loop3A_953, %parallel_loop3A_954, %parallel_loop3A_955, %parallel_loop3A_956, %parallel_loop3A_957, %parallel_loop3A_958] {strides = array<i32>} : memref<2x1x8x4x8x128xf32, #tpu.memory_space<vmem>>, vector<16xf32>,
        tpu.vector_store %arg7[%parallel_loop3A_953, %parallel_loop3A_954, %parallel_loop3A_955, %parallel_loop3A_956, %parallel_loop3A_957, %parallel_loop3A_958], %parallel_loop3A_946 {strides = array<i32>} : memref<2x1x8x4x8x128xf32, #tpu.memory_space<vmem>>, vector<16xf32>,
        %parallel_loop3A_960 = arith.constant 2279 : i32
        %parallel_loop3A_961 = vector.broadcast %parallel_loop3A_960 : i32 to vector<16xi32>
        %parallel_loop3A_962 = arith.addi %parallel_loop3A_228, %parallel_loop3A_961 : vector<16xi32>
        %parallel_loop3A_963 = tpu.vector_load_idx %arg5[%parallel_loop3A_962] : memref<3392xf32, #tpu.memory_space<vmem>>[vector<16xi32>], vector<16xf32>,
        %parallel_loop3A_964 = arith.constant 16 : i32
        %parallel_loop3A_965 = arith.muli %parallel_loop3A_222, %parallel_loop3A_964 : i32
        %parallel_loop3A_966 = arith.constant 0 : i32
        %parallel_loop3A_967 = arith.constant 0 : i32
        %parallel_loop3A_968 = arith.constant 5 : i32
        %parallel_loop3A_969 = arith.constant 3 : i32
        %parallel_loop3A_970 = arith.index_cast %parallel_loop3A_966 : i32 to index
        %parallel_loop3A_971 = arith.index_cast %parallel_loop3A_967 : i32 to index
        %parallel_loop3A_972 = arith.index_cast %parallel_loop3A_968 : i32 to index
        %parallel_loop3A_973 = arith.index_cast %parallel_loop3A_206 : i32 to index
        %parallel_loop3A_974 = arith.index_cast %parallel_loop3A_969 : i32 to index
        %parallel_loop3A_975 = arith.index_cast %parallel_loop3A_965 : i32 to index
        %parallel_loop3A_976 = tpu.vector_load %arg7[%parallel_loop3A_970, %parallel_loop3A_971, %parallel_loop3A_972, %parallel_loop3A_973, %parallel_loop3A_974, %parallel_loop3A_975] {strides = array<i32>} : memref<2x1x8x4x8x128xf32, #tpu.memory_space<vmem>>, vector<16xf32>,
        tpu.vector_store %arg7[%parallel_loop3A_970, %parallel_loop3A_971, %parallel_loop3A_972, %parallel_loop3A_973, %parallel_loop3A_974, %parallel_loop3A_975], %parallel_loop3A_963 {strides = array<i32>} : memref<2x1x8x4x8x128xf32, #tpu.memory_space<vmem>>, vector<16xf32>,
        %parallel_loop3A_977 = arith.constant 2332 : i32
        %parallel_loop3A_978 = vector.broadcast %parallel_loop3A_977 : i32 to vector<16xi32>
        %parallel_loop3A_979 = arith.addi %parallel_loop3A_228, %parallel_loop3A_978 : vector<16xi32>
        %parallel_loop3A_980 = tpu.vector_load_idx %arg5[%parallel_loop3A_979] : memref<3392xf32, #tpu.memory_space<vmem>>[vector<16xi32>], vector<16xf32>,
        %parallel_loop3A_981 = arith.constant 16 : i32
        %parallel_loop3A_982 = arith.muli %parallel_loop3A_222, %parallel_loop3A_981 : i32
        %parallel_loop3A_983 = arith.constant 0 : i32
        %parallel_loop3A_984 = arith.constant 0 : i32
        %parallel_loop3A_985 = arith.constant 5 : i32
        %parallel_loop3A_986 = arith.constant 4 : i32
        %parallel_loop3A_987 = arith.index_cast %parallel_loop3A_983 : i32 to index
        %parallel_loop3A_988 = arith.index_cast %parallel_loop3A_984 : i32 to index
        %parallel_loop3A_989 = arith.index_cast %parallel_loop3A_985 : i32 to index
        %parallel_loop3A_990 = arith.index_cast %parallel_loop3A_206 : i32 to index
        %parallel_loop3A_991 = arith.index_cast %parallel_loop3A_986 : i32 to index
        %parallel_loop3A_992 = arith.index_cast %parallel_loop3A_982 : i32 to index
        %parallel_loop3A_993 = tpu.vector_load %arg7[%parallel_loop3A_987, %parallel_loop3A_988, %parallel_loop3A_989, %parallel_loop3A_990, %parallel_loop3A_991, %parallel_loop3A_992] {strides = array<i32>} : memref<2x1x8x4x8x128xf32, #tpu.memory_space<vmem>>, vector<16xf32>,
        tpu.vector_store %arg7[%parallel_loop3A_987, %parallel_loop3A_988, %parallel_loop3A_989, %parallel_loop3A_990, %parallel_loop3A_991, %parallel_loop3A_992], %parallel_loop3A_980 {strides = array<i32>} : memref<2x1x8x4x8x128xf32, #tpu.memory_space<vmem>>, vector<16xf32>,
        %parallel_loop3A_994 = arith.constant 2385 : i32
        %parallel_loop3A_995 = vector.broadcast %parallel_loop3A_994 : i32 to vector<16xi32>
        %parallel_loop3A_996 = arith.addi %parallel_loop3A_228, %parallel_loop3A_995 : vector<16xi32>
        %parallel_loop3A_997 = tpu.vector_load_idx %arg5[%parallel_loop3A_996] : memref<3392xf32, #tpu.memory_space<vmem>>[vector<16xi32>], vector<16xf32>,
        %parallel_loop3A_998 = arith.constant 16 : i32
        %parallel_loop3A_999 = arith.muli %parallel_loop3A_222, %parallel_loop3A_998 : i32
        %parallel_loop3A_1000 = arith.constant 0 : i32
        %parallel_loop3A_1001 = arith.constant 0 : i32
        %parallel_loop3A_1002 = arith.constant 5 : i32
        %parallel_loop3A_1003 = arith.constant 5 : i32
        %parallel_loop3A_1004 = arith.index_cast %parallel_loop3A_1000 : i32 to index
        %parallel_loop3A_1005 = arith.index_cast %parallel_loop3A_1001 : i32 to index
        %parallel_loop3A_1006 = arith.index_cast %parallel_loop3A_1002 : i32 to index
        %parallel_loop3A_1007 = arith.index_cast %parallel_loop3A_206 : i32 to index
        %parallel_loop3A_1008 = arith.index_cast %parallel_loop3A_1003 : i32 to index
        %parallel_loop3A_1009 = arith.index_cast %parallel_loop3A_999 : i32 to index
        %parallel_loop3A_1010 = tpu.vector_load %arg7[%parallel_loop3A_1004, %parallel_loop3A_1005, %parallel_loop3A_1006, %parallel_loop3A_1007, %parallel_loop3A_1008, %parallel_loop3A_1009] {strides = array<i32>} : memref<2x1x8x4x8x128xf32, #tpu.memory_space<vmem>>, vector<16xf32>,
        tpu.vector_store %arg7[%parallel_loop3A_1004, %parallel_loop3A_1005, %parallel_loop3A_1006, %parallel_loop3A_1007, %parallel_loop3A_1008, %parallel_loop3A_1009], %parallel_loop3A_997 {strides = array<i32>} : memref<2x1x8x4x8x128xf32, #tpu.memory_space<vmem>>, vector<16xf32>,
        %parallel_loop3A_1011 = arith.constant 2438 : i32
        %parallel_loop3A_1012 = vector.broadcast %parallel_loop3A_1011 : i32 to vector<16xi32>
        %parallel_loop3A_1013 = arith.addi %parallel_loop3A_228, %parallel_loop3A_1012 : vector<16xi32>
        %parallel_loop3A_1014 = tpu.vector_load_idx %arg5[%parallel_loop3A_1013] : memref<3392xf32, #tpu.memory_space<vmem>>[vector<16xi32>], vector<16xf32>,
        %parallel_loop3A_1015 = arith.constant 16 : i32
        %parallel_loop3A_1016 = arith.muli %parallel_loop3A_222, %parallel_loop3A_1015 : i32
        %parallel_loop3A_1017 = arith.constant 0 : i32
        %parallel_loop3A_1018 = arith.constant 0 : i32
        %parallel_loop3A_1019 = arith.constant 5 : i32
        %parallel_loop3A_1020 = arith.constant 6 : i32
        %parallel_loop3A_1021 = arith.index_cast %parallel_loop3A_1017 : i32 to index
        %parallel_loop3A_1022 = arith.index_cast %parallel_loop3A_1018 : i32 to index
        %parallel_loop3A_1023 = arith.index_cast %parallel_loop3A_1019 : i32 to index
        %parallel_loop3A_1024 = arith.index_cast %parallel_loop3A_206 : i32 to index
        %parallel_loop3A_1025 = arith.index_cast %parallel_loop3A_1020 : i32 to index
        %parallel_loop3A_1026 = arith.index_cast %parallel_loop3A_1016 : i32 to index
        %parallel_loop3A_1027 = tpu.vector_load %arg7[%parallel_loop3A_1021, %parallel_loop3A_1022, %parallel_loop3A_1023, %parallel_loop3A_1024, %parallel_loop3A_1025, %parallel_loop3A_1026] {strides = array<i32>} : memref<2x1x8x4x8x128xf32, #tpu.memory_space<vmem>>, vector<16xf32>,
        tpu.vector_store %arg7[%parallel_loop3A_1021, %parallel_loop3A_1022, %parallel_loop3A_1023, %parallel_loop3A_1024, %parallel_loop3A_1025, %parallel_loop3A_1026], %parallel_loop3A_1014 {strides = array<i32>} : memref<2x1x8x4x8x128xf32, #tpu.memory_space<vmem>>, vector<16xf32>,
        %parallel_loop3A_1028 = arith.constant 2491 : i32
        %parallel_loop3A_1029 = vector.broadcast %parallel_loop3A_1028 : i32 to vector<16xi32>
        %parallel_loop3A_1030 = arith.addi %parallel_loop3A_228, %parallel_loop3A_1029 : vector<16xi32>
        %parallel_loop3A_1031 = tpu.vector_load_idx %arg5[%parallel_loop3A_1030] : memref<3392xf32, #tpu.memory_space<vmem>>[vector<16xi32>], vector<16xf32>,
        %parallel_loop3A_1032 = arith.constant 16 : i32
        %parallel_loop3A_1033 = arith.muli %parallel_loop3A_222, %parallel_loop3A_1032 : i32
        %parallel_loop3A_1034 = arith.constant 0 : i32
        %parallel_loop3A_1035 = arith.constant 0 : i32
        %parallel_loop3A_1036 = arith.constant 5 : i32
        %parallel_loop3A_1037 = arith.constant 7 : i32
        %parallel_loop3A_1038 = arith.index_cast %parallel_loop3A_1034 : i32 to index
        %parallel_loop3A_1039 = arith.index_cast %parallel_loop3A_1035 : i32 to index
        %parallel_loop3A_1040 = arith.index_cast %parallel_loop3A_1036 : i32 to index
        %parallel_loop3A_1041 = arith.index_cast %parallel_loop3A_206 : i32 to index
        %parallel_loop3A_1042 = arith.index_cast %parallel_loop3A_1037 : i32 to index
        %parallel_loop3A_1043 = arith.index_cast %parallel_loop3A_1033 : i32 to index
        %parallel_loop3A_1044 = tpu.vector_load %arg7[%parallel_loop3A_1038, %parallel_loop3A_1039, %parallel_loop3A_1040, %parallel_loop3A_1041, %parallel_loop3A_1042, %parallel_loop3A_1043] {strides = array<i32>} : memref<2x1x8x4x8x128xf32, #tpu.memory_space<vmem>>, vector<16xf32>,
        tpu.vector_store %arg7[%parallel_loop3A_1038, %parallel_loop3A_1039, %parallel_loop3A_1040, %parallel_loop3A_1041, %parallel_loop3A_1042, %parallel_loop3A_1043], %parallel_loop3A_1031 {strides = array<i32>} : memref<2x1x8x4x8x128xf32, #tpu.memory_space<vmem>>, vector<16xf32>,
        %parallel_loop3A_1045 = arith.constant 2544 : i32
        %parallel_loop3A_1046 = vector.broadcast %parallel_loop3A_1045 : i32 to vector<16xi32>
        %parallel_loop3A_1047 = arith.addi %parallel_loop3A_228, %parallel_loop3A_1046 : vector<16xi32>
        %parallel_loop3A_1048 = tpu.vector_load_idx %arg5[%parallel_loop3A_1047] : memref<3392xf32, #tpu.memory_space<vmem>>[vector<16xi32>], vector<16xf32>,
        %parallel_loop3A_1049 = arith.constant 16 : i32
        %parallel_loop3A_1050 = arith.muli %parallel_loop3A_222, %parallel_loop3A_1049 : i32
        %parallel_loop3A_1051 = arith.constant 0 : i32
        %parallel_loop3A_1052 = arith.constant 0 : i32
        %parallel_loop3A_1053 = arith.constant 6 : i32
        %parallel_loop3A_1054 = arith.constant 0 : i32
        %parallel_loop3A_1055 = arith.index_cast %parallel_loop3A_1051 : i32 to index
        %parallel_loop3A_1056 = arith.index_cast %parallel_loop3A_1052 : i32 to index
        %parallel_loop3A_1057 = arith.index_cast %parallel_loop3A_1053 : i32 to index
        %parallel_loop3A_1058 = arith.index_cast %parallel_loop3A_206 : i32 to index
        %parallel_loop3A_1059 = arith.index_cast %parallel_loop3A_1054 : i32 to index
        %parallel_loop3A_1060 = arith.index_cast %parallel_loop3A_1050 : i32 to index
        %parallel_loop3A_1061 = tpu.vector_load %arg7[%parallel_loop3A_1055, %parallel_loop3A_1056, %parallel_loop3A_1057, %parallel_loop3A_1058, %parallel_loop3A_1059, %parallel_loop3A_1060] {strides = array<i32>} : memref<2x1x8x4x8x128xf32, #tpu.memory_space<vmem>>, vector<16xf32>,
        tpu.vector_store %arg7[%parallel_loop3A_1055, %parallel_loop3A_1056, %parallel_loop3A_1057, %parallel_loop3A_1058, %parallel_loop3A_1059, %parallel_loop3A_1060], %parallel_loop3A_1048 {strides = array<i32>} : memref<2x1x8x4x8x128xf32, #tpu.memory_space<vmem>>, vector<16xf32>,
        %parallel_loop3A_1062 = arith.constant 2597 : i32
        %parallel_loop3A_1063 = vector.broadcast %parallel_loop3A_1062 : i32 to vector<16xi32>
        %parallel_loop3A_1064 = arith.addi %parallel_loop3A_228, %parallel_loop3A_1063 : vector<16xi32>
        %parallel_loop3A_1065 = tpu.vector_load_idx %arg5[%parallel_loop3A_1064] : memref<3392xf32, #tpu.memory_space<vmem>>[vector<16xi32>], vector<16xf32>,
        %parallel_loop3A_1066 = arith.constant 16 : i32
        %parallel_loop3A_1067 = arith.muli %parallel_loop3A_222, %parallel_loop3A_1066 : i32
        %parallel_loop3A_1068 = arith.constant 0 : i32
        %parallel_loop3A_1069 = arith.constant 0 : i32
        %parallel_loop3A_1070 = arith.constant 6 : i32
        %parallel_loop3A_1071 = arith.constant 1 : i32
        %parallel_loop3A_1072 = arith.index_cast %parallel_loop3A_1068 : i32 to index
        %parallel_loop3A_1073 = arith.index_cast %parallel_loop3A_1069 : i32 to index
        %parallel_loop3A_1074 = arith.index_cast %parallel_loop3A_1070 : i32 to index
        %parallel_loop3A_1075 = arith.index_cast %parallel_loop3A_206 : i32 to index
        %parallel_loop3A_1076 = arith.index_cast %parallel_loop3A_1071 : i32 to index
        %parallel_loop3A_1077 = arith.index_cast %parallel_loop3A_1067 : i32 to index
        %parallel_loop3A_1078 = tpu.vector_load %arg7[%parallel_loop3A_1072, %parallel_loop3A_1073, %parallel_loop3A_1074, %parallel_loop3A_1075, %parallel_loop3A_1076, %parallel_loop3A_1077] {strides = array<i32>} : memref<2x1x8x4x8x128xf32, #tpu.memory_space<vmem>>, vector<16xf32>,
        tpu.vector_store %arg7[%parallel_loop3A_1072, %parallel_loop3A_1073, %parallel_loop3A_1074, %parallel_loop3A_1075, %parallel_loop3A_1076, %parallel_loop3A_1077], %parallel_loop3A_1065 {strides = array<i32>} : memref<2x1x8x4x8x128xf32, #tpu.memory_space<vmem>>, vector<16xf32>,
        %parallel_loop3A_1079 = arith.constant 2650 : i32
        %parallel_loop3A_1080 = vector.broadcast %parallel_loop3A_1079 : i32 to vector<16xi32>
        %parallel_loop3A_1081 = arith.addi %parallel_loop3A_228, %parallel_loop3A_1080 : vector<16xi32>
        %parallel_loop3A_1082 = tpu.vector_load_idx %arg5[%parallel_loop3A_1081] : memref<3392xf32, #tpu.memory_space<vmem>>[vector<16xi32>], vector<16xf32>,
        %parallel_loop3A_1083 = arith.constant 16 : i32
        %parallel_loop3A_1084 = arith.muli %parallel_loop3A_222, %parallel_loop3A_1083 : i32
        %parallel_loop3A_1085 = arith.constant 0 : i32
        %parallel_loop3A_1086 = arith.constant 0 : i32
        %parallel_loop3A_1087 = arith.constant 6 : i32
        %parallel_loop3A_1088 = arith.constant 2 : i32
        %parallel_loop3A_1089 = arith.index_cast %parallel_loop3A_1085 : i32 to index
        %parallel_loop3A_1090 = arith.index_cast %parallel_loop3A_1086 : i32 to index
        %parallel_loop3A_1091 = arith.index_cast %parallel_loop3A_1087 : i32 to index
        %parallel_loop3A_1092 = arith.index_cast %parallel_loop3A_206 : i32 to index
        %parallel_loop3A_1093 = arith.index_cast %parallel_loop3A_1088 : i32 to index
        %parallel_loop3A_1094 = arith.index_cast %parallel_loop3A_1084 : i32 to index
        %parallel_loop3A_1095 = tpu.vector_load %arg7[%parallel_loop3A_1089, %parallel_loop3A_1090, %parallel_loop3A_1091, %parallel_loop3A_1092, %parallel_loop3A_1093, %parallel_loop3A_1094] {strides = array<i32>} : memref<2x1x8x4x8x128xf32, #tpu.memory_space<vmem>>, vector<16xf32>,
        tpu.vector_store %arg7[%parallel_loop3A_1089, %parallel_loop3A_1090, %parallel_loop3A_1091, %parallel_loop3A_1092, %parallel_loop3A_1093, %parallel_loop3A_1094], %parallel_loop3A_1082 {strides = array<i32>} : memref<2x1x8x4x8x128xf32, #tpu.memory_space<vmem>>, vector<16xf32>,
        %parallel_loop3A_1096 = arith.constant 2703 : i32
        %parallel_loop3A_1097 = vector.broadcast %parallel_loop3A_1096 : i32 to vector<16xi32>
        %parallel_loop3A_1098 = arith.addi %parallel_loop3A_228, %parallel_loop3A_1097 : vector<16xi32>
        %parallel_loop3A_1099 = tpu.vector_load_idx %arg5[%parallel_loop3A_1098] : memref<3392xf32, #tpu.memory_space<vmem>>[vector<16xi32>], vector<16xf32>,
        %parallel_loop3A_1100 = arith.constant 16 : i32
        %parallel_loop3A_1101 = arith.muli %parallel_loop3A_222, %parallel_loop3A_1100 : i32
        %parallel_loop3A_1102 = arith.constant 0 : i32
        %parallel_loop3A_1103 = arith.constant 0 : i32
        %parallel_loop3A_1104 = arith.constant 6 : i32
        %parallel_loop3A_1105 = arith.constant 3 : i32
        %parallel_loop3A_1106 = arith.index_cast %parallel_loop3A_1102 : i32 to index
        %parallel_loop3A_1107 = arith.index_cast %parallel_loop3A_1103 : i32 to index
        %parallel_loop3A_1108 = arith.index_cast %parallel_loop3A_1104 : i32 to index
        %parallel_loop3A_1109 = arith.index_cast %parallel_loop3A_206 : i32 to index
        %parallel_loop3A_1110 = arith.index_cast %parallel_loop3A_1105 : i32 to index
        %parallel_loop3A_1111 = arith.index_cast %parallel_loop3A_1101 : i32 to index
        %parallel_loop3A_1112 = tpu.vector_load %arg7[%parallel_loop3A_1106, %parallel_loop3A_1107, %parallel_loop3A_1108, %parallel_loop3A_1109, %parallel_loop3A_1110, %parallel_loop3A_1111] {strides = array<i32>} : memref<2x1x8x4x8x128xf32, #tpu.memory_space<vmem>>, vector<16xf32>,
        tpu.vector_store %arg7[%parallel_loop3A_1106, %parallel_loop3A_1107, %parallel_loop3A_1108, %parallel_loop3A_1109, %parallel_loop3A_1110, %parallel_loop3A_1111], %parallel_loop3A_1099 {strides = array<i32>} : memref<2x1x8x4x8x128xf32, #tpu.memory_space<vmem>>, vector<16xf32>,
        %parallel_loop3A_1113 = arith.constant 2756 : i32
        %parallel_loop3A_1114 = vector.broadcast %parallel_loop3A_1113 : i32 to vector<16xi32>
        %parallel_loop3A_1115 = arith.addi %parallel_loop3A_228, %parallel_loop3A_1114 : vector<16xi32>
        %parallel_loop3A_1116 = tpu.vector_load_idx %arg5[%parallel_loop3A_1115] : memref<3392xf32, #tpu.memory_space<vmem>>[vector<16xi32>], vector<16xf32>,
        %parallel_loop3A_1117 = arith.constant 16 : i32
        %parallel_loop3A_1118 = arith.muli %parallel_loop3A_222, %parallel_loop3A_1117 : i32
        %parallel_loop3A_1119 = arith.constant 0 : i32
        %parallel_loop3A_1120 = arith.constant 0 : i32
        %parallel_loop3A_1121 = arith.constant 6 : i32
        %parallel_loop3A_1122 = arith.constant 4 : i32
        %parallel_loop3A_1123 = arith.index_cast %parallel_loop3A_1119 : i32 to index
        %parallel_loop3A_1124 = arith.index_cast %parallel_loop3A_1120 : i32 to index
        %parallel_loop3A_1125 = arith.index_cast %parallel_loop3A_1121 : i32 to index
        %parallel_loop3A_1126 = arith.index_cast %parallel_loop3A_206 : i32 to index
        %parallel_loop3A_1127 = arith.index_cast %parallel_loop3A_1122 : i32 to index
        %parallel_loop3A_1128 = arith.index_cast %parallel_loop3A_1118 : i32 to index
        %parallel_loop3A_1129 = tpu.vector_load %arg7[%parallel_loop3A_1123, %parallel_loop3A_1124, %parallel_loop3A_1125, %parallel_loop3A_1126, %parallel_loop3A_1127, %parallel_loop3A_1128] {strides = array<i32>} : memref<2x1x8x4x8x128xf32, #tpu.memory_space<vmem>>, vector<16xf32>,
        tpu.vector_store %arg7[%parallel_loop3A_1123, %parallel_loop3A_1124, %parallel_loop3A_1125, %parallel_loop3A_1126, %parallel_loop3A_1127, %parallel_loop3A_1128], %parallel_loop3A_1116 {strides = array<i32>} : memref<2x1x8x4x8x128xf32, #tpu.memory_space<vmem>>, vector<16xf32>,
        %parallel_loop3A_1130 = arith.constant 2809 : i32
        %parallel_loop3A_1131 = vector.broadcast %parallel_loop3A_1130 : i32 to vector<16xi32>
        %parallel_loop3A_1132 = arith.addi %parallel_loop3A_228, %parallel_loop3A_1131 : vector<16xi32>
        %parallel_loop3A_1133 = tpu.vector_load_idx %arg5[%parallel_loop3A_1132] : memref<3392xf32, #tpu.memory_space<vmem>>[vector<16xi32>], vector<16xf32>,
        %parallel_loop3A_1134 = arith.constant 16 : i32
        %parallel_loop3A_1135 = arith.muli %parallel_loop3A_222, %parallel_loop3A_1134 : i32
        %parallel_loop3A_1136 = arith.constant 0 : i32
        %parallel_loop3A_1137 = arith.constant 0 : i32
        %parallel_loop3A_1138 = arith.constant 6 : i32
        %parallel_loop3A_1139 = arith.constant 5 : i32
        %parallel_loop3A_1140 = arith.index_cast %parallel_loop3A_1136 : i32 to index
        %parallel_loop3A_1141 = arith.index_cast %parallel_loop3A_1137 : i32 to index
        %parallel_loop3A_1142 = arith.index_cast %parallel_loop3A_1138 : i32 to index
        %parallel_loop3A_1143 = arith.index_cast %parallel_loop3A_206 : i32 to index
        %parallel_loop3A_1144 = arith.index_cast %parallel_loop3A_1139 : i32 to index
        %parallel_loop3A_1145 = arith.index_cast %parallel_loop3A_1135 : i32 to index
        %parallel_loop3A_1146 = tpu.vector_load %arg7[%parallel_loop3A_1140, %parallel_loop3A_1141, %parallel_loop3A_1142, %parallel_loop3A_1143, %parallel_loop3A_1144, %parallel_loop3A_1145] {strides = array<i32>} : memref<2x1x8x4x8x128xf32, #tpu.memory_space<vmem>>, vector<16xf32>,
        tpu.vector_store %arg7[%parallel_loop3A_1140, %parallel_loop3A_1141, %parallel_loop3A_1142, %parallel_loop3A_1143, %parallel_loop3A_1144, %parallel_loop3A_1145], %parallel_loop3A_1133 {strides = array<i32>} : memref<2x1x8x4x8x128xf32, #tpu.memory_space<vmem>>, vector<16xf32>,
        %parallel_loop3A_1147 = arith.constant 2862 : i32
        %parallel_loop3A_1148 = vector.broadcast %parallel_loop3A_1147 : i32 to vector<16xi32>
        %parallel_loop3A_1149 = arith.addi %parallel_loop3A_228, %parallel_loop3A_1148 : vector<16xi32>
        %parallel_loop3A_1150 = tpu.vector_load_idx %arg5[%parallel_loop3A_1149] : memref<3392xf32, #tpu.memory_space<vmem>>[vector<16xi32>], vector<16xf32>,
        %parallel_loop3A_1151 = arith.constant 16 : i32
        %parallel_loop3A_1152 = arith.muli %parallel_loop3A_222, %parallel_loop3A_1151 : i32
        %parallel_loop3A_1153 = arith.constant 0 : i32
        %parallel_loop3A_1154 = arith.constant 0 : i32
        %parallel_loop3A_1155 = arith.constant 6 : i32
        %parallel_loop3A_1156 = arith.constant 6 : i32
        %parallel_loop3A_1157 = arith.index_cast %parallel_loop3A_1153 : i32 to index
        %parallel_loop3A_1158 = arith.index_cast %parallel_loop3A_1154 : i32 to index
        %parallel_loop3A_1159 = arith.index_cast %parallel_loop3A_1155 : i32 to index
        %parallel_loop3A_1160 = arith.index_cast %parallel_loop3A_206 : i32 to index
        %parallel_loop3A_1161 = arith.index_cast %parallel_loop3A_1156 : i32 to index
        %parallel_loop3A_1162 = arith.index_cast %parallel_loop3A_1152 : i32 to index
        %parallel_loop3A_1163 = tpu.vector_load %arg7[%parallel_loop3A_1157, %parallel_loop3A_1158, %parallel_loop3A_1159, %parallel_loop3A_1160, %parallel_loop3A_1161, %parallel_loop3A_1162] {strides = array<i32>} : memref<2x1x8x4x8x128xf32, #tpu.memory_space<vmem>>, vector<16xf32>,
        tpu.vector_store %arg7[%parallel_loop3A_1157, %parallel_loop3A_1158, %parallel_loop3A_1159, %parallel_loop3A_1160, %parallel_loop3A_1161, %parallel_loop3A_1162], %parallel_loop3A_1150 {strides = array<i32>} : memref<2x1x8x4x8x128xf32, #tpu.memory_space<vmem>>, vector<16xf32>,
        %parallel_loop3A_1164 = arith.constant 2915 : i32
        %parallel_loop3A_1165 = vector.broadcast %parallel_loop3A_1164 : i32 to vector<16xi32>
        %parallel_loop3A_1166 = arith.addi %parallel_loop3A_228, %parallel_loop3A_1165 : vector<16xi32>
        %parallel_loop3A_1167 = tpu.vector_load_idx %arg5[%parallel_loop3A_1166] : memref<3392xf32, #tpu.memory_space<vmem>>[vector<16xi32>], vector<16xf32>,
        %parallel_loop3A_1168 = arith.constant 16 : i32
        %parallel_loop3A_1169 = arith.muli %parallel_loop3A_222, %parallel_loop3A_1168 : i32
        %parallel_loop3A_1170 = arith.constant 0 : i32
        %parallel_loop3A_1171 = arith.constant 0 : i32
        %parallel_loop3A_1172 = arith.constant 6 : i32
        %parallel_loop3A_1173 = arith.constant 7 : i32
        %parallel_loop3A_1174 = arith.index_cast %parallel_loop3A_1170 : i32 to index
        %parallel_loop3A_1175 = arith.index_cast %parallel_loop3A_1171 : i32 to index
        %parallel_loop3A_1176 = arith.index_cast %parallel_loop3A_1172 : i32 to index
        %parallel_loop3A_1177 = arith.index_cast %parallel_loop3A_206 : i32 to index
        %parallel_loop3A_1178 = arith.index_cast %parallel_loop3A_1173 : i32 to index
        %parallel_loop3A_1179 = arith.index_cast %parallel_loop3A_1169 : i32 to index
        %parallel_loop3A_1180 = tpu.vector_load %arg7[%parallel_loop3A_1174, %parallel_loop3A_1175, %parallel_loop3A_1176, %parallel_loop3A_1177, %parallel_loop3A_1178, %parallel_loop3A_1179] {strides = array<i32>} : memref<2x1x8x4x8x128xf32, #tpu.memory_space<vmem>>, vector<16xf32>,
        tpu.vector_store %arg7[%parallel_loop3A_1174, %parallel_loop3A_1175, %parallel_loop3A_1176, %parallel_loop3A_1177, %parallel_loop3A_1178, %parallel_loop3A_1179], %parallel_loop3A_1167 {strides = array<i32>} : memref<2x1x8x4x8x128xf32, #tpu.memory_space<vmem>>, vector<16xf32>,
        %parallel_loop3A_1181 = arith.constant 2968 : i32
        %parallel_loop3A_1182 = vector.broadcast %parallel_loop3A_1181 : i32 to vector<16xi32>
        %parallel_loop3A_1183 = arith.addi %parallel_loop3A_228, %parallel_loop3A_1182 : vector<16xi32>
        %parallel_loop3A_1184 = tpu.vector_load_idx %arg5[%parallel_loop3A_1183] : memref<3392xf32, #tpu.memory_space<vmem>>[vector<16xi32>], vector<16xf32>,
        %parallel_loop3A_1185 = arith.constant 16 : i32
        %parallel_loop3A_1186 = arith.muli %parallel_loop3A_222, %parallel_loop3A_1185 : i32
        %parallel_loop3A_1187 = arith.constant 0 : i32
        %parallel_loop3A_1188 = arith.constant 0 : i32
        %parallel_loop3A_1189 = arith.constant 7 : i32
        %parallel_loop3A_1190 = arith.constant 0 : i32
        %parallel_loop3A_1191 = arith.index_cast %parallel_loop3A_1187 : i32 to index
        %parallel_loop3A_1192 = arith.index_cast %parallel_loop3A_1188 : i32 to index
        %parallel_loop3A_1193 = arith.index_cast %parallel_loop3A_1189 : i32 to index
        %parallel_loop3A_1194 = arith.index_cast %parallel_loop3A_206 : i32 to index
        %parallel_loop3A_1195 = arith.index_cast %parallel_loop3A_1190 : i32 to index
        %parallel_loop3A_1196 = arith.index_cast %parallel_loop3A_1186 : i32 to index
        %parallel_loop3A_1197 = tpu.vector_load %arg7[%parallel_loop3A_1191, %parallel_loop3A_1192, %parallel_loop3A_1193, %parallel_loop3A_1194, %parallel_loop3A_1195, %parallel_loop3A_1196] {strides = array<i32>} : memref<2x1x8x4x8x128xf32, #tpu.memory_space<vmem>>, vector<16xf32>,
        tpu.vector_store %arg7[%parallel_loop3A_1191, %parallel_loop3A_1192, %parallel_loop3A_1193, %parallel_loop3A_1194, %parallel_loop3A_1195, %parallel_loop3A_1196], %parallel_loop3A_1184 {strides = array<i32>} : memref<2x1x8x4x8x128xf32, #tpu.memory_space<vmem>>, vector<16xf32>,
        %parallel_loop3A_1198 = arith.constant 3021 : i32
        %parallel_loop3A_1199 = vector.broadcast %parallel_loop3A_1198 : i32 to vector<16xi32>
        %parallel_loop3A_1200 = arith.addi %parallel_loop3A_228, %parallel_loop3A_1199 : vector<16xi32>
        %parallel_loop3A_1201 = tpu.vector_load_idx %arg5[%parallel_loop3A_1200] : memref<3392xf32, #tpu.memory_space<vmem>>[vector<16xi32>], vector<16xf32>,
        %parallel_loop3A_1202 = arith.constant 16 : i32
        %parallel_loop3A_1203 = arith.muli %parallel_loop3A_222, %parallel_loop3A_1202 : i32
        %parallel_loop3A_1204 = arith.constant 0 : i32
        %parallel_loop3A_1205 = arith.constant 0 : i32
        %parallel_loop3A_1206 = arith.constant 7 : i32
        %parallel_loop3A_1207 = arith.constant 1 : i32
        %parallel_loop3A_1208 = arith.index_cast %parallel_loop3A_1204 : i32 to index
        %parallel_loop3A_1209 = arith.index_cast %parallel_loop3A_1205 : i32 to index
        %parallel_loop3A_1210 = arith.index_cast %parallel_loop3A_1206 : i32 to index
        %parallel_loop3A_1211 = arith.index_cast %parallel_loop3A_206 : i32 to index
        %parallel_loop3A_1212 = arith.index_cast %parallel_loop3A_1207 : i32 to index
        %parallel_loop3A_1213 = arith.index_cast %parallel_loop3A_1203 : i32 to index
        %parallel_loop3A_1214 = tpu.vector_load %arg7[%parallel_loop3A_1208, %parallel_loop3A_1209, %parallel_loop3A_1210, %parallel_loop3A_1211, %parallel_loop3A_1212, %parallel_loop3A_1213] {strides = array<i32>} : memref<2x1x8x4x8x128xf32, #tpu.memory_space<vmem>>, vector<16xf32>,
        tpu.vector_store %arg7[%parallel_loop3A_1208, %parallel_loop3A_1209, %parallel_loop3A_1210, %parallel_loop3A_1211, %parallel_loop3A_1212, %parallel_loop3A_1213], %parallel_loop3A_1201 {strides = array<i32>} : memref<2x1x8x4x8x128xf32, #tpu.memory_space<vmem>>, vector<16xf32>,
        %parallel_loop3A_1215 = arith.constant 3074 : i32
        %parallel_loop3A_1216 = vector.broadcast %parallel_loop3A_1215 : i32 to vector<16xi32>
        %parallel_loop3A_1217 = arith.addi %parallel_loop3A_228, %parallel_loop3A_1216 : vector<16xi32>
        %parallel_loop3A_1218 = tpu.vector_load_idx %arg5[%parallel_loop3A_1217] : memref<3392xf32, #tpu.memory_space<vmem>>[vector<16xi32>], vector<16xf32>,
        %parallel_loop3A_1219 = arith.constant 16 : i32
        %parallel_loop3A_1220 = arith.muli %parallel_loop3A_222, %parallel_loop3A_1219 : i32
        %parallel_loop3A_1221 = arith.constant 0 : i32
        %parallel_loop3A_1222 = arith.constant 0 : i32
        %parallel_loop3A_1223 = arith.constant 7 : i32
        %parallel_loop3A_1224 = arith.constant 2 : i32
        %parallel_loop3A_1225 = arith.index_cast %parallel_loop3A_1221 : i32 to index
        %parallel_loop3A_1226 = arith.index_cast %parallel_loop3A_1222 : i32 to index
        %parallel_loop3A_1227 = arith.index_cast %parallel_loop3A_1223 : i32 to index
        %parallel_loop3A_1228 = arith.index_cast %parallel_loop3A_206 : i32 to index
        %parallel_loop3A_1229 = arith.index_cast %parallel_loop3A_1224 : i32 to index
        %parallel_loop3A_1230 = arith.index_cast %parallel_loop3A_1220 : i32 to index
        %parallel_loop3A_1231 = tpu.vector_load %arg7[%parallel_loop3A_1225, %parallel_loop3A_1226, %parallel_loop3A_1227, %parallel_loop3A_1228, %parallel_loop3A_1229, %parallel_loop3A_1230] {strides = array<i32>} : memref<2x1x8x4x8x128xf32, #tpu.memory_space<vmem>>, vector<16xf32>,
        tpu.vector_store %arg7[%parallel_loop3A_1225, %parallel_loop3A_1226, %parallel_loop3A_1227, %parallel_loop3A_1228, %parallel_loop3A_1229, %parallel_loop3A_1230], %parallel_loop3A_1218 {strides = array<i32>} : memref<2x1x8x4x8x128xf32, #tpu.memory_space<vmem>>, vector<16xf32>,
        %parallel_loop3A_1232 = arith.constant 3127 : i32
        %parallel_loop3A_1233 = vector.broadcast %parallel_loop3A_1232 : i32 to vector<16xi32>
        %parallel_loop3A_1234 = arith.addi %parallel_loop3A_228, %parallel_loop3A_1233 : vector<16xi32>
        %parallel_loop3A_1235 = tpu.vector_load_idx %arg5[%parallel_loop3A_1234] : memref<3392xf32, #tpu.memory_space<vmem>>[vector<16xi32>], vector<16xf32>,
        %parallel_loop3A_1236 = arith.constant 16 : i32
        %parallel_loop3A_1237 = arith.muli %parallel_loop3A_222, %parallel_loop3A_1236 : i32
        %parallel_loop3A_1238 = arith.constant 0 : i32
        %parallel_loop3A_1239 = arith.constant 0 : i32
        %parallel_loop3A_1240 = arith.constant 7 : i32
        %parallel_loop3A_1241 = arith.constant 3 : i32
        %parallel_loop3A_1242 = arith.index_cast %parallel_loop3A_1238 : i32 to index
        %parallel_loop3A_1243 = arith.index_cast %parallel_loop3A_1239 : i32 to index
        %parallel_loop3A_1244 = arith.index_cast %parallel_loop3A_1240 : i32 to index
        %parallel_loop3A_1245 = arith.index_cast %parallel_loop3A_206 : i32 to index
        %parallel_loop3A_1246 = arith.index_cast %parallel_loop3A_1241 : i32 to index
        %parallel_loop3A_1247 = arith.index_cast %parallel_loop3A_1237 : i32 to index
        %parallel_loop3A_1248 = tpu.vector_load %arg7[%parallel_loop3A_1242, %parallel_loop3A_1243, %parallel_loop3A_1244, %parallel_loop3A_1245, %parallel_loop3A_1246, %parallel_loop3A_1247] {strides = array<i32>} : memref<2x1x8x4x8x128xf32, #tpu.memory_space<vmem>>, vector<16xf32>,
        tpu.vector_store %arg7[%parallel_loop3A_1242, %parallel_loop3A_1243, %parallel_loop3A_1244, %parallel_loop3A_1245, %parallel_loop3A_1246, %parallel_loop3A_1247], %parallel_loop3A_1235 {strides = array<i32>} : memref<2x1x8x4x8x128xf32, #tpu.memory_space<vmem>>, vector<16xf32>,
        %parallel_loop3A_1249 = arith.constant 3180 : i32
        %parallel_loop3A_1250 = vector.broadcast %parallel_loop3A_1249 : i32 to vector<16xi32>
        %parallel_loop3A_1251 = arith.addi %parallel_loop3A_228, %parallel_loop3A_1250 : vector<16xi32>
        %parallel_loop3A_1252 = tpu.vector_load_idx %arg5[%parallel_loop3A_1251] : memref<3392xf32, #tpu.memory_space<vmem>>[vector<16xi32>], vector<16xf32>,
        %parallel_loop3A_1253 = arith.constant 16 : i32
        %parallel_loop3A_1254 = arith.muli %parallel_loop3A_222, %parallel_loop3A_1253 : i32
        %parallel_loop3A_1255 = arith.constant 0 : i32
        %parallel_loop3A_1256 = arith.constant 0 : i32
        %parallel_loop3A_1257 = arith.constant 7 : i32
        %parallel_loop3A_1258 = arith.constant 4 : i32
        %parallel_loop3A_1259 = arith.index_cast %parallel_loop3A_1255 : i32 to index
        %parallel_loop3A_1260 = arith.index_cast %parallel_loop3A_1256 : i32 to index
        %parallel_loop3A_1261 = arith.index_cast %parallel_loop3A_1257 : i32 to index
        %parallel_loop3A_1262 = arith.index_cast %parallel_loop3A_206 : i32 to index
        %parallel_loop3A_1263 = arith.index_cast %parallel_loop3A_1258 : i32 to index
        %parallel_loop3A_1264 = arith.index_cast %parallel_loop3A_1254 : i32 to index
        %parallel_loop3A_1265 = tpu.vector_load %arg7[%parallel_loop3A_1259, %parallel_loop3A_1260, %parallel_loop3A_1261, %parallel_loop3A_1262, %parallel_loop3A_1263, %parallel_loop3A_1264] {strides = array<i32>} : memref<2x1x8x4x8x128xf32, #tpu.memory_space<vmem>>, vector<16xf32>,
        tpu.vector_store %arg7[%parallel_loop3A_1259, %parallel_loop3A_1260, %parallel_loop3A_1261, %parallel_loop3A_1262, %parallel_loop3A_1263, %parallel_loop3A_1264], %parallel_loop3A_1252 {strides = array<i32>} : memref<2x1x8x4x8x128xf32, #tpu.memory_space<vmem>>, vector<16xf32>,
        %parallel_loop3A_1266 = arith.constant 3233 : i32
        %parallel_loop3A_1267 = vector.broadcast %parallel_loop3A_1266 : i32 to vector<16xi32>
        %parallel_loop3A_1268 = arith.addi %parallel_loop3A_228, %parallel_loop3A_1267 : vector<16xi32>
        %parallel_loop3A_1269 = tpu.vector_load_idx %arg5[%parallel_loop3A_1268] : memref<3392xf32, #tpu.memory_space<vmem>>[vector<16xi32>], vector<16xf32>,
        %parallel_loop3A_1270 = arith.constant 16 : i32
        %parallel_loop3A_1271 = arith.muli %parallel_loop3A_222, %parallel_loop3A_1270 : i32
        %parallel_loop3A_1272 = arith.constant 0 : i32
        %parallel_loop3A_1273 = arith.constant 0 : i32
        %parallel_loop3A_1274 = arith.constant 7 : i32
        %parallel_loop3A_1275 = arith.constant 5 : i32
        %parallel_loop3A_1276 = arith.index_cast %parallel_loop3A_1272 : i32 to index
        %parallel_loop3A_1277 = arith.index_cast %parallel_loop3A_1273 : i32 to index
        %parallel_loop3A_1278 = arith.index_cast %parallel_loop3A_1274 : i32 to index
        %parallel_loop3A_1279 = arith.index_cast %parallel_loop3A_206 : i32 to index
        %parallel_loop3A_1280 = arith.index_cast %parallel_loop3A_1275 : i32 to index
        %parallel_loop3A_1281 = arith.index_cast %parallel_loop3A_1271 : i32 to index
        %parallel_loop3A_1282 = tpu.vector_load %arg7[%parallel_loop3A_1276, %parallel_loop3A_1277, %parallel_loop3A_1278, %parallel_loop3A_1279, %parallel_loop3A_1280, %parallel_loop3A_1281] {strides = array<i32>} : memref<2x1x8x4x8x128xf32, #tpu.memory_space<vmem>>, vector<16xf32>,
        tpu.vector_store %arg7[%parallel_loop3A_1276, %parallel_loop3A_1277, %parallel_loop3A_1278, %parallel_loop3A_1279, %parallel_loop3A_1280, %parallel_loop3A_1281], %parallel_loop3A_1269 {strides = array<i32>} : memref<2x1x8x4x8x128xf32, #tpu.memory_space<vmem>>, vector<16xf32>,
        %parallel_loop3A_1283 = arith.constant 3286 : i32
        %parallel_loop3A_1284 = vector.broadcast %parallel_loop3A_1283 : i32 to vector<16xi32>
        %parallel_loop3A_1285 = arith.addi %parallel_loop3A_228, %parallel_loop3A_1284 : vector<16xi32>
        %parallel_loop3A_1286 = tpu.vector_load_idx %arg5[%parallel_loop3A_1285] : memref<3392xf32, #tpu.memory_space<vmem>>[vector<16xi32>], vector<16xf32>,
        %parallel_loop3A_1287 = arith.constant 16 : i32
        %parallel_loop3A_1288 = arith.muli %parallel_loop3A_222, %parallel_loop3A_1287 : i32
        %parallel_loop3A_1289 = arith.constant 0 : i32
        %parallel_loop3A_1290 = arith.constant 0 : i32
        %parallel_loop3A_1291 = arith.constant 7 : i32
        %parallel_loop3A_1292 = arith.constant 6 : i32
        %parallel_loop3A_1293 = arith.index_cast %parallel_loop3A_1289 : i32 to index
        %parallel_loop3A_1294 = arith.index_cast %parallel_loop3A_1290 : i32 to index
        %parallel_loop3A_1295 = arith.index_cast %parallel_loop3A_1291 : i32 to index
        %parallel_loop3A_1296 = arith.index_cast %parallel_loop3A_206 : i32 to index
        %parallel_loop3A_1297 = arith.index_cast %parallel_loop3A_1292 : i32 to index
        %parallel_loop3A_1298 = arith.index_cast %parallel_loop3A_1288 : i32 to index
        %parallel_loop3A_1299 = tpu.vector_load %arg7[%parallel_loop3A_1293, %parallel_loop3A_1294, %parallel_loop3A_1295, %parallel_loop3A_1296, %parallel_loop3A_1297, %parallel_loop3A_1298] {strides = array<i32>} : memref<2x1x8x4x8x128xf32, #tpu.memory_space<vmem>>, vector<16xf32>,
        tpu.vector_store %arg7[%parallel_loop3A_1293, %parallel_loop3A_1294, %parallel_loop3A_1295, %parallel_loop3A_1296, %parallel_loop3A_1297, %parallel_loop3A_1298], %parallel_loop3A_1286 {strides = array<i32>} : memref<2x1x8x4x8x128xf32, #tpu.memory_space<vmem>>, vector<16xf32>,
        %parallel_loop3A_1300 = arith.constant 3339 : i32
        %parallel_loop3A_1301 = vector.broadcast %parallel_loop3A_1300 : i32 to vector<16xi32>
        %parallel_loop3A_1302 = arith.addi %parallel_loop3A_228, %parallel_loop3A_1301 : vector<16xi32>
        %parallel_loop3A_1303 = tpu.vector_load_idx %arg5[%parallel_loop3A_1302] : memref<3392xf32, #tpu.memory_space<vmem>>[vector<16xi32>], vector<16xf32>,
        %parallel_loop3A_1304 = arith.constant 16 : i32
        %parallel_loop3A_1305 = arith.muli %parallel_loop3A_222, %parallel_loop3A_1304 : i32
        %parallel_loop3A_1306 = arith.constant 0 : i32
        %parallel_loop3A_1307 = arith.constant 0 : i32
        %parallel_loop3A_1308 = arith.constant 7 : i32
        %parallel_loop3A_1309 = arith.constant 7 : i32
        %parallel_loop3A_1310 = arith.index_cast %parallel_loop3A_1306 : i32 to index
        %parallel_loop3A_1311 = arith.index_cast %parallel_loop3A_1307 : i32 to index
        %parallel_loop3A_1312 = arith.index_cast %parallel_loop3A_1308 : i32 to index
        %parallel_loop3A_1313 = arith.index_cast %parallel_loop3A_206 : i32 to index
        %parallel_loop3A_1314 = arith.index_cast %parallel_loop3A_1309 : i32 to index
        %parallel_loop3A_1315 = arith.index_cast %parallel_loop3A_1305 : i32 to index
        %parallel_loop3A_1316 = tpu.vector_load %arg7[%parallel_loop3A_1310, %parallel_loop3A_1311, %parallel_loop3A_1312, %parallel_loop3A_1313, %parallel_loop3A_1314, %parallel_loop3A_1315] {strides = array<i32>} : memref<2x1x8x4x8x128xf32, #tpu.memory_space<vmem>>, vector<16xf32>,
        tpu.vector_store %arg7[%parallel_loop3A_1310, %parallel_loop3A_1311, %parallel_loop3A_1312, %parallel_loop3A_1313, %parallel_loop3A_1314, %parallel_loop3A_1315], %parallel_loop3A_1303 {strides = array<i32>} : memref<2x1x8x4x8x128xf32, #tpu.memory_space<vmem>>, vector<16xf32>,
      } {sc.loop_unroll_factor = 1 : i64, sc.parallel_access}
      %add3A_100 = arith.constant 2 : i32
      %add3A_101 = arith.addi %add3A_84, %add3A_100 : i32
      %lt3A = arith.constant 200 : i32
      %lt3A_102 = arith.cmpi slt, %add3A_101, %lt3A : i32
      %convert_element_type3A_103 = arith.extui %lt3A_102 : i1 to i32
      %cond3A_104 = arith.constant 0 : i32
      %cond3A_105 = arith.cmpi ne, %convert_element_type3A_103, %cond3A_104 : i32
      scf.if %cond3A_105 {
        %add3A_182 = arith.constant 2 : i32
        %add3A_183 = arith.addi %add3A_84, %add3A_182 : i32
        %mul3A_184 = arith.constant 16384 : i32
        %mul3A_185 = arith.muli %add3A_183, %mul3A_184 : i32
        %add3A_186 = arith.addi %mul3A_185, %mul3A_2 : i32
        %dma_start3A_187 = arith.constant 0 : i32
        %dma_start3A_188 = arith.constant 0 : i32
        %dma_start3A_189 = tpu.memref_slice %arg6[%dma_start3A_187, %dma_start3A_188] : memref<2x512xi32, #tpu.memory_space<vmem>> -> memref<1x512xi32, #tpu.memory_space<vmem>>
        %dma_start3A_190 = tpu.memref_squeeze %dma_start3A_189 : memref<1x512xi32, #tpu.memory_space<vmem>> -> memref<512xi32, #tpu.memory_space<vmem>>
        %dma_start3A_191 = tpu.memref_slice %arg2[%add3A_186] : memref<3276800xi32, #tpu.memory_space<hbm>> -> memref<512xi32, #tpu.memory_space<hbm>>
        %dma_start3A_192 = arith.constant 0 : i32
        %dma_start3A_193 = tpu.memref_slice %arg6[%dma_start3A_187, %dma_start3A_192] : memref<2x512xi32, #tpu.memory_space<vmem>> -> memref<1x512xi32, #tpu.memory_space<vmem>>
        %dma_start3A_194 = tpu.memref_squeeze %dma_start3A_193 : memref<1x512xi32, #tpu.memory_space<vmem>> -> memref<512xi32, #tpu.memory_space<vmem>>
        %dma_start3A_195 = tpu.memref_slice %arg2[%add3A_186] : memref<3276800xi32, #tpu.memory_space<hbm>> -> memref<512xi32, #tpu.memory_space<hbm>>
        tpu.enqueue_dma source(%dma_start3A_195 : memref<512xi32, #tpu.memory_space<hbm>>) target(%dma_start3A_194 : memref<512xi32, #tpu.memory_space<vmem>>) target_semaphore(%arg8 : memref<!tpu.dma_semaphore, #tpu.memory_space<semaphore_mem>>)
      } else {
      }
      %dma_start3A_106 = arith.constant 0 : i32
      %dma_start3A_107 = arith.constant 0 : i32
      %dma_start3A_108 = arith.constant 0 : i32
      %dma_start3A_109 = arith.constant 0 : i32
      %dma_start3A_110 = arith.constant 0 : i32
      %dma_start3A_111 = arith.constant 0 : i32
      %dma_start3A_112 = tpu.memref_slice %arg7[%dma_start3A_106, %dma_start3A_107, %dma_start3A_108, %dma_start3A_109, %dma_start3A_110, %dma_start3A_111] : memref<2x1x8x4x8x128xf32, #tpu.memory_space<vmem>> -> memref<1x1x8x4x8x128xf32, #tpu.memory_space<vmem>>
      %dma_start3A_113 = tpu.memref_squeeze %dma_start3A_112 : memref<1x1x8x4x8x128xf32, #tpu.memory_space<vmem>> -> memref<1x8x4x8x128xf32, #tpu.memory_space<vmem>>
      %dma_start3A_114 = arith.constant 0 : i32
      %dma_start3A_115 = arith.constant 0 : i32
      %dma_start3A_116 = arith.constant 0 : i32
      %dma_start3A_117 = tpu.memref_slice %arg4[%add3A_84, %dma_start3A_114, %mul3A_4, %dma_start3A_115, %dma_start3A_116] : memref<200x8x128x8x128xf32, #tpu.memory_space<hbm>> -> memref<1x8x4x8x128xf32, #tpu.memory_space<hbm>>
      %dma_start3A_118 = arith.constant 0 : i32
      %dma_start3A_119 = arith.constant 0 : i32
      %dma_start3A_120 = arith.constant 0 : i32
      %dma_start3A_121 = tpu.memref_slice %arg4[%add3A_84, %dma_start3A_118, %mul3A_4, %dma_start3A_119, %dma_start3A_120] : memref<200x8x128x8x128xf32, #tpu.memory_space<hbm>> -> memref<1x8x4x8x128xf32, #tpu.memory_space<hbm>>
      %dma_start3A_122 = arith.constant 0 : i32
      %dma_start3A_123 = arith.constant 0 : i32
      %dma_start3A_124 = arith.constant 0 : i32
      %dma_start3A_125 = arith.constant 0 : i32
      %dma_start3A_126 = arith.constant 0 : i32
      %dma_start3A_127 = tpu.memref_slice %arg7[%dma_start3A_106, %dma_start3A_122, %dma_start3A_123, %dma_start3A_124, %dma_start3A_125, %dma_start3A_126] : memref<2x1x8x4x8x128xf32, #tpu.memory_space<vmem>> -> memref<1x1x8x4x8x128xf32, #tpu.memory_space<vmem>>
      %dma_start3A_128 = tpu.memref_squeeze %dma_start3A_127 : memref<1x1x8x4x8x128xf32, #tpu.memory_space<vmem>> -> memref<1x8x4x8x128xf32, #tpu.memory_space<vmem>>
      tpu.enqueue_dma source(%dma_start3A_128 : memref<1x8x4x8x128xf32, #tpu.memory_space<vmem>>) target(%dma_start3A_121 : memref<1x8x4x8x128xf32, #tpu.memory_space<hbm>>) target_semaphore(%arg10 : memref<!tpu.dma_semaphore, #tpu.memory_space<semaphore_mem>>)
      %mul3A_129 = arith.constant 2 : i32
      %mul3A_130 = arith.muli %scan3A_80, %mul3A_129 : i32
      %add3A_131 = arith.constant 1 : i32
      %add3A_132 = arith.addi %mul3A_130, %add3A_131 : i32
      %ge3A_133 = arith.constant 2 : i32
      %ge3A_134 = arith.cmpi sge, %add3A_132, %ge3A_133 : i32
      %convert_element_type3A_135 = arith.extui %ge3A_134 : i1 to i32
      %cond3A_136 = arith.constant 0 : i32
      %cond3A_137 = arith.cmpi ne, %convert_element_type3A_135, %cond3A_136 : i32
      scf.if %cond3A_137 {
        %dma_wait3A_182 = arith.constant 1 : i32
        %dma_wait3A_183 = arith.constant 0 : i32
        %dma_wait3A_184 = arith.constant 0 : i32
        %dma_wait3A_185 = arith.constant 0 : i32
        %dma_wait3A_186 = arith.constant 0 : i32
        %dma_wait3A_187 = arith.constant 0 : i32
        %dma_wait3A_188 = tpu.memref_slice %arg7[%dma_wait3A_182, %dma_wait3A_183, %dma_wait3A_184, %dma_wait3A_185, %dma_wait3A_186, %dma_wait3A_187] : memref<2x1x8x4x8x128xf32, #tpu.memory_space<vmem>> -> memref<1x1x8x4x8x128xf32, #tpu.memory_space<vmem>>
        %dma_wait3A_189 = tpu.memref_squeeze %dma_wait3A_188 : memref<1x1x8x4x8x128xf32, #tpu.memory_space<vmem>> -> memref<1x8x4x8x128xf32, #tpu.memory_space<vmem>>
        %dma_wait3A_190 = arith.constant 0 : i32
        %dma_wait3A_191 = arith.constant 0 : i32
        %dma_wait3A_192 = arith.constant 0 : i32
        %dma_wait3A_193 = arith.constant 0 : i32
        %dma_wait3A_194 = tpu.memref_slice %arg4[%dma_wait3A_190, %dma_wait3A_191, %mul3A_4, %dma_wait3A_192, %dma_wait3A_193] : memref<200x8x128x8x128xf32, #tpu.memory_space<hbm>> -> memref<1x8x4x8x128xf32, #tpu.memory_space<hbm>>
        %dma_wait3A_195 = arith.constant 0 : i32
        %dma_wait3A_196 = arith.constant 0 : i32
        %dma_wait3A_197 = arith.constant 0 : i32
        %dma_wait3A_198 = arith.constant 0 : i32
        %dma_wait3A_199 = tpu.memref_slice %arg4[%dma_wait3A_195, %dma_wait3A_196, %mul3A_4, %dma_wait3A_197, %dma_wait3A_198] : memref<200x8x128x8x128xf32, #tpu.memory_space<hbm>> -> memref<1x8x4x8x128xf32, #tpu.memory_space<hbm>>
        %dma_wait3A_200 = arith.constant 0 : i32
        %dma_wait3A_201 = arith.constant 0 : i32
        %dma_wait3A_202 = arith.constant 0 : i32
        %dma_wait3A_203 = arith.constant 0 : i32
        %dma_wait3A_204 = arith.constant 0 : i32
        %dma_wait3A_205 = tpu.memref_slice %arg7[%dma_wait3A_182, %dma_wait3A_200, %dma_wait3A_201, %dma_wait3A_202, %dma_wait3A_203, %dma_wait3A_204] : memref<2x1x8x4x8x128xf32, #tpu.memory_space<vmem>> -> memref<1x1x8x4x8x128xf32, #tpu.memory_space<vmem>>
        %dma_wait3A_206 = tpu.memref_squeeze %dma_wait3A_205 : memref<1x1x8x4x8x128xf32, #tpu.memory_space<vmem>> -> memref<1x8x4x8x128xf32, #tpu.memory_space<vmem>>
        tpu.wait_dma2 semaphore(%arg11 : memref<!tpu.dma_semaphore, #tpu.memory_space<semaphore_mem>>) src(%dma_wait3A_206 : memref<1x8x4x8x128xf32, #tpu.memory_space<vmem>>) dst(%dma_wait3A_199 : memref<1x8x4x8x128xf32, #tpu.memory_space<hbm>>)
      } else {
      }
      %dma_wait3A_138 = arith.constant 1 : i32
      %dma_wait3A_139 = arith.constant 0 : i32
      %dma_wait3A_140 = tpu.memref_slice %arg6[%dma_wait3A_138, %dma_wait3A_139] : memref<2x512xi32, #tpu.memory_space<vmem>> -> memref<1x512xi32, #tpu.memory_space<vmem>>
      %dma_wait3A_141 = tpu.memref_squeeze %dma_wait3A_140 : memref<1x512xi32, #tpu.memory_space<vmem>> -> memref<512xi32, #tpu.memory_space<vmem>>
      %dma_wait3A_142 = arith.constant 0 : i32
      %dma_wait3A_143 = tpu.memref_slice %arg2[%dma_wait3A_142] : memref<3276800xi32, #tpu.memory_space<hbm>> -> memref<512xi32, #tpu.memory_space<hbm>>
      %dma_wait3A_144 = arith.constant 0 : i32
      %dma_wait3A_145 = tpu.memref_slice %arg6[%dma_wait3A_138, %dma_wait3A_144] : memref<2x512xi32, #tpu.memory_space<vmem>> -> memref<1x512xi32, #tpu.memory_space<vmem>>
      %dma_wait3A_146 = tpu.memref_squeeze %dma_wait3A_145 : memref<1x512xi32, #tpu.memory_space<vmem>> -> memref<512xi32, #tpu.memory_space<vmem>>
      %dma_wait3A_147 = arith.constant 0 : i32
      %dma_wait3A_148 = tpu.memref_slice %arg2[%dma_wait3A_147] : memref<3276800xi32, #tpu.memory_space<hbm>> -> memref<512xi32, #tpu.memory_space<hbm>>
      tpu.wait_dma2 semaphore(%arg9 : memref<!tpu.dma_semaphore, #tpu.memory_space<semaphore_mem>>) src(%dma_wait3A_148 : memref<512xi32, #tpu.memory_space<hbm>>) dst(%dma_wait3A_146 : memref<512xi32, #tpu.memory_space<vmem>>)
      %parallel_loop3A_149 = arith.constant 0 : i32
      %parallel_loop3A_150 = arith.constant 32 : i32
      %parallel_loop3A_151 = arith.constant 1 : i32
      scf.for %parallel_loop3A_182 = %parallel_loop3A_149 to %parallel_loop3A_150 step %parallel_loop3A_151  : i32 {
        %parallel_loop3A_183 = arith.constant 8 : i32
        %parallel_loop3A_184 = arith.divsi %parallel_loop3A_182, %parallel_loop3A_183 : i32
        %parallel_loop3A_185 = arith.constant 0 : i32
        %parallel_loop3A_186 = arith.cmpi sgt, %parallel_loop3A_182, %parallel_loop3A_185 : i32
        %parallel_loop3A_187 = arith.extui %parallel_loop3A_186 : i1 to i32
        %parallel_loop3A_188 = arith.constant 0 : i32
        %parallel_loop3A_189 = arith.cmpi slt, %parallel_loop3A_182, %parallel_loop3A_188 : i32
        %parallel_loop3A_190 = arith.extui %parallel_loop3A_189 : i1 to i32
        %parallel_loop3A_191 = arith.subi %parallel_loop3A_187, %parallel_loop3A_190 : i32
        %parallel_loop3A_192 = arith.constant 0 : i32
        %parallel_loop3A_193 = arith.cmpi sgt, %parallel_loop3A_183, %parallel_loop3A_192 : i32
        %parallel_loop3A_194 = arith.extui %parallel_loop3A_193 : i1 to i32
        %parallel_loop3A_195 = arith.constant 0 : i32
        %parallel_loop3A_196 = arith.cmpi slt, %parallel_loop3A_183, %parallel_loop3A_195 : i32
        %parallel_loop3A_197 = arith.extui %parallel_loop3A_196 : i1 to i32
        %parallel_loop3A_198 = arith.subi %parallel_loop3A_194, %parallel_loop3A_197 : i32
        %parallel_loop3A_199 = arith.cmpi ne, %parallel_loop3A_191, %parallel_loop3A_198 : i32
        %parallel_loop3A_200 = arith.remsi %parallel_loop3A_182, %parallel_loop3A_183 : i32
        %parallel_loop3A_201 = arith.constant 0 : i32
        %parallel_loop3A_202 = arith.cmpi ne, %parallel_loop3A_200, %parallel_loop3A_201 : i32
        %parallel_loop3A_203 = arith.andi %parallel_loop3A_199, %parallel_loop3A_202 : i1
        %parallel_loop3A_204 = arith.constant 1 : i32
        %parallel_loop3A_205 = arith.subi %parallel_loop3A_184, %parallel_loop3A_204 : i32
        %parallel_loop3A_206 = arith.select %parallel_loop3A_203, %parallel_loop3A_205, %parallel_loop3A_184 : i32
        %parallel_loop3A_207 = arith.constant 8 : i32
        %parallel_loop3A_208 = arith.constant 0 : i32
        %parallel_loop3A_209 = arith.cmpi eq, %parallel_loop3A_207, %parallel_loop3A_208 : i32
        %parallel_loop3A_210 = arith.constant 1 : i32
        %parallel_loop3A_211 = arith.select %parallel_loop3A_209, %parallel_loop3A_210, %parallel_loop3A_207 : i32
        %parallel_loop3A_212 = arith.remsi %parallel_loop3A_182, %parallel_loop3A_211 : i32
        %parallel_loop3A_213 = arith.constant 0 : i32
        %parallel_loop3A_214 = arith.cmpi ne, %parallel_loop3A_212, %parallel_loop3A_213 : i32
        %parallel_loop3A_215 = arith.constant 0 : i32
        %parallel_loop3A_216 = arith.cmpi slt, %parallel_loop3A_212, %parallel_loop3A_215 : i32
        %parallel_loop3A_217 = arith.constant 0 : i32
        %parallel_loop3A_218 = arith.cmpi slt, %parallel_loop3A_211, %parallel_loop3A_217 : i32
        %parallel_loop3A_219 = arith.xori %parallel_loop3A_216, %parallel_loop3A_218 : i1
        %parallel_loop3A_220 = arith.andi %parallel_loop3A_219, %parallel_loop3A_214 : i1
        %parallel_loop3A_221 = arith.addi %parallel_loop3A_212, %parallel_loop3A_211 : i32
        %parallel_loop3A_222 = arith.select %parallel_loop3A_220, %parallel_loop3A_221, %parallel_loop3A_212 : i32
        %parallel_loop3A_223 = arith.constant 16 : i32
        %parallel_loop3A_224 = arith.muli %parallel_loop3A_182, %parallel_loop3A_223 : i32
        %parallel_loop3A_225 = arith.constant 1 : i32
        %parallel_loop3A_226 = arith.index_cast %parallel_loop3A_225 : i32 to index
        %parallel_loop3A_227 = arith.index_cast %parallel_loop3A_224 : i32 to index
        %parallel_loop3A_228 = tpu.vector_load %arg6[%parallel_loop3A_226, %parallel_loop3A_227] {strides = array<i32>} : memref<2x512xi32, #tpu.memory_space<vmem>>, vector<16xi32>,
        %parallel_loop3A_229 = arith.constant 0 : i32
        %parallel_loop3A_230 = vector.broadcast %parallel_loop3A_229 : i32 to vector<16xi32>
        %parallel_loop3A_231 = arith.addi %parallel_loop3A_228, %parallel_loop3A_230 : vector<16xi32>
        %parallel_loop3A_232 = tpu.vector_load_idx %arg5[%parallel_loop3A_231] : memref<3392xf32, #tpu.memory_space<vmem>>[vector<16xi32>], vector<16xf32>,
        %parallel_loop3A_233 = arith.constant 16 : i32
        %parallel_loop3A_234 = arith.muli %parallel_loop3A_222, %parallel_loop3A_233 : i32
        %parallel_loop3A_235 = arith.constant 1 : i32
        %parallel_loop3A_236 = arith.constant 0 : i32
        %parallel_loop3A_237 = arith.constant 0 : i32
        %parallel_loop3A_238 = arith.constant 0 : i32
        %parallel_loop3A_239 = arith.index_cast %parallel_loop3A_235 : i32 to index
        %parallel_loop3A_240 = arith.index_cast %parallel_loop3A_236 : i32 to index
        %parallel_loop3A_241 = arith.index_cast %parallel_loop3A_237 : i32 to index
        %parallel_loop3A_242 = arith.index_cast %parallel_loop3A_206 : i32 to index
        %parallel_loop3A_243 = arith.index_cast %parallel_loop3A_238 : i32 to index
        %parallel_loop3A_244 = arith.index_cast %parallel_loop3A_234 : i32 to index
        %parallel_loop3A_245 = tpu.vector_load %arg7[%parallel_loop3A_239, %parallel_loop3A_240, %parallel_loop3A_241, %parallel_loop3A_242, %parallel_loop3A_243, %parallel_loop3A_244] {strides = array<i32>} : memref<2x1x8x4x8x128xf32, #tpu.memory_space<vmem>>, vector<16xf32>,
        tpu.vector_store %arg7[%parallel_loop3A_239, %parallel_loop3A_240, %parallel_loop3A_241, %parallel_loop3A_242, %parallel_loop3A_243, %parallel_loop3A_244], %parallel_loop3A_232 {strides = array<i32>} : memref<2x1x8x4x8x128xf32, #tpu.memory_space<vmem>>, vector<16xf32>,
        %parallel_loop3A_246 = arith.constant 53 : i32
        %parallel_loop3A_247 = vector.broadcast %parallel_loop3A_246 : i32 to vector<16xi32>
        %parallel_loop3A_248 = arith.addi %parallel_loop3A_228, %parallel_loop3A_247 : vector<16xi32>
        %parallel_loop3A_249 = tpu.vector_load_idx %arg5[%parallel_loop3A_248] : memref<3392xf32, #tpu.memory_space<vmem>>[vector<16xi32>], vector<16xf32>,
        %parallel_loop3A_250 = arith.constant 16 : i32
        %parallel_loop3A_251 = arith.muli %parallel_loop3A_222, %parallel_loop3A_250 : i32
        %parallel_loop3A_252 = arith.constant 1 : i32
        %parallel_loop3A_253 = arith.constant 0 : i32
        %parallel_loop3A_254 = arith.constant 0 : i32
        %parallel_loop3A_255 = arith.constant 1 : i32
        %parallel_loop3A_256 = arith.index_cast %parallel_loop3A_252 : i32 to index
        %parallel_loop3A_257 = arith.index_cast %parallel_loop3A_253 : i32 to index
        %parallel_loop3A_258 = arith.index_cast %parallel_loop3A_254 : i32 to index
        %parallel_loop3A_259 = arith.index_cast %parallel_loop3A_206 : i32 to index
        %parallel_loop3A_260 = arith.index_cast %parallel_loop3A_255 : i32 to index
        %parallel_loop3A_261 = arith.index_cast %parallel_loop3A_251 : i32 to index
        %parallel_loop3A_262 = tpu.vector_load %arg7[%parallel_loop3A_256, %parallel_loop3A_257, %parallel_loop3A_258, %parallel_loop3A_259, %parallel_loop3A_260, %parallel_loop3A_261] {strides = array<i32>} : memref<2x1x8x4x8x128xf32, #tpu.memory_space<vmem>>, vector<16xf32>,
        tpu.vector_store %arg7[%parallel_loop3A_256, %parallel_loop3A_257, %parallel_loop3A_258, %parallel_loop3A_259, %parallel_loop3A_260, %parallel_loop3A_261], %parallel_loop3A_249 {strides = array<i32>} : memref<2x1x8x4x8x128xf32, #tpu.memory_space<vmem>>, vector<16xf32>,
        %parallel_loop3A_263 = arith.constant 106 : i32
        %parallel_loop3A_264 = vector.broadcast %parallel_loop3A_263 : i32 to vector<16xi32>
        %parallel_loop3A_265 = arith.addi %parallel_loop3A_228, %parallel_loop3A_264 : vector<16xi32>
        %parallel_loop3A_266 = tpu.vector_load_idx %arg5[%parallel_loop3A_265] : memref<3392xf32, #tpu.memory_space<vmem>>[vector<16xi32>], vector<16xf32>,
        %parallel_loop3A_267 = arith.constant 16 : i32
        %parallel_loop3A_268 = arith.muli %parallel_loop3A_222, %parallel_loop3A_267 : i32
        %parallel_loop3A_269 = arith.constant 1 : i32
        %parallel_loop3A_270 = arith.constant 0 : i32
        %parallel_loop3A_271 = arith.constant 0 : i32
        %parallel_loop3A_272 = arith.constant 2 : i32
        %parallel_loop3A_273 = arith.index_cast %parallel_loop3A_269 : i32 to index
        %parallel_loop3A_274 = arith.index_cast %parallel_loop3A_270 : i32 to index
        %parallel_loop3A_275 = arith.index_cast %parallel_loop3A_271 : i32 to index
        %parallel_loop3A_276 = arith.index_cast %parallel_loop3A_206 : i32 to index
        %parallel_loop3A_277 = arith.index_cast %parallel_loop3A_272 : i32 to index
        %parallel_loop3A_278 = arith.index_cast %parallel_loop3A_268 : i32 to index
        %parallel_loop3A_279 = tpu.vector_load %arg7[%parallel_loop3A_273, %parallel_loop3A_274, %parallel_loop3A_275, %parallel_loop3A_276, %parallel_loop3A_277, %parallel_loop3A_278] {strides = array<i32>} : memref<2x1x8x4x8x128xf32, #tpu.memory_space<vmem>>, vector<16xf32>,
        tpu.vector_store %arg7[%parallel_loop3A_273, %parallel_loop3A_274, %parallel_loop3A_275, %parallel_loop3A_276, %parallel_loop3A_277, %parallel_loop3A_278], %parallel_loop3A_266 {strides = array<i32>} : memref<2x1x8x4x8x128xf32, #tpu.memory_space<vmem>>, vector<16xf32>,
        %parallel_loop3A_280 = arith.constant 159 : i32
        %parallel_loop3A_281 = vector.broadcast %parallel_loop3A_280 : i32 to vector<16xi32>
        %parallel_loop3A_282 = arith.addi %parallel_loop3A_228, %parallel_loop3A_281 : vector<16xi32>
        %parallel_loop3A_283 = tpu.vector_load_idx %arg5[%parallel_loop3A_282] : memref<3392xf32, #tpu.memory_space<vmem>>[vector<16xi32>], vector<16xf32>,
        %parallel_loop3A_284 = arith.constant 16 : i32
        %parallel_loop3A_285 = arith.muli %parallel_loop3A_222, %parallel_loop3A_284 : i32
        %parallel_loop3A_286 = arith.constant 1 : i32
        %parallel_loop3A_287 = arith.constant 0 : i32
        %parallel_loop3A_288 = arith.constant 0 : i32
        %parallel_loop3A_289 = arith.constant 3 : i32
        %parallel_loop3A_290 = arith.index_cast %parallel_loop3A_286 : i32 to index
        %parallel_loop3A_291 = arith.index_cast %parallel_loop3A_287 : i32 to index
        %parallel_loop3A_292 = arith.index_cast %parallel_loop3A_288 : i32 to index
        %parallel_loop3A_293 = arith.index_cast %parallel_loop3A_206 : i32 to index
        %parallel_loop3A_294 = arith.index_cast %parallel_loop3A_289 : i32 to index
        %parallel_loop3A_295 = arith.index_cast %parallel_loop3A_285 : i32 to index
        %parallel_loop3A_296 = tpu.vector_load %arg7[%parallel_loop3A_290, %parallel_loop3A_291, %parallel_loop3A_292, %parallel_loop3A_293, %parallel_loop3A_294, %parallel_loop3A_295] {strides = array<i32>} : memref<2x1x8x4x8x128xf32, #tpu.memory_space<vmem>>, vector<16xf32>,
        tpu.vector_store %arg7[%parallel_loop3A_290, %parallel_loop3A_291, %parallel_loop3A_292, %parallel_loop3A_293, %parallel_loop3A_294, %parallel_loop3A_295], %parallel_loop3A_283 {strides = array<i32>} : memref<2x1x8x4x8x128xf32, #tpu.memory_space<vmem>>, vector<16xf32>,
        %parallel_loop3A_297 = arith.constant 212 : i32
        %parallel_loop3A_298 = vector.broadcast %parallel_loop3A_297 : i32 to vector<16xi32>
        %parallel_loop3A_299 = arith.addi %parallel_loop3A_228, %parallel_loop3A_298 : vector<16xi32>
        %parallel_loop3A_300 = tpu.vector_load_idx %arg5[%parallel_loop3A_299] : memref<3392xf32, #tpu.memory_space<vmem>>[vector<16xi32>], vector<16xf32>,
        %parallel_loop3A_301 = arith.constant 16 : i32
        %parallel_loop3A_302 = arith.muli %parallel_loop3A_222, %parallel_loop3A_301 : i32
        %parallel_loop3A_303 = arith.constant 1 : i32
        %parallel_loop3A_304 = arith.constant 0 : i32
        %parallel_loop3A_305 = arith.constant 0 : i32
        %parallel_loop3A_306 = arith.constant 4 : i32
        %parallel_loop3A_307 = arith.index_cast %parallel_loop3A_303 : i32 to index
        %parallel_loop3A_308 = arith.index_cast %parallel_loop3A_304 : i32 to index
        %parallel_loop3A_309 = arith.index_cast %parallel_loop3A_305 : i32 to index
        %parallel_loop3A_310 = arith.index_cast %parallel_loop3A_206 : i32 to index
        %parallel_loop3A_311 = arith.index_cast %parallel_loop3A_306 : i32 to index
        %parallel_loop3A_312 = arith.index_cast %parallel_loop3A_302 : i32 to index
        %parallel_loop3A_313 = tpu.vector_load %arg7[%parallel_loop3A_307, %parallel_loop3A_308, %parallel_loop3A_309, %parallel_loop3A_310, %parallel_loop3A_311, %parallel_loop3A_312] {strides = array<i32>} : memref<2x1x8x4x8x128xf32, #tpu.memory_space<vmem>>, vector<16xf32>,
        tpu.vector_store %arg7[%parallel_loop3A_307, %parallel_loop3A_308, %parallel_loop3A_309, %parallel_loop3A_310, %parallel_loop3A_311, %parallel_loop3A_312], %parallel_loop3A_300 {strides = array<i32>} : memref<2x1x8x4x8x128xf32, #tpu.memory_space<vmem>>, vector<16xf32>,
        %parallel_loop3A_314 = arith.constant 265 : i32
        %parallel_loop3A_315 = vector.broadcast %parallel_loop3A_314 : i32 to vector<16xi32>
        %parallel_loop3A_316 = arith.addi %parallel_loop3A_228, %parallel_loop3A_315 : vector<16xi32>
        %parallel_loop3A_317 = tpu.vector_load_idx %arg5[%parallel_loop3A_316] : memref<3392xf32, #tpu.memory_space<vmem>>[vector<16xi32>], vector<16xf32>,
        %parallel_loop3A_318 = arith.constant 16 : i32
        %parallel_loop3A_319 = arith.muli %parallel_loop3A_222, %parallel_loop3A_318 : i32
        %parallel_loop3A_320 = arith.constant 1 : i32
        %parallel_loop3A_321 = arith.constant 0 : i32
        %parallel_loop3A_322 = arith.constant 0 : i32
        %parallel_loop3A_323 = arith.constant 5 : i32
        %parallel_loop3A_324 = arith.index_cast %parallel_loop3A_320 : i32 to index
        %parallel_loop3A_325 = arith.index_cast %parallel_loop3A_321 : i32 to index
        %parallel_loop3A_326 = arith.index_cast %parallel_loop3A_322 : i32 to index
        %parallel_loop3A_327 = arith.index_cast %parallel_loop3A_206 : i32 to index
        %parallel_loop3A_328 = arith.index_cast %parallel_loop3A_323 : i32 to index
        %parallel_loop3A_329 = arith.index_cast %parallel_loop3A_319 : i32 to index
        %parallel_loop3A_330 = tpu.vector_load %arg7[%parallel_loop3A_324, %parallel_loop3A_325, %parallel_loop3A_326, %parallel_loop3A_327, %parallel_loop3A_328, %parallel_loop3A_329] {strides = array<i32>} : memref<2x1x8x4x8x128xf32, #tpu.memory_space<vmem>>, vector<16xf32>,
        tpu.vector_store %arg7[%parallel_loop3A_324, %parallel_loop3A_325, %parallel_loop3A_326, %parallel_loop3A_327, %parallel_loop3A_328, %parallel_loop3A_329], %parallel_loop3A_317 {strides = array<i32>} : memref<2x1x8x4x8x128xf32, #tpu.memory_space<vmem>>, vector<16xf32>,
        %parallel_loop3A_331 = arith.constant 318 : i32
        %parallel_loop3A_332 = vector.broadcast %parallel_loop3A_331 : i32 to vector<16xi32>
        %parallel_loop3A_333 = arith.addi %parallel_loop3A_228, %parallel_loop3A_332 : vector<16xi32>
        %parallel_loop3A_334 = tpu.vector_load_idx %arg5[%parallel_loop3A_333] : memref<3392xf32, #tpu.memory_space<vmem>>[vector<16xi32>], vector<16xf32>,
        %parallel_loop3A_335 = arith.constant 16 : i32
        %parallel_loop3A_336 = arith.muli %parallel_loop3A_222, %parallel_loop3A_335 : i32
        %parallel_loop3A_337 = arith.constant 1 : i32
        %parallel_loop3A_338 = arith.constant 0 : i32
        %parallel_loop3A_339 = arith.constant 0 : i32
        %parallel_loop3A_340 = arith.constant 6 : i32
        %parallel_loop3A_341 = arith.index_cast %parallel_loop3A_337 : i32 to index
        %parallel_loop3A_342 = arith.index_cast %parallel_loop3A_338 : i32 to index
        %parallel_loop3A_343 = arith.index_cast %parallel_loop3A_339 : i32 to index
        %parallel_loop3A_344 = arith.index_cast %parallel_loop3A_206 : i32 to index
        %parallel_loop3A_345 = arith.index_cast %parallel_loop3A_340 : i32 to index
        %parallel_loop3A_346 = arith.index_cast %parallel_loop3A_336 : i32 to index
        %parallel_loop3A_347 = tpu.vector_load %arg7[%parallel_loop3A_341, %parallel_loop3A_342, %parallel_loop3A_343, %parallel_loop3A_344, %parallel_loop3A_345, %parallel_loop3A_346] {strides = array<i32>} : memref<2x1x8x4x8x128xf32, #tpu.memory_space<vmem>>, vector<16xf32>,
        tpu.vector_store %arg7[%parallel_loop3A_341, %parallel_loop3A_342, %parallel_loop3A_343, %parallel_loop3A_344, %parallel_loop3A_345, %parallel_loop3A_346], %parallel_loop3A_334 {strides = array<i32>} : memref<2x1x8x4x8x128xf32, #tpu.memory_space<vmem>>, vector<16xf32>,
        %parallel_loop3A_348 = arith.constant 371 : i32
        %parallel_loop3A_349 = vector.broadcast %parallel_loop3A_348 : i32 to vector<16xi32>
        %parallel_loop3A_350 = arith.addi %parallel_loop3A_228, %parallel_loop3A_349 : vector<16xi32>
        %parallel_loop3A_351 = tpu.vector_load_idx %arg5[%parallel_loop3A_350] : memref<3392xf32, #tpu.memory_space<vmem>>[vector<16xi32>], vector<16xf32>,
        %parallel_loop3A_352 = arith.constant 16 : i32
        %parallel_loop3A_353 = arith.muli %parallel_loop3A_222, %parallel_loop3A_352 : i32
        %parallel_loop3A_354 = arith.constant 1 : i32
        %parallel_loop3A_355 = arith.constant 0 : i32
        %parallel_loop3A_356 = arith.constant 0 : i32
        %parallel_loop3A_357 = arith.constant 7 : i32
        %parallel_loop3A_358 = arith.index_cast %parallel_loop3A_354 : i32 to index
        %parallel_loop3A_359 = arith.index_cast %parallel_loop3A_355 : i32 to index
        %parallel_loop3A_360 = arith.index_cast %parallel_loop3A_356 : i32 to index
        %parallel_loop3A_361 = arith.index_cast %parallel_loop3A_206 : i32 to index
        %parallel_loop3A_362 = arith.index_cast %parallel_loop3A_357 : i32 to index
        %parallel_loop3A_363 = arith.index_cast %parallel_loop3A_353 : i32 to index
        %parallel_loop3A_364 = tpu.vector_load %arg7[%parallel_loop3A_358, %parallel_loop3A_359, %parallel_loop3A_360, %parallel_loop3A_361, %parallel_loop3A_362, %parallel_loop3A_363] {strides = array<i32>} : memref<2x1x8x4x8x128xf32, #tpu.memory_space<vmem>>, vector<16xf32>,
        tpu.vector_store %arg7[%parallel_loop3A_358, %parallel_loop3A_359, %parallel_loop3A_360, %parallel_loop3A_361, %parallel_loop3A_362, %parallel_loop3A_363], %parallel_loop3A_351 {strides = array<i32>} : memref<2x1x8x4x8x128xf32, #tpu.memory_space<vmem>>, vector<16xf32>,
        %parallel_loop3A_365 = arith.constant 424 : i32
        %parallel_loop3A_366 = vector.broadcast %parallel_loop3A_365 : i32 to vector<16xi32>
        %parallel_loop3A_367 = arith.addi %parallel_loop3A_228, %parallel_loop3A_366 : vector<16xi32>
        %parallel_loop3A_368 = tpu.vector_load_idx %arg5[%parallel_loop3A_367] : memref<3392xf32, #tpu.memory_space<vmem>>[vector<16xi32>], vector<16xf32>,
        %parallel_loop3A_369 = arith.constant 16 : i32
        %parallel_loop3A_370 = arith.muli %parallel_loop3A_222, %parallel_loop3A_369 : i32
        %parallel_loop3A_371 = arith.constant 1 : i32
        %parallel_loop3A_372 = arith.constant 0 : i32
        %parallel_loop3A_373 = arith.constant 1 : i32
        %parallel_loop3A_374 = arith.constant 0 : i32
        %parallel_loop3A_375 = arith.index_cast %parallel_loop3A_371 : i32 to index
        %parallel_loop3A_376 = arith.index_cast %parallel_loop3A_372 : i32 to index
        %parallel_loop3A_377 = arith.index_cast %parallel_loop3A_373 : i32 to index
        %parallel_loop3A_378 = arith.index_cast %parallel_loop3A_206 : i32 to index
        %parallel_loop3A_379 = arith.index_cast %parallel_loop3A_374 : i32 to index
        %parallel_loop3A_380 = arith.index_cast %parallel_loop3A_370 : i32 to index
        %parallel_loop3A_381 = tpu.vector_load %arg7[%parallel_loop3A_375, %parallel_loop3A_376, %parallel_loop3A_377, %parallel_loop3A_378, %parallel_loop3A_379, %parallel_loop3A_380] {strides = array<i32>} : memref<2x1x8x4x8x128xf32, #tpu.memory_space<vmem>>, vector<16xf32>,
        tpu.vector_store %arg7[%parallel_loop3A_375, %parallel_loop3A_376, %parallel_loop3A_377, %parallel_loop3A_378, %parallel_loop3A_379, %parallel_loop3A_380], %parallel_loop3A_368 {strides = array<i32>} : memref<2x1x8x4x8x128xf32, #tpu.memory_space<vmem>>, vector<16xf32>,
        %parallel_loop3A_382 = arith.constant 477 : i32
        %parallel_loop3A_383 = vector.broadcast %parallel_loop3A_382 : i32 to vector<16xi32>
        %parallel_loop3A_384 = arith.addi %parallel_loop3A_228, %parallel_loop3A_383 : vector<16xi32>
        %parallel_loop3A_385 = tpu.vector_load_idx %arg5[%parallel_loop3A_384] : memref<3392xf32, #tpu.memory_space<vmem>>[vector<16xi32>], vector<16xf32>,
        %parallel_loop3A_386 = arith.constant 16 : i32
        %parallel_loop3A_387 = arith.muli %parallel_loop3A_222, %parallel_loop3A_386 : i32
        %parallel_loop3A_388 = arith.constant 1 : i32
        %parallel_loop3A_389 = arith.constant 0 : i32
        %parallel_loop3A_390 = arith.constant 1 : i32
        %parallel_loop3A_391 = arith.constant 1 : i32
        %parallel_loop3A_392 = arith.index_cast %parallel_loop3A_388 : i32 to index
        %parallel_loop3A_393 = arith.index_cast %parallel_loop3A_389 : i32 to index
        %parallel_loop3A_394 = arith.index_cast %parallel_loop3A_390 : i32 to index
        %parallel_loop3A_395 = arith.index_cast %parallel_loop3A_206 : i32 to index
        %parallel_loop3A_396 = arith.index_cast %parallel_loop3A_391 : i32 to index
        %parallel_loop3A_397 = arith.index_cast %parallel_loop3A_387 : i32 to index
        %parallel_loop3A_398 = tpu.vector_load %arg7[%parallel_loop3A_392, %parallel_loop3A_393, %parallel_loop3A_394, %parallel_loop3A_395, %parallel_loop3A_396, %parallel_loop3A_397] {strides = array<i32>} : memref<2x1x8x4x8x128xf32, #tpu.memory_space<vmem>>, vector<16xf32>,
        tpu.vector_store %arg7[%parallel_loop3A_392, %parallel_loop3A_393, %parallel_loop3A_394, %parallel_loop3A_395, %parallel_loop3A_396, %parallel_loop3A_397], %parallel_loop3A_385 {strides = array<i32>} : memref<2x1x8x4x8x128xf32, #tpu.memory_space<vmem>>, vector<16xf32>,
        %parallel_loop3A_399 = arith.constant 530 : i32
        %parallel_loop3A_400 = vector.broadcast %parallel_loop3A_399 : i32 to vector<16xi32>
        %parallel_loop3A_401 = arith.addi %parallel_loop3A_228, %parallel_loop3A_400 : vector<16xi32>
        %parallel_loop3A_402 = tpu.vector_load_idx %arg5[%parallel_loop3A_401] : memref<3392xf32, #tpu.memory_space<vmem>>[vector<16xi32>], vector<16xf32>,
        %parallel_loop3A_403 = arith.constant 16 : i32
        %parallel_loop3A_404 = arith.muli %parallel_loop3A_222, %parallel_loop3A_403 : i32
        %parallel_loop3A_405 = arith.constant 1 : i32
        %parallel_loop3A_406 = arith.constant 0 : i32
        %parallel_loop3A_407 = arith.constant 1 : i32
        %parallel_loop3A_408 = arith.constant 2 : i32
        %parallel_loop3A_409 = arith.index_cast %parallel_loop3A_405 : i32 to index
        %parallel_loop3A_410 = arith.index_cast %parallel_loop3A_406 : i32 to index
        %parallel_loop3A_411 = arith.index_cast %parallel_loop3A_407 : i32 to index
        %parallel_loop3A_412 = arith.index_cast %parallel_loop3A_206 : i32 to index
        %parallel_loop3A_413 = arith.index_cast %parallel_loop3A_408 : i32 to index
        %parallel_loop3A_414 = arith.index_cast %parallel_loop3A_404 : i32 to index
        %parallel_loop3A_415 = tpu.vector_load %arg7[%parallel_loop3A_409, %parallel_loop3A_410, %parallel_loop3A_411, %parallel_loop3A_412, %parallel_loop3A_413, %parallel_loop3A_414] {strides = array<i32>} : memref<2x1x8x4x8x128xf32, #tpu.memory_space<vmem>>, vector<16xf32>,
        tpu.vector_store %arg7[%parallel_loop3A_409, %parallel_loop3A_410, %parallel_loop3A_411, %parallel_loop3A_412, %parallel_loop3A_413, %parallel_loop3A_414], %parallel_loop3A_402 {strides = array<i32>} : memref<2x1x8x4x8x128xf32, #tpu.memory_space<vmem>>, vector<16xf32>,
        %parallel_loop3A_416 = arith.constant 583 : i32
        %parallel_loop3A_417 = vector.broadcast %parallel_loop3A_416 : i32 to vector<16xi32>
        %parallel_loop3A_418 = arith.addi %parallel_loop3A_228, %parallel_loop3A_417 : vector<16xi32>
        %parallel_loop3A_419 = tpu.vector_load_idx %arg5[%parallel_loop3A_418] : memref<3392xf32, #tpu.memory_space<vmem>>[vector<16xi32>], vector<16xf32>,
        %parallel_loop3A_420 = arith.constant 16 : i32
        %parallel_loop3A_421 = arith.muli %parallel_loop3A_222, %parallel_loop3A_420 : i32
        %parallel_loop3A_422 = arith.constant 1 : i32
        %parallel_loop3A_423 = arith.constant 0 : i32
        %parallel_loop3A_424 = arith.constant 1 : i32
        %parallel_loop3A_425 = arith.constant 3 : i32
        %parallel_loop3A_426 = arith.index_cast %parallel_loop3A_422 : i32 to index
        %parallel_loop3A_427 = arith.index_cast %parallel_loop3A_423 : i32 to index
        %parallel_loop3A_428 = arith.index_cast %parallel_loop3A_424 : i32 to index
        %parallel_loop3A_429 = arith.index_cast %parallel_loop3A_206 : i32 to index
        %parallel_loop3A_430 = arith.index_cast %parallel_loop3A_425 : i32 to index
        %parallel_loop3A_431 = arith.index_cast %parallel_loop3A_421 : i32 to index
        %parallel_loop3A_432 = tpu.vector_load %arg7[%parallel_loop3A_426, %parallel_loop3A_427, %parallel_loop3A_428, %parallel_loop3A_429, %parallel_loop3A_430, %parallel_loop3A_431] {strides = array<i32>} : memref<2x1x8x4x8x128xf32, #tpu.memory_space<vmem>>, vector<16xf32>,
        tpu.vector_store %arg7[%parallel_loop3A_426, %parallel_loop3A_427, %parallel_loop3A_428, %parallel_loop3A_429, %parallel_loop3A_430, %parallel_loop3A_431], %parallel_loop3A_419 {strides = array<i32>} : memref<2x1x8x4x8x128xf32, #tpu.memory_space<vmem>>, vector<16xf32>,
        %parallel_loop3A_433 = arith.constant 636 : i32
        %parallel_loop3A_434 = vector.broadcast %parallel_loop3A_433 : i32 to vector<16xi32>
        %parallel_loop3A_435 = arith.addi %parallel_loop3A_228, %parallel_loop3A_434 : vector<16xi32>
        %parallel_loop3A_436 = tpu.vector_load_idx %arg5[%parallel_loop3A_435] : memref<3392xf32, #tpu.memory_space<vmem>>[vector<16xi32>], vector<16xf32>,
        %parallel_loop3A_437 = arith.constant 16 : i32
        %parallel_loop3A_438 = arith.muli %parallel_loop3A_222, %parallel_loop3A_437 : i32
        %parallel_loop3A_439 = arith.constant 1 : i32
        %parallel_loop3A_440 = arith.constant 0 : i32
        %parallel_loop3A_441 = arith.constant 1 : i32
        %parallel_loop3A_442 = arith.constant 4 : i32
        %parallel_loop3A_443 = arith.index_cast %parallel_loop3A_439 : i32 to index
        %parallel_loop3A_444 = arith.index_cast %parallel_loop3A_440 : i32 to index
        %parallel_loop3A_445 = arith.index_cast %parallel_loop3A_441 : i32 to index
        %parallel_loop3A_446 = arith.index_cast %parallel_loop3A_206 : i32 to index
        %parallel_loop3A_447 = arith.index_cast %parallel_loop3A_442 : i32 to index
        %parallel_loop3A_448 = arith.index_cast %parallel_loop3A_438 : i32 to index
        %parallel_loop3A_449 = tpu.vector_load %arg7[%parallel_loop3A_443, %parallel_loop3A_444, %parallel_loop3A_445, %parallel_loop3A_446, %parallel_loop3A_447, %parallel_loop3A_448] {strides = array<i32>} : memref<2x1x8x4x8x128xf32, #tpu.memory_space<vmem>>, vector<16xf32>,
        tpu.vector_store %arg7[%parallel_loop3A_443, %parallel_loop3A_444, %parallel_loop3A_445, %parallel_loop3A_446, %parallel_loop3A_447, %parallel_loop3A_448], %parallel_loop3A_436 {strides = array<i32>} : memref<2x1x8x4x8x128xf32, #tpu.memory_space<vmem>>, vector<16xf32>,
        %parallel_loop3A_450 = arith.constant 689 : i32
        %parallel_loop3A_451 = vector.broadcast %parallel_loop3A_450 : i32 to vector<16xi32>
        %parallel_loop3A_452 = arith.addi %parallel_loop3A_228, %parallel_loop3A_451 : vector<16xi32>
        %parallel_loop3A_453 = tpu.vector_load_idx %arg5[%parallel_loop3A_452] : memref<3392xf32, #tpu.memory_space<vmem>>[vector<16xi32>], vector<16xf32>,
        %parallel_loop3A_454 = arith.constant 16 : i32
        %parallel_loop3A_455 = arith.muli %parallel_loop3A_222, %parallel_loop3A_454 : i32
        %parallel_loop3A_456 = arith.constant 1 : i32
        %parallel_loop3A_457 = arith.constant 0 : i32
        %parallel_loop3A_458 = arith.constant 1 : i32
        %parallel_loop3A_459 = arith.constant 5 : i32
        %parallel_loop3A_460 = arith.index_cast %parallel_loop3A_456 : i32 to index
        %parallel_loop3A_461 = arith.index_cast %parallel_loop3A_457 : i32 to index
        %parallel_loop3A_462 = arith.index_cast %parallel_loop3A_458 : i32 to index
        %parallel_loop3A_463 = arith.index_cast %parallel_loop3A_206 : i32 to index
        %parallel_loop3A_464 = arith.index_cast %parallel_loop3A_459 : i32 to index
        %parallel_loop3A_465 = arith.index_cast %parallel_loop3A_455 : i32 to index
        %parallel_loop3A_466 = tpu.vector_load %arg7[%parallel_loop3A_460, %parallel_loop3A_461, %parallel_loop3A_462, %parallel_loop3A_463, %parallel_loop3A_464, %parallel_loop3A_465] {strides = array<i32>} : memref<2x1x8x4x8x128xf32, #tpu.memory_space<vmem>>, vector<16xf32>,
        tpu.vector_store %arg7[%parallel_loop3A_460, %parallel_loop3A_461, %parallel_loop3A_462, %parallel_loop3A_463, %parallel_loop3A_464, %parallel_loop3A_465], %parallel_loop3A_453 {strides = array<i32>} : memref<2x1x8x4x8x128xf32, #tpu.memory_space<vmem>>, vector<16xf32>,
        %parallel_loop3A_467 = arith.constant 742 : i32
        %parallel_loop3A_468 = vector.broadcast %parallel_loop3A_467 : i32 to vector<16xi32>
        %parallel_loop3A_469 = arith.addi %parallel_loop3A_228, %parallel_loop3A_468 : vector<16xi32>
        %parallel_loop3A_470 = tpu.vector_load_idx %arg5[%parallel_loop3A_469] : memref<3392xf32, #tpu.memory_space<vmem>>[vector<16xi32>], vector<16xf32>,
        %parallel_loop3A_471 = arith.constant 16 : i32
        %parallel_loop3A_472 = arith.muli %parallel_loop3A_222, %parallel_loop3A_471 : i32
        %parallel_loop3A_473 = arith.constant 1 : i32
        %parallel_loop3A_474 = arith.constant 0 : i32
        %parallel_loop3A_475 = arith.constant 1 : i32
        %parallel_loop3A_476 = arith.constant 6 : i32
        %parallel_loop3A_477 = arith.index_cast %parallel_loop3A_473 : i32 to index
        %parallel_loop3A_478 = arith.index_cast %parallel_loop3A_474 : i32 to index
        %parallel_loop3A_479 = arith.index_cast %parallel_loop3A_475 : i32 to index
        %parallel_loop3A_480 = arith.index_cast %parallel_loop3A_206 : i32 to index
        %parallel_loop3A_481 = arith.index_cast %parallel_loop3A_476 : i32 to index
        %parallel_loop3A_482 = arith.index_cast %parallel_loop3A_472 : i32 to index
        %parallel_loop3A_483 = tpu.vector_load %arg7[%parallel_loop3A_477, %parallel_loop3A_478, %parallel_loop3A_479, %parallel_loop3A_480, %parallel_loop3A_481, %parallel_loop3A_482] {strides = array<i32>} : memref<2x1x8x4x8x128xf32, #tpu.memory_space<vmem>>, vector<16xf32>,
        tpu.vector_store %arg7[%parallel_loop3A_477, %parallel_loop3A_478, %parallel_loop3A_479, %parallel_loop3A_480, %parallel_loop3A_481, %parallel_loop3A_482], %parallel_loop3A_470 {strides = array<i32>} : memref<2x1x8x4x8x128xf32, #tpu.memory_space<vmem>>, vector<16xf32>,
        %parallel_loop3A_484 = arith.constant 795 : i32
        %parallel_loop3A_485 = vector.broadcast %parallel_loop3A_484 : i32 to vector<16xi32>
        %parallel_loop3A_486 = arith.addi %parallel_loop3A_228, %parallel_loop3A_485 : vector<16xi32>
        %parallel_loop3A_487 = tpu.vector_load_idx %arg5[%parallel_loop3A_486] : memref<3392xf32, #tpu.memory_space<vmem>>[vector<16xi32>], vector<16xf32>,
        %parallel_loop3A_488 = arith.constant 16 : i32
        %parallel_loop3A_489 = arith.muli %parallel_loop3A_222, %parallel_loop3A_488 : i32
        %parallel_loop3A_490 = arith.constant 1 : i32
        %parallel_loop3A_491 = arith.constant 0 : i32
        %parallel_loop3A_492 = arith.constant 1 : i32
        %parallel_loop3A_493 = arith.constant 7 : i32
        %parallel_loop3A_494 = arith.index_cast %parallel_loop3A_490 : i32 to index
        %parallel_loop3A_495 = arith.index_cast %parallel_loop3A_491 : i32 to index
        %parallel_loop3A_496 = arith.index_cast %parallel_loop3A_492 : i32 to index
        %parallel_loop3A_497 = arith.index_cast %parallel_loop3A_206 : i32 to index
        %parallel_loop3A_498 = arith.index_cast %parallel_loop3A_493 : i32 to index
        %parallel_loop3A_499 = arith.index_cast %parallel_loop3A_489 : i32 to index
        %parallel_loop3A_500 = tpu.vector_load %arg7[%parallel_loop3A_494, %parallel_loop3A_495, %parallel_loop3A_496, %parallel_loop3A_497, %parallel_loop3A_498, %parallel_loop3A_499] {strides = array<i32>} : memref<2x1x8x4x8x128xf32, #tpu.memory_space<vmem>>, vector<16xf32>,
        tpu.vector_store %arg7[%parallel_loop3A_494, %parallel_loop3A_495, %parallel_loop3A_496, %parallel_loop3A_497, %parallel_loop3A_498, %parallel_loop3A_499], %parallel_loop3A_487 {strides = array<i32>} : memref<2x1x8x4x8x128xf32, #tpu.memory_space<vmem>>, vector<16xf32>,
        %parallel_loop3A_501 = arith.constant 848 : i32
        %parallel_loop3A_502 = vector.broadcast %parallel_loop3A_501 : i32 to vector<16xi32>
        %parallel_loop3A_503 = arith.addi %parallel_loop3A_228, %parallel_loop3A_502 : vector<16xi32>
        %parallel_loop3A_504 = tpu.vector_load_idx %arg5[%parallel_loop3A_503] : memref<3392xf32, #tpu.memory_space<vmem>>[vector<16xi32>], vector<16xf32>,
        %parallel_loop3A_505 = arith.constant 16 : i32
        %parallel_loop3A_506 = arith.muli %parallel_loop3A_222, %parallel_loop3A_505 : i32
        %parallel_loop3A_507 = arith.constant 1 : i32
        %parallel_loop3A_508 = arith.constant 0 : i32
        %parallel_loop3A_509 = arith.constant 2 : i32
        %parallel_loop3A_510 = arith.constant 0 : i32
        %parallel_loop3A_511 = arith.index_cast %parallel_loop3A_507 : i32 to index
        %parallel_loop3A_512 = arith.index_cast %parallel_loop3A_508 : i32 to index
        %parallel_loop3A_513 = arith.index_cast %parallel_loop3A_509 : i32 to index
        %parallel_loop3A_514 = arith.index_cast %parallel_loop3A_206 : i32 to index
        %parallel_loop3A_515 = arith.index_cast %parallel_loop3A_510 : i32 to index
        %parallel_loop3A_516 = arith.index_cast %parallel_loop3A_506 : i32 to index
        %parallel_loop3A_517 = tpu.vector_load %arg7[%parallel_loop3A_511, %parallel_loop3A_512, %parallel_loop3A_513, %parallel_loop3A_514, %parallel_loop3A_515, %parallel_loop3A_516] {strides = array<i32>} : memref<2x1x8x4x8x128xf32, #tpu.memory_space<vmem>>, vector<16xf32>,
        tpu.vector_store %arg7[%parallel_loop3A_511, %parallel_loop3A_512, %parallel_loop3A_513, %parallel_loop3A_514, %parallel_loop3A_515, %parallel_loop3A_516], %parallel_loop3A_504 {strides = array<i32>} : memref<2x1x8x4x8x128xf32, #tpu.memory_space<vmem>>, vector<16xf32>,
        %parallel_loop3A_518 = arith.constant 901 : i32
        %parallel_loop3A_519 = vector.broadcast %parallel_loop3A_518 : i32 to vector<16xi32>
        %parallel_loop3A_520 = arith.addi %parallel_loop3A_228, %parallel_loop3A_519 : vector<16xi32>
        %parallel_loop3A_521 = tpu.vector_load_idx %arg5[%parallel_loop3A_520] : memref<3392xf32, #tpu.memory_space<vmem>>[vector<16xi32>], vector<16xf32>,
        %parallel_loop3A_522 = arith.constant 16 : i32
        %parallel_loop3A_523 = arith.muli %parallel_loop3A_222, %parallel_loop3A_522 : i32
        %parallel_loop3A_524 = arith.constant 1 : i32
        %parallel_loop3A_525 = arith.constant 0 : i32
        %parallel_loop3A_526 = arith.constant 2 : i32
        %parallel_loop3A_527 = arith.constant 1 : i32
        %parallel_loop3A_528 = arith.index_cast %parallel_loop3A_524 : i32 to index
        %parallel_loop3A_529 = arith.index_cast %parallel_loop3A_525 : i32 to index
        %parallel_loop3A_530 = arith.index_cast %parallel_loop3A_526 : i32 to index
        %parallel_loop3A_531 = arith.index_cast %parallel_loop3A_206 : i32 to index
        %parallel_loop3A_532 = arith.index_cast %parallel_loop3A_527 : i32 to index
        %parallel_loop3A_533 = arith.index_cast %parallel_loop3A_523 : i32 to index
        %parallel_loop3A_534 = tpu.vector_load %arg7[%parallel_loop3A_528, %parallel_loop3A_529, %parallel_loop3A_530, %parallel_loop3A_531, %parallel_loop3A_532, %parallel_loop3A_533] {strides = array<i32>} : memref<2x1x8x4x8x128xf32, #tpu.memory_space<vmem>>, vector<16xf32>,
        tpu.vector_store %arg7[%parallel_loop3A_528, %parallel_loop3A_529, %parallel_loop3A_530, %parallel_loop3A_531, %parallel_loop3A_532, %parallel_loop3A_533], %parallel_loop3A_521 {strides = array<i32>} : memref<2x1x8x4x8x128xf32, #tpu.memory_space<vmem>>, vector<16xf32>,
        %parallel_loop3A_535 = arith.constant 954 : i32
        %parallel_loop3A_536 = vector.broadcast %parallel_loop3A_535 : i32 to vector<16xi32>
        %parallel_loop3A_537 = arith.addi %parallel_loop3A_228, %parallel_loop3A_536 : vector<16xi32>
        %parallel_loop3A_538 = tpu.vector_load_idx %arg5[%parallel_loop3A_537] : memref<3392xf32, #tpu.memory_space<vmem>>[vector<16xi32>], vector<16xf32>,
        %parallel_loop3A_539 = arith.constant 16 : i32
        %parallel_loop3A_540 = arith.muli %parallel_loop3A_222, %parallel_loop3A_539 : i32
        %parallel_loop3A_541 = arith.constant 1 : i32
        %parallel_loop3A_542 = arith.constant 0 : i32
        %parallel_loop3A_543 = arith.constant 2 : i32
        %parallel_loop3A_544 = arith.constant 2 : i32
        %parallel_loop3A_545 = arith.index_cast %parallel_loop3A_541 : i32 to index
        %parallel_loop3A_546 = arith.index_cast %parallel_loop3A_542 : i32 to index
        %parallel_loop3A_547 = arith.index_cast %parallel_loop3A_543 : i32 to index
        %parallel_loop3A_548 = arith.index_cast %parallel_loop3A_206 : i32 to index
        %parallel_loop3A_549 = arith.index_cast %parallel_loop3A_544 : i32 to index
        %parallel_loop3A_550 = arith.index_cast %parallel_loop3A_540 : i32 to index
        %parallel_loop3A_551 = tpu.vector_load %arg7[%parallel_loop3A_545, %parallel_loop3A_546, %parallel_loop3A_547, %parallel_loop3A_548, %parallel_loop3A_549, %parallel_loop3A_550] {strides = array<i32>} : memref<2x1x8x4x8x128xf32, #tpu.memory_space<vmem>>, vector<16xf32>,
        tpu.vector_store %arg7[%parallel_loop3A_545, %parallel_loop3A_546, %parallel_loop3A_547, %parallel_loop3A_548, %parallel_loop3A_549, %parallel_loop3A_550], %parallel_loop3A_538 {strides = array<i32>} : memref<2x1x8x4x8x128xf32, #tpu.memory_space<vmem>>, vector<16xf32>,
        %parallel_loop3A_552 = arith.constant 1007 : i32
        %parallel_loop3A_553 = vector.broadcast %parallel_loop3A_552 : i32 to vector<16xi32>
        %parallel_loop3A_554 = arith.addi %parallel_loop3A_228, %parallel_loop3A_553 : vector<16xi32>
        %parallel_loop3A_555 = tpu.vector_load_idx %arg5[%parallel_loop3A_554] : memref<3392xf32, #tpu.memory_space<vmem>>[vector<16xi32>], vector<16xf32>,
        %parallel_loop3A_556 = arith.constant 16 : i32
        %parallel_loop3A_557 = arith.muli %parallel_loop3A_222, %parallel_loop3A_556 : i32
        %parallel_loop3A_558 = arith.constant 1 : i32
        %parallel_loop3A_559 = arith.constant 0 : i32
        %parallel_loop3A_560 = arith.constant 2 : i32
        %parallel_loop3A_561 = arith.constant 3 : i32
        %parallel_loop3A_562 = arith.index_cast %parallel_loop3A_558 : i32 to index
        %parallel_loop3A_563 = arith.index_cast %parallel_loop3A_559 : i32 to index
        %parallel_loop3A_564 = arith.index_cast %parallel_loop3A_560 : i32 to index
        %parallel_loop3A_565 = arith.index_cast %parallel_loop3A_206 : i32 to index
        %parallel_loop3A_566 = arith.index_cast %parallel_loop3A_561 : i32 to index
        %parallel_loop3A_567 = arith.index_cast %parallel_loop3A_557 : i32 to index
        %parallel_loop3A_568 = tpu.vector_load %arg7[%parallel_loop3A_562, %parallel_loop3A_563, %parallel_loop3A_564, %parallel_loop3A_565, %parallel_loop3A_566, %parallel_loop3A_567] {strides = array<i32>} : memref<2x1x8x4x8x128xf32, #tpu.memory_space<vmem>>, vector<16xf32>,
        tpu.vector_store %arg7[%parallel_loop3A_562, %parallel_loop3A_563, %parallel_loop3A_564, %parallel_loop3A_565, %parallel_loop3A_566, %parallel_loop3A_567], %parallel_loop3A_555 {strides = array<i32>} : memref<2x1x8x4x8x128xf32, #tpu.memory_space<vmem>>, vector<16xf32>,
        %parallel_loop3A_569 = arith.constant 1060 : i32
        %parallel_loop3A_570 = vector.broadcast %parallel_loop3A_569 : i32 to vector<16xi32>
        %parallel_loop3A_571 = arith.addi %parallel_loop3A_228, %parallel_loop3A_570 : vector<16xi32>
        %parallel_loop3A_572 = tpu.vector_load_idx %arg5[%parallel_loop3A_571] : memref<3392xf32, #tpu.memory_space<vmem>>[vector<16xi32>], vector<16xf32>,
        %parallel_loop3A_573 = arith.constant 16 : i32
        %parallel_loop3A_574 = arith.muli %parallel_loop3A_222, %parallel_loop3A_573 : i32
        %parallel_loop3A_575 = arith.constant 1 : i32
        %parallel_loop3A_576 = arith.constant 0 : i32
        %parallel_loop3A_577 = arith.constant 2 : i32
        %parallel_loop3A_578 = arith.constant 4 : i32
        %parallel_loop3A_579 = arith.index_cast %parallel_loop3A_575 : i32 to index
        %parallel_loop3A_580 = arith.index_cast %parallel_loop3A_576 : i32 to index
        %parallel_loop3A_581 = arith.index_cast %parallel_loop3A_577 : i32 to index
        %parallel_loop3A_582 = arith.index_cast %parallel_loop3A_206 : i32 to index
        %parallel_loop3A_583 = arith.index_cast %parallel_loop3A_578 : i32 to index
        %parallel_loop3A_584 = arith.index_cast %parallel_loop3A_574 : i32 to index
        %parallel_loop3A_585 = tpu.vector_load %arg7[%parallel_loop3A_579, %parallel_loop3A_580, %parallel_loop3A_581, %parallel_loop3A_582, %parallel_loop3A_583, %parallel_loop3A_584] {strides = array<i32>} : memref<2x1x8x4x8x128xf32, #tpu.memory_space<vmem>>, vector<16xf32>,
        tpu.vector_store %arg7[%parallel_loop3A_579, %parallel_loop3A_580, %parallel_loop3A_581, %parallel_loop3A_582, %parallel_loop3A_583, %parallel_loop3A_584], %parallel_loop3A_572 {strides = array<i32>} : memref<2x1x8x4x8x128xf32, #tpu.memory_space<vmem>>, vector<16xf32>,
        %parallel_loop3A_586 = arith.constant 1113 : i32
        %parallel_loop3A_587 = vector.broadcast %parallel_loop3A_586 : i32 to vector<16xi32>
        %parallel_loop3A_588 = arith.addi %parallel_loop3A_228, %parallel_loop3A_587 : vector<16xi32>
        %parallel_loop3A_589 = tpu.vector_load_idx %arg5[%parallel_loop3A_588] : memref<3392xf32, #tpu.memory_space<vmem>>[vector<16xi32>], vector<16xf32>,
        %parallel_loop3A_590 = arith.constant 16 : i32
        %parallel_loop3A_591 = arith.muli %parallel_loop3A_222, %parallel_loop3A_590 : i32
        %parallel_loop3A_592 = arith.constant 1 : i32
        %parallel_loop3A_593 = arith.constant 0 : i32
        %parallel_loop3A_594 = arith.constant 2 : i32
        %parallel_loop3A_595 = arith.constant 5 : i32
        %parallel_loop3A_596 = arith.index_cast %parallel_loop3A_592 : i32 to index
        %parallel_loop3A_597 = arith.index_cast %parallel_loop3A_593 : i32 to index
        %parallel_loop3A_598 = arith.index_cast %parallel_loop3A_594 : i32 to index
        %parallel_loop3A_599 = arith.index_cast %parallel_loop3A_206 : i32 to index
        %parallel_loop3A_600 = arith.index_cast %parallel_loop3A_595 : i32 to index
        %parallel_loop3A_601 = arith.index_cast %parallel_loop3A_591 : i32 to index
        %parallel_loop3A_602 = tpu.vector_load %arg7[%parallel_loop3A_596, %parallel_loop3A_597, %parallel_loop3A_598, %parallel_loop3A_599, %parallel_loop3A_600, %parallel_loop3A_601] {strides = array<i32>} : memref<2x1x8x4x8x128xf32, #tpu.memory_space<vmem>>, vector<16xf32>,
        tpu.vector_store %arg7[%parallel_loop3A_596, %parallel_loop3A_597, %parallel_loop3A_598, %parallel_loop3A_599, %parallel_loop3A_600, %parallel_loop3A_601], %parallel_loop3A_589 {strides = array<i32>} : memref<2x1x8x4x8x128xf32, #tpu.memory_space<vmem>>, vector<16xf32>,
        %parallel_loop3A_603 = arith.constant 1166 : i32
        %parallel_loop3A_604 = vector.broadcast %parallel_loop3A_603 : i32 to vector<16xi32>
        %parallel_loop3A_605 = arith.addi %parallel_loop3A_228, %parallel_loop3A_604 : vector<16xi32>
        %parallel_loop3A_606 = tpu.vector_load_idx %arg5[%parallel_loop3A_605] : memref<3392xf32, #tpu.memory_space<vmem>>[vector<16xi32>], vector<16xf32>,
        %parallel_loop3A_607 = arith.constant 16 : i32
        %parallel_loop3A_608 = arith.muli %parallel_loop3A_222, %parallel_loop3A_607 : i32
        %parallel_loop3A_609 = arith.constant 1 : i32
        %parallel_loop3A_610 = arith.constant 0 : i32
        %parallel_loop3A_611 = arith.constant 2 : i32
        %parallel_loop3A_612 = arith.constant 6 : i32
        %parallel_loop3A_613 = arith.index_cast %parallel_loop3A_609 : i32 to index
        %parallel_loop3A_614 = arith.index_cast %parallel_loop3A_610 : i32 to index
        %parallel_loop3A_615 = arith.index_cast %parallel_loop3A_611 : i32 to index
        %parallel_loop3A_616 = arith.index_cast %parallel_loop3A_206 : i32 to index
        %parallel_loop3A_617 = arith.index_cast %parallel_loop3A_612 : i32 to index
        %parallel_loop3A_618 = arith.index_cast %parallel_loop3A_608 : i32 to index
        %parallel_loop3A_619 = tpu.vector_load %arg7[%parallel_loop3A_613, %parallel_loop3A_614, %parallel_loop3A_615, %parallel_loop3A_616, %parallel_loop3A_617, %parallel_loop3A_618] {strides = array<i32>} : memref<2x1x8x4x8x128xf32, #tpu.memory_space<vmem>>, vector<16xf32>,
        tpu.vector_store %arg7[%parallel_loop3A_613, %parallel_loop3A_614, %parallel_loop3A_615, %parallel_loop3A_616, %parallel_loop3A_617, %parallel_loop3A_618], %parallel_loop3A_606 {strides = array<i32>} : memref<2x1x8x4x8x128xf32, #tpu.memory_space<vmem>>, vector<16xf32>,
        %parallel_loop3A_620 = arith.constant 1219 : i32
        %parallel_loop3A_621 = vector.broadcast %parallel_loop3A_620 : i32 to vector<16xi32>
        %parallel_loop3A_622 = arith.addi %parallel_loop3A_228, %parallel_loop3A_621 : vector<16xi32>
        %parallel_loop3A_623 = tpu.vector_load_idx %arg5[%parallel_loop3A_622] : memref<3392xf32, #tpu.memory_space<vmem>>[vector<16xi32>], vector<16xf32>,
        %parallel_loop3A_624 = arith.constant 16 : i32
        %parallel_loop3A_625 = arith.muli %parallel_loop3A_222, %parallel_loop3A_624 : i32
        %parallel_loop3A_626 = arith.constant 1 : i32
        %parallel_loop3A_627 = arith.constant 0 : i32
        %parallel_loop3A_628 = arith.constant 2 : i32
        %parallel_loop3A_629 = arith.constant 7 : i32
        %parallel_loop3A_630 = arith.index_cast %parallel_loop3A_626 : i32 to index
        %parallel_loop3A_631 = arith.index_cast %parallel_loop3A_627 : i32 to index
        %parallel_loop3A_632 = arith.index_cast %parallel_loop3A_628 : i32 to index
        %parallel_loop3A_633 = arith.index_cast %parallel_loop3A_206 : i32 to index
        %parallel_loop3A_634 = arith.index_cast %parallel_loop3A_629 : i32 to index
        %parallel_loop3A_635 = arith.index_cast %parallel_loop3A_625 : i32 to index
        %parallel_loop3A_636 = tpu.vector_load %arg7[%parallel_loop3A_630, %parallel_loop3A_631, %parallel_loop3A_632, %parallel_loop3A_633, %parallel_loop3A_634, %parallel_loop3A_635] {strides = array<i32>} : memref<2x1x8x4x8x128xf32, #tpu.memory_space<vmem>>, vector<16xf32>,
        tpu.vector_store %arg7[%parallel_loop3A_630, %parallel_loop3A_631, %parallel_loop3A_632, %parallel_loop3A_633, %parallel_loop3A_634, %parallel_loop3A_635], %parallel_loop3A_623 {strides = array<i32>} : memref<2x1x8x4x8x128xf32, #tpu.memory_space<vmem>>, vector<16xf32>,
        %parallel_loop3A_637 = arith.constant 1272 : i32
        %parallel_loop3A_638 = vector.broadcast %parallel_loop3A_637 : i32 to vector<16xi32>
        %parallel_loop3A_639 = arith.addi %parallel_loop3A_228, %parallel_loop3A_638 : vector<16xi32>
        %parallel_loop3A_640 = tpu.vector_load_idx %arg5[%parallel_loop3A_639] : memref<3392xf32, #tpu.memory_space<vmem>>[vector<16xi32>], vector<16xf32>,
        %parallel_loop3A_641 = arith.constant 16 : i32
        %parallel_loop3A_642 = arith.muli %parallel_loop3A_222, %parallel_loop3A_641 : i32
        %parallel_loop3A_643 = arith.constant 1 : i32
        %parallel_loop3A_644 = arith.constant 0 : i32
        %parallel_loop3A_645 = arith.constant 3 : i32
        %parallel_loop3A_646 = arith.constant 0 : i32
        %parallel_loop3A_647 = arith.index_cast %parallel_loop3A_643 : i32 to index
        %parallel_loop3A_648 = arith.index_cast %parallel_loop3A_644 : i32 to index
        %parallel_loop3A_649 = arith.index_cast %parallel_loop3A_645 : i32 to index
        %parallel_loop3A_650 = arith.index_cast %parallel_loop3A_206 : i32 to index
        %parallel_loop3A_651 = arith.index_cast %parallel_loop3A_646 : i32 to index
        %parallel_loop3A_652 = arith.index_cast %parallel_loop3A_642 : i32 to index
        %parallel_loop3A_653 = tpu.vector_load %arg7[%parallel_loop3A_647, %parallel_loop3A_648, %parallel_loop3A_649, %parallel_loop3A_650, %parallel_loop3A_651, %parallel_loop3A_652] {strides = array<i32>} : memref<2x1x8x4x8x128xf32, #tpu.memory_space<vmem>>, vector<16xf32>,
        tpu.vector_store %arg7[%parallel_loop3A_647, %parallel_loop3A_648, %parallel_loop3A_649, %parallel_loop3A_650, %parallel_loop3A_651, %parallel_loop3A_652], %parallel_loop3A_640 {strides = array<i32>} : memref<2x1x8x4x8x128xf32, #tpu.memory_space<vmem>>, vector<16xf32>,
        %parallel_loop3A_654 = arith.constant 1325 : i32
        %parallel_loop3A_655 = vector.broadcast %parallel_loop3A_654 : i32 to vector<16xi32>
        %parallel_loop3A_656 = arith.addi %parallel_loop3A_228, %parallel_loop3A_655 : vector<16xi32>
        %parallel_loop3A_657 = tpu.vector_load_idx %arg5[%parallel_loop3A_656] : memref<3392xf32, #tpu.memory_space<vmem>>[vector<16xi32>], vector<16xf32>,
        %parallel_loop3A_658 = arith.constant 16 : i32
        %parallel_loop3A_659 = arith.muli %parallel_loop3A_222, %parallel_loop3A_658 : i32
        %parallel_loop3A_660 = arith.constant 1 : i32
        %parallel_loop3A_661 = arith.constant 0 : i32
        %parallel_loop3A_662 = arith.constant 3 : i32
        %parallel_loop3A_663 = arith.constant 1 : i32
        %parallel_loop3A_664 = arith.index_cast %parallel_loop3A_660 : i32 to index
        %parallel_loop3A_665 = arith.index_cast %parallel_loop3A_661 : i32 to index
        %parallel_loop3A_666 = arith.index_cast %parallel_loop3A_662 : i32 to index
        %parallel_loop3A_667 = arith.index_cast %parallel_loop3A_206 : i32 to index
        %parallel_loop3A_668 = arith.index_cast %parallel_loop3A_663 : i32 to index
        %parallel_loop3A_669 = arith.index_cast %parallel_loop3A_659 : i32 to index
        %parallel_loop3A_670 = tpu.vector_load %arg7[%parallel_loop3A_664, %parallel_loop3A_665, %parallel_loop3A_666, %parallel_loop3A_667, %parallel_loop3A_668, %parallel_loop3A_669] {strides = array<i32>} : memref<2x1x8x4x8x128xf32, #tpu.memory_space<vmem>>, vector<16xf32>,
        tpu.vector_store %arg7[%parallel_loop3A_664, %parallel_loop3A_665, %parallel_loop3A_666, %parallel_loop3A_667, %parallel_loop3A_668, %parallel_loop3A_669], %parallel_loop3A_657 {strides = array<i32>} : memref<2x1x8x4x8x128xf32, #tpu.memory_space<vmem>>, vector<16xf32>,
        %parallel_loop3A_671 = arith.constant 1378 : i32
        %parallel_loop3A_672 = vector.broadcast %parallel_loop3A_671 : i32 to vector<16xi32>
        %parallel_loop3A_673 = arith.addi %parallel_loop3A_228, %parallel_loop3A_672 : vector<16xi32>
        %parallel_loop3A_674 = tpu.vector_load_idx %arg5[%parallel_loop3A_673] : memref<3392xf32, #tpu.memory_space<vmem>>[vector<16xi32>], vector<16xf32>,
        %parallel_loop3A_675 = arith.constant 16 : i32
        %parallel_loop3A_676 = arith.muli %parallel_loop3A_222, %parallel_loop3A_675 : i32
        %parallel_loop3A_677 = arith.constant 1 : i32
        %parallel_loop3A_678 = arith.constant 0 : i32
        %parallel_loop3A_679 = arith.constant 3 : i32
        %parallel_loop3A_680 = arith.constant 2 : i32
        %parallel_loop3A_681 = arith.index_cast %parallel_loop3A_677 : i32 to index
        %parallel_loop3A_682 = arith.index_cast %parallel_loop3A_678 : i32 to index
        %parallel_loop3A_683 = arith.index_cast %parallel_loop3A_679 : i32 to index
        %parallel_loop3A_684 = arith.index_cast %parallel_loop3A_206 : i32 to index
        %parallel_loop3A_685 = arith.index_cast %parallel_loop3A_680 : i32 to index
        %parallel_loop3A_686 = arith.index_cast %parallel_loop3A_676 : i32 to index
        %parallel_loop3A_687 = tpu.vector_load %arg7[%parallel_loop3A_681, %parallel_loop3A_682, %parallel_loop3A_683, %parallel_loop3A_684, %parallel_loop3A_685, %parallel_loop3A_686] {strides = array<i32>} : memref<2x1x8x4x8x128xf32, #tpu.memory_space<vmem>>, vector<16xf32>,
        tpu.vector_store %arg7[%parallel_loop3A_681, %parallel_loop3A_682, %parallel_loop3A_683, %parallel_loop3A_684, %parallel_loop3A_685, %parallel_loop3A_686], %parallel_loop3A_674 {strides = array<i32>} : memref<2x1x8x4x8x128xf32, #tpu.memory_space<vmem>>, vector<16xf32>,
        %parallel_loop3A_688 = arith.constant 1431 : i32
        %parallel_loop3A_689 = vector.broadcast %parallel_loop3A_688 : i32 to vector<16xi32>
        %parallel_loop3A_690 = arith.addi %parallel_loop3A_228, %parallel_loop3A_689 : vector<16xi32>
        %parallel_loop3A_691 = tpu.vector_load_idx %arg5[%parallel_loop3A_690] : memref<3392xf32, #tpu.memory_space<vmem>>[vector<16xi32>], vector<16xf32>,
        %parallel_loop3A_692 = arith.constant 16 : i32
        %parallel_loop3A_693 = arith.muli %parallel_loop3A_222, %parallel_loop3A_692 : i32
        %parallel_loop3A_694 = arith.constant 1 : i32
        %parallel_loop3A_695 = arith.constant 0 : i32
        %parallel_loop3A_696 = arith.constant 3 : i32
        %parallel_loop3A_697 = arith.constant 3 : i32
        %parallel_loop3A_698 = arith.index_cast %parallel_loop3A_694 : i32 to index
        %parallel_loop3A_699 = arith.index_cast %parallel_loop3A_695 : i32 to index
        %parallel_loop3A_700 = arith.index_cast %parallel_loop3A_696 : i32 to index
        %parallel_loop3A_701 = arith.index_cast %parallel_loop3A_206 : i32 to index
        %parallel_loop3A_702 = arith.index_cast %parallel_loop3A_697 : i32 to index
        %parallel_loop3A_703 = arith.index_cast %parallel_loop3A_693 : i32 to index
        %parallel_loop3A_704 = tpu.vector_load %arg7[%parallel_loop3A_698, %parallel_loop3A_699, %parallel_loop3A_700, %parallel_loop3A_701, %parallel_loop3A_702, %parallel_loop3A_703] {strides = array<i32>} : memref<2x1x8x4x8x128xf32, #tpu.memory_space<vmem>>, vector<16xf32>,
        tpu.vector_store %arg7[%parallel_loop3A_698, %parallel_loop3A_699, %parallel_loop3A_700, %parallel_loop3A_701, %parallel_loop3A_702, %parallel_loop3A_703], %parallel_loop3A_691 {strides = array<i32>} : memref<2x1x8x4x8x128xf32, #tpu.memory_space<vmem>>, vector<16xf32>,
        %parallel_loop3A_705 = arith.constant 1484 : i32
        %parallel_loop3A_706 = vector.broadcast %parallel_loop3A_705 : i32 to vector<16xi32>
        %parallel_loop3A_707 = arith.addi %parallel_loop3A_228, %parallel_loop3A_706 : vector<16xi32>
        %parallel_loop3A_708 = tpu.vector_load_idx %arg5[%parallel_loop3A_707] : memref<3392xf32, #tpu.memory_space<vmem>>[vector<16xi32>], vector<16xf32>,
        %parallel_loop3A_709 = arith.constant 16 : i32
        %parallel_loop3A_710 = arith.muli %parallel_loop3A_222, %parallel_loop3A_709 : i32
        %parallel_loop3A_711 = arith.constant 1 : i32
        %parallel_loop3A_712 = arith.constant 0 : i32
        %parallel_loop3A_713 = arith.constant 3 : i32
        %parallel_loop3A_714 = arith.constant 4 : i32
        %parallel_loop3A_715 = arith.index_cast %parallel_loop3A_711 : i32 to index
        %parallel_loop3A_716 = arith.index_cast %parallel_loop3A_712 : i32 to index
        %parallel_loop3A_717 = arith.index_cast %parallel_loop3A_713 : i32 to index
        %parallel_loop3A_718 = arith.index_cast %parallel_loop3A_206 : i32 to index
        %parallel_loop3A_719 = arith.index_cast %parallel_loop3A_714 : i32 to index
        %parallel_loop3A_720 = arith.index_cast %parallel_loop3A_710 : i32 to index
        %parallel_loop3A_721 = tpu.vector_load %arg7[%parallel_loop3A_715, %parallel_loop3A_716, %parallel_loop3A_717, %parallel_loop3A_718, %parallel_loop3A_719, %parallel_loop3A_720] {strides = array<i32>} : memref<2x1x8x4x8x128xf32, #tpu.memory_space<vmem>>, vector<16xf32>,
        tpu.vector_store %arg7[%parallel_loop3A_715, %parallel_loop3A_716, %parallel_loop3A_717, %parallel_loop3A_718, %parallel_loop3A_719, %parallel_loop3A_720], %parallel_loop3A_708 {strides = array<i32>} : memref<2x1x8x4x8x128xf32, #tpu.memory_space<vmem>>, vector<16xf32>,
        %parallel_loop3A_722 = arith.constant 1537 : i32
        %parallel_loop3A_723 = vector.broadcast %parallel_loop3A_722 : i32 to vector<16xi32>
        %parallel_loop3A_724 = arith.addi %parallel_loop3A_228, %parallel_loop3A_723 : vector<16xi32>
        %parallel_loop3A_725 = tpu.vector_load_idx %arg5[%parallel_loop3A_724] : memref<3392xf32, #tpu.memory_space<vmem>>[vector<16xi32>], vector<16xf32>,
        %parallel_loop3A_726 = arith.constant 16 : i32
        %parallel_loop3A_727 = arith.muli %parallel_loop3A_222, %parallel_loop3A_726 : i32
        %parallel_loop3A_728 = arith.constant 1 : i32
        %parallel_loop3A_729 = arith.constant 0 : i32
        %parallel_loop3A_730 = arith.constant 3 : i32
        %parallel_loop3A_731 = arith.constant 5 : i32
        %parallel_loop3A_732 = arith.index_cast %parallel_loop3A_728 : i32 to index
        %parallel_loop3A_733 = arith.index_cast %parallel_loop3A_729 : i32 to index
        %parallel_loop3A_734 = arith.index_cast %parallel_loop3A_730 : i32 to index
        %parallel_loop3A_735 = arith.index_cast %parallel_loop3A_206 : i32 to index
        %parallel_loop3A_736 = arith.index_cast %parallel_loop3A_731 : i32 to index
        %parallel_loop3A_737 = arith.index_cast %parallel_loop3A_727 : i32 to index
        %parallel_loop3A_738 = tpu.vector_load %arg7[%parallel_loop3A_732, %parallel_loop3A_733, %parallel_loop3A_734, %parallel_loop3A_735, %parallel_loop3A_736, %parallel_loop3A_737] {strides = array<i32>} : memref<2x1x8x4x8x128xf32, #tpu.memory_space<vmem>>, vector<16xf32>,
        tpu.vector_store %arg7[%parallel_loop3A_732, %parallel_loop3A_733, %parallel_loop3A_734, %parallel_loop3A_735, %parallel_loop3A_736, %parallel_loop3A_737], %parallel_loop3A_725 {strides = array<i32>} : memref<2x1x8x4x8x128xf32, #tpu.memory_space<vmem>>, vector<16xf32>,
        %parallel_loop3A_739 = arith.constant 1590 : i32
        %parallel_loop3A_740 = vector.broadcast %parallel_loop3A_739 : i32 to vector<16xi32>
        %parallel_loop3A_741 = arith.addi %parallel_loop3A_228, %parallel_loop3A_740 : vector<16xi32>
        %parallel_loop3A_742 = tpu.vector_load_idx %arg5[%parallel_loop3A_741] : memref<3392xf32, #tpu.memory_space<vmem>>[vector<16xi32>], vector<16xf32>,
        %parallel_loop3A_743 = arith.constant 16 : i32
        %parallel_loop3A_744 = arith.muli %parallel_loop3A_222, %parallel_loop3A_743 : i32
        %parallel_loop3A_745 = arith.constant 1 : i32
        %parallel_loop3A_746 = arith.constant 0 : i32
        %parallel_loop3A_747 = arith.constant 3 : i32
        %parallel_loop3A_748 = arith.constant 6 : i32
        %parallel_loop3A_749 = arith.index_cast %parallel_loop3A_745 : i32 to index
        %parallel_loop3A_750 = arith.index_cast %parallel_loop3A_746 : i32 to index
        %parallel_loop3A_751 = arith.index_cast %parallel_loop3A_747 : i32 to index
        %parallel_loop3A_752 = arith.index_cast %parallel_loop3A_206 : i32 to index
        %parallel_loop3A_753 = arith.index_cast %parallel_loop3A_748 : i32 to index
        %parallel_loop3A_754 = arith.index_cast %parallel_loop3A_744 : i32 to index
        %parallel_loop3A_755 = tpu.vector_load %arg7[%parallel_loop3A_749, %parallel_loop3A_750, %parallel_loop3A_751, %parallel_loop3A_752, %parallel_loop3A_753, %parallel_loop3A_754] {strides = array<i32>} : memref<2x1x8x4x8x128xf32, #tpu.memory_space<vmem>>, vector<16xf32>,
        tpu.vector_store %arg7[%parallel_loop3A_749, %parallel_loop3A_750, %parallel_loop3A_751, %parallel_loop3A_752, %parallel_loop3A_753, %parallel_loop3A_754], %parallel_loop3A_742 {strides = array<i32>} : memref<2x1x8x4x8x128xf32, #tpu.memory_space<vmem>>, vector<16xf32>,
        %parallel_loop3A_756 = arith.constant 1643 : i32
        %parallel_loop3A_757 = vector.broadcast %parallel_loop3A_756 : i32 to vector<16xi32>
        %parallel_loop3A_758 = arith.addi %parallel_loop3A_228, %parallel_loop3A_757 : vector<16xi32>
        %parallel_loop3A_759 = tpu.vector_load_idx %arg5[%parallel_loop3A_758] : memref<3392xf32, #tpu.memory_space<vmem>>[vector<16xi32>], vector<16xf32>,
        %parallel_loop3A_760 = arith.constant 16 : i32
        %parallel_loop3A_761 = arith.muli %parallel_loop3A_222, %parallel_loop3A_760 : i32
        %parallel_loop3A_762 = arith.constant 1 : i32
        %parallel_loop3A_763 = arith.constant 0 : i32
        %parallel_loop3A_764 = arith.constant 3 : i32
        %parallel_loop3A_765 = arith.constant 7 : i32
        %parallel_loop3A_766 = arith.index_cast %parallel_loop3A_762 : i32 to index
        %parallel_loop3A_767 = arith.index_cast %parallel_loop3A_763 : i32 to index
        %parallel_loop3A_768 = arith.index_cast %parallel_loop3A_764 : i32 to index
        %parallel_loop3A_769 = arith.index_cast %parallel_loop3A_206 : i32 to index
        %parallel_loop3A_770 = arith.index_cast %parallel_loop3A_765 : i32 to index
        %parallel_loop3A_771 = arith.index_cast %parallel_loop3A_761 : i32 to index
        %parallel_loop3A_772 = tpu.vector_load %arg7[%parallel_loop3A_766, %parallel_loop3A_767, %parallel_loop3A_768, %parallel_loop3A_769, %parallel_loop3A_770, %parallel_loop3A_771] {strides = array<i32>} : memref<2x1x8x4x8x128xf32, #tpu.memory_space<vmem>>, vector<16xf32>,
        tpu.vector_store %arg7[%parallel_loop3A_766, %parallel_loop3A_767, %parallel_loop3A_768, %parallel_loop3A_769, %parallel_loop3A_770, %parallel_loop3A_771], %parallel_loop3A_759 {strides = array<i32>} : memref<2x1x8x4x8x128xf32, #tpu.memory_space<vmem>>, vector<16xf32>,
        %parallel_loop3A_773 = arith.constant 1696 : i32
        %parallel_loop3A_774 = vector.broadcast %parallel_loop3A_773 : i32 to vector<16xi32>
        %parallel_loop3A_775 = arith.addi %parallel_loop3A_228, %parallel_loop3A_774 : vector<16xi32>
        %parallel_loop3A_776 = tpu.vector_load_idx %arg5[%parallel_loop3A_775] : memref<3392xf32, #tpu.memory_space<vmem>>[vector<16xi32>], vector<16xf32>,
        %parallel_loop3A_777 = arith.constant 16 : i32
        %parallel_loop3A_778 = arith.muli %parallel_loop3A_222, %parallel_loop3A_777 : i32
        %parallel_loop3A_779 = arith.constant 1 : i32
        %parallel_loop3A_780 = arith.constant 0 : i32
        %parallel_loop3A_781 = arith.constant 4 : i32
        %parallel_loop3A_782 = arith.constant 0 : i32
        %parallel_loop3A_783 = arith.index_cast %parallel_loop3A_779 : i32 to index
        %parallel_loop3A_784 = arith.index_cast %parallel_loop3A_780 : i32 to index
        %parallel_loop3A_785 = arith.index_cast %parallel_loop3A_781 : i32 to index
        %parallel_loop3A_786 = arith.index_cast %parallel_loop3A_206 : i32 to index
        %parallel_loop3A_787 = arith.index_cast %parallel_loop3A_782 : i32 to index
        %parallel_loop3A_788 = arith.index_cast %parallel_loop3A_778 : i32 to index
        %parallel_loop3A_789 = tpu.vector_load %arg7[%parallel_loop3A_783, %parallel_loop3A_784, %parallel_loop3A_785, %parallel_loop3A_786, %parallel_loop3A_787, %parallel_loop3A_788] {strides = array<i32>} : memref<2x1x8x4x8x128xf32, #tpu.memory_space<vmem>>, vector<16xf32>,
        tpu.vector_store %arg7[%parallel_loop3A_783, %parallel_loop3A_784, %parallel_loop3A_785, %parallel_loop3A_786, %parallel_loop3A_787, %parallel_loop3A_788], %parallel_loop3A_776 {strides = array<i32>} : memref<2x1x8x4x8x128xf32, #tpu.memory_space<vmem>>, vector<16xf32>,
        %parallel_loop3A_790 = arith.constant 1749 : i32
        %parallel_loop3A_791 = vector.broadcast %parallel_loop3A_790 : i32 to vector<16xi32>
        %parallel_loop3A_792 = arith.addi %parallel_loop3A_228, %parallel_loop3A_791 : vector<16xi32>
        %parallel_loop3A_793 = tpu.vector_load_idx %arg5[%parallel_loop3A_792] : memref<3392xf32, #tpu.memory_space<vmem>>[vector<16xi32>], vector<16xf32>,
        %parallel_loop3A_794 = arith.constant 16 : i32
        %parallel_loop3A_795 = arith.muli %parallel_loop3A_222, %parallel_loop3A_794 : i32
        %parallel_loop3A_796 = arith.constant 1 : i32
        %parallel_loop3A_797 = arith.constant 0 : i32
        %parallel_loop3A_798 = arith.constant 4 : i32
        %parallel_loop3A_799 = arith.constant 1 : i32
        %parallel_loop3A_800 = arith.index_cast %parallel_loop3A_796 : i32 to index
        %parallel_loop3A_801 = arith.index_cast %parallel_loop3A_797 : i32 to index
        %parallel_loop3A_802 = arith.index_cast %parallel_loop3A_798 : i32 to index
        %parallel_loop3A_803 = arith.index_cast %parallel_loop3A_206 : i32 to index
        %parallel_loop3A_804 = arith.index_cast %parallel_loop3A_799 : i32 to index
        %parallel_loop3A_805 = arith.index_cast %parallel_loop3A_795 : i32 to index
        %parallel_loop3A_806 = tpu.vector_load %arg7[%parallel_loop3A_800, %parallel_loop3A_801, %parallel_loop3A_802, %parallel_loop3A_803, %parallel_loop3A_804, %parallel_loop3A_805] {strides = array<i32>} : memref<2x1x8x4x8x128xf32, #tpu.memory_space<vmem>>, vector<16xf32>,
        tpu.vector_store %arg7[%parallel_loop3A_800, %parallel_loop3A_801, %parallel_loop3A_802, %parallel_loop3A_803, %parallel_loop3A_804, %parallel_loop3A_805], %parallel_loop3A_793 {strides = array<i32>} : memref<2x1x8x4x8x128xf32, #tpu.memory_space<vmem>>, vector<16xf32>,
        %parallel_loop3A_807 = arith.constant 1802 : i32
        %parallel_loop3A_808 = vector.broadcast %parallel_loop3A_807 : i32 to vector<16xi32>
        %parallel_loop3A_809 = arith.addi %parallel_loop3A_228, %parallel_loop3A_808 : vector<16xi32>
        %parallel_loop3A_810 = tpu.vector_load_idx %arg5[%parallel_loop3A_809] : memref<3392xf32, #tpu.memory_space<vmem>>[vector<16xi32>], vector<16xf32>,
        %parallel_loop3A_811 = arith.constant 16 : i32
        %parallel_loop3A_812 = arith.muli %parallel_loop3A_222, %parallel_loop3A_811 : i32
        %parallel_loop3A_813 = arith.constant 1 : i32
        %parallel_loop3A_814 = arith.constant 0 : i32
        %parallel_loop3A_815 = arith.constant 4 : i32
        %parallel_loop3A_816 = arith.constant 2 : i32
        %parallel_loop3A_817 = arith.index_cast %parallel_loop3A_813 : i32 to index
        %parallel_loop3A_818 = arith.index_cast %parallel_loop3A_814 : i32 to index
        %parallel_loop3A_819 = arith.index_cast %parallel_loop3A_815 : i32 to index
        %parallel_loop3A_820 = arith.index_cast %parallel_loop3A_206 : i32 to index
        %parallel_loop3A_821 = arith.index_cast %parallel_loop3A_816 : i32 to index
        %parallel_loop3A_822 = arith.index_cast %parallel_loop3A_812 : i32 to index
        %parallel_loop3A_823 = tpu.vector_load %arg7[%parallel_loop3A_817, %parallel_loop3A_818, %parallel_loop3A_819, %parallel_loop3A_820, %parallel_loop3A_821, %parallel_loop3A_822] {strides = array<i32>} : memref<2x1x8x4x8x128xf32, #tpu.memory_space<vmem>>, vector<16xf32>,
        tpu.vector_store %arg7[%parallel_loop3A_817, %parallel_loop3A_818, %parallel_loop3A_819, %parallel_loop3A_820, %parallel_loop3A_821, %parallel_loop3A_822], %parallel_loop3A_810 {strides = array<i32>} : memref<2x1x8x4x8x128xf32, #tpu.memory_space<vmem>>, vector<16xf32>,
        %parallel_loop3A_824 = arith.constant 1855 : i32
        %parallel_loop3A_825 = vector.broadcast %parallel_loop3A_824 : i32 to vector<16xi32>
        %parallel_loop3A_826 = arith.addi %parallel_loop3A_228, %parallel_loop3A_825 : vector<16xi32>
        %parallel_loop3A_827 = tpu.vector_load_idx %arg5[%parallel_loop3A_826] : memref<3392xf32, #tpu.memory_space<vmem>>[vector<16xi32>], vector<16xf32>,
        %parallel_loop3A_828 = arith.constant 16 : i32
        %parallel_loop3A_829 = arith.muli %parallel_loop3A_222, %parallel_loop3A_828 : i32
        %parallel_loop3A_830 = arith.constant 1 : i32
        %parallel_loop3A_831 = arith.constant 0 : i32
        %parallel_loop3A_832 = arith.constant 4 : i32
        %parallel_loop3A_833 = arith.constant 3 : i32
        %parallel_loop3A_834 = arith.index_cast %parallel_loop3A_830 : i32 to index
        %parallel_loop3A_835 = arith.index_cast %parallel_loop3A_831 : i32 to index
        %parallel_loop3A_836 = arith.index_cast %parallel_loop3A_832 : i32 to index
        %parallel_loop3A_837 = arith.index_cast %parallel_loop3A_206 : i32 to index
        %parallel_loop3A_838 = arith.index_cast %parallel_loop3A_833 : i32 to index
        %parallel_loop3A_839 = arith.index_cast %parallel_loop3A_829 : i32 to index
        %parallel_loop3A_840 = tpu.vector_load %arg7[%parallel_loop3A_834, %parallel_loop3A_835, %parallel_loop3A_836, %parallel_loop3A_837, %parallel_loop3A_838, %parallel_loop3A_839] {strides = array<i32>} : memref<2x1x8x4x8x128xf32, #tpu.memory_space<vmem>>, vector<16xf32>,
        tpu.vector_store %arg7[%parallel_loop3A_834, %parallel_loop3A_835, %parallel_loop3A_836, %parallel_loop3A_837, %parallel_loop3A_838, %parallel_loop3A_839], %parallel_loop3A_827 {strides = array<i32>} : memref<2x1x8x4x8x128xf32, #tpu.memory_space<vmem>>, vector<16xf32>,
        %parallel_loop3A_841 = arith.constant 1908 : i32
        %parallel_loop3A_842 = vector.broadcast %parallel_loop3A_841 : i32 to vector<16xi32>
        %parallel_loop3A_843 = arith.addi %parallel_loop3A_228, %parallel_loop3A_842 : vector<16xi32>
        %parallel_loop3A_844 = tpu.vector_load_idx %arg5[%parallel_loop3A_843] : memref<3392xf32, #tpu.memory_space<vmem>>[vector<16xi32>], vector<16xf32>,
        %parallel_loop3A_845 = arith.constant 16 : i32
        %parallel_loop3A_846 = arith.muli %parallel_loop3A_222, %parallel_loop3A_845 : i32
        %parallel_loop3A_847 = arith.constant 1 : i32
        %parallel_loop3A_848 = arith.constant 0 : i32
        %parallel_loop3A_849 = arith.constant 4 : i32
        %parallel_loop3A_850 = arith.constant 4 : i32
        %parallel_loop3A_851 = arith.index_cast %parallel_loop3A_847 : i32 to index
        %parallel_loop3A_852 = arith.index_cast %parallel_loop3A_848 : i32 to index
        %parallel_loop3A_853 = arith.index_cast %parallel_loop3A_849 : i32 to index
        %parallel_loop3A_854 = arith.index_cast %parallel_loop3A_206 : i32 to index
        %parallel_loop3A_855 = arith.index_cast %parallel_loop3A_850 : i32 to index
        %parallel_loop3A_856 = arith.index_cast %parallel_loop3A_846 : i32 to index
        %parallel_loop3A_857 = tpu.vector_load %arg7[%parallel_loop3A_851, %parallel_loop3A_852, %parallel_loop3A_853, %parallel_loop3A_854, %parallel_loop3A_855, %parallel_loop3A_856] {strides = array<i32>} : memref<2x1x8x4x8x128xf32, #tpu.memory_space<vmem>>, vector<16xf32>,
        tpu.vector_store %arg7[%parallel_loop3A_851, %parallel_loop3A_852, %parallel_loop3A_853, %parallel_loop3A_854, %parallel_loop3A_855, %parallel_loop3A_856], %parallel_loop3A_844 {strides = array<i32>} : memref<2x1x8x4x8x128xf32, #tpu.memory_space<vmem>>, vector<16xf32>,
        %parallel_loop3A_858 = arith.constant 1961 : i32
        %parallel_loop3A_859 = vector.broadcast %parallel_loop3A_858 : i32 to vector<16xi32>
        %parallel_loop3A_860 = arith.addi %parallel_loop3A_228, %parallel_loop3A_859 : vector<16xi32>
        %parallel_loop3A_861 = tpu.vector_load_idx %arg5[%parallel_loop3A_860] : memref<3392xf32, #tpu.memory_space<vmem>>[vector<16xi32>], vector<16xf32>,
        %parallel_loop3A_862 = arith.constant 16 : i32
        %parallel_loop3A_863 = arith.muli %parallel_loop3A_222, %parallel_loop3A_862 : i32
        %parallel_loop3A_864 = arith.constant 1 : i32
        %parallel_loop3A_865 = arith.constant 0 : i32
        %parallel_loop3A_866 = arith.constant 4 : i32
        %parallel_loop3A_867 = arith.constant 5 : i32
        %parallel_loop3A_868 = arith.index_cast %parallel_loop3A_864 : i32 to index
        %parallel_loop3A_869 = arith.index_cast %parallel_loop3A_865 : i32 to index
        %parallel_loop3A_870 = arith.index_cast %parallel_loop3A_866 : i32 to index
        %parallel_loop3A_871 = arith.index_cast %parallel_loop3A_206 : i32 to index
        %parallel_loop3A_872 = arith.index_cast %parallel_loop3A_867 : i32 to index
        %parallel_loop3A_873 = arith.index_cast %parallel_loop3A_863 : i32 to index
        %parallel_loop3A_874 = tpu.vector_load %arg7[%parallel_loop3A_868, %parallel_loop3A_869, %parallel_loop3A_870, %parallel_loop3A_871, %parallel_loop3A_872, %parallel_loop3A_873] {strides = array<i32>} : memref<2x1x8x4x8x128xf32, #tpu.memory_space<vmem>>, vector<16xf32>,
        tpu.vector_store %arg7[%parallel_loop3A_868, %parallel_loop3A_869, %parallel_loop3A_870, %parallel_loop3A_871, %parallel_loop3A_872, %parallel_loop3A_873], %parallel_loop3A_861 {strides = array<i32>} : memref<2x1x8x4x8x128xf32, #tpu.memory_space<vmem>>, vector<16xf32>,
        %parallel_loop3A_875 = arith.constant 2014 : i32
        %parallel_loop3A_876 = vector.broadcast %parallel_loop3A_875 : i32 to vector<16xi32>
        %parallel_loop3A_877 = arith.addi %parallel_loop3A_228, %parallel_loop3A_876 : vector<16xi32>
        %parallel_loop3A_878 = tpu.vector_load_idx %arg5[%parallel_loop3A_877] : memref<3392xf32, #tpu.memory_space<vmem>>[vector<16xi32>], vector<16xf32>,
        %parallel_loop3A_879 = arith.constant 16 : i32
        %parallel_loop3A_880 = arith.muli %parallel_loop3A_222, %parallel_loop3A_879 : i32
        %parallel_loop3A_881 = arith.constant 1 : i32
        %parallel_loop3A_882 = arith.constant 0 : i32
        %parallel_loop3A_883 = arith.constant 4 : i32
        %parallel_loop3A_884 = arith.constant 6 : i32
        %parallel_loop3A_885 = arith.index_cast %parallel_loop3A_881 : i32 to index
        %parallel_loop3A_886 = arith.index_cast %parallel_loop3A_882 : i32 to index
        %parallel_loop3A_887 = arith.index_cast %parallel_loop3A_883 : i32 to index
        %parallel_loop3A_888 = arith.index_cast %parallel_loop3A_206 : i32 to index
        %parallel_loop3A_889 = arith.index_cast %parallel_loop3A_884 : i32 to index
        %parallel_loop3A_890 = arith.index_cast %parallel_loop3A_880 : i32 to index
        %parallel_loop3A_891 = tpu.vector_load %arg7[%parallel_loop3A_885, %parallel_loop3A_886, %parallel_loop3A_887, %parallel_loop3A_888, %parallel_loop3A_889, %parallel_loop3A_890] {strides = array<i32>} : memref<2x1x8x4x8x128xf32, #tpu.memory_space<vmem>>, vector<16xf32>,
        tpu.vector_store %arg7[%parallel_loop3A_885, %parallel_loop3A_886, %parallel_loop3A_887, %parallel_loop3A_888, %parallel_loop3A_889, %parallel_loop3A_890], %parallel_loop3A_878 {strides = array<i32>} : memref<2x1x8x4x8x128xf32, #tpu.memory_space<vmem>>, vector<16xf32>,
        %parallel_loop3A_892 = arith.constant 2067 : i32
        %parallel_loop3A_893 = vector.broadcast %parallel_loop3A_892 : i32 to vector<16xi32>
        %parallel_loop3A_894 = arith.addi %parallel_loop3A_228, %parallel_loop3A_893 : vector<16xi32>
        %parallel_loop3A_895 = tpu.vector_load_idx %arg5[%parallel_loop3A_894] : memref<3392xf32, #tpu.memory_space<vmem>>[vector<16xi32>], vector<16xf32>,
        %parallel_loop3A_896 = arith.constant 16 : i32
        %parallel_loop3A_897 = arith.muli %parallel_loop3A_222, %parallel_loop3A_896 : i32
        %parallel_loop3A_898 = arith.constant 1 : i32
        %parallel_loop3A_899 = arith.constant 0 : i32
        %parallel_loop3A_900 = arith.constant 4 : i32
        %parallel_loop3A_901 = arith.constant 7 : i32
        %parallel_loop3A_902 = arith.index_cast %parallel_loop3A_898 : i32 to index
        %parallel_loop3A_903 = arith.index_cast %parallel_loop3A_899 : i32 to index
        %parallel_loop3A_904 = arith.index_cast %parallel_loop3A_900 : i32 to index
        %parallel_loop3A_905 = arith.index_cast %parallel_loop3A_206 : i32 to index
        %parallel_loop3A_906 = arith.index_cast %parallel_loop3A_901 : i32 to index
        %parallel_loop3A_907 = arith.index_cast %parallel_loop3A_897 : i32 to index
        %parallel_loop3A_908 = tpu.vector_load %arg7[%parallel_loop3A_902, %parallel_loop3A_903, %parallel_loop3A_904, %parallel_loop3A_905, %parallel_loop3A_906, %parallel_loop3A_907] {strides = array<i32>} : memref<2x1x8x4x8x128xf32, #tpu.memory_space<vmem>>, vector<16xf32>,
        tpu.vector_store %arg7[%parallel_loop3A_902, %parallel_loop3A_903, %parallel_loop3A_904, %parallel_loop3A_905, %parallel_loop3A_906, %parallel_loop3A_907], %parallel_loop3A_895 {strides = array<i32>} : memref<2x1x8x4x8x128xf32, #tpu.memory_space<vmem>>, vector<16xf32>,
        %parallel_loop3A_909 = arith.constant 2120 : i32
        %parallel_loop3A_910 = vector.broadcast %parallel_loop3A_909 : i32 to vector<16xi32>
        %parallel_loop3A_911 = arith.addi %parallel_loop3A_228, %parallel_loop3A_910 : vector<16xi32>
        %parallel_loop3A_912 = tpu.vector_load_idx %arg5[%parallel_loop3A_911] : memref<3392xf32, #tpu.memory_space<vmem>>[vector<16xi32>], vector<16xf32>,
        %parallel_loop3A_913 = arith.constant 16 : i32
        %parallel_loop3A_914 = arith.muli %parallel_loop3A_222, %parallel_loop3A_913 : i32
        %parallel_loop3A_915 = arith.constant 1 : i32
        %parallel_loop3A_916 = arith.constant 0 : i32
        %parallel_loop3A_917 = arith.constant 5 : i32
        %parallel_loop3A_918 = arith.constant 0 : i32
        %parallel_loop3A_919 = arith.index_cast %parallel_loop3A_915 : i32 to index
        %parallel_loop3A_920 = arith.index_cast %parallel_loop3A_916 : i32 to index
        %parallel_loop3A_921 = arith.index_cast %parallel_loop3A_917 : i32 to index
        %parallel_loop3A_922 = arith.index_cast %parallel_loop3A_206 : i32 to index
        %parallel_loop3A_923 = arith.index_cast %parallel_loop3A_918 : i32 to index
        %parallel_loop3A_924 = arith.index_cast %parallel_loop3A_914 : i32 to index
        %parallel_loop3A_925 = tpu.vector_load %arg7[%parallel_loop3A_919, %parallel_loop3A_920, %parallel_loop3A_921, %parallel_loop3A_922, %parallel_loop3A_923, %parallel_loop3A_924] {strides = array<i32>} : memref<2x1x8x4x8x128xf32, #tpu.memory_space<vmem>>, vector<16xf32>,
        tpu.vector_store %arg7[%parallel_loop3A_919, %parallel_loop3A_920, %parallel_loop3A_921, %parallel_loop3A_922, %parallel_loop3A_923, %parallel_loop3A_924], %parallel_loop3A_912 {strides = array<i32>} : memref<2x1x8x4x8x128xf32, #tpu.memory_space<vmem>>, vector<16xf32>,
        %parallel_loop3A_926 = arith.constant 2173 : i32
        %parallel_loop3A_927 = vector.broadcast %parallel_loop3A_926 : i32 to vector<16xi32>
        %parallel_loop3A_928 = arith.addi %parallel_loop3A_228, %parallel_loop3A_927 : vector<16xi32>
        %parallel_loop3A_929 = tpu.vector_load_idx %arg5[%parallel_loop3A_928] : memref<3392xf32, #tpu.memory_space<vmem>>[vector<16xi32>], vector<16xf32>,
        %parallel_loop3A_930 = arith.constant 16 : i32
        %parallel_loop3A_931 = arith.muli %parallel_loop3A_222, %parallel_loop3A_930 : i32
        %parallel_loop3A_932 = arith.constant 1 : i32
        %parallel_loop3A_933 = arith.constant 0 : i32
        %parallel_loop3A_934 = arith.constant 5 : i32
        %parallel_loop3A_935 = arith.constant 1 : i32
        %parallel_loop3A_936 = arith.index_cast %parallel_loop3A_932 : i32 to index
        %parallel_loop3A_937 = arith.index_cast %parallel_loop3A_933 : i32 to index
        %parallel_loop3A_938 = arith.index_cast %parallel_loop3A_934 : i32 to index
        %parallel_loop3A_939 = arith.index_cast %parallel_loop3A_206 : i32 to index
        %parallel_loop3A_940 = arith.index_cast %parallel_loop3A_935 : i32 to index
        %parallel_loop3A_941 = arith.index_cast %parallel_loop3A_931 : i32 to index
        %parallel_loop3A_942 = tpu.vector_load %arg7[%parallel_loop3A_936, %parallel_loop3A_937, %parallel_loop3A_938, %parallel_loop3A_939, %parallel_loop3A_940, %parallel_loop3A_941] {strides = array<i32>} : memref<2x1x8x4x8x128xf32, #tpu.memory_space<vmem>>, vector<16xf32>,
        tpu.vector_store %arg7[%parallel_loop3A_936, %parallel_loop3A_937, %parallel_loop3A_938, %parallel_loop3A_939, %parallel_loop3A_940, %parallel_loop3A_941], %parallel_loop3A_929 {strides = array<i32>} : memref<2x1x8x4x8x128xf32, #tpu.memory_space<vmem>>, vector<16xf32>,
        %parallel_loop3A_943 = arith.constant 2226 : i32
        %parallel_loop3A_944 = vector.broadcast %parallel_loop3A_943 : i32 to vector<16xi32>
        %parallel_loop3A_945 = arith.addi %parallel_loop3A_228, %parallel_loop3A_944 : vector<16xi32>
        %parallel_loop3A_946 = tpu.vector_load_idx %arg5[%parallel_loop3A_945] : memref<3392xf32, #tpu.memory_space<vmem>>[vector<16xi32>], vector<16xf32>,
        %parallel_loop3A_947 = arith.constant 16 : i32
        %parallel_loop3A_948 = arith.muli %parallel_loop3A_222, %parallel_loop3A_947 : i32
        %parallel_loop3A_949 = arith.constant 1 : i32
        %parallel_loop3A_950 = arith.constant 0 : i32
        %parallel_loop3A_951 = arith.constant 5 : i32
        %parallel_loop3A_952 = arith.constant 2 : i32
        %parallel_loop3A_953 = arith.index_cast %parallel_loop3A_949 : i32 to index
        %parallel_loop3A_954 = arith.index_cast %parallel_loop3A_950 : i32 to index
        %parallel_loop3A_955 = arith.index_cast %parallel_loop3A_951 : i32 to index
        %parallel_loop3A_956 = arith.index_cast %parallel_loop3A_206 : i32 to index
        %parallel_loop3A_957 = arith.index_cast %parallel_loop3A_952 : i32 to index
        %parallel_loop3A_958 = arith.index_cast %parallel_loop3A_948 : i32 to index
        %parallel_loop3A_959 = tpu.vector_load %arg7[%parallel_loop3A_953, %parallel_loop3A_954, %parallel_loop3A_955, %parallel_loop3A_956, %parallel_loop3A_957, %parallel_loop3A_958] {strides = array<i32>} : memref<2x1x8x4x8x128xf32, #tpu.memory_space<vmem>>, vector<16xf32>,
        tpu.vector_store %arg7[%parallel_loop3A_953, %parallel_loop3A_954, %parallel_loop3A_955, %parallel_loop3A_956, %parallel_loop3A_957, %parallel_loop3A_958], %parallel_loop3A_946 {strides = array<i32>} : memref<2x1x8x4x8x128xf32, #tpu.memory_space<vmem>>, vector<16xf32>,
        %parallel_loop3A_960 = arith.constant 2279 : i32
        %parallel_loop3A_961 = vector.broadcast %parallel_loop3A_960 : i32 to vector<16xi32>
        %parallel_loop3A_962 = arith.addi %parallel_loop3A_228, %parallel_loop3A_961 : vector<16xi32>
        %parallel_loop3A_963 = tpu.vector_load_idx %arg5[%parallel_loop3A_962] : memref<3392xf32, #tpu.memory_space<vmem>>[vector<16xi32>], vector<16xf32>,
        %parallel_loop3A_964 = arith.constant 16 : i32
        %parallel_loop3A_965 = arith.muli %parallel_loop3A_222, %parallel_loop3A_964 : i32
        %parallel_loop3A_966 = arith.constant 1 : i32
        %parallel_loop3A_967 = arith.constant 0 : i32
        %parallel_loop3A_968 = arith.constant 5 : i32
        %parallel_loop3A_969 = arith.constant 3 : i32
        %parallel_loop3A_970 = arith.index_cast %parallel_loop3A_966 : i32 to index
        %parallel_loop3A_971 = arith.index_cast %parallel_loop3A_967 : i32 to index
        %parallel_loop3A_972 = arith.index_cast %parallel_loop3A_968 : i32 to index
        %parallel_loop3A_973 = arith.index_cast %parallel_loop3A_206 : i32 to index
        %parallel_loop3A_974 = arith.index_cast %parallel_loop3A_969 : i32 to index
        %parallel_loop3A_975 = arith.index_cast %parallel_loop3A_965 : i32 to index
        %parallel_loop3A_976 = tpu.vector_load %arg7[%parallel_loop3A_970, %parallel_loop3A_971, %parallel_loop3A_972, %parallel_loop3A_973, %parallel_loop3A_974, %parallel_loop3A_975] {strides = array<i32>} : memref<2x1x8x4x8x128xf32, #tpu.memory_space<vmem>>, vector<16xf32>,
        tpu.vector_store %arg7[%parallel_loop3A_970, %parallel_loop3A_971, %parallel_loop3A_972, %parallel_loop3A_973, %parallel_loop3A_974, %parallel_loop3A_975], %parallel_loop3A_963 {strides = array<i32>} : memref<2x1x8x4x8x128xf32, #tpu.memory_space<vmem>>, vector<16xf32>,
        %parallel_loop3A_977 = arith.constant 2332 : i32
        %parallel_loop3A_978 = vector.broadcast %parallel_loop3A_977 : i32 to vector<16xi32>
        %parallel_loop3A_979 = arith.addi %parallel_loop3A_228, %parallel_loop3A_978 : vector<16xi32>
        %parallel_loop3A_980 = tpu.vector_load_idx %arg5[%parallel_loop3A_979] : memref<3392xf32, #tpu.memory_space<vmem>>[vector<16xi32>], vector<16xf32>,
        %parallel_loop3A_981 = arith.constant 16 : i32
        %parallel_loop3A_982 = arith.muli %parallel_loop3A_222, %parallel_loop3A_981 : i32
        %parallel_loop3A_983 = arith.constant 1 : i32
        %parallel_loop3A_984 = arith.constant 0 : i32
        %parallel_loop3A_985 = arith.constant 5 : i32
        %parallel_loop3A_986 = arith.constant 4 : i32
        %parallel_loop3A_987 = arith.index_cast %parallel_loop3A_983 : i32 to index
        %parallel_loop3A_988 = arith.index_cast %parallel_loop3A_984 : i32 to index
        %parallel_loop3A_989 = arith.index_cast %parallel_loop3A_985 : i32 to index
        %parallel_loop3A_990 = arith.index_cast %parallel_loop3A_206 : i32 to index
        %parallel_loop3A_991 = arith.index_cast %parallel_loop3A_986 : i32 to index
        %parallel_loop3A_992 = arith.index_cast %parallel_loop3A_982 : i32 to index
        %parallel_loop3A_993 = tpu.vector_load %arg7[%parallel_loop3A_987, %parallel_loop3A_988, %parallel_loop3A_989, %parallel_loop3A_990, %parallel_loop3A_991, %parallel_loop3A_992] {strides = array<i32>} : memref<2x1x8x4x8x128xf32, #tpu.memory_space<vmem>>, vector<16xf32>,
        tpu.vector_store %arg7[%parallel_loop3A_987, %parallel_loop3A_988, %parallel_loop3A_989, %parallel_loop3A_990, %parallel_loop3A_991, %parallel_loop3A_992], %parallel_loop3A_980 {strides = array<i32>} : memref<2x1x8x4x8x128xf32, #tpu.memory_space<vmem>>, vector<16xf32>,
        %parallel_loop3A_994 = arith.constant 2385 : i32
        %parallel_loop3A_995 = vector.broadcast %parallel_loop3A_994 : i32 to vector<16xi32>
        %parallel_loop3A_996 = arith.addi %parallel_loop3A_228, %parallel_loop3A_995 : vector<16xi32>
        %parallel_loop3A_997 = tpu.vector_load_idx %arg5[%parallel_loop3A_996] : memref<3392xf32, #tpu.memory_space<vmem>>[vector<16xi32>], vector<16xf32>,
        %parallel_loop3A_998 = arith.constant 16 : i32
        %parallel_loop3A_999 = arith.muli %parallel_loop3A_222, %parallel_loop3A_998 : i32
        %parallel_loop3A_1000 = arith.constant 1 : i32
        %parallel_loop3A_1001 = arith.constant 0 : i32
        %parallel_loop3A_1002 = arith.constant 5 : i32
        %parallel_loop3A_1003 = arith.constant 5 : i32
        %parallel_loop3A_1004 = arith.index_cast %parallel_loop3A_1000 : i32 to index
        %parallel_loop3A_1005 = arith.index_cast %parallel_loop3A_1001 : i32 to index
        %parallel_loop3A_1006 = arith.index_cast %parallel_loop3A_1002 : i32 to index
        %parallel_loop3A_1007 = arith.index_cast %parallel_loop3A_206 : i32 to index
        %parallel_loop3A_1008 = arith.index_cast %parallel_loop3A_1003 : i32 to index
        %parallel_loop3A_1009 = arith.index_cast %parallel_loop3A_999 : i32 to index
        %parallel_loop3A_1010 = tpu.vector_load %arg7[%parallel_loop3A_1004, %parallel_loop3A_1005, %parallel_loop3A_1006, %parallel_loop3A_1007, %parallel_loop3A_1008, %parallel_loop3A_1009] {strides = array<i32>} : memref<2x1x8x4x8x128xf32, #tpu.memory_space<vmem>>, vector<16xf32>,
        tpu.vector_store %arg7[%parallel_loop3A_1004, %parallel_loop3A_1005, %parallel_loop3A_1006, %parallel_loop3A_1007, %parallel_loop3A_1008, %parallel_loop3A_1009], %parallel_loop3A_997 {strides = array<i32>} : memref<2x1x8x4x8x128xf32, #tpu.memory_space<vmem>>, vector<16xf32>,
        %parallel_loop3A_1011 = arith.constant 2438 : i32
        %parallel_loop3A_1012 = vector.broadcast %parallel_loop3A_1011 : i32 to vector<16xi32>
        %parallel_loop3A_1013 = arith.addi %parallel_loop3A_228, %parallel_loop3A_1012 : vector<16xi32>
        %parallel_loop3A_1014 = tpu.vector_load_idx %arg5[%parallel_loop3A_1013] : memref<3392xf32, #tpu.memory_space<vmem>>[vector<16xi32>], vector<16xf32>,
        %parallel_loop3A_1015 = arith.constant 16 : i32
        %parallel_loop3A_1016 = arith.muli %parallel_loop3A_222, %parallel_loop3A_1015 : i32
        %parallel_loop3A_1017 = arith.constant 1 : i32
        %parallel_loop3A_1018 = arith.constant 0 : i32
        %parallel_loop3A_1019 = arith.constant 5 : i32
        %parallel_loop3A_1020 = arith.constant 6 : i32
        %parallel_loop3A_1021 = arith.index_cast %parallel_loop3A_1017 : i32 to index
        %parallel_loop3A_1022 = arith.index_cast %parallel_loop3A_1018 : i32 to index
        %parallel_loop3A_1023 = arith.index_cast %parallel_loop3A_1019 : i32 to index
        %parallel_loop3A_1024 = arith.index_cast %parallel_loop3A_206 : i32 to index
        %parallel_loop3A_1025 = arith.index_cast %parallel_loop3A_1020 : i32 to index
        %parallel_loop3A_1026 = arith.index_cast %parallel_loop3A_1016 : i32 to index
        %parallel_loop3A_1027 = tpu.vector_load %arg7[%parallel_loop3A_1021, %parallel_loop3A_1022, %parallel_loop3A_1023, %parallel_loop3A_1024, %parallel_loop3A_1025, %parallel_loop3A_1026] {strides = array<i32>} : memref<2x1x8x4x8x128xf32, #tpu.memory_space<vmem>>, vector<16xf32>,
        tpu.vector_store %arg7[%parallel_loop3A_1021, %parallel_loop3A_1022, %parallel_loop3A_1023, %parallel_loop3A_1024, %parallel_loop3A_1025, %parallel_loop3A_1026], %parallel_loop3A_1014 {strides = array<i32>} : memref<2x1x8x4x8x128xf32, #tpu.memory_space<vmem>>, vector<16xf32>,
        %parallel_loop3A_1028 = arith.constant 2491 : i32
        %parallel_loop3A_1029 = vector.broadcast %parallel_loop3A_1028 : i32 to vector<16xi32>
        %parallel_loop3A_1030 = arith.addi %parallel_loop3A_228, %parallel_loop3A_1029 : vector<16xi32>
        %parallel_loop3A_1031 = tpu.vector_load_idx %arg5[%parallel_loop3A_1030] : memref<3392xf32, #tpu.memory_space<vmem>>[vector<16xi32>], vector<16xf32>,
        %parallel_loop3A_1032 = arith.constant 16 : i32
        %parallel_loop3A_1033 = arith.muli %parallel_loop3A_222, %parallel_loop3A_1032 : i32
        %parallel_loop3A_1034 = arith.constant 1 : i32
        %parallel_loop3A_1035 = arith.constant 0 : i32
        %parallel_loop3A_1036 = arith.constant 5 : i32
        %parallel_loop3A_1037 = arith.constant 7 : i32
        %parallel_loop3A_1038 = arith.index_cast %parallel_loop3A_1034 : i32 to index
        %parallel_loop3A_1039 = arith.index_cast %parallel_loop3A_1035 : i32 to index
        %parallel_loop3A_1040 = arith.index_cast %parallel_loop3A_1036 : i32 to index
        %parallel_loop3A_1041 = arith.index_cast %parallel_loop3A_206 : i32 to index
        %parallel_loop3A_1042 = arith.index_cast %parallel_loop3A_1037 : i32 to index
        %parallel_loop3A_1043 = arith.index_cast %parallel_loop3A_1033 : i32 to index
        %parallel_loop3A_1044 = tpu.vector_load %arg7[%parallel_loop3A_1038, %parallel_loop3A_1039, %parallel_loop3A_1040, %parallel_loop3A_1041, %parallel_loop3A_1042, %parallel_loop3A_1043] {strides = array<i32>} : memref<2x1x8x4x8x128xf32, #tpu.memory_space<vmem>>, vector<16xf32>,
        tpu.vector_store %arg7[%parallel_loop3A_1038, %parallel_loop3A_1039, %parallel_loop3A_1040, %parallel_loop3A_1041, %parallel_loop3A_1042, %parallel_loop3A_1043], %parallel_loop3A_1031 {strides = array<i32>} : memref<2x1x8x4x8x128xf32, #tpu.memory_space<vmem>>, vector<16xf32>,
        %parallel_loop3A_1045 = arith.constant 2544 : i32
        %parallel_loop3A_1046 = vector.broadcast %parallel_loop3A_1045 : i32 to vector<16xi32>
        %parallel_loop3A_1047 = arith.addi %parallel_loop3A_228, %parallel_loop3A_1046 : vector<16xi32>
        %parallel_loop3A_1048 = tpu.vector_load_idx %arg5[%parallel_loop3A_1047] : memref<3392xf32, #tpu.memory_space<vmem>>[vector<16xi32>], vector<16xf32>,
        %parallel_loop3A_1049 = arith.constant 16 : i32
        %parallel_loop3A_1050 = arith.muli %parallel_loop3A_222, %parallel_loop3A_1049 : i32
        %parallel_loop3A_1051 = arith.constant 1 : i32
        %parallel_loop3A_1052 = arith.constant 0 : i32
        %parallel_loop3A_1053 = arith.constant 6 : i32
        %parallel_loop3A_1054 = arith.constant 0 : i32
        %parallel_loop3A_1055 = arith.index_cast %parallel_loop3A_1051 : i32 to index
        %parallel_loop3A_1056 = arith.index_cast %parallel_loop3A_1052 : i32 to index
        %parallel_loop3A_1057 = arith.index_cast %parallel_loop3A_1053 : i32 to index
        %parallel_loop3A_1058 = arith.index_cast %parallel_loop3A_206 : i32 to index
        %parallel_loop3A_1059 = arith.index_cast %parallel_loop3A_1054 : i32 to index
        %parallel_loop3A_1060 = arith.index_cast %parallel_loop3A_1050 : i32 to index
        %parallel_loop3A_1061 = tpu.vector_load %arg7[%parallel_loop3A_1055, %parallel_loop3A_1056, %parallel_loop3A_1057, %parallel_loop3A_1058, %parallel_loop3A_1059, %parallel_loop3A_1060] {strides = array<i32>} : memref<2x1x8x4x8x128xf32, #tpu.memory_space<vmem>>, vector<16xf32>,
        tpu.vector_store %arg7[%parallel_loop3A_1055, %parallel_loop3A_1056, %parallel_loop3A_1057, %parallel_loop3A_1058, %parallel_loop3A_1059, %parallel_loop3A_1060], %parallel_loop3A_1048 {strides = array<i32>} : memref<2x1x8x4x8x128xf32, #tpu.memory_space<vmem>>, vector<16xf32>,
        %parallel_loop3A_1062 = arith.constant 2597 : i32
        %parallel_loop3A_1063 = vector.broadcast %parallel_loop3A_1062 : i32 to vector<16xi32>
        %parallel_loop3A_1064 = arith.addi %parallel_loop3A_228, %parallel_loop3A_1063 : vector<16xi32>
        %parallel_loop3A_1065 = tpu.vector_load_idx %arg5[%parallel_loop3A_1064] : memref<3392xf32, #tpu.memory_space<vmem>>[vector<16xi32>], vector<16xf32>,
        %parallel_loop3A_1066 = arith.constant 16 : i32
        %parallel_loop3A_1067 = arith.muli %parallel_loop3A_222, %parallel_loop3A_1066 : i32
        %parallel_loop3A_1068 = arith.constant 1 : i32
        %parallel_loop3A_1069 = arith.constant 0 : i32
        %parallel_loop3A_1070 = arith.constant 6 : i32
        %parallel_loop3A_1071 = arith.constant 1 : i32
        %parallel_loop3A_1072 = arith.index_cast %parallel_loop3A_1068 : i32 to index
        %parallel_loop3A_1073 = arith.index_cast %parallel_loop3A_1069 : i32 to index
        %parallel_loop3A_1074 = arith.index_cast %parallel_loop3A_1070 : i32 to index
        %parallel_loop3A_1075 = arith.index_cast %parallel_loop3A_206 : i32 to index
        %parallel_loop3A_1076 = arith.index_cast %parallel_loop3A_1071 : i32 to index
        %parallel_loop3A_1077 = arith.index_cast %parallel_loop3A_1067 : i32 to index
        %parallel_loop3A_1078 = tpu.vector_load %arg7[%parallel_loop3A_1072, %parallel_loop3A_1073, %parallel_loop3A_1074, %parallel_loop3A_1075, %parallel_loop3A_1076, %parallel_loop3A_1077] {strides = array<i32>} : memref<2x1x8x4x8x128xf32, #tpu.memory_space<vmem>>, vector<16xf32>,
        tpu.vector_store %arg7[%parallel_loop3A_1072, %parallel_loop3A_1073, %parallel_loop3A_1074, %parallel_loop3A_1075, %parallel_loop3A_1076, %parallel_loop3A_1077], %parallel_loop3A_1065 {strides = array<i32>} : memref<2x1x8x4x8x128xf32, #tpu.memory_space<vmem>>, vector<16xf32>,
        %parallel_loop3A_1079 = arith.constant 2650 : i32
        %parallel_loop3A_1080 = vector.broadcast %parallel_loop3A_1079 : i32 to vector<16xi32>
        %parallel_loop3A_1081 = arith.addi %parallel_loop3A_228, %parallel_loop3A_1080 : vector<16xi32>
        %parallel_loop3A_1082 = tpu.vector_load_idx %arg5[%parallel_loop3A_1081] : memref<3392xf32, #tpu.memory_space<vmem>>[vector<16xi32>], vector<16xf32>,
        %parallel_loop3A_1083 = arith.constant 16 : i32
        %parallel_loop3A_1084 = arith.muli %parallel_loop3A_222, %parallel_loop3A_1083 : i32
        %parallel_loop3A_1085 = arith.constant 1 : i32
        %parallel_loop3A_1086 = arith.constant 0 : i32
        %parallel_loop3A_1087 = arith.constant 6 : i32
        %parallel_loop3A_1088 = arith.constant 2 : i32
        %parallel_loop3A_1089 = arith.index_cast %parallel_loop3A_1085 : i32 to index
        %parallel_loop3A_1090 = arith.index_cast %parallel_loop3A_1086 : i32 to index
        %parallel_loop3A_1091 = arith.index_cast %parallel_loop3A_1087 : i32 to index
        %parallel_loop3A_1092 = arith.index_cast %parallel_loop3A_206 : i32 to index
        %parallel_loop3A_1093 = arith.index_cast %parallel_loop3A_1088 : i32 to index
        %parallel_loop3A_1094 = arith.index_cast %parallel_loop3A_1084 : i32 to index
        %parallel_loop3A_1095 = tpu.vector_load %arg7[%parallel_loop3A_1089, %parallel_loop3A_1090, %parallel_loop3A_1091, %parallel_loop3A_1092, %parallel_loop3A_1093, %parallel_loop3A_1094] {strides = array<i32>} : memref<2x1x8x4x8x128xf32, #tpu.memory_space<vmem>>, vector<16xf32>,
        tpu.vector_store %arg7[%parallel_loop3A_1089, %parallel_loop3A_1090, %parallel_loop3A_1091, %parallel_loop3A_1092, %parallel_loop3A_1093, %parallel_loop3A_1094], %parallel_loop3A_1082 {strides = array<i32>} : memref<2x1x8x4x8x128xf32, #tpu.memory_space<vmem>>, vector<16xf32>,
        %parallel_loop3A_1096 = arith.constant 2703 : i32
        %parallel_loop3A_1097 = vector.broadcast %parallel_loop3A_1096 : i32 to vector<16xi32>
        %parallel_loop3A_1098 = arith.addi %parallel_loop3A_228, %parallel_loop3A_1097 : vector<16xi32>
        %parallel_loop3A_1099 = tpu.vector_load_idx %arg5[%parallel_loop3A_1098] : memref<3392xf32, #tpu.memory_space<vmem>>[vector<16xi32>], vector<16xf32>,
        %parallel_loop3A_1100 = arith.constant 16 : i32
        %parallel_loop3A_1101 = arith.muli %parallel_loop3A_222, %parallel_loop3A_1100 : i32
        %parallel_loop3A_1102 = arith.constant 1 : i32
        %parallel_loop3A_1103 = arith.constant 0 : i32
        %parallel_loop3A_1104 = arith.constant 6 : i32
        %parallel_loop3A_1105 = arith.constant 3 : i32
        %parallel_loop3A_1106 = arith.index_cast %parallel_loop3A_1102 : i32 to index
        %parallel_loop3A_1107 = arith.index_cast %parallel_loop3A_1103 : i32 to index
        %parallel_loop3A_1108 = arith.index_cast %parallel_loop3A_1104 : i32 to index
        %parallel_loop3A_1109 = arith.index_cast %parallel_loop3A_206 : i32 to index
        %parallel_loop3A_1110 = arith.index_cast %parallel_loop3A_1105 : i32 to index
        %parallel_loop3A_1111 = arith.index_cast %parallel_loop3A_1101 : i32 to index
        %parallel_loop3A_1112 = tpu.vector_load %arg7[%parallel_loop3A_1106, %parallel_loop3A_1107, %parallel_loop3A_1108, %parallel_loop3A_1109, %parallel_loop3A_1110, %parallel_loop3A_1111] {strides = array<i32>} : memref<2x1x8x4x8x128xf32, #tpu.memory_space<vmem>>, vector<16xf32>,
        tpu.vector_store %arg7[%parallel_loop3A_1106, %parallel_loop3A_1107, %parallel_loop3A_1108, %parallel_loop3A_1109, %parallel_loop3A_1110, %parallel_loop3A_1111], %parallel_loop3A_1099 {strides = array<i32>} : memref<2x1x8x4x8x128xf32, #tpu.memory_space<vmem>>, vector<16xf32>,
        %parallel_loop3A_1113 = arith.constant 2756 : i32
        %parallel_loop3A_1114 = vector.broadcast %parallel_loop3A_1113 : i32 to vector<16xi32>
        %parallel_loop3A_1115 = arith.addi %parallel_loop3A_228, %parallel_loop3A_1114 : vector<16xi32>
        %parallel_loop3A_1116 = tpu.vector_load_idx %arg5[%parallel_loop3A_1115] : memref<3392xf32, #tpu.memory_space<vmem>>[vector<16xi32>], vector<16xf32>,
        %parallel_loop3A_1117 = arith.constant 16 : i32
        %parallel_loop3A_1118 = arith.muli %parallel_loop3A_222, %parallel_loop3A_1117 : i32
        %parallel_loop3A_1119 = arith.constant 1 : i32
        %parallel_loop3A_1120 = arith.constant 0 : i32
        %parallel_loop3A_1121 = arith.constant 6 : i32
        %parallel_loop3A_1122 = arith.constant 4 : i32
        %parallel_loop3A_1123 = arith.index_cast %parallel_loop3A_1119 : i32 to index
        %parallel_loop3A_1124 = arith.index_cast %parallel_loop3A_1120 : i32 to index
        %parallel_loop3A_1125 = arith.index_cast %parallel_loop3A_1121 : i32 to index
        %parallel_loop3A_1126 = arith.index_cast %parallel_loop3A_206 : i32 to index
        %parallel_loop3A_1127 = arith.index_cast %parallel_loop3A_1122 : i32 to index
        %parallel_loop3A_1128 = arith.index_cast %parallel_loop3A_1118 : i32 to index
        %parallel_loop3A_1129 = tpu.vector_load %arg7[%parallel_loop3A_1123, %parallel_loop3A_1124, %parallel_loop3A_1125, %parallel_loop3A_1126, %parallel_loop3A_1127, %parallel_loop3A_1128] {strides = array<i32>} : memref<2x1x8x4x8x128xf32, #tpu.memory_space<vmem>>, vector<16xf32>,
        tpu.vector_store %arg7[%parallel_loop3A_1123, %parallel_loop3A_1124, %parallel_loop3A_1125, %parallel_loop3A_1126, %parallel_loop3A_1127, %parallel_loop3A_1128], %parallel_loop3A_1116 {strides = array<i32>} : memref<2x1x8x4x8x128xf32, #tpu.memory_space<vmem>>, vector<16xf32>,
        %parallel_loop3A_1130 = arith.constant 2809 : i32
        %parallel_loop3A_1131 = vector.broadcast %parallel_loop3A_1130 : i32 to vector<16xi32>
        %parallel_loop3A_1132 = arith.addi %parallel_loop3A_228, %parallel_loop3A_1131 : vector<16xi32>
        %parallel_loop3A_1133 = tpu.vector_load_idx %arg5[%parallel_loop3A_1132] : memref<3392xf32, #tpu.memory_space<vmem>>[vector<16xi32>], vector<16xf32>,
        %parallel_loop3A_1134 = arith.constant 16 : i32
        %parallel_loop3A_1135 = arith.muli %parallel_loop3A_222, %parallel_loop3A_1134 : i32
        %parallel_loop3A_1136 = arith.constant 1 : i32
        %parallel_loop3A_1137 = arith.constant 0 : i32
        %parallel_loop3A_1138 = arith.constant 6 : i32
        %parallel_loop3A_1139 = arith.constant 5 : i32
        %parallel_loop3A_1140 = arith.index_cast %parallel_loop3A_1136 : i32 to index
        %parallel_loop3A_1141 = arith.index_cast %parallel_loop3A_1137 : i32 to index
        %parallel_loop3A_1142 = arith.index_cast %parallel_loop3A_1138 : i32 to index
        %parallel_loop3A_1143 = arith.index_cast %parallel_loop3A_206 : i32 to index
        %parallel_loop3A_1144 = arith.index_cast %parallel_loop3A_1139 : i32 to index
        %parallel_loop3A_1145 = arith.index_cast %parallel_loop3A_1135 : i32 to index
        %parallel_loop3A_1146 = tpu.vector_load %arg7[%parallel_loop3A_1140, %parallel_loop3A_1141, %parallel_loop3A_1142, %parallel_loop3A_1143, %parallel_loop3A_1144, %parallel_loop3A_1145] {strides = array<i32>} : memref<2x1x8x4x8x128xf32, #tpu.memory_space<vmem>>, vector<16xf32>,
        tpu.vector_store %arg7[%parallel_loop3A_1140, %parallel_loop3A_1141, %parallel_loop3A_1142, %parallel_loop3A_1143, %parallel_loop3A_1144, %parallel_loop3A_1145], %parallel_loop3A_1133 {strides = array<i32>} : memref<2x1x8x4x8x128xf32, #tpu.memory_space<vmem>>, vector<16xf32>,
        %parallel_loop3A_1147 = arith.constant 2862 : i32
        %parallel_loop3A_1148 = vector.broadcast %parallel_loop3A_1147 : i32 to vector<16xi32>
        %parallel_loop3A_1149 = arith.addi %parallel_loop3A_228, %parallel_loop3A_1148 : vector<16xi32>
        %parallel_loop3A_1150 = tpu.vector_load_idx %arg5[%parallel_loop3A_1149] : memref<3392xf32, #tpu.memory_space<vmem>>[vector<16xi32>], vector<16xf32>,
        %parallel_loop3A_1151 = arith.constant 16 : i32
        %parallel_loop3A_1152 = arith.muli %parallel_loop3A_222, %parallel_loop3A_1151 : i32
        %parallel_loop3A_1153 = arith.constant 1 : i32
        %parallel_loop3A_1154 = arith.constant 0 : i32
        %parallel_loop3A_1155 = arith.constant 6 : i32
        %parallel_loop3A_1156 = arith.constant 6 : i32
        %parallel_loop3A_1157 = arith.index_cast %parallel_loop3A_1153 : i32 to index
        %parallel_loop3A_1158 = arith.index_cast %parallel_loop3A_1154 : i32 to index
        %parallel_loop3A_1159 = arith.index_cast %parallel_loop3A_1155 : i32 to index
        %parallel_loop3A_1160 = arith.index_cast %parallel_loop3A_206 : i32 to index
        %parallel_loop3A_1161 = arith.index_cast %parallel_loop3A_1156 : i32 to index
        %parallel_loop3A_1162 = arith.index_cast %parallel_loop3A_1152 : i32 to index
        %parallel_loop3A_1163 = tpu.vector_load %arg7[%parallel_loop3A_1157, %parallel_loop3A_1158, %parallel_loop3A_1159, %parallel_loop3A_1160, %parallel_loop3A_1161, %parallel_loop3A_1162] {strides = array<i32>} : memref<2x1x8x4x8x128xf32, #tpu.memory_space<vmem>>, vector<16xf32>,
        tpu.vector_store %arg7[%parallel_loop3A_1157, %parallel_loop3A_1158, %parallel_loop3A_1159, %parallel_loop3A_1160, %parallel_loop3A_1161, %parallel_loop3A_1162], %parallel_loop3A_1150 {strides = array<i32>} : memref<2x1x8x4x8x128xf32, #tpu.memory_space<vmem>>, vector<16xf32>,
        %parallel_loop3A_1164 = arith.constant 2915 : i32
        %parallel_loop3A_1165 = vector.broadcast %parallel_loop3A_1164 : i32 to vector<16xi32>
        %parallel_loop3A_1166 = arith.addi %parallel_loop3A_228, %parallel_loop3A_1165 : vector<16xi32>
        %parallel_loop3A_1167 = tpu.vector_load_idx %arg5[%parallel_loop3A_1166] : memref<3392xf32, #tpu.memory_space<vmem>>[vector<16xi32>], vector<16xf32>,
        %parallel_loop3A_1168 = arith.constant 16 : i32
        %parallel_loop3A_1169 = arith.muli %parallel_loop3A_222, %parallel_loop3A_1168 : i32
        %parallel_loop3A_1170 = arith.constant 1 : i32
        %parallel_loop3A_1171 = arith.constant 0 : i32
        %parallel_loop3A_1172 = arith.constant 6 : i32
        %parallel_loop3A_1173 = arith.constant 7 : i32
        %parallel_loop3A_1174 = arith.index_cast %parallel_loop3A_1170 : i32 to index
        %parallel_loop3A_1175 = arith.index_cast %parallel_loop3A_1171 : i32 to index
        %parallel_loop3A_1176 = arith.index_cast %parallel_loop3A_1172 : i32 to index
        %parallel_loop3A_1177 = arith.index_cast %parallel_loop3A_206 : i32 to index
        %parallel_loop3A_1178 = arith.index_cast %parallel_loop3A_1173 : i32 to index
        %parallel_loop3A_1179 = arith.index_cast %parallel_loop3A_1169 : i32 to index
        %parallel_loop3A_1180 = tpu.vector_load %arg7[%parallel_loop3A_1174, %parallel_loop3A_1175, %parallel_loop3A_1176, %parallel_loop3A_1177, %parallel_loop3A_1178, %parallel_loop3A_1179] {strides = array<i32>} : memref<2x1x8x4x8x128xf32, #tpu.memory_space<vmem>>, vector<16xf32>,
        tpu.vector_store %arg7[%parallel_loop3A_1174, %parallel_loop3A_1175, %parallel_loop3A_1176, %parallel_loop3A_1177, %parallel_loop3A_1178, %parallel_loop3A_1179], %parallel_loop3A_1167 {strides = array<i32>} : memref<2x1x8x4x8x128xf32, #tpu.memory_space<vmem>>, vector<16xf32>,
        %parallel_loop3A_1181 = arith.constant 2968 : i32
        %parallel_loop3A_1182 = vector.broadcast %parallel_loop3A_1181 : i32 to vector<16xi32>
        %parallel_loop3A_1183 = arith.addi %parallel_loop3A_228, %parallel_loop3A_1182 : vector<16xi32>
        %parallel_loop3A_1184 = tpu.vector_load_idx %arg5[%parallel_loop3A_1183] : memref<3392xf32, #tpu.memory_space<vmem>>[vector<16xi32>], vector<16xf32>,
        %parallel_loop3A_1185 = arith.constant 16 : i32
        %parallel_loop3A_1186 = arith.muli %parallel_loop3A_222, %parallel_loop3A_1185 : i32
        %parallel_loop3A_1187 = arith.constant 1 : i32
        %parallel_loop3A_1188 = arith.constant 0 : i32
        %parallel_loop3A_1189 = arith.constant 7 : i32
        %parallel_loop3A_1190 = arith.constant 0 : i32
        %parallel_loop3A_1191 = arith.index_cast %parallel_loop3A_1187 : i32 to index
        %parallel_loop3A_1192 = arith.index_cast %parallel_loop3A_1188 : i32 to index
        %parallel_loop3A_1193 = arith.index_cast %parallel_loop3A_1189 : i32 to index
        %parallel_loop3A_1194 = arith.index_cast %parallel_loop3A_206 : i32 to index
        %parallel_loop3A_1195 = arith.index_cast %parallel_loop3A_1190 : i32 to index
        %parallel_loop3A_1196 = arith.index_cast %parallel_loop3A_1186 : i32 to index
        %parallel_loop3A_1197 = tpu.vector_load %arg7[%parallel_loop3A_1191, %parallel_loop3A_1192, %parallel_loop3A_1193, %parallel_loop3A_1194, %parallel_loop3A_1195, %parallel_loop3A_1196] {strides = array<i32>} : memref<2x1x8x4x8x128xf32, #tpu.memory_space<vmem>>, vector<16xf32>,
        tpu.vector_store %arg7[%parallel_loop3A_1191, %parallel_loop3A_1192, %parallel_loop3A_1193, %parallel_loop3A_1194, %parallel_loop3A_1195, %parallel_loop3A_1196], %parallel_loop3A_1184 {strides = array<i32>} : memref<2x1x8x4x8x128xf32, #tpu.memory_space<vmem>>, vector<16xf32>,
        %parallel_loop3A_1198 = arith.constant 3021 : i32
        %parallel_loop3A_1199 = vector.broadcast %parallel_loop3A_1198 : i32 to vector<16xi32>
        %parallel_loop3A_1200 = arith.addi %parallel_loop3A_228, %parallel_loop3A_1199 : vector<16xi32>
        %parallel_loop3A_1201 = tpu.vector_load_idx %arg5[%parallel_loop3A_1200] : memref<3392xf32, #tpu.memory_space<vmem>>[vector<16xi32>], vector<16xf32>,
        %parallel_loop3A_1202 = arith.constant 16 : i32
        %parallel_loop3A_1203 = arith.muli %parallel_loop3A_222, %parallel_loop3A_1202 : i32
        %parallel_loop3A_1204 = arith.constant 1 : i32
        %parallel_loop3A_1205 = arith.constant 0 : i32
        %parallel_loop3A_1206 = arith.constant 7 : i32
        %parallel_loop3A_1207 = arith.constant 1 : i32
        %parallel_loop3A_1208 = arith.index_cast %parallel_loop3A_1204 : i32 to index
        %parallel_loop3A_1209 = arith.index_cast %parallel_loop3A_1205 : i32 to index
        %parallel_loop3A_1210 = arith.index_cast %parallel_loop3A_1206 : i32 to index
        %parallel_loop3A_1211 = arith.index_cast %parallel_loop3A_206 : i32 to index
        %parallel_loop3A_1212 = arith.index_cast %parallel_loop3A_1207 : i32 to index
        %parallel_loop3A_1213 = arith.index_cast %parallel_loop3A_1203 : i32 to index
        %parallel_loop3A_1214 = tpu.vector_load %arg7[%parallel_loop3A_1208, %parallel_loop3A_1209, %parallel_loop3A_1210, %parallel_loop3A_1211, %parallel_loop3A_1212, %parallel_loop3A_1213] {strides = array<i32>} : memref<2x1x8x4x8x128xf32, #tpu.memory_space<vmem>>, vector<16xf32>,
        tpu.vector_store %arg7[%parallel_loop3A_1208, %parallel_loop3A_1209, %parallel_loop3A_1210, %parallel_loop3A_1211, %parallel_loop3A_1212, %parallel_loop3A_1213], %parallel_loop3A_1201 {strides = array<i32>} : memref<2x1x8x4x8x128xf32, #tpu.memory_space<vmem>>, vector<16xf32>,
        %parallel_loop3A_1215 = arith.constant 3074 : i32
        %parallel_loop3A_1216 = vector.broadcast %parallel_loop3A_1215 : i32 to vector<16xi32>
        %parallel_loop3A_1217 = arith.addi %parallel_loop3A_228, %parallel_loop3A_1216 : vector<16xi32>
        %parallel_loop3A_1218 = tpu.vector_load_idx %arg5[%parallel_loop3A_1217] : memref<3392xf32, #tpu.memory_space<vmem>>[vector<16xi32>], vector<16xf32>,
        %parallel_loop3A_1219 = arith.constant 16 : i32
        %parallel_loop3A_1220 = arith.muli %parallel_loop3A_222, %parallel_loop3A_1219 : i32
        %parallel_loop3A_1221 = arith.constant 1 : i32
        %parallel_loop3A_1222 = arith.constant 0 : i32
        %parallel_loop3A_1223 = arith.constant 7 : i32
        %parallel_loop3A_1224 = arith.constant 2 : i32
        %parallel_loop3A_1225 = arith.index_cast %parallel_loop3A_1221 : i32 to index
        %parallel_loop3A_1226 = arith.index_cast %parallel_loop3A_1222 : i32 to index
        %parallel_loop3A_1227 = arith.index_cast %parallel_loop3A_1223 : i32 to index
        %parallel_loop3A_1228 = arith.index_cast %parallel_loop3A_206 : i32 to index
        %parallel_loop3A_1229 = arith.index_cast %parallel_loop3A_1224 : i32 to index
        %parallel_loop3A_1230 = arith.index_cast %parallel_loop3A_1220 : i32 to index
        %parallel_loop3A_1231 = tpu.vector_load %arg7[%parallel_loop3A_1225, %parallel_loop3A_1226, %parallel_loop3A_1227, %parallel_loop3A_1228, %parallel_loop3A_1229, %parallel_loop3A_1230] {strides = array<i32>} : memref<2x1x8x4x8x128xf32, #tpu.memory_space<vmem>>, vector<16xf32>,
        tpu.vector_store %arg7[%parallel_loop3A_1225, %parallel_loop3A_1226, %parallel_loop3A_1227, %parallel_loop3A_1228, %parallel_loop3A_1229, %parallel_loop3A_1230], %parallel_loop3A_1218 {strides = array<i32>} : memref<2x1x8x4x8x128xf32, #tpu.memory_space<vmem>>, vector<16xf32>,
        %parallel_loop3A_1232 = arith.constant 3127 : i32
        %parallel_loop3A_1233 = vector.broadcast %parallel_loop3A_1232 : i32 to vector<16xi32>
        %parallel_loop3A_1234 = arith.addi %parallel_loop3A_228, %parallel_loop3A_1233 : vector<16xi32>
        %parallel_loop3A_1235 = tpu.vector_load_idx %arg5[%parallel_loop3A_1234] : memref<3392xf32, #tpu.memory_space<vmem>>[vector<16xi32>], vector<16xf32>,
        %parallel_loop3A_1236 = arith.constant 16 : i32
        %parallel_loop3A_1237 = arith.muli %parallel_loop3A_222, %parallel_loop3A_1236 : i32
        %parallel_loop3A_1238 = arith.constant 1 : i32
        %parallel_loop3A_1239 = arith.constant 0 : i32
        %parallel_loop3A_1240 = arith.constant 7 : i32
        %parallel_loop3A_1241 = arith.constant 3 : i32
        %parallel_loop3A_1242 = arith.index_cast %parallel_loop3A_1238 : i32 to index
        %parallel_loop3A_1243 = arith.index_cast %parallel_loop3A_1239 : i32 to index
        %parallel_loop3A_1244 = arith.index_cast %parallel_loop3A_1240 : i32 to index
        %parallel_loop3A_1245 = arith.index_cast %parallel_loop3A_206 : i32 to index
        %parallel_loop3A_1246 = arith.index_cast %parallel_loop3A_1241 : i32 to index
        %parallel_loop3A_1247 = arith.index_cast %parallel_loop3A_1237 : i32 to index
        %parallel_loop3A_1248 = tpu.vector_load %arg7[%parallel_loop3A_1242, %parallel_loop3A_1243, %parallel_loop3A_1244, %parallel_loop3A_1245, %parallel_loop3A_1246, %parallel_loop3A_1247] {strides = array<i32>} : memref<2x1x8x4x8x128xf32, #tpu.memory_space<vmem>>, vector<16xf32>,
        tpu.vector_store %arg7[%parallel_loop3A_1242, %parallel_loop3A_1243, %parallel_loop3A_1244, %parallel_loop3A_1245, %parallel_loop3A_1246, %parallel_loop3A_1247], %parallel_loop3A_1235 {strides = array<i32>} : memref<2x1x8x4x8x128xf32, #tpu.memory_space<vmem>>, vector<16xf32>,
        %parallel_loop3A_1249 = arith.constant 3180 : i32
        %parallel_loop3A_1250 = vector.broadcast %parallel_loop3A_1249 : i32 to vector<16xi32>
        %parallel_loop3A_1251 = arith.addi %parallel_loop3A_228, %parallel_loop3A_1250 : vector<16xi32>
        %parallel_loop3A_1252 = tpu.vector_load_idx %arg5[%parallel_loop3A_1251] : memref<3392xf32, #tpu.memory_space<vmem>>[vector<16xi32>], vector<16xf32>,
        %parallel_loop3A_1253 = arith.constant 16 : i32
        %parallel_loop3A_1254 = arith.muli %parallel_loop3A_222, %parallel_loop3A_1253 : i32
        %parallel_loop3A_1255 = arith.constant 1 : i32
        %parallel_loop3A_1256 = arith.constant 0 : i32
        %parallel_loop3A_1257 = arith.constant 7 : i32
        %parallel_loop3A_1258 = arith.constant 4 : i32
        %parallel_loop3A_1259 = arith.index_cast %parallel_loop3A_1255 : i32 to index
        %parallel_loop3A_1260 = arith.index_cast %parallel_loop3A_1256 : i32 to index
        %parallel_loop3A_1261 = arith.index_cast %parallel_loop3A_1257 : i32 to index
        %parallel_loop3A_1262 = arith.index_cast %parallel_loop3A_206 : i32 to index
        %parallel_loop3A_1263 = arith.index_cast %parallel_loop3A_1258 : i32 to index
        %parallel_loop3A_1264 = arith.index_cast %parallel_loop3A_1254 : i32 to index
        %parallel_loop3A_1265 = tpu.vector_load %arg7[%parallel_loop3A_1259, %parallel_loop3A_1260, %parallel_loop3A_1261, %parallel_loop3A_1262, %parallel_loop3A_1263, %parallel_loop3A_1264] {strides = array<i32>} : memref<2x1x8x4x8x128xf32, #tpu.memory_space<vmem>>, vector<16xf32>,
        tpu.vector_store %arg7[%parallel_loop3A_1259, %parallel_loop3A_1260, %parallel_loop3A_1261, %parallel_loop3A_1262, %parallel_loop3A_1263, %parallel_loop3A_1264], %parallel_loop3A_1252 {strides = array<i32>} : memref<2x1x8x4x8x128xf32, #tpu.memory_space<vmem>>, vector<16xf32>,
        %parallel_loop3A_1266 = arith.constant 3233 : i32
        %parallel_loop3A_1267 = vector.broadcast %parallel_loop3A_1266 : i32 to vector<16xi32>
        %parallel_loop3A_1268 = arith.addi %parallel_loop3A_228, %parallel_loop3A_1267 : vector<16xi32>
        %parallel_loop3A_1269 = tpu.vector_load_idx %arg5[%parallel_loop3A_1268] : memref<3392xf32, #tpu.memory_space<vmem>>[vector<16xi32>], vector<16xf32>,
        %parallel_loop3A_1270 = arith.constant 16 : i32
        %parallel_loop3A_1271 = arith.muli %parallel_loop3A_222, %parallel_loop3A_1270 : i32
        %parallel_loop3A_1272 = arith.constant 1 : i32
        %parallel_loop3A_1273 = arith.constant 0 : i32
        %parallel_loop3A_1274 = arith.constant 7 : i32
        %parallel_loop3A_1275 = arith.constant 5 : i32
        %parallel_loop3A_1276 = arith.index_cast %parallel_loop3A_1272 : i32 to index
        %parallel_loop3A_1277 = arith.index_cast %parallel_loop3A_1273 : i32 to index
        %parallel_loop3A_1278 = arith.index_cast %parallel_loop3A_1274 : i32 to index
        %parallel_loop3A_1279 = arith.index_cast %parallel_loop3A_206 : i32 to index
        %parallel_loop3A_1280 = arith.index_cast %parallel_loop3A_1275 : i32 to index
        %parallel_loop3A_1281 = arith.index_cast %parallel_loop3A_1271 : i32 to index
        %parallel_loop3A_1282 = tpu.vector_load %arg7[%parallel_loop3A_1276, %parallel_loop3A_1277, %parallel_loop3A_1278, %parallel_loop3A_1279, %parallel_loop3A_1280, %parallel_loop3A_1281] {strides = array<i32>} : memref<2x1x8x4x8x128xf32, #tpu.memory_space<vmem>>, vector<16xf32>,
        tpu.vector_store %arg7[%parallel_loop3A_1276, %parallel_loop3A_1277, %parallel_loop3A_1278, %parallel_loop3A_1279, %parallel_loop3A_1280, %parallel_loop3A_1281], %parallel_loop3A_1269 {strides = array<i32>} : memref<2x1x8x4x8x128xf32, #tpu.memory_space<vmem>>, vector<16xf32>,
        %parallel_loop3A_1283 = arith.constant 3286 : i32
        %parallel_loop3A_1284 = vector.broadcast %parallel_loop3A_1283 : i32 to vector<16xi32>
        %parallel_loop3A_1285 = arith.addi %parallel_loop3A_228, %parallel_loop3A_1284 : vector<16xi32>
        %parallel_loop3A_1286 = tpu.vector_load_idx %arg5[%parallel_loop3A_1285] : memref<3392xf32, #tpu.memory_space<vmem>>[vector<16xi32>], vector<16xf32>,
        %parallel_loop3A_1287 = arith.constant 16 : i32
        %parallel_loop3A_1288 = arith.muli %parallel_loop3A_222, %parallel_loop3A_1287 : i32
        %parallel_loop3A_1289 = arith.constant 1 : i32
        %parallel_loop3A_1290 = arith.constant 0 : i32
        %parallel_loop3A_1291 = arith.constant 7 : i32
        %parallel_loop3A_1292 = arith.constant 6 : i32
        %parallel_loop3A_1293 = arith.index_cast %parallel_loop3A_1289 : i32 to index
        %parallel_loop3A_1294 = arith.index_cast %parallel_loop3A_1290 : i32 to index
        %parallel_loop3A_1295 = arith.index_cast %parallel_loop3A_1291 : i32 to index
        %parallel_loop3A_1296 = arith.index_cast %parallel_loop3A_206 : i32 to index
        %parallel_loop3A_1297 = arith.index_cast %parallel_loop3A_1292 : i32 to index
        %parallel_loop3A_1298 = arith.index_cast %parallel_loop3A_1288 : i32 to index
        %parallel_loop3A_1299 = tpu.vector_load %arg7[%parallel_loop3A_1293, %parallel_loop3A_1294, %parallel_loop3A_1295, %parallel_loop3A_1296, %parallel_loop3A_1297, %parallel_loop3A_1298] {strides = array<i32>} : memref<2x1x8x4x8x128xf32, #tpu.memory_space<vmem>>, vector<16xf32>,
        tpu.vector_store %arg7[%parallel_loop3A_1293, %parallel_loop3A_1294, %parallel_loop3A_1295, %parallel_loop3A_1296, %parallel_loop3A_1297, %parallel_loop3A_1298], %parallel_loop3A_1286 {strides = array<i32>} : memref<2x1x8x4x8x128xf32, #tpu.memory_space<vmem>>, vector<16xf32>,
        %parallel_loop3A_1300 = arith.constant 3339 : i32
        %parallel_loop3A_1301 = vector.broadcast %parallel_loop3A_1300 : i32 to vector<16xi32>
        %parallel_loop3A_1302 = arith.addi %parallel_loop3A_228, %parallel_loop3A_1301 : vector<16xi32>
        %parallel_loop3A_1303 = tpu.vector_load_idx %arg5[%parallel_loop3A_1302] : memref<3392xf32, #tpu.memory_space<vmem>>[vector<16xi32>], vector<16xf32>,
        %parallel_loop3A_1304 = arith.constant 16 : i32
        %parallel_loop3A_1305 = arith.muli %parallel_loop3A_222, %parallel_loop3A_1304 : i32
        %parallel_loop3A_1306 = arith.constant 1 : i32
        %parallel_loop3A_1307 = arith.constant 0 : i32
        %parallel_loop3A_1308 = arith.constant 7 : i32
        %parallel_loop3A_1309 = arith.constant 7 : i32
        %parallel_loop3A_1310 = arith.index_cast %parallel_loop3A_1306 : i32 to index
        %parallel_loop3A_1311 = arith.index_cast %parallel_loop3A_1307 : i32 to index
        %parallel_loop3A_1312 = arith.index_cast %parallel_loop3A_1308 : i32 to index
        %parallel_loop3A_1313 = arith.index_cast %parallel_loop3A_206 : i32 to index
        %parallel_loop3A_1314 = arith.index_cast %parallel_loop3A_1309 : i32 to index
        %parallel_loop3A_1315 = arith.index_cast %parallel_loop3A_1305 : i32 to index
        %parallel_loop3A_1316 = tpu.vector_load %arg7[%parallel_loop3A_1310, %parallel_loop3A_1311, %parallel_loop3A_1312, %parallel_loop3A_1313, %parallel_loop3A_1314, %parallel_loop3A_1315] {strides = array<i32>} : memref<2x1x8x4x8x128xf32, #tpu.memory_space<vmem>>, vector<16xf32>,
        tpu.vector_store %arg7[%parallel_loop3A_1310, %parallel_loop3A_1311, %parallel_loop3A_1312, %parallel_loop3A_1313, %parallel_loop3A_1314, %parallel_loop3A_1315], %parallel_loop3A_1303 {strides = array<i32>} : memref<2x1x8x4x8x128xf32, #tpu.memory_space<vmem>>, vector<16xf32>,
      } {sc.loop_unroll_factor = 1 : i64, sc.parallel_access}
      %add3A_152 = arith.constant 2 : i32
      %add3A_153 = arith.addi %add3A_132, %add3A_152 : i32
      %lt3A_154 = arith.constant 200 : i32
      %lt3A_155 = arith.cmpi slt, %add3A_153, %lt3A_154 : i32
      %convert_element_type3A_156 = arith.extui %lt3A_155 : i1 to i32
      %cond3A_157 = arith.constant 0 : i32
      %cond3A_158 = arith.cmpi ne, %convert_element_type3A_156, %cond3A_157 : i32
      scf.if %cond3A_158 {
        %add3A_182 = arith.constant 2 : i32
        %add3A_183 = arith.addi %add3A_132, %add3A_182 : i32
        %mul3A_184 = arith.constant 16384 : i32
        %mul3A_185 = arith.muli %add3A_183, %mul3A_184 : i32
        %add3A_186 = arith.addi %mul3A_185, %mul3A_2 : i32
        %dma_start3A_187 = arith.constant 1 : i32
        %dma_start3A_188 = arith.constant 0 : i32
        %dma_start3A_189 = tpu.memref_slice %arg6[%dma_start3A_187, %dma_start3A_188] : memref<2x512xi32, #tpu.memory_space<vmem>> -> memref<1x512xi32, #tpu.memory_space<vmem>>
        %dma_start3A_190 = tpu.memref_squeeze %dma_start3A_189 : memref<1x512xi32, #tpu.memory_space<vmem>> -> memref<512xi32, #tpu.memory_space<vmem>>
        %dma_start3A_191 = tpu.memref_slice %arg2[%add3A_186] : memref<3276800xi32, #tpu.memory_space<hbm>> -> memref<512xi32, #tpu.memory_space<hbm>>
        %dma_start3A_192 = arith.constant 0 : i32
        %dma_start3A_193 = tpu.memref_slice %arg6[%dma_start3A_187, %dma_start3A_192] : memref<2x512xi32, #tpu.memory_space<vmem>> -> memref<1x512xi32, #tpu.memory_space<vmem>>
        %dma_start3A_194 = tpu.memref_squeeze %dma_start3A_193 : memref<1x512xi32, #tpu.memory_space<vmem>> -> memref<512xi32, #tpu.memory_space<vmem>>
        %dma_start3A_195 = tpu.memref_slice %arg2[%add3A_186] : memref<3276800xi32, #tpu.memory_space<hbm>> -> memref<512xi32, #tpu.memory_space<hbm>>
        tpu.enqueue_dma source(%dma_start3A_195 : memref<512xi32, #tpu.memory_space<hbm>>) target(%dma_start3A_194 : memref<512xi32, #tpu.memory_space<vmem>>) target_semaphore(%arg9 : memref<!tpu.dma_semaphore, #tpu.memory_space<semaphore_mem>>)
      } else {
      }
      %dma_start3A_159 = arith.constant 1 : i32
      %dma_start3A_160 = arith.constant 0 : i32
      %dma_start3A_161 = arith.constant 0 : i32
      %dma_start3A_162 = arith.constant 0 : i32
      %dma_start3A_163 = arith.constant 0 : i32
      %dma_start3A_164 = arith.constant 0 : i32
      %dma_start3A_165 = tpu.memref_slice %arg7[%dma_start3A_159, %dma_start3A_160, %dma_start3A_161, %dma_start3A_162, %dma_start3A_163, %dma_start3A_164] : memref<2x1x8x4x8x128xf32, #tpu.memory_space<vmem>> -> memref<1x1x8x4x8x128xf32, #tpu.memory_space<vmem>>
      %dma_start3A_166 = tpu.memref_squeeze %dma_start3A_165 : memref<1x1x8x4x8x128xf32, #tpu.memory_space<vmem>> -> memref<1x8x4x8x128xf32, #tpu.memory_space<vmem>>
      %dma_start3A_167 = arith.constant 0 : i32
      %dma_start3A_168 = arith.constant 0 : i32
      %dma_start3A_169 = arith.constant 0 : i32
      %dma_start3A_170 = tpu.memref_slice %arg4[%add3A_132, %dma_start3A_167, %mul3A_4, %dma_start3A_168, %dma_start3A_169] : memref<200x8x128x8x128xf32, #tpu.memory_space<hbm>> -> memref<1x8x4x8x128xf32, #tpu.memory_space<hbm>>
      %dma_start3A_171 = arith.constant 0 : i32
      %dma_start3A_172 = arith.constant 0 : i32
      %dma_start3A_173 = arith.constant 0 : i32
      %dma_start3A_174 = tpu.memref_slice %arg4[%add3A_132, %dma_start3A_171, %mul3A_4, %dma_start3A_172, %dma_start3A_173] : memref<200x8x128x8x128xf32, #tpu.memory_space<hbm>> -> memref<1x8x4x8x128xf32, #tpu.memory_space<hbm>>
      %dma_start3A_175 = arith.constant 0 : i32
      %dma_start3A_176 = arith.constant 0 : i32
      %dma_start3A_177 = arith.constant 0 : i32
      %dma_start3A_178 = arith.constant 0 : i32
      %dma_start3A_179 = arith.constant 0 : i32
      %dma_start3A_180 = tpu.memref_slice %arg7[%dma_start3A_159, %dma_start3A_175, %dma_start3A_176, %dma_start3A_177, %dma_start3A_178, %dma_start3A_179] : memref<2x1x8x4x8x128xf32, #tpu.memory_space<vmem>> -> memref<1x1x8x4x8x128xf32, #tpu.memory_space<vmem>>
      %dma_start3A_181 = tpu.memref_squeeze %dma_start3A_180 : memref<1x1x8x4x8x128xf32, #tpu.memory_space<vmem>> -> memref<1x8x4x8x128xf32, #tpu.memory_space<vmem>>
      tpu.enqueue_dma source(%dma_start3A_181 : memref<1x8x4x8x128xf32, #tpu.memory_space<vmem>>) target(%dma_start3A_174 : memref<1x8x4x8x128xf32, #tpu.memory_space<hbm>>) target_semaphore(%arg11 : memref<!tpu.dma_semaphore, #tpu.memory_space<semaphore_mem>>)
    }
    %scan3A_30 = arith.constant 100 : i32
    %dma_wait3A = arith.constant 0 : i32
    %dma_wait3A_31 = arith.constant 0 : i32
    %dma_wait3A_32 = arith.constant 0 : i32
    %dma_wait3A_33 = arith.constant 0 : i32
    %dma_wait3A_34 = arith.constant 0 : i32
    %dma_wait3A_35 = arith.constant 0 : i32
    %dma_wait3A_36 = tpu.memref_slice %arg7[%dma_wait3A, %dma_wait3A_31, %dma_wait3A_32, %dma_wait3A_33, %dma_wait3A_34, %dma_wait3A_35] : memref<2x1x8x4x8x128xf32, #tpu.memory_space<vmem>> -> memref<1x1x8x4x8x128xf32, #tpu.memory_space<vmem>>
    %dma_wait3A_37 = tpu.memref_squeeze %dma_wait3A_36 : memref<1x1x8x4x8x128xf32, #tpu.memory_space<vmem>> -> memref<1x8x4x8x128xf32, #tpu.memory_space<vmem>>
    %dma_wait3A_38 = arith.constant 0 : i32
    %dma_wait3A_39 = arith.constant 0 : i32
    %dma_wait3A_40 = arith.constant 0 : i32
    %dma_wait3A_41 = arith.constant 0 : i32
    %dma_wait3A_42 = tpu.memref_slice %arg4[%dma_wait3A_38, %dma_wait3A_39, %mul3A_4, %dma_wait3A_40, %dma_wait3A_41] : memref<200x8x128x8x128xf32, #tpu.memory_space<hbm>> -> memref<1x8x4x8x128xf32, #tpu.memory_space<hbm>>
    %dma_wait3A_43 = arith.constant 0 : i32
    %dma_wait3A_44 = arith.constant 0 : i32
    %dma_wait3A_45 = arith.constant 0 : i32
    %dma_wait3A_46 = arith.constant 0 : i32
    %dma_wait3A_47 = tpu.memref_slice %arg4[%dma_wait3A_43, %dma_wait3A_44, %mul3A_4, %dma_wait3A_45, %dma_wait3A_46] : memref<200x8x128x8x128xf32, #tpu.memory_space<hbm>> -> memref<1x8x4x8x128xf32, #tpu.memory_space<hbm>>
    %dma_wait3A_48 = arith.constant 0 : i32
    %dma_wait3A_49 = arith.constant 0 : i32
    %dma_wait3A_50 = arith.constant 0 : i32
    %dma_wait3A_51 = arith.constant 0 : i32
    %dma_wait3A_52 = arith.constant 0 : i32
    %dma_wait3A_53 = tpu.memref_slice %arg7[%dma_wait3A, %dma_wait3A_48, %dma_wait3A_49, %dma_wait3A_50, %dma_wait3A_51, %dma_wait3A_52] : memref<2x1x8x4x8x128xf32, #tpu.memory_space<vmem>> -> memref<1x1x8x4x8x128xf32, #tpu.memory_space<vmem>>
    %dma_wait3A_54 = tpu.memref_squeeze %dma_wait3A_53 : memref<1x1x8x4x8x128xf32, #tpu.memory_space<vmem>> -> memref<1x8x4x8x128xf32, #tpu.memory_space<vmem>>
    tpu.wait_dma2 semaphore(%arg10 : memref<!tpu.dma_semaphore, #tpu.memory_space<semaphore_mem>>) src(%dma_wait3A_54 : memref<1x8x4x8x128xf32, #tpu.memory_space<vmem>>) dst(%dma_wait3A_47 : memref<1x8x4x8x128xf32, #tpu.memory_space<hbm>>)
    %dma_wait3A_55 = arith.constant 1 : i32
    %dma_wait3A_56 = arith.constant 0 : i32
    %dma_wait3A_57 = arith.constant 0 : i32
    %dma_wait3A_58 = arith.constant 0 : i32
    %dma_wait3A_59 = arith.constant 0 : i32
    %dma_wait3A_60 = arith.constant 0 : i32
    %dma_wait3A_61 = tpu.memref_slice %arg7[%dma_wait3A_55, %dma_wait3A_56, %dma_wait3A_57, %dma_wait3A_58, %dma_wait3A_59, %dma_wait3A_60] : memref<2x1x8x4x8x128xf32, #tpu.memory_space<vmem>> -> memref<1x1x8x4x8x128xf32, #tpu.memory_space<vmem>>
    %dma_wait3A_62 = tpu.memref_squeeze %dma_wait3A_61 : memref<1x1x8x4x8x128xf32, #tpu.memory_space<vmem>> -> memref<1x8x4x8x128xf32, #tpu.memory_space<vmem>>
    %dma_wait3A_63 = arith.constant 0 : i32
    %dma_wait3A_64 = arith.constant 0 : i32
    %dma_wait3A_65 = arith.constant 0 : i32
    %dma_wait3A_66 = arith.constant 0 : i32
    %dma_wait3A_67 = tpu.memref_slice %arg4[%dma_wait3A_63, %dma_wait3A_64, %mul3A_4, %dma_wait3A_65, %dma_wait3A_66] : memref<200x8x128x8x128xf32, #tpu.memory_space<hbm>> -> memref<1x8x4x8x128xf32, #tpu.memory_space<hbm>>
    %dma_wait3A_68 = arith.constant 0 : i32
    %dma_wait3A_69 = arith.constant 0 : i32
    %dma_wait3A_70 = arith.constant 0 : i32
    %dma_wait3A_71 = arith.constant 0 : i32
    %dma_wait3A_72 = tpu.memref_slice %arg4[%dma_wait3A_68, %dma_wait3A_69, %mul3A_4, %dma_wait3A_70, %dma_wait3A_71] : memref<200x8x128x8x128xf32, #tpu.memory_space<hbm>> -> memref<1x8x4x8x128xf32, #tpu.memory_space<hbm>>
    %dma_wait3A_73 = arith.constant 0 : i32
    %dma_wait3A_74 = arith.constant 0 : i32
    %dma_wait3A_75 = arith.constant 0 : i32
    %dma_wait3A_76 = arith.constant 0 : i32
    %dma_wait3A_77 = arith.constant 0 : i32
    %dma_wait3A_78 = tpu.memref_slice %arg7[%dma_wait3A_55, %dma_wait3A_73, %dma_wait3A_74, %dma_wait3A_75, %dma_wait3A_76, %dma_wait3A_77] : memref<2x1x8x4x8x128xf32, #tpu.memory_space<vmem>> -> memref<1x1x8x4x8x128xf32, #tpu.memory_space<vmem>>
    %dma_wait3A_79 = tpu.memref_squeeze %dma_wait3A_78 : memref<1x1x8x4x8x128xf32, #tpu.memory_space<vmem>> -> memref<1x8x4x8x128xf32, #tpu.memory_space<vmem>>
    tpu.wait_dma2 semaphore(%arg11 : memref<!tpu.dma_semaphore, #tpu.memory_space<semaphore_mem>>) src(%dma_wait3A_79 : memref<1x8x4x8x128xf32, #tpu.memory_space<vmem>>) dst(%dma_wait3A_72 : memref<1x8x4x8x128xf32, #tpu.memory_space<hbm>>)
    return
  }
}

</mosaic_0001>

<sc_bundles>
// kernel: kernel.3.cloned.1.call-start
scs
__scs_entry_jumppad:
0x0: {  	(pc) =	sbr.rel $0x88, $3  }
0x1: {  	(tag) =	ssettag $0x0;
	lr =	simm.s32 $0x1  }
0x2: {  	[smem:$0x3F9F] =	sst lr;
	_ =	strace $0xD0000000  }
0x3: {  	_ = 	snop  }
0x4: {  	_ = 	snop  }
0x5: {  	_ = 	snop  }
0x6: {  	_ = 	snop  }
0x7: {  	_ = 	snop  }
__scs_overlays_trampoline_lowered:
0x8: {  	[smem:$0x3FAE] =	sst s0  }
0x9: {  	[smem:$0x3FAF] =	sst s1  }
0xa: {  	[smem:$0x3FB0] =	sst s2  }
0xb: {  	[smem:$0x3FB1] =	sst s3  }
0xc: {  	[smem:$0x3FB2] =	sst s4  }
0xd: {  	[smem:$0x3FB3] =	sst s5  }
0xe: {  	[smem:$0x3FB4] =	sst s6  }
0xf: {  	[smem:$0x3FB5] =	sst s7  }
0x10: {  	[smem:$0x3FB6] =	sst s8  }
0x11: {  	[smem:$0x3FB7] =	sst s9;
	s0 =	simm.s32 @!p0 $0x0  }
0x12: {  	s1 =	sld [smem:$0x3F9D];
	s0 =	simm.s32 @p0 $0x1  }
0x13: {  	[smem:$0x3FB8] =	sst s0;
	s0 =	simm.s32 @!p1 $0x0  }
0x14: {  	s2 =	sld [smem:$0x3F9C];
	s0 =	simm.s32 @p1 $0x1  }
0x15: {  	[smem:$0x3FB9] =	sst s0;
	s0 =	simm.s32 @!p2 $0x0  }
0x16: {  	s3 =	sld [smem:$0x3FDB];
	s0 =	simm.s32 @p2 $0x1  }
0x17: {  	s4 =	simm.s32 $0x1BF5;
	[smem:$0x3FBB] =	sst s0  }
0x18: {  	s0 =	sld [smem:$0x3F9E];
	_ =	swait.ge [sflag:s4], $0x0  }
0x19: {  	s7 =	sld [smem:$0x3F9F]  }
0x1a: {  	s8 =	sadd.s32 $0xFFFFE003, lr  }
0x1b: {  	s9 =	sadd.s32 $0xFFFFFEF7, lr;
	s5 =	simm.s32 $0xFFFFFFFF;
	p2 =	slt.u32 s8, $0xFFFFF086  }
0x1c: {  	p1 =	slt.u32 s9, $0xF7A;
	s5 =	simm.s32 @!p2 $0x0  }
0x1d: {  	s5 =	simm.s32 @p1 $0x1;
	p0 =	seq.s32 s7, s2  }
0x1e: {  	s7 =	smul.u32 @!p0 $0xF7A, s2;
	p2 =	seq.s32 @!p0 s5, $0x0  }
0x1f: {  	s9 =	smul.u32 $0xF7A, s1;
	s8 =	simm.s32 @!p0 $0x1BF5;
	p2 =	por !p2, p0  }
0x20: {  	[sflag:s8] =	ssyncset.s32 @!p0 $0xFFFFF086;
	s6 =	sadd.s32 @!p0 s3, s7;
	s7 =	simm.s32 @!p0 $0x108  }
0x21: {  	s3 =	sadd.s32 s3, s9;
	s6 =	sadd.s32 @!p0 $0x88, s6;
	s7 =	simm.s32 @p2 $0x1082  }
0x22: {  	[simem:s7], [sflag:s8] =	dma.local @!p0 [hbm:s6], $0xF7A  }
0x23: {  	s9 =	sor.u32 $0xD0000000, s2;
	s6 =	simm.s32 $0x108;
	_ =	swait.ge @!p0 [sflag:s8], $0x0  }
0x24: {  	s3 =	sadd.s32 $0x88, s3;
	s6 =	simm.s32 @!p1 $0x1082;
	[sflag:s4] =	ssyncset.s32 $0xFFFFF086  }
0x25: {  	[simem:s6], [sflag:s4] =	dma.local [hbm:s3], $0xF7A  }
0x26: {  	[smem:$0x3F9F] =	sst s1;
	(tag) =	ssettag s2;
	_ =	strace s9  }
0x27: {  	s1 =	sld [smem:$0x3FAF]  }
0x28: {  	s2 =	sld [smem:$0x3FB0]  }
0x29: {  	s4 =	sld [smem:$0x3FB2]  }
0x2a: {  	p0 =	seq.s32 s5, $0x0;
	s5 =	sld [smem:$0x3FB3]  }
0x2b: {  	s6 =	sld [smem:$0x3FB4]  }
0x2c: {  	s7 =	sld [smem:$0x3FB5]  }
0x2d: {  	s3 =	simm.s32 $0x108;
	s8 =	sld [smem:$0x3FB6]  }
0x2e: {  	s3 =	simm.s32 @!p0 $0x1082;
	s9 =	sld [smem:$0x3FB7]  }
0x2f: {  	lr =	sadd.s32 s0, s3;
	s0 =	sld [smem:$0x3FAE]  }
0x30: {  	s3 =	sld [smem:$0x3FB1]  }
0x31: {  	[smem:$0x3FBA] =	sst s10  }
0x32: {  	s10 =	sld [smem:$0x3FB8];
	_ =	sdelay $0x3  }
0x33: {  	p0 =	seq.s32 s10, $0x1;
	s10 =	sld [smem:$0x3FBA];
	_ =	sdelay $0x3  }
0x34: {  	[smem:$0x3FBA] =	sst s10  }
0x35: {  	s10 =	sld [smem:$0x3FB9];
	_ =	sdelay $0x3  }
0x36: {  	p1 =	seq.s32 s10, $0x1;
	s10 =	sld [smem:$0x3FBA];
	_ =	sdelay $0x3  }
0x37: {  	[smem:$0x3FBA] =	sst s10  }
0x38: {  	s10 =	sld [smem:$0x3FBB]  }
0x39: {  	_ = 	snop;
	(pc) =	sbr.ind lr, $3  }
0x3a: {  	_ = 	snop  }
0x3b: {  	_ = 	snop  }
0x3c: {  	p2 =	seq.s32 s10, $0x1;
	s10 =	sld [smem:$0x3FBA]  }
0x3d: {  	_ =	shalt  }
0x3e: {  	_ =	shalt  }
0x3f: {  	_ =	shalt  }
0x40: {  	_ =	shalt  }
0x41: {  	_ =	shalt  }
0x42: {  	_ =	shalt  }
0x43: {  	_ =	shalt  }
0x44: {  	_ =	shalt  }
0x45: {  	_ =	shalt  }
0x46: {  	_ =	shalt  }
0x47: {  	_ =	shalt  }
0x48: {  	_ =	shalt  }
0x49: {  	_ =	shalt  }
0x4a: {  	_ =	shalt  }
0x4b: {  	_ =	shalt  }
0x4c: {  	_ =	shalt  }
0x4d: {  	_ =	shalt  }
0x4e: {  	_ =	shalt  }
0x4f: {  	_ =	shalt  }
0x50: {  	_ =	shalt  }
0x51: {  	_ =	shalt  }
0x52: {  	_ =	shalt  }
0x53: {  	_ =	shalt  }
0x54: {  	_ =	shalt  }
0x55: {  	_ =	shalt  }
0x56: {  	_ =	shalt  }
0x57: {  	_ =	shalt  }
0x58: {  	_ =	shalt  }
0x59: {  	_ =	shalt  }
0x5a: {  	_ =	shalt  }
0x5b: {  	_ =	shalt  }
0x5c: {  	_ =	shalt  }
0x5d: {  	_ =	shalt  }
0x5e: {  	_ =	shalt  }
0x5f: {  	_ =	shalt  }
0x60: {  	_ =	shalt  }
0x61: {  	_ =	shalt  }
0x62: {  	_ =	shalt  }
0x63: {  	_ =	shalt  }
0x64: {  	_ =	shalt  }
0x65: {  	_ =	shalt  }
0x66: {  	_ =	shalt  }
0x67: {  	_ =	shalt  }
0x68: {  	_ =	shalt  }
0x69: {  	_ =	shalt  }
0x6a: {  	_ =	shalt  }
0x6b: {  	_ =	shalt  }
0x6c: {  	_ =	shalt  }
0x6d: {  	_ =	shalt  }
0x6e: {  	_ =	shalt  }
0x6f: {  	_ =	shalt  }
0x70: {  	_ =	shalt  }
0x71: {  	_ =	shalt  }
0x72: {  	_ =	shalt  }
0x73: {  	_ =	shalt  }
0x74: {  	_ =	shalt  }
0x75: {  	_ =	shalt  }
0x76: {  	_ =	shalt  }
0x77: {  	_ =	shalt  }
0x78: {  	_ =	shalt  }
0x79: {  	_ =	shalt  }
0x7a: {  	_ =	shalt  }
0x7b: {  	_ =	shalt  }
0x7c: {  	_ =	shalt  }
0x7d: {  	_ =	shalt  }
0x7e: {  	_ =	shalt  }
0x7f: {  	_ =	shalt  }
0x80: {  	_ =	shalt  }
0x81: {  	_ =	shalt  }
0x82: {  	_ =	shalt  }
0x83: {  	_ =	shalt  }
0x84: {  	_ =	shalt  }
0x85: {  	_ =	shalt  }
0x86: {  	_ =	shalt  }
0x87: {  	_ =	shalt  }
.Lfunc_end0:
.L_simem_size_0:
called_computation_lowered:
.L_overlay_start_0:
0x88: {  	s2 =	sld [smem:$0x3FD9]  }
0x89: {  	s3 =	sld [smem:$0x3FFE];
	_ =	sdelay $0x1  }
0x8a: {  	s1 =	srdreg.scid  }
0x8b: {  	s0 =	sand.u32 $0x1, s1  }
0x8c: {  	s17 =	sshll.u32 s0, $0xA;
	s2 =	sadd.s32 s3, s2  }
0x8d: {  	s2 =	sadd.s32 s2, s17  }
0x8e: {  	[smem:$0x3FC6] =	sst s2  }
0x8f: {  	_ = 	snop  }
0x90: {  	s2 =	sld [smem:$0x3FD0];
	(tm) =	ssettm $0x1  }
0x91: {  	s18 =	sld [smem:$0x3FFB];
	_ =	sdelay $0x3  }
0x92: {  	_ =	strace s18  }
0x93: {  	s3 =	sld [smem:$0x3FFC];
	_ =	sdelay $0x3  }
0x94: {  	_ =	strace s3  }
0x95: {  	s3 =	sld [smem:$0x3FFD];
	_ =	sdelay $0x3  }
0x96: {  	_ =	strace s3  }
0x97: {  	_ =	strace $0x8FFFFFFF  }
0x98: {  	s19 =	sld [smem:$0x3FDB];
	_ =	sdelay $0x1  }
0x99: {  	s4 =	simm.s32 $_scs_section_size  }
0x9a: {  	s5 =	simm.s32 $_size__tile_overlayer_lowered;
	s6 =	simm.s32 $_tile_overlayer_lowered  }
0x9b: {  	s22 =	simm.s32 $0x1BFF;
	s21 =	sshll.u32 s6, $0x1;
	s3 =	sadd.s32 s4, s19  }
0x9c: {  	s7 =	simm.s32 $0x0;
	s20 =	sshll.u32 s5, $0x1;
	s5 =	sadd.s32 s21, s3  }
0x9d: {  	[timem:s7], [sflag:s22] =	dma.local [hbm:s5], s20  }
0x9e: {  	_ =	swait.ge [sflag:s22], s20  }
0x9f: {  	s4 =	ssub.s32 $0x0, s20;
	[sflag:s22] =	ssyncset.done $0x0  }
0xa0: {  	[sflag:s22] =	ssyncadd.s32 s4;
	_ =	sdelay $0x1  }
0xa1: {  	s23 =	simm.s32 $0x1B8B  }
0xa2: {  	_ =	swait.ge [sflag:s23], $0x1  }
0xa3: {  	[sflag:s23] =	ssyncset.done $0x0  }
0xa4: {  	s25 =	simm.s32 $0x1B8E;
	s24 =	sld [smem:$0x3FFE];
	[sflag:s23] =	ssyncadd.s32 $0xFFFFFFFF  }
0xa5: {  	s26 =	simm.s32 $execute0_lowered;
	[smem:$0x3FD2] =	sst s25  }
0xa6: {  	s5 =	sshll.u32 s26, $0x1;
	_ =	strace $0x80000046;
	[dreg:$0x1] =	wrdreg $0xFFFFFFFF  }
0xa7: {  	s28 =	simm.s32 $_size_execute0_lowered;
	s3 =	sadd.s32 s3, s5;
	[dreg:$0x0] =	wrdreg $0x0  }
0xa8: {  	s5 =	sshll.u32 s28, $0x1;
	[dreg:$0x2] =	wrdreg s3  }
0xa9: {  	[dreg:$0x3] =	wrdreg s5  }
0xaa: {  	[dreg:$0x4] =	wrdreg $0xC0  }
0xab: {  	_ =	task [dreg:s7], $0x5FFFF  }
0xac: {  	[dreg:$0x1] =	wrdreg $0xFFFFFFFF  }
0xad: {  	[dreg:$0x0] =	wrdreg $0x60  }
0xae: {  	[dreg:$0x2] =	wrdreg s24  }
0xaf: {  	[dreg:$0x3] =	wrdreg s2  }
0xb0: {  	[dreg:$0x4] =	wrdreg $0x9  }
0xb1: {  	_ =	task.clear_ibuf [dreg:s7], $0x5FFFF;
	_ =	strace $0x90000046  }
0xb2: {  	s29 =	simm.s32 $0x9;
	_ =	strace $0x80000048  }
0xb3: {  	_ =	swait.ge [sflag:s29], $0x1  }
0xb4: {  	[sflag:s29] =	ssyncadd.s32 $0xFFFFFFFF  }
0xb5: {  	_ =	strace $0x90000048  }
0xb6: {  	_ =	sfence  }
0xb7: {  	s30 =	sld [smem:$0x0];
	_ =	sdelay $0x2  }
0xb8: {  	s31 =	sshll.u32 s1, $0xD;
	s1 =	sshrl.u32 s1, $0x2  }
0xb9: {  	s3 =	sand.u32 $0x4000, s31;
	s1 =	sadd.s32 s1, s30  }
0xba: {  	s0 =	sor.u32 s3, s0;
	s1 =	sshll.u32 s1, $0x11  }
0xbb: {  	s0 =	sor.u32 s1, s0  }
0xbc: {  	s0 =	sadd.s32 $0x8F2B, s0  }
0xbd: {  	[sflag:s0] =	ssyncadd.remote.s32 $0x1  }
0xbe: {  	_ =	sfence.sel $0xFFFF  }
0xbf: {  	[dreg:$0x0] =	wrdreg $0xFFFFFFFF;
	(pc) =	sbr.abs _section_cstart, $3  }
0xc0: {  	[dreg:$0x1] =	wrdreg $0xFFFFFFFF  }
0xc1: {  	_ =	task.clear_ibuf [dreg:s7], $0x2FFFF;
	_ =	strace $0x9FFFFFFF  }
0xc2: {  	(tm) =	ssettm $0x7FFFFFFF  }
0xc3: {  	_ =	shalt  }
tec
execute0_lowered:
.L_overlay_start_1:
0x0: {  	(tag) =	ssettag $0x1  }
0x1: {  	s0 =	rddreg [dreg:$0x0]  }
0x2: {  	s2 =	rddreg [dreg:$0x1];
	s3 =	simm.s32 $0x0  }
0x3: {  	s1 =	srdreg.scid;
	s4 =	stileid.u32;
	s16 =	simm.s32 $0x1  }
0x4: {  	s17 =	simm.s32 $0x1000;
	s18 =	simm.s32 $0x20000;
	s19 =	simm.s32 $0x1140  }
0x5: {  	s20 =	simm.s32 $0x2;
	s21 =	simm.s32 $0x9140;
	s22 =	simm.s32 $0x3  }
0x6: {  	s23 =	simm.s32 $0x4;
	s24 =	simm.s32 $0x0;
	[smem:$0x7FF] =	sst s3  }
0x7: {  	s1 =	sand.u32 $0x1, s1;
	s5 =	sshll.u32 s4, $0x1;
	s4 =	sadd.s32 $0x600, s0  }
0x8: {  	s0 =	sadd.s32 $0x400, s0;
	s11 =	sadd.s32 $0x20000, s2;
	s5 =	sor.u32 s1, s5  }
0x9: {  	_ =	strace $0x80000047;
	s30 =	ssub.s32 $0x2, s1;
	s31 =	sshll.u32 s5, $0x6  }
0xa: {  	[dreg:$0x3] =	wrdreg s0;
	s7 =	sshrl.u32 s30, $0x1;
	s1 =	sadd.s32 s4, s31  }
0xb: {  	s0 =	ssub.s32 s30, s7;
	[dreg:$0x4] =	wrdreg s1;
	s1 =	sadd.s32 $0x800, s1  }
0xc: {  	s6 =	sshll.u32 s5, $0x9;
	s0 =	smax.u32 s0, $0x1;
	[dreg:$0x5] =	wrdreg s1  }
0xd: {  	s9 =	sor.u32 $0x8000, s6;
	s10 =	sor.u32 $0xC000, s6;
	[dreg:$0x6] =	wrdreg s0  }
.LBB2_1:
0xe: {  	s0 =	rddreg [dreg:$0x3];
	s28 =	simm.s32 $0x5  }
0xf: {  	[tilespmem:s3], [sflag:$0x5] =	stream.linear.gather [hbm4b:s0+s3], $0xD40, $0x38;
	[tilespmem:$0x11140] =	vst v63  }
0x10: {  	_ =	swait.ge [sflag:s28], $0xD40  }
0x11: {  	[sflag:s28] =	ssyncset.done $0x0  }
0x12: {  	s1 =	simm.s32 $0xD40;
	s29 =	rddreg [dreg:$0x4];
	[sflag:s28] =	ssyncadd.s32 $0xFFFFF2C0  }
0x13: {  	[tilespmem:s1], [sflag:$0x1] =	stream.linear.gather [hbm4b:s29+s3], $0x200, $0x38;
	[tilespmem:$0x11140] =	vst v63  }
0x14: {  	s31 =	simm.s32 $0xF40;
	s25 =	simm.s32 $0x0;
	s30 =	rddreg [dreg:$0x5]  }
0x15: {  	[tilespmem:s31], [sflag:$0x2] =	stream.linear.gather [hbm4b:s30+s3], $0x200, $0x38;
	[tilespmem:$0x11140] =	vst v63  }
.LBB2_2:
0x16: {  	p1 =	seq.s32 s25, $0x0  }
0x17: {  	s0 =	simm.s32 @!p1 $0x3  }
0x18: {  	_ =	swait.ge @!p1 [sflag:s0], $0x8000  }
0x19: {  	[sflag:s0] =	ssyncset.done @!p1 $0x0  }
0x1a: {  	[sflag:s0] =	ssyncadd.s32 @!p1 $0xFFFF8000  }
0x1b: {  	_ =	swait.ge [sflag:s16], $0x200  }
0x1c: {  	[sflag:s16] =	ssyncset.done $0x0  }
0x1d: {  	s1 =	simm.s32 $0xD40;
	[sflag:s16] =	ssyncadd.s32 $0xFFFFFE00  }
0x1e: {  	v4 =	vld [tilespmem:s1+$0x0];
	_ =	sdelay $0x7  }
0x1f: {  	v0 =	vld.idx.msk [tilespmem:v4+s3+$0x0], $0xffff  }
0x20: {  	v1 =	vadd.s32 $0x35, v4  }
0x21: {  	s5 =	simm.s32 $0x0  }
0x22: {  	s0 =	sand.u32 $0xC00, s5;
	s1 =	sand.u32 $0x70, s5  }
0x23: {  	s1 =	sor.u32 s1, s0  }
0x24: {  	[tilespmem:s1+$0x1140] =	vst v0  }
0x25: {  	v0 =	vld.idx.msk [tilespmem:v1+s3+$0x0], $0xffff  }
0x26: {  	v1 =	vadd.s32 $0x6A, v4;
	_ =	sdelay $0x3  }
0x27: {  	[tilespmem:s1+$0x11C0] =	vst v0  }
0x28: {  	v0 =	vld.idx.msk [tilespmem:v1+s3+$0x0], $0xffff  }
0x29: {  	v1 =	vadd.s32 $0x9F, v4;
	_ =	sdelay $0x3  }
0x2a: {  	[tilespmem:s1+$0x1240] =	vst v0  }
0x2b: {  	v0 =	vld.idx.msk [tilespmem:v1+s3+$0x0], $0xffff  }
0x2c: {  	v1 =	vadd.s32 $0xD4, v4;
	_ =	sdelay $0x3  }
0x2d: {  	[tilespmem:s1+$0x12C0] =	vst v0  }
0x2e: {  	v0 =	vld.idx.msk [tilespmem:v1+s3+$0x0], $0xffff  }
0x2f: {  	v1 =	vadd.s32 $0x109, v4;
	_ =	sdelay $0x3  }
0x30: {  	[tilespmem:s1+$0x1340] =	vst v0  }
0x31: {  	v0 =	vld.idx.msk [tilespmem:v1+s3+$0x0], $0xffff  }
0x32: {  	v1 =	vadd.s32 $0x13E, v4;
	_ =	sdelay $0x3  }
0x33: {  	[tilespmem:s1+$0x13C0] =	vst v0  }
0x34: {  	v0 =	vld.idx.msk [tilespmem:v1+s3+$0x0], $0xffff  }
0x35: {  	v1 =	vadd.s32 $0x173, v4;
	_ =	sdelay $0x3  }
0x36: {  	[tilespmem:s1+$0x1440] =	vst v0  }
0x37: {  	v1 =	vld.idx.msk [tilespmem:v1+s3+$0x0], $0xffff  }
0x38: {  	v2 =	vadd.s32 $0x1A8, v4;
	_ =	sdelay $0x2  }
0x39: {  	s7 =	simm.s32 $0xD50  }
0x3a: {  	v0 =	vld [tilespmem:s7+$0x0];
	[tilespmem:s1+$0x14C0] =	vst v1  }
0x3b: {  	v1 =	vld.idx.msk [tilespmem:v2+s3+$0x0], $0xffff  }
0x3c: {  	v2 =	vadd.s32 $0x1DD, v4;
	_ =	sdelay $0x3  }
0x3d: {  	[tilespmem:s1+$0x2140] =	vst v1  }
0x3e: {  	v1 =	vld.idx.msk [tilespmem:v2+s3+$0x0], $0xffff  }
0x3f: {  	v3 =	vld.idx.msk [tilespmem:v0+s3+$0x0], $0xffff;
	v2 =	vadd.s32 $0x212, v4  }
0x40: {  	v5 =	vadd.s32 $0x35, v0  }
0x41: {  	s8 =	simm.s32 $0x80;
	s5 =	simm.s32 $0x10  }
0x42: {  	s5 =	sand.u32 $0x70, s5;
	s0 =	sand.u32 $0xC00, s8  }
0x43: {  	s0 =	sor.u32 s5, s0;
	[tilespmem:s1+$0x21C0] =	vst v1  }
0x44: {  	[tilespmem:s0+$0x1140] =	vst v3;
	v1 =	vld.idx.msk [tilespmem:v2+s3+$0x0], $0xffff  }
0x45: {  	v3 =	vld.idx.msk [tilespmem:v5+s3+$0x0], $0xffff;
	v2 =	vadd.s32 $0x247, v4  }
0x46: {  	v5 =	vadd.s32 $0x6A, v0;
	_ =	sdelay $0x2  }
0x47: {  	[tilespmem:s1+$0x2240] =	vst v1  }
0x48: {  	[tilespmem:s0+$0x11C0] =	vst v3;
	v1 =	vld.idx.msk [tilespmem:v2+s3+$0x0], $0xffff  }
0x49: {  	v3 =	vld.idx.msk [tilespmem:v5+s3+$0x0], $0xffff;
	v2 =	vadd.s32 $0x27C, v4  }
0x4a: {  	v5 =	vadd.s32 $0x9F, v0;
	_ =	sdelay $0x2  }
0x4b: {  	[tilespmem:s1+$0x22C0] =	vst v1  }
0x4c: {  	[tilespmem:s0+$0x1240] =	vst v3;
	v1 =	vld.idx.msk [tilespmem:v2+s3+$0x0], $0xffff  }
0x4d: {  	v3 =	vld.idx.msk [tilespmem:v5+s3+$0x0], $0xffff;
	v2 =	vadd.s32 $0x2B1, v4  }
0x4e: {  	v5 =	vadd.s32 $0xD4, v0;
	_ =	sdelay $0x2  }
0x4f: {  	[tilespmem:s1+$0x2340] =	vst v1  }
0x50: {  	[tilespmem:s0+$0x12C0] =	vst v3;
	v1 =	vld.idx.msk [tilespmem:v2+s3+$0x0], $0xffff  }
0x51: {  	v3 =	vld.idx.msk [tilespmem:v5+s3+$0x0], $0xffff;
	v2 =	vadd.s32 $0x2E6, v4  }
0x52: {  	v5 =	vadd.s32 $0x109, v0;
	_ =	sdelay $0x2  }
0x53: {  	[tilespmem:s1+$0x23C0] =	vst v1  }
0x54: {  	[tilespmem:s0+$0x1340] =	vst v3;
	v1 =	vld.idx.msk [tilespmem:v2+s3+$0x0], $0xffff  }
0x55: {  	v3 =	vld.idx.msk [tilespmem:v5+s3+$0x0], $0xffff;
	v2 =	vadd.s32 $0x31B, v4  }
0x56: {  	v5 =	vadd.s32 $0x13E, v0;
	_ =	sdelay $0x2  }
0x57: {  	[tilespmem:s1+$0x2440] =	vst v1  }
0x58: {  	[tilespmem:s0+$0x13C0] =	vst v3;
	v1 =	vld.idx.msk [tilespmem:v2+s3+$0x0], $0xffff  }
0x59: {  	v3 =	vld.idx.msk [tilespmem:v5+s3+$0x0], $0xffff;
	v2 =	vadd.s32 $0x350, v4  }
0x5a: {  	v5 =	vadd.s32 $0x173, v0;
	_ =	sdelay $0x2  }
0x5b: {  	[tilespmem:s1+$0x24C0] =	vst v1  }
0x5c: {  	[tilespmem:s0+$0x1440] =	vst v3;
	v1 =	vld.idx.msk [tilespmem:v2+s3+$0x0], $0xffff  }
0x5d: {  	v3 =	vld.idx.msk [tilespmem:v5+s3+$0x0], $0xffff;
	v2 =	vadd.s32 $0x385, v4  }
0x5e: {  	v5 =	vadd.s32 $0x1A8, v0;
	_ =	sdelay $0x2  }
0x5f: {  	[tilespmem:s1+$0x3140] =	vst v1  }
0x60: {  	[tilespmem:s0+$0x14C0] =	vst v3;
	v2 =	vld.idx.msk [tilespmem:v2+s3+$0x0], $0xffff  }
0x61: {  	s12 =	simm.s32 $0xD60;
	v3 =	vadd.s32 $0x3BA, v4;
	v5 =	vld.idx.msk [tilespmem:v5+s3+$0x0], $0xffff  }
0x62: {  	v1 =	vld [tilespmem:s12+$0x0]  }
0x63: {  	v6 =	vadd.s32 $0x1DD, v0;
	_ =	sdelay $0x1  }
0x64: {  	[tilespmem:s1+$0x31C0] =	vst v2  }
0x65: {  	v2 =	vld.idx.msk [tilespmem:v3+s3+$0x0], $0xffff  }
0x66: {  	[tilespmem:s0+$0x2140] =	vst v5;
	v3 =	vadd.s32 $0x3EF, v4  }
0x67: {  	v5 =	vld.idx.msk [tilespmem:v6+s3+$0x0], $0xffff  }
0x68: {  	v6 =	vadd.s32 $0x212, v0  }
0x69: {  	v7 =	vld.idx.msk [tilespmem:v1+s3+$0x0], $0xffff  }
0x6a: {  	v8 =	vadd.s32 $0x35, v1;
	[tilespmem:s1+$0x3240] =	vst v2  }
0x6b: {  	s13 =	simm.s32 $0x100;
	s7 =	simm.s32 $0x20;
	v2 =	vld.idx.msk [tilespmem:v3+s3+$0x0], $0xffff  }
0x6c: {  	s5 =	sand.u32 $0xC00, s13;
	s7 =	sand.u32 $0x70, s7;
	[tilespmem:s0+$0x21C0] =	vst v5;
	v3 =	vadd.s32 $0x424, v4  }
0x6d: {  	s28 =	sor.u32 s7, s5;
	v5 =	vld.idx.msk [tilespmem:v6+s3+$0x0], $0xffff  }
0x6e: {  	v6 =	vadd.s32 $0x247, v0;
	[tilespmem:s28+$0x1140] =	vst v7  }
0x6f: {  	v7 =	vld.idx.msk [tilespmem:v8+s3+$0x0], $0xffff  }
0x70: {  	v8 =	vadd.s32 $0x6A, v1;
	[tilespmem:s1+$0x32C0] =	vst v2  }
0x71: {  	v2 =	vld.idx.msk [tilespmem:v3+s3+$0x0], $0xffff  }
0x72: {  	[tilespmem:s0+$0x2240] =	vst v5;
	v3 =	vadd.s32 $0x459, v4  }
0x73: {  	v5 =	vld.idx.msk [tilespmem:v6+s3+$0x0], $0xffff  }
0x74: {  	v6 =	vadd.s32 $0x27C, v0;
	[tilespmem:s28+$0x11C0] =	vst v7  }
0x75: {  	v7 =	vld.idx.msk [tilespmem:v8+s3+$0x0], $0xffff  }
0x76: {  	v8 =	vadd.s32 $0x9F, v1;
	[tilespmem:s1+$0x3340] =	vst v2  }
0x77: {  	v2 =	vld.idx.msk [tilespmem:v3+s3+$0x0], $0xffff  }
0x78: {  	[tilespmem:s0+$0x22C0] =	vst v5;
	v3 =	vadd.s32 $0x48E, v4  }
0x79: {  	v5 =	vld.idx.msk [tilespmem:v6+s3+$0x0], $0xffff  }
0x7a: {  	v6 =	vadd.s32 $0x2B1, v0;
	[tilespmem:s28+$0x1240] =	vst v7  }
0x7b: {  	v7 =	vld.idx.msk [tilespmem:v8+s3+$0x0], $0xffff  }
0x7c: {  	v8 =	vadd.s32 $0xD4, v1;
	[tilespmem:s1+$0x33C0] =	vst v2  }
0x7d: {  	v2 =	vld.idx.msk [tilespmem:v3+s3+$0x0], $0xffff  }
0x7e: {  	[tilespmem:s0+$0x2340] =	vst v5;
	v3 =	vadd.s32 $0x4C3, v4  }
0x7f: {  	v5 =	vld.idx.msk [tilespmem:v6+s3+$0x0], $0xffff  }
0x80: {  	v6 =	vadd.s32 $0x2E6, v0;
	[tilespmem:s28+$0x12C0] =	vst v7  }
0x81: {  	v7 =	vld.idx.msk [tilespmem:v8+s3+$0x0], $0xffff  }
0x82: {  	v8 =	vadd.s32 $0x109, v1;
	[tilespmem:s1+$0x3440] =	vst v2  }
0x83: {  	v2 =	vld.idx.msk [tilespmem:v3+s3+$0x0], $0xffff  }
0x84: {  	[tilespmem:s0+$0x23C0] =	vst v5;
	v3 =	vadd.s32 $0x4F8, v4  }
0x85: {  	v5 =	vld.idx.msk [tilespmem:v6+s3+$0x0], $0xffff  }
0x86: {  	v6 =	vadd.s32 $0x31B, v0;
	[tilespmem:s28+$0x1340] =	vst v7  }
0x87: {  	v7 =	vld.idx.msk [tilespmem:v8+s3+$0x0], $0xffff  }
0x88: {  	v8 =	vadd.s32 $0x13E, v1;
	[tilespmem:s1+$0x34C0] =	vst v2  }
0x89: {  	v2 =	vld.idx.msk [tilespmem:v3+s3+$0x0], $0xffff  }
0x8a: {  	[tilespmem:s0+$0x2440] =	vst v5;
	v3 =	vadd.s32 $0x52D, v4  }
0x8b: {  	v5 =	vld.idx.msk [tilespmem:v6+s3+$0x0], $0xffff  }
0x8c: {  	v6 =	vadd.s32 $0x350, v0;
	[tilespmem:s28+$0x13C0] =	vst v7  }
0x8d: {  	v7 =	vld.idx.msk [tilespmem:v8+s3+$0x0], $0xffff  }
0x8e: {  	v8 =	vadd.s32 $0x173, v1;
	[tilespmem:s1+$0x4140] =	vst v2  }
0x8f: {  	v2 =	vld.idx.msk [tilespmem:v3+s3+$0x0], $0xffff  }
0x90: {  	[tilespmem:s0+$0x24C0] =	vst v5;
	v3 =	vadd.s32 $0x562, v4  }
0x91: {  	v5 =	vld.idx.msk [tilespmem:v6+s3+$0x0], $0xffff  }
0x92: {  	v6 =	vadd.s32 $0x385, v0;
	[tilespmem:s28+$0x1440] =	vst v7  }
0x93: {  	v7 =	vld.idx.msk [tilespmem:v8+s3+$0x0], $0xffff  }
0x94: {  	v8 =	vadd.s32 $0x1A8, v1;
	[tilespmem:s1+$0x41C0] =	vst v2  }
0x95: {  	v2 =	vld.idx.msk [tilespmem:v3+s3+$0x0], $0xffff  }
0x96: {  	[tilespmem:s0+$0x3140] =	vst v5;
	v5 =	vadd.s32 $0x597, v4  }
0x97: {  	s14 =	simm.s32 $0xD70;
	v6 =	vld.idx.msk [tilespmem:v6+s3+$0x0], $0xffff  }
0x98: {  	v3 =	vld [tilespmem:s14+$0x0];
	[tilespmem:s28+$0x14C0] =	vst v7;
	v7 =	vadd.s32 $0x3BA, v0  }
0x99: {  	v8 =	vld.idx.msk [tilespmem:v8+s3+$0x0], $0xffff  }
0x9a: {  	v9 =	vadd.s32 $0x1DD, v1;
	[tilespmem:s1+$0x4240] =	vst v2  }
0x9b: {  	v2 =	vld.idx.msk [tilespmem:v5+s3+$0x0], $0xffff  }
0x9c: {  	[tilespmem:s0+$0x31C0] =	vst v6;
	v5 =	vadd.s32 $0x5CC, v4  }
0x9d: {  	v6 =	vld.idx.msk [tilespmem:v7+s3+$0x0], $0xffff  }
0x9e: {  	v7 =	vadd.s32 $0x3EF, v0;
	[tilespmem:s28+$0x2140] =	vst v8  }
0x9f: {  	v8 =	vld.idx.msk [tilespmem:v9+s3+$0x0], $0xffff  }
0xa0: {  	v10 =	vadd.s32 $0x212, v1;
	v9 =	vld.idx.msk [tilespmem:v3+s3+$0x0], $0xffff;
	[tilespmem:s1+$0x42C0] =	vst v2  }
0xa1: {  	v2 =	vld.idx.msk [tilespmem:v5+s3+$0x0], $0xffff;
	v5 =	vadd.s32 $0x35, v3  }
0xa2: {  	s15 =	simm.s32 $0x180;
	s26 =	simm.s32 $0x30;
	[tilespmem:s0+$0x3240] =	vst v6;
	v6 =	vadd.s32 $0x601, v4  }
0xa3: {  	s7 =	sand.u32 $0x70, s26;
	s5 =	sand.u32 $0xC00, s15;
	v7 =	vld.idx.msk [tilespmem:v7+s3+$0x0], $0xffff  }
0xa4: {  	s30 =	sor.u32 s7, s5;
	[tilespmem:s28+$0x21C0] =	vst v8;
	v8 =	vadd.s32 $0x424, v0  }
0xa5: {  	v10 =	vld.idx.msk [tilespmem:v10+s3+$0x0], $0xffff;
	[tilespmem:s30+$0x1140] =	vst v9  }
0xa6: {  	v9 =	vadd.s32 $0x247, v1;
	v5 =	vld.idx.msk [tilespmem:v5+s3+$0x0], $0xffff;
	[tilespmem:s1+$0x4340] =	vst v2  }
0xa7: {  	v2 =	vld.idx.msk [tilespmem:v6+s3+$0x0], $0xffff;
	v6 =	vadd.s32 $0x6A, v3  }
0xa8: {  	[tilespmem:s0+$0x32C0] =	vst v7;
	v7 =	vadd.s32 $0x636, v4  }
0xa9: {  	v8 =	vld.idx.msk [tilespmem:v8+s3+$0x0], $0xffff  }
0xaa: {  	[tilespmem:s28+$0x2240] =	vst v10;
	v10 =	vadd.s32 $0x459, v0  }
0xab: {  	v9 =	vld.idx.msk [tilespmem:v9+s3+$0x0], $0xffff;
	[tilespmem:s30+$0x11C0] =	vst v5  }
0xac: {  	v5 =	vld.idx.msk [tilespmem:v6+s3+$0x0], $0xffff;
	v6 =	vadd.s32 $0x27C, v1;
	[tilespmem:s1+$0x43C0] =	vst v2  }
0xad: {  	v2 =	vld.idx.msk [tilespmem:v7+s3+$0x0], $0xffff;
	v7 =	vadd.s32 $0x9F, v3  }
0xae: {  	[tilespmem:s0+$0x3340] =	vst v8;
	v8 =	vadd.s32 $0x66B, v4  }
0xaf: {  	v10 =	vld.idx.msk [tilespmem:v10+s3+$0x0], $0xffff  }
0xb0: {  	[tilespmem:s28+$0x22C0] =	vst v9;
	v9 =	vadd.s32 $0x48E, v0  }
0xb1: {  	v6 =	vld.idx.msk [tilespmem:v6+s3+$0x0], $0xffff;
	[tilespmem:s30+$0x1240] =	vst v5  }
0xb2: {  	v5 =	vld.idx.msk [tilespmem:v7+s3+$0x0], $0xffff;
	v7 =	vadd.s32 $0x2B1, v1;
	[tilespmem:s1+$0x4440] =	vst v2  }
0xb3: {  	v2 =	vld.idx.msk [tilespmem:v8+s3+$0x0], $0xffff;
	v8 =	vadd.s32 $0xD4, v3  }
0xb4: {  	[tilespmem:s0+$0x33C0] =	vst v10;
	v10 =	vadd.s32 $0x6A0, v4  }
0xb5: {  	v9 =	vld.idx.msk [tilespmem:v9+s3+$0x0], $0xffff  }
0xb6: {  	[tilespmem:s28+$0x2340] =	vst v6;
	v6 =	vadd.s32 $0x4C3, v0  }
0xb7: {  	v7 =	vld.idx.msk [tilespmem:v7+s3+$0x0], $0xffff;
	[tilespmem:s30+$0x12C0] =	vst v5  }
0xb8: {  	v5 =	vld.idx.msk [tilespmem:v8+s3+$0x0], $0xffff;
	v8 =	vadd.s32 $0x2E6, v1;
	[tilespmem:s1+$0x44C0] =	vst v2  }
0xb9: {  	v2 =	vld.idx.msk [tilespmem:v10+s3+$0x0], $0xffff;
	v10 =	vadd.s32 $0x109, v3  }
0xba: {  	[tilespmem:s0+$0x3440] =	vst v9;
	v9 =	vadd.s32 $0x6D5, v4  }
0xbb: {  	v6 =	vld.idx.msk [tilespmem:v6+s3+$0x0], $0xffff  }
0xbc: {  	[tilespmem:s28+$0x23C0] =	vst v7;
	v7 =	vadd.s32 $0x4F8, v0  }
0xbd: {  	v8 =	vld.idx.msk [tilespmem:v8+s3+$0x0], $0xffff;
	[tilespmem:s30+$0x1340] =	vst v5  }
0xbe: {  	v5 =	vld.idx.msk [tilespmem:v10+s3+$0x0], $0xffff;
	v10 =	vadd.s32 $0x31B, v1;
	[tilespmem:s1+$0x5140] =	vst v2  }
0xbf: {  	v2 =	vld.idx.msk [tilespmem:v9+s3+$0x0], $0xffff;
	v9 =	vadd.s32 $0x13E, v3  }
0xc0: {  	[tilespmem:s0+$0x34C0] =	vst v6;
	v6 =	vadd.s32 $0x70A, v4  }
0xc1: {  	v7 =	vld.idx.msk [tilespmem:v7+s3+$0x0], $0xffff  }
0xc2: {  	[tilespmem:s28+$0x2440] =	vst v8;
	v8 =	vadd.s32 $0x52D, v0  }
0xc3: {  	v10 =	vld.idx.msk [tilespmem:v10+s3+$0x0], $0xffff;
	[tilespmem:s30+$0x13C0] =	vst v5  }
0xc4: {  	v5 =	vld.idx.msk [tilespmem:v9+s3+$0x0], $0xffff;
	v9 =	vadd.s32 $0x350, v1;
	[tilespmem:s1+$0x51C0] =	vst v2  }
0xc5: {  	v2 =	vld.idx.msk [tilespmem:v6+s3+$0x0], $0xffff;
	v6 =	vadd.s32 $0x173, v3  }
0xc6: {  	[tilespmem:s0+$0x4140] =	vst v7;
	v7 =	vadd.s32 $0x73F, v4  }
0xc7: {  	v8 =	vld.idx.msk [tilespmem:v8+s3+$0x0], $0xffff  }
0xc8: {  	[tilespmem:s28+$0x24C0] =	vst v10;
	v10 =	vadd.s32 $0x562, v0  }
0xc9: {  	v9 =	vld.idx.msk [tilespmem:v9+s3+$0x0], $0xffff;
	[tilespmem:s30+$0x1440] =	vst v5  }
0xca: {  	v5 =	vld.idx.msk [tilespmem:v6+s3+$0x0], $0xffff;
	v6 =	vadd.s32 $0x385, v1;
	[tilespmem:s1+$0x5240] =	vst v2  }
0xcb: {  	v11 =	vadd.s32 $0x1A8, v3;
	v7 =	vld.idx.msk [tilespmem:v7+s3+$0x0], $0xffff  }
0xcc: {  	[tilespmem:s0+$0x41C0] =	vst v8;
	v8 =	vadd.s32 $0x774, v4  }
0xcd: {  	s7 =	simm.s32 $0xD80;
	v10 =	vld.idx.msk [tilespmem:v10+s3+$0x0], $0xffff  }
0xce: {  	v2 =	vld [tilespmem:s7+$0x0];
	[tilespmem:s28+$0x3140] =	vst v9;
	v9 =	vadd.s32 $0x597, v0  }
0xcf: {  	v6 =	vld.idx.msk [tilespmem:v6+s3+$0x0], $0xffff;
	[tilespmem:s30+$0x14C0] =	vst v5  }
0xd0: {  	v5 =	vld.idx.msk [tilespmem:v11+s3+$0x0], $0xffff;
	v11 =	vadd.s32 $0x3BA, v1;
	[tilespmem:s1+$0x52C0] =	vst v7  }
0xd1: {  	v7 =	vld.idx.msk [tilespmem:v8+s3+$0x0], $0xffff;
	v8 =	vadd.s32 $0x1DD, v3  }
0xd2: {  	[tilespmem:s0+$0x4240] =	vst v10;
	v10 =	vadd.s32 $0x7A9, v4  }
0xd3: {  	v9 =	vld.idx.msk [tilespmem:v9+s3+$0x0], $0xffff  }
0xd4: {  	[tilespmem:s28+$0x31C0] =	vst v6;
	v6 =	vadd.s32 $0x5CC, v0  }
0xd5: {  	v11 =	vld.idx.msk [tilespmem:v11+s3+$0x0], $0xffff;
	[tilespmem:s30+$0x2140] =	vst v5  }
0xd6: {  	v5 =	vld.idx.msk [tilespmem:v8+s3+$0x0], $0xffff;
	v8 =	vadd.s32 $0x3EF, v1;
	[tilespmem:s1+$0x5340] =	vst v7  }
0xd7: {  	v7 =	vld.idx.msk [tilespmem:v10+s3+$0x0], $0xffff;
	v10 =	vadd.s32 $0x212, v3  }
0xd8: {  	v12 =	vld.idx.msk [tilespmem:v2+s3+$0x0], $0xffff;
	[tilespmem:s0+$0x42C0] =	vst v9;
	v9 =	vadd.s32 $0x7DE, v4  }
0xd9: {  	v13 =	vadd.s32 $0x35, v2;
	v6 =	vld.idx.msk [tilespmem:v6+s3+$0x0], $0xffff  }
0xda: {  	s8 =	simm.s32 $0x200;
	s12 =	simm.s32 $0x40;
	[tilespmem:s28+$0x3240] =	vst v11;
	v11 =	vadd.s32 $0x601, v0  }
0xdb: {  	s5 =	sand.u32 $0xC00, s8;
	s7 =	sand.u32 $0x70, s12;
	v8 =	vld.idx.msk [tilespmem:v8+s3+$0x0], $0xffff;
	[tilespmem:s30+$0x21C0] =	vst v5  }
0xdc: {  	s29 =	sor.u32 s7, s5;
	v5 =	vld.idx.msk [tilespmem:v10+s3+$0x0], $0xffff;
	v10 =	vadd.s32 $0x424, v1;
	[tilespmem:s1+$0x53C0] =	vst v7  }
0xdd: {  	[tilespmem:s29+$0x1140] =	vst v12;
	v7 =	vld.idx.msk [tilespmem:v9+s3+$0x0], $0xffff;
	v9 =	vadd.s32 $0x247, v3  }
0xde: {  	v12 =	vld.idx.msk [tilespmem:v13+s3+$0x0], $0xffff;
	[tilespmem:s0+$0x4340] =	vst v6;
	v6 =	vadd.s32 $0x813, v4  }
0xdf: {  	v13 =	vadd.s32 $0x6A, v2;
	v11 =	vld.idx.msk [tilespmem:v11+s3+$0x0], $0xffff  }
0xe0: {  	[tilespmem:s28+$0x32C0] =	vst v8;
	v8 =	vadd.s32 $0x636, v0  }
0xe1: {  	v10 =	vld.idx.msk [tilespmem:v10+s3+$0x0], $0xffff;
	[tilespmem:s30+$0x2240] =	vst v5  }
0xe2: {  	v5 =	vld.idx.msk [tilespmem:v9+s3+$0x0], $0xffff;
	v9 =	vadd.s32 $0x459, v1;
	[tilespmem:s1+$0x5440] =	vst v7  }
0xe3: {  	[tilespmem:s29+$0x11C0] =	vst v12;
	v7 =	vadd.s32 $0x27C, v3;
	v6 =	vld.idx.msk [tilespmem:v6+s3+$0x0], $0xffff  }
0xe4: {  	v12 =	vld.idx.msk [tilespmem:v13+s3+$0x0], $0xffff;
	[tilespmem:s0+$0x43C0] =	vst v11;
	v11 =	vadd.s32 $0x848, v4  }
0xe5: {  	v13 =	vadd.s32 $0x9F, v2;
	v8 =	vld.idx.msk [tilespmem:v8+s3+$0x0], $0xffff  }
0xe6: {  	[tilespmem:s28+$0x3340] =	vst v10;
	v10 =	vadd.s32 $0x66B, v0  }
0xe7: {  	v9 =	vld.idx.msk [tilespmem:v9+s3+$0x0], $0xffff;
	[tilespmem:s30+$0x22C0] =	vst v5  }
0xe8: {  	v5 =	vld.idx.msk [tilespmem:v7+s3+$0x0], $0xffff;
	v7 =	vadd.s32 $0x48E, v1;
	[tilespmem:s1+$0x54C0] =	vst v6  }
0xe9: {  	[tilespmem:s29+$0x1240] =	vst v12;
	v6 =	vld.idx.msk [tilespmem:v11+s3+$0x0], $0xffff;
	v11 =	vadd.s32 $0x2B1, v3  }
0xea: {  	v12 =	vld.idx.msk [tilespmem:v13+s3+$0x0], $0xffff;
	[tilespmem:s0+$0x4440] =	vst v8;
	v8 =	vadd.s32 $0x87D, v4  }
0xeb: {  	v13 =	vadd.s32 $0xD4, v2;
	v10 =	vld.idx.msk [tilespmem:v10+s3+$0x0], $0xffff  }
0xec: {  	[tilespmem:s28+$0x33C0] =	vst v9;
	v9 =	vadd.s32 $0x6A0, v0  }
0xed: {  	v7 =	vld.idx.msk [tilespmem:v7+s3+$0x0], $0xffff;
	[tilespmem:s30+$0x2340] =	vst v5  }
0xee: {  	v5 =	vld.idx.msk [tilespmem:v11+s3+$0x0], $0xffff;
	v11 =	vadd.s32 $0x4C3, v1;
	[tilespmem:s1+$0x6140] =	vst v6  }
0xef: {  	[tilespmem:s29+$0x12C0] =	vst v12;
	v6 =	vld.idx.msk [tilespmem:v8+s3+$0x0], $0xffff;
	v8 =	vadd.s32 $0x2E6, v3  }
0xf0: {  	v12 =	vld.idx.msk [tilespmem:v13+s3+$0x0], $0xffff;
	[tilespmem:s0+$0x44C0] =	vst v10;
	v10 =	vadd.s32 $0x8B2, v4  }
0xf1: {  	v13 =	vadd.s32 $0x109, v2;
	v9 =	vld.idx.msk [tilespmem:v9+s3+$0x0], $0xffff  }
0xf2: {  	[tilespmem:s28+$0x3440] =	vst v7;
	v7 =	vadd.s32 $0x6D5, v0  }
0xf3: {  	v11 =	vld.idx.msk [tilespmem:v11+s3+$0x0], $0xffff;
	[tilespmem:s30+$0x23C0] =	vst v5  }
0xf4: {  	v5 =	vld.idx.msk [tilespmem:v8+s3+$0x0], $0xffff;
	v8 =	vadd.s32 $0x4F8, v1;
	[tilespmem:s1+$0x61C0] =	vst v6  }
0xf5: {  	[tilespmem:s29+$0x1340] =	vst v12;
	v6 =	vld.idx.msk [tilespmem:v10+s3+$0x0], $0xffff;
	v10 =	vadd.s32 $0x31B, v3  }
0xf6: {  	v12 =	vld.idx.msk [tilespmem:v13+s3+$0x0], $0xffff;
	[tilespmem:s0+$0x5140] =	vst v9;
	v9 =	vadd.s32 $0x8E7, v4  }
0xf7: {  	v13 =	vadd.s32 $0x13E, v2;
	v7 =	vld.idx.msk [tilespmem:v7+s3+$0x0], $0xffff  }
0xf8: {  	[tilespmem:s28+$0x34C0] =	vst v11;
	v11 =	vadd.s32 $0x70A, v0  }
0xf9: {  	v8 =	vld.idx.msk [tilespmem:v8+s3+$0x0], $0xffff;
	[tilespmem:s30+$0x2440] =	vst v5  }
0xfa: {  	v5 =	vld.idx.msk [tilespmem:v10+s3+$0x0], $0xffff;
	v10 =	vadd.s32 $0x52D, v1;
	[tilespmem:s1+$0x6240] =	vst v6  }
0xfb: {  	[tilespmem:s29+$0x13C0] =	vst v12;
	v6 =	vld.idx.msk [tilespmem:v9+s3+$0x0], $0xffff;
	v9 =	vadd.s32 $0x350, v3  }
0xfc: {  	v12 =	vld.idx.msk [tilespmem:v13+s3+$0x0], $0xffff;
	[tilespmem:s0+$0x51C0] =	vst v7;
	v7 =	vadd.s32 $0x91C, v4  }
0xfd: {  	v13 =	vadd.s32 $0x173, v2;
	v11 =	vld.idx.msk [tilespmem:v11+s3+$0x0], $0xffff  }
0xfe: {  	[tilespmem:s28+$0x4140] =	vst v8;
	v8 =	vadd.s32 $0x73F, v0  }
0xff: {  	v10 =	vld.idx.msk [tilespmem:v10+s3+$0x0], $0xffff;
	[tilespmem:s30+$0x24C0] =	vst v5  }
0x100: {  	v14 =	vadd.s32 $0x562, v1;
	v9 =	vld.idx.msk [tilespmem:v9+s3+$0x0], $0xffff;
	[tilespmem:s1+$0x62C0] =	vst v6  }
0x101: {  	[tilespmem:s29+$0x1440] =	vst v12;
	v6 =	vld.idx.msk [tilespmem:v7+s3+$0x0], $0xffff;
	v7 =	vadd.s32 $0x385, v3  }
0x102: {  	v12 =	vld.idx.msk [tilespmem:v13+s3+$0x0], $0xffff;
	[tilespmem:s0+$0x5240] =	vst v11;
	v11 =	vadd.s32 $0x951, v4  }
0x103: {  	s13 =	simm.s32 $0xD90;
	v13 =	vadd.s32 $0x1A8, v2;
	v8 =	vld.idx.msk [tilespmem:v8+s3+$0x0], $0xffff  }
0x104: {  	v5 =	vld [tilespmem:s13+$0x0];
	[tilespmem:s28+$0x41C0] =	vst v10;
	v10 =	vadd.s32 $0x774, v0  }
0x105: {  	v14 =	vld.idx.msk [tilespmem:v14+s3+$0x0], $0xffff;
	[tilespmem:s30+$0x3140] =	vst v9  }
0x106: {  	v9 =	vadd.s32 $0x597, v1;
	v7 =	vld.idx.msk [tilespmem:v7+s3+$0x0], $0xffff;
	[tilespmem:s1+$0x6340] =	vst v6  }
0x107: {  	[tilespmem:s29+$0x14C0] =	vst v12;
	v12 =	vadd.s32 $0x3BA, v3;
	v11 =	vld.idx.msk [tilespmem:v11+s3+$0x0], $0xffff  }
0x108: {  	v13 =	vld.idx.msk [tilespmem:v13+s3+$0x0], $0xffff;
	[tilespmem:s0+$0x52C0] =	vst v8;
	v8 =	vadd.s32 $0x986, v4  }
0x109: {  	s14 =	simm.s32 $0xDA0;
	v15 =	vadd.s32 $0x1DD, v2;
	v10 =	vld.idx.msk [tilespmem:v10+s3+$0x0], $0xffff  }
0x10a: {  	v6 =	vld [tilespmem:s14+$0x0];
	[tilespmem:s28+$0x4240] =	vst v14;
	v14 =	vadd.s32 $0x7A9, v0  }
0x10b: {  	v9 =	vld.idx.msk [tilespmem:v9+s3+$0x0], $0xffff;
	[tilespmem:s30+$0x31C0] =	vst v7  }
0x10c: {  	v7 =	vld.idx.msk [tilespmem:v12+s3+$0x0], $0xffff;
	v12 =	vadd.s32 $0x5CC, v1;
	[tilespmem:s1+$0x63C0] =	vst v11  }
0x10d: {  	[tilespmem:s29+$0x2140] =	vst v13;
	v11 =	vadd.s32 $0x3EF, v3;
	v8 =	vld.idx.msk [tilespmem:v8+s3+$0x0], $0xffff  }
0x10e: {  	v13 =	vld.idx.msk [tilespmem:v15+s3+$0x0], $0xffff;
	[tilespmem:s0+$0x5340] =	vst v10;
	v10 =	vadd.s32 $0x9BB, v4  }
0x10f: {  	v15 =	vadd.s32 $0x212, v2;
	v14 =	vld.idx.msk [tilespmem:v14+s3+$0x0], $0xffff  }
0x110: {  	v16 =	vld.idx.msk [tilespmem:v5+s3+$0x0], $0xffff;
	[tilespmem:s28+$0x42C0] =	vst v9;
	v9 =	vadd.s32 $0x7DE, v0  }
0x111: {  	v17 =	vadd.s32 $0x35, v5;
	v12 =	vld.idx.msk [tilespmem:v12+s3+$0x0], $0xffff;
	[tilespmem:s30+$0x3240] =	vst v7  }
0x112: {  	s15 =	simm.s32 $0x280;
	s14 =	simm.s32 $0x50;
	v7 =	vld.idx.msk [tilespmem:v11+s3+$0x0], $0xffff;
	v11 =	vadd.s32 $0x601, v1;
	[tilespmem:s1+$0x6440] =	vst v8  }
0x113: {  	s5 =	sand.u32 $0xC00, s15;
	s26 =	sand.u32 $0x70, s14;
	[tilespmem:s29+$0x21C0] =	vst v13;
	v8 =	vld.idx.msk [tilespmem:v10+s3+$0x0], $0xffff;
	v10 =	vadd.s32 $0x424, v3  }
0x114: {  	s31 =	sor.u32 s26, s5;
	v13 =	vld.idx.msk [tilespmem:v15+s3+$0x0], $0xffff;
	[tilespmem:s0+$0x53C0] =	vst v14;
	v14 =	vadd.s32 $0x9F0, v4  }
0x115: {  	[tilespmem:s31+$0x1140] =	vst v16;
	v15 =	vadd.s32 $0x247, v2;
	v9 =	vld.idx.msk [tilespmem:v9+s3+$0x0], $0xffff  }
0x116: {  	v16 =	vld.idx.msk [tilespmem:v17+s3+$0x0], $0xffff;
	[tilespmem:s28+$0x4340] =	vst v12;
	v12 =	vadd.s32 $0x813, v0  }
0x117: {  	v17 =	vadd.s32 $0x6A, v5;
	v11 =	vld.idx.msk [tilespmem:v11+s3+$0x0], $0xffff;
	[tilespmem:s30+$0x32C0] =	vst v7  }
0x118: {  	v7 =	vld.idx.msk [tilespmem:v10+s3+$0x0], $0xffff;
	v10 =	vadd.s32 $0x636, v1;
	[tilespmem:s1+$0x64C0] =	vst v8  }
0x119: {  	[tilespmem:s29+$0x2240] =	vst v13;
	v13 =	vadd.s32 $0x459, v3;
	v8 =	vld.idx.msk [tilespmem:v14+s3+$0x0], $0xffff  }
0x11a: {  	v14 =	vld.idx.msk [tilespmem:v15+s3+$0x0], $0xffff;
	[tilespmem:s0+$0x5440] =	vst v9;
	v9 =	vadd.s32 $0xA25, v4  }
0x11b: {  	[tilespmem:s31+$0x11C0] =	vst v16;
	v15 =	vadd.s32 $0x27C, v2;
	v12 =	vld.idx.msk [tilespmem:v12+s3+$0x0], $0xffff  }
0x11c: {  	v16 =	vld.idx.msk [tilespmem:v17+s3+$0x0], $0xffff;
	[tilespmem:s28+$0x43C0] =	vst v11;
	v11 =	vadd.s32 $0x848, v0  }
0x11d: {  	v17 =	vadd.s32 $0x9F, v5;
	v10 =	vld.idx.msk [tilespmem:v10+s3+$0x0], $0xffff;
	[tilespmem:s30+$0x3340] =	vst v7  }
0x11e: {  	v7 =	vld.idx.msk [tilespmem:v13+s3+$0x0], $0xffff;
	v13 =	vadd.s32 $0x66B, v1;
	[tilespmem:s1+$0x7140] =	vst v8  }
0x11f: {  	[tilespmem:s29+$0x22C0] =	vst v14;
	v8 =	vld.idx.msk [tilespmem:v9+s3+$0x0], $0xffff;
	v9 =	vadd.s32 $0x48E, v3  }
0x120: {  	v14 =	vld.idx.msk [tilespmem:v15+s3+$0x0], $0xffff;
	[tilespmem:s0+$0x54C0] =	vst v12;
	v12 =	vadd.s32 $0xA5A, v4  }
0x121: {  	[tilespmem:s31+$0x1240] =	vst v16;
	v15 =	vadd.s32 $0x2B1, v2;
	v11 =	vld.idx.msk [tilespmem:v11+s3+$0x0], $0xffff  }
0x122: {  	v16 =	vld.idx.msk [tilespmem:v17+s3+$0x0], $0xffff;
	[tilespmem:s28+$0x4440] =	vst v10;
	v10 =	vadd.s32 $0x87D, v0  }
0x123: {  	v17 =	vadd.s32 $0xD4, v5;
	v13 =	vld.idx.msk [tilespmem:v13+s3+$0x0], $0xffff;
	[tilespmem:s30+$0x33C0] =	vst v7  }
0x124: {  	v7 =	vld.idx.msk [tilespmem:v9+s3+$0x0], $0xffff;
	v9 =	vadd.s32 $0x6A0, v1;
	[tilespmem:s1+$0x71C0] =	vst v8  }
0x125: {  	[tilespmem:s29+$0x2340] =	vst v14;
	v8 =	vld.idx.msk [tilespmem:v12+s3+$0x0], $0xffff;
	v12 =	vadd.s32 $0x4C3, v3  }
0x126: {  	v14 =	vld.idx.msk [tilespmem:v15+s3+$0x0], $0xffff;
	[tilespmem:s0+$0x6140] =	vst v11;
	v11 =	vadd.s32 $0xA8F, v4  }
0x127: {  	[tilespmem:s31+$0x12C0] =	vst v16;
	v15 =	vadd.s32 $0x2E6, v2;
	v10 =	vld.idx.msk [tilespmem:v10+s3+$0x0], $0xffff  }
0x128: {  	v16 =	vld.idx.msk [tilespmem:v17+s3+$0x0], $0xffff;
	[tilespmem:s28+$0x44C0] =	vst v13;
	v13 =	vadd.s32 $0x8B2, v0  }
0x129: {  	v17 =	vadd.s32 $0x109, v5;
	v9 =	vld.idx.msk [tilespmem:v9+s3+$0x0], $0xffff;
	[tilespmem:s30+$0x3440] =	vst v7  }
0x12a: {  	v7 =	vld.idx.msk [tilespmem:v12+s3+$0x0], $0xffff;
	v12 =	vadd.s32 $0x6D5, v1;
	[tilespmem:s1+$0x7240] =	vst v8  }
0x12b: {  	[tilespmem:s29+$0x23C0] =	vst v14;
	v8 =	vld.idx.msk [tilespmem:v11+s3+$0x0], $0xffff;
	v11 =	vadd.s32 $0x4F8, v3  }
0x12c: {  	v14 =	vld.idx.msk [tilespmem:v15+s3+$0x0], $0xffff;
	[tilespmem:s0+$0x61C0] =	vst v10;
	v10 =	vadd.s32 $0xAC4, v4  }
0x12d: {  	[tilespmem:s31+$0x1340] =	vst v16;
	v15 =	vadd.s32 $0x31B, v2;
	v13 =	vld.idx.msk [tilespmem:v13+s3+$0x0], $0xffff  }
0x12e: {  	v16 =	vld.idx.msk [tilespmem:v17+s3+$0x0], $0xffff;
	[tilespmem:s28+$0x5140] =	vst v9;
	v9 =	vadd.s32 $0x8E7, v0  }
0x12f: {  	v17 =	vadd.s32 $0x13E, v5;
	v12 =	vld.idx.msk [tilespmem:v12+s3+$0x0], $0xffff;
	[tilespmem:s30+$0x34C0] =	vst v7  }
0x130: {  	v7 =	vld.idx.msk [tilespmem:v11+s3+$0x0], $0xffff;
	v11 =	vadd.s32 $0x70A, v1;
	[tilespmem:s1+$0x72C0] =	vst v8  }
0x131: {  	[tilespmem:s29+$0x2440] =	vst v14;
	v8 =	vld.idx.msk [tilespmem:v10+s3+$0x0], $0xffff;
	v10 =	vadd.s32 $0x52D, v3  }
0x132: {  	v14 =	vld.idx.msk [tilespmem:v15+s3+$0x0], $0xffff;
	[tilespmem:s0+$0x6240] =	vst v13;
	v13 =	vadd.s32 $0xAF9, v4  }
0x133: {  	[tilespmem:s31+$0x13C0] =	vst v16;
	v15 =	vadd.s32 $0x350, v2;
	v9 =	vld.idx.msk [tilespmem:v9+s3+$0x0], $0xffff  }
0x134: {  	v16 =	vld.idx.msk [tilespmem:v17+s3+$0x0], $0xffff;
	[tilespmem:s28+$0x51C0] =	vst v12;
	v12 =	vadd.s32 $0x91C, v0  }
0x135: {  	v17 =	vadd.s32 $0x173, v5;
	v11 =	vld.idx.msk [tilespmem:v11+s3+$0x0], $0xffff;
	[tilespmem:s30+$0x4140] =	vst v7  }
0x136: {  	v7 =	vld.idx.msk [tilespmem:v10+s3+$0x0], $0xffff;
	v10 =	vadd.s32 $0x73F, v1;
	[tilespmem:s1+$0x7340] =	vst v8  }
0x137: {  	[tilespmem:s29+$0x24C0] =	vst v14;
	v8 =	vld.idx.msk [tilespmem:v13+s3+$0x0], $0xffff;
	v13 =	vadd.s32 $0x562, v3  }
0x138: {  	v14 =	vld.idx.msk [tilespmem:v15+s3+$0x0], $0xffff;
	[tilespmem:s0+$0x62C0] =	vst v9;
	v9 =	vadd.s32 $0xB2E, v4  }
0x139: {  	[tilespmem:s31+$0x1440] =	vst v16;
	v16 =	vadd.s32 $0x385, v2;
	v15 =	vld.idx.msk [tilespmem:v12+s3+$0x0], $0xffff  }
0x13a: {  	v17 =	vld.idx.msk [tilespmem:v17+s3+$0x0], $0xffff;
	[tilespmem:s28+$0x5240] =	vst v11;
	v11 =	vadd.s32 $0x951, v0  }
0x13b: {  	v18 =	vadd.s32 $0x1A8, v5;
	v10 =	vld.idx.msk [tilespmem:v10+s3+$0x0], $0xffff;
	[tilespmem:s30+$0x41C0] =	vst v7  }
0x13c: {  	v7 =	vadd.s32 $0x774, v1;
	v13 =	vld.idx.msk [tilespmem:v13+s3+$0x0], $0xffff;
	[tilespmem:s1+$0x73C0] =	vst v8  }
0x13d: {  	[tilespmem:s29+$0x3140] =	vst v14;
	v12 =	vld.idx.msk [tilespmem:v9+s3+$0x0], $0xffff  }
0x13e: {  	v14 =	vld.idx.msk [tilespmem:v16+s3+$0x0], $0xffff;
	v16 =	vadd.s32 $0x597, v3;
	[tilespmem:s0+$0x6340] =	vst v15  }
0x13f: {  	[tilespmem:s31+$0x14C0] =	vst v17;
	v9 =	vld.idx.msk [tilespmem:v11+s3+$0x0], $0xffff;
	v11 =	vadd.s32 $0xB63, v4  }
0x140: {  	s8 =	simm.s32 $0x380;
	v17 =	vadd.s32 $0x3BA, v2;
	v15 =	vld.idx.msk [tilespmem:v18+s3+$0x0], $0xffff;
	[tilespmem:s28+$0x52C0] =	vst v10  }
0x141: {  	s15 =	simm.s32 $0xDB0;
	s26 =	sshll.u32 s25, $0xF;
	s5 =	simm.s32 $0x300;
	v8 =	vadd.s32 $0x986, v0;
	v10 =	vld.idx.msk [tilespmem:v7+s3+$0x0], $0xffff  }
.LBB2_3:
0x142: {  	v7 =	vld [tilespmem:s15+$0x0];
	p0 =	sne.s32 s8, $0xF80;
	v18 =	vadd.s32 $0x1DD, v5;
	[tilespmem:s30+$0x4240] =	vst v13;
	s12 =	smov.u32 s0;
	s0 =	smov.u32 s28  }
0x143: {  	s28 =	smov.u32 s30;
	s30 =	smov.u32 s29;
	s29 =	smov.u32 s31;
	v13 =	vld.idx.msk [tilespmem:v16+s3+$0x0], $0xffff;
	v16 =	vadd.s32 $0x7A9, v1;
	[tilespmem:s1+$0x7440] =	vst v12  }
0x144: {  	[tilespmem:s30+$0x31C0] =	vst v14;
	v11 =	vld.idx.msk [tilespmem:v11+s3+$0x0], $0xffff  }
0x145: {  	v14 =	vadd.s32 $0x5CC, v3;
	v12 =	vld.idx.msk [tilespmem:v17+s3+$0x0], $0xffff;
	[tilespmem:s12+$0x63C0] =	vst v9  }
0x146: {  	v9 =	vadd.s32 $0xB98, v4;
	[tilespmem:s29+$0x2140] =	vst v15;
	v8 =	vld.idx.msk [tilespmem:v8+s3+$0x0], $0xffff  }
0x147: {  	v17 =	vadd.s32 $0x3EF, v2;
	v15 =	vld.idx.msk [tilespmem:v18+s3+$0x0], $0xffff;
	[tilespmem:s0+$0x5340] =	vst v10  }
0x148: {  	v10 =	vld.idx.msk [tilespmem:v16+s3+$0x0], $0xffff;
	v16 =	vadd.s32 $0x9BB, v0  }
0x149: {  	v19 =	vadd.s32 $0x212, v5;
	v18 =	vld.idx.msk [tilespmem:v6+s3+$0x0], $0xffff;
	[tilespmem:s28+$0x42C0] =	vst v13  }
0x14a: {  	v13 =	vld.idx.msk [tilespmem:v14+s3+$0x0], $0xffff;
	v14 =	vadd.s32 $0x7DE, v1;
	[tilespmem:s1+$0x74C0] =	vst v11  }
0x14b: {  	v11 =	vadd.s32 $0x35, v6;
	[tilespmem:s30+$0x3240] =	vst v12;
	v9 =	vld.idx.msk [tilespmem:v9+s3+$0x0], $0xffff  }
0x14c: {  	s14 =	sadd.s32 $0x10, s14;
	v12 =	vld.idx.msk [tilespmem:v17+s3+$0x0], $0xffff;
	v17 =	vadd.s32 $0x601, v3;
	[tilespmem:s12+$0x6440] =	vst v8  }
0x14d: {  	s31 =	sand.u32 $0xC00, s5;
	s5 =	smov.u32 s8;
	s7 =	sand.u32 $0x70, s14;
	[tilespmem:s29+$0x21C0] =	vst v15;
	v8 =	vld.idx.msk [tilespmem:v16+s3+$0x0], $0xffff;
	v15 =	vadd.s32 $0xBCD, v4  }
0x14e: {  	s31 =	sor.u32 s7, s31;
	v16 =	vld.idx.msk [tilespmem:v19+s3+$0x0], $0xffff;
	v19 =	vadd.s32 $0x424, v2;
	[tilespmem:s0+$0x53C0] =	vst v10  }
0x14f: {  	[tilespmem:s31+$0x1140] =	vst v18;
	v10 =	vld.idx.msk [tilespmem:v14+s3+$0x0], $0xffff;
	v14 =	vadd.s32 $0x9F0, v0  }
0x150: {  	v18 =	vadd.s32 $0x247, v5;
	v11 =	vld.idx.msk [tilespmem:v11+s3+$0x0], $0xffff;
	[tilespmem:s28+$0x4340] =	vst v13  }
0x151: {  	v13 =	vld.idx.msk [tilespmem:v17+s3+$0x0], $0xffff;
	v17 =	vadd.s32 $0x813, v1;
	[tilespmem:s1+$0x8140] =	vst v9  }
0x152: {  	v9 =	vadd.s32 $0x6A, v6;
	[tilespmem:s30+$0x32C0] =	vst v12;
	v12 =	vld.idx.msk [tilespmem:v15+s3+$0x0], $0xffff  }
0x153: {  	v15 =	vld.idx.msk [tilespmem:v19+s3+$0x0], $0xffff;
	v19 =	vadd.s32 $0x636, v3;
	[tilespmem:s12+$0x64C0] =	vst v8  }
0x154: {  	[tilespmem:s29+$0x2240] =	vst v16;
	v8 =	vld.idx.msk [tilespmem:v14+s3+$0x0], $0xffff;
	v14 =	vadd.s32 $0xC02, v4  }
0x155: {  	v16 =	vld.idx.msk [tilespmem:v18+s3+$0x0], $0xffff;
	v18 =	vadd.s32 $0x459, v2;
	[tilespmem:s0+$0x5440] =	vst v10  }
0x156: {  	[tilespmem:s31+$0x11C0] =	vst v11;
	v10 =	vld.idx.msk [tilespmem:v17+s3+$0x0], $0xffff;
	v11 =	vadd.s32 $0xA25, v0  }
0x157: {  	v17 =	vadd.s32 $0x27C, v5;
	v9 =	vld.idx.msk [tilespmem:v9+s3+$0x0], $0xffff;
	[tilespmem:s28+$0x43C0] =	vst v13  }
0x158: {  	v13 =	vld.idx.msk [tilespmem:v19+s3+$0x0], $0xffff;
	v19 =	vadd.s32 $0x848, v1;
	[tilespmem:s1+$0x81C0] =	vst v12  }
0x159: {  	v12 =	vadd.s32 $0x9F, v6;
	[tilespmem:s30+$0x3340] =	vst v15;
	v14 =	vld.idx.msk [tilespmem:v14+s3+$0x0], $0xffff  }
0x15a: {  	v15 =	vld.idx.msk [tilespmem:v18+s3+$0x0], $0xffff;
	v18 =	vadd.s32 $0x66B, v3;
	[tilespmem:s12+$0x7140] =	vst v8  }
0x15b: {  	[tilespmem:s29+$0x22C0] =	vst v16;
	v8 =	vld.idx.msk [tilespmem:v11+s3+$0x0], $0xffff;
	v11 =	vadd.s32 $0xC37, v4  }
0x15c: {  	v16 =	vld.idx.msk [tilespmem:v17+s3+$0x0], $0xffff;
	v17 =	vadd.s32 $0x48E, v2;
	[tilespmem:s0+$0x54C0] =	vst v10  }
0x15d: {  	v10 =	vadd.s32 $0xA5A, v0;
	[tilespmem:s31+$0x1240] =	vst v9;
	v9 =	vld.idx.msk [tilespmem:v19+s3+$0x0], $0xffff  }
0x15e: {  	v19 =	vadd.s32 $0x2B1, v5;
	v12 =	vld.idx.msk [tilespmem:v12+s3+$0x0], $0xffff;
	[tilespmem:s28+$0x4440] =	vst v13  }
0x15f: {  	v13 =	vld.idx.msk [tilespmem:v18+s3+$0x0], $0xffff;
	v18 =	vadd.s32 $0x87D, v1;
	[tilespmem:s1+$0x8240] =	vst v14  }
0x160: {  	v14 =	vadd.s32 $0xD4, v6;
	[tilespmem:s30+$0x33C0] =	vst v15;
	v11 =	vld.idx.msk [tilespmem:v11+s3+$0x0], $0xffff  }
0x161: {  	v15 =	vld.idx.msk [tilespmem:v17+s3+$0x0], $0xffff;
	v17 =	vadd.s32 $0x6A0, v3;
	[tilespmem:s12+$0x71C0] =	vst v8  }
0x162: {  	[tilespmem:s29+$0x2340] =	vst v16;
	v8 =	vld.idx.msk [tilespmem:v10+s3+$0x0], $0xffff;
	v10 =	vadd.s32 $0xC6C, v4  }
0x163: {  	v16 =	vld.idx.msk [tilespmem:v19+s3+$0x0], $0xffff;
	v19 =	vadd.s32 $0x4C3, v2;
	[tilespmem:s0+$0x6140] =	vst v9  }
0x164: {  	[tilespmem:s31+$0x12C0] =	vst v12;
	v9 =	vld.idx.msk [tilespmem:v18+s3+$0x0], $0xffff;
	v12 =	vadd.s32 $0xA8F, v0  }
0x165: {  	v18 =	vadd.s32 $0x2E6, v5;
	v14 =	vld.idx.msk [tilespmem:v14+s3+$0x0], $0xffff;
	[tilespmem:s28+$0x44C0] =	vst v13  }
0x166: {  	v13 =	vld.idx.msk [tilespmem:v17+s3+$0x0], $0xffff;
	v17 =	vadd.s32 $0x8B2, v1;
	[tilespmem:s1+$0x82C0] =	vst v11  }
0x167: {  	v11 =	vadd.s32 $0x109, v6;
	[tilespmem:s30+$0x3440] =	vst v15;
	v10 =	vld.idx.msk [tilespmem:v10+s3+$0x0], $0xffff  }
0x168: {  	v15 =	vld.idx.msk [tilespmem:v19+s3+$0x0], $0xffff;
	v19 =	vadd.s32 $0x6D5, v3;
	[tilespmem:s12+$0x7240] =	vst v8  }
0x169: {  	[tilespmem:s29+$0x23C0] =	vst v16;
	v8 =	vld.idx.msk [tilespmem:v12+s3+$0x0], $0xffff;
	v12 =	vadd.s32 $0xCA1, v4  }
0x16a: {  	v16 =	vld.idx.msk [tilespmem:v18+s3+$0x0], $0xffff;
	v18 =	vadd.s32 $0x4F8, v2;
	[tilespmem:s0+$0x61C0] =	vst v9  }
0x16b: {  	[tilespmem:s31+$0x1340] =	vst v14;
	v9 =	vld.idx.msk [tilespmem:v17+s3+$0x0], $0xffff;
	v14 =	vadd.s32 $0xAC4, v0  }
0x16c: {  	v17 =	vadd.s32 $0x31B, v5;
	v11 =	vld.idx.msk [tilespmem:v11+s3+$0x0], $0xffff;
	[tilespmem:s28+$0x5140] =	vst v13  }
0x16d: {  	v13 =	vld.idx.msk [tilespmem:v19+s3+$0x0], $0xffff;
	v19 =	vadd.s32 $0x8E7, v1;
	[tilespmem:s1+$0x8340] =	vst v10  }
0x16e: {  	v10 =	vadd.s32 $0x13E, v6;
	[tilespmem:s30+$0x34C0] =	vst v15;
	v12 =	vld.idx.msk [tilespmem:v12+s3+$0x0], $0xffff  }
0x16f: {  	v15 =	vld.idx.msk [tilespmem:v18+s3+$0x0], $0xffff;
	v18 =	vadd.s32 $0x70A, v3;
	[tilespmem:s12+$0x72C0] =	vst v8  }
0x170: {  	[tilespmem:s29+$0x2440] =	vst v16;
	v8 =	vld.idx.msk [tilespmem:v14+s3+$0x0], $0xffff;
	v14 =	vadd.s32 $0xCD6, v4  }
0x171: {  	v16 =	vld.idx.msk [tilespmem:v17+s3+$0x0], $0xffff;
	v17 =	vadd.s32 $0x52D, v2;
	[tilespmem:s0+$0x6240] =	vst v9  }
0x172: {  	[tilespmem:s31+$0x13C0] =	vst v11;
	v9 =	vld.idx.msk [tilespmem:v19+s3+$0x0], $0xffff;
	v11 =	vadd.s32 $0xAF9, v0  }
0x173: {  	v19 =	vadd.s32 $0x350, v5;
	v10 =	vld.idx.msk [tilespmem:v10+s3+$0x0], $0xffff;
	[tilespmem:s28+$0x51C0] =	vst v13  }
0x174: {  	v13 =	vld.idx.msk [tilespmem:v18+s3+$0x0], $0xffff;
	v18 =	vadd.s32 $0x91C, v1;
	[tilespmem:s1+$0x83C0] =	vst v12  }
0x175: {  	v12 =	vadd.s32 $0x173, v6;
	[tilespmem:s30+$0x4140] =	vst v15;
	v14 =	vld.idx.msk [tilespmem:v14+s3+$0x0], $0xffff  }
0x176: {  	v15 =	vld.idx.msk [tilespmem:v17+s3+$0x0], $0xffff;
	v17 =	vadd.s32 $0x73F, v3;
	[tilespmem:s12+$0x7340] =	vst v8  }
0x177: {  	[tilespmem:s29+$0x24C0] =	vst v16;
	v8 =	vld.idx.msk [tilespmem:v11+s3+$0x0], $0xffff;
	v11 =	vadd.s32 $0xD0B, v4;
	v4 =	vmovc v0;
	v0 =	vmovc v1;
	v1 =	vmov v3;
	v3 =	vmov v2  }
0x178: {  	v2 =	vmovc v5;
	v5 =	vmov v6;
	v6 =	vmov v7;
	v16 =	vld.idx.msk [tilespmem:v19+s3+$0x0], $0xffff;
	v19 =	vadd.s32 $0x562, v3;
	[tilespmem:s0+$0x62C0] =	vst v9  }
0x179: {  	v9 =	vadd.s32 $0xB2E, v4;
	[tilespmem:s31+$0x1440] =	vst v10;
	v7 =	vld.idx.msk [tilespmem:v18+s3+$0x0], $0xffff  }
0x17a: {  	v18 =	vadd.s32 $0x385, v2;
	v10 =	vld.idx.msk [tilespmem:v12+s3+$0x0], $0xffff;
	[tilespmem:s28+$0x5240] =	vst v13  }
0x17b: {  	v20 =	vld.idx.msk [tilespmem:v17+s3+$0x0], $0xffff;
	v17 =	vadd.s32 $0x951, v0;
	[tilespmem:s1+$0x8440] =	vst v14  }
0x17c: {  	v21 =	vadd.s32 $0x1A8, v5;
	[tilespmem:s30+$0x41C0] =	vst v15;
	v22 =	vld.idx.msk [tilespmem:v11+s3+$0x0], $0xffff  }
0x17d: {  	v13 =	vld.idx.msk [tilespmem:v19+s3+$0x0], $0xffff;
	v19 =	vadd.s32 $0x774, v1;
	[tilespmem:s12+$0x73C0] =	vst v8  }
.Ltmp0:
0x17e: {  	[tilespmem:s29+$0x3140] =	vst v16;
	v12 =	vld.idx.msk [tilespmem:v9+s3+$0x0], $0xffff;
	(pc) =	sbr.rel @p0 .LBB2_3-.Ltmp0, $4  }
0x17f: {  	v16 =	vadd.s32 $0x597, v3;
	v14 =	vld.idx.msk [tilespmem:v18+s3+$0x0], $0xffff;
	[tilespmem:s0+$0x6340] =	vst v7  }
0x180: {  	v11 =	vadd.s32 $0xB63, v4;
	[tilespmem:s31+$0x14C0] =	vst v10;
	v9 =	vld.idx.msk [tilespmem:v17+s3+$0x0], $0xffff  }
0x181: {  	v17 =	vadd.s32 $0x3BA, v2;
	v15 =	vld.idx.msk [tilespmem:v21+s3+$0x0], $0xffff;
	[tilespmem:s28+$0x52C0] =	vst v20  }
0x182: {  	s15 =	sadd.s32 $0x10, s15;
	s8 =	sadd.s32 $0x80, s8;
	v8 =	vadd.s32 $0x986, v0;
	v10 =	vld.idx.msk [tilespmem:v19+s3+$0x0], $0xffff;
	[tilespmem:s1+$0x84C0] =	vst v22;
	s1 =	smov.u32 s12  }
0x183: {  	_ = 	snop  }
0x184: {  	v7 =	vadd.s32 $0x1DD, v5;
	_ =	sdelay $0x1  }
0x185: {  	[tilespmem:s29+$0x31C0] =	vst v14  }
0x186: {  	[tilespmem:s30+$0x4240] =	vst v13;
	v13 =	vld.idx.msk [tilespmem:v17+s3+$0x0], $0xffff  }
0x187: {  	v14 =	vld.idx.msk [tilespmem:v16+s3+$0x0], $0xffff;
	[tilespmem:s31+$0x2140] =	vst v15;
	v15 =	vadd.s32 $0x3EF, v2  }
0x188: {  	v16 =	vadd.s32 $0x5CC, v3;
	v7 =	vld.idx.msk [tilespmem:v7+s3+$0x0], $0xffff  }
0x189: {  	v18 =	vadd.s32 $0x212, v5;
	v17 =	vld.idx.msk [tilespmem:v6+s3+$0x0], $0xffff  }
0x18a: {  	v19 =	vadd.s32 $0x35, v6  }
0x18b: {  	s7 =	sadd.s32 $0x10, s14;
	[tilespmem:s29+$0x3240] =	vst v13  }
0x18c: {  	s5 =	sand.u32 $0xC00, s5;
	s7 =	sand.u32 $0x70, s7;
	[tilespmem:s30+$0x42C0] =	vst v14;
	v13 =	vld.idx.msk [tilespmem:v15+s3+$0x0], $0xffff  }
0x18d: {  	s15 =	sor.u32 s7, s5;
	v14 =	vld.idx.msk [tilespmem:v16+s3+$0x0], $0xffff;
	[tilespmem:s31+$0x21C0] =	vst v7;
	v7 =	vadd.s32 $0x424, v2  }
0x18e: {  	[tilespmem:s15+$0x1140] =	vst v17;
	v15 =	vadd.s32 $0x601, v3;
	v16 =	vld.idx.msk [tilespmem:v18+s3+$0x0], $0xffff  }
0x18f: {  	v17 =	vld.idx.msk [tilespmem:v19+s3+$0x0], $0xffff;
	v18 =	vadd.s32 $0x247, v5  }
0x190: {  	v19 =	vadd.s32 $0x6A, v6  }
0x191: {  	[tilespmem:s29+$0x32C0] =	vst v13  }
0x192: {  	[tilespmem:s30+$0x4340] =	vst v14;
	v7 =	vld.idx.msk [tilespmem:v7+s3+$0x0], $0xffff  }
0x193: {  	v14 =	vadd.s32 $0x459, v2;
	v13 =	vld.idx.msk [tilespmem:v15+s3+$0x0], $0xffff;
	[tilespmem:s31+$0x2240] =	vst v16  }
0x194: {  	v15 =	vadd.s32 $0x636, v3;
	[tilespmem:s15+$0x11C0] =	vst v17;
	v16 =	vld.idx.msk [tilespmem:v18+s3+$0x0], $0xffff  }
0x195: {  	v17 =	vld.idx.msk [tilespmem:v19+s3+$0x0], $0xffff;
	v18 =	vadd.s32 $0x27C, v5  }
0x196: {  	v19 =	vadd.s32 $0x9F, v6  }
0x197: {  	[tilespmem:s29+$0x3340] =	vst v7  }
0x198: {  	[tilespmem:s30+$0x43C0] =	vst v13;
	v7 =	vld.idx.msk [tilespmem:v14+s3+$0x0], $0xffff  }
0x199: {  	v13 =	vld.idx.msk [tilespmem:v15+s3+$0x0], $0xffff;
	v14 =	vadd.s32 $0x48E, v2;
	[tilespmem:s31+$0x22C0] =	vst v16  }
0x19a: {  	v15 =	vadd.s32 $0x66B, v3;
	[tilespmem:s15+$0x1240] =	vst v17;
	v16 =	vld.idx.msk [tilespmem:v18+s3+$0x0], $0xffff  }
0x19b: {  	v17 =	vld.idx.msk [tilespmem:v19+s3+$0x0], $0xffff;
	v18 =	vadd.s32 $0x2B1, v5  }
0x19c: {  	v19 =	vadd.s32 $0xD4, v6  }
0x19d: {  	[tilespmem:s29+$0x33C0] =	vst v7  }
0x19e: {  	[tilespmem:s30+$0x4440] =	vst v13;
	v7 =	vld.idx.msk [tilespmem:v14+s3+$0x0], $0xffff  }
0x19f: {  	v13 =	vld.idx.msk [tilespmem:v15+s3+$0x0], $0xffff;
	v14 =	vadd.s32 $0x4C3, v2;
	[tilespmem:s31+$0x2340] =	vst v16  }
0x1a0: {  	v15 =	vadd.s32 $0x6A0, v3;
	[tilespmem:s15+$0x12C0] =	vst v17;
	v16 =	vld.idx.msk [tilespmem:v18+s3+$0x0], $0xffff  }
0x1a1: {  	v17 =	vld.idx.msk [tilespmem:v19+s3+$0x0], $0xffff;
	v18 =	vadd.s32 $0x2E6, v5  }
0x1a2: {  	v19 =	vadd.s32 $0x109, v6  }
0x1a3: {  	[tilespmem:s29+$0x3440] =	vst v7  }
0x1a4: {  	[tilespmem:s30+$0x44C0] =	vst v13;
	v7 =	vld.idx.msk [tilespmem:v14+s3+$0x0], $0xffff  }
0x1a5: {  	v13 =	vld.idx.msk [tilespmem:v15+s3+$0x0], $0xffff;
	v14 =	vadd.s32 $0x4F8, v2;
	[tilespmem:s31+$0x23C0] =	vst v16  }
0x1a6: {  	v15 =	vadd.s32 $0x6D5, v3;
	[tilespmem:s15+$0x1340] =	vst v17;
	v16 =	vld.idx.msk [tilespmem:v18+s3+$0x0], $0xffff  }
0x1a7: {  	v17 =	vld.idx.msk [tilespmem:v19+s3+$0x0], $0xffff;
	v18 =	vadd.s32 $0x31B, v5  }
0x1a8: {  	v19 =	vadd.s32 $0x13E, v6  }
0x1a9: {  	[tilespmem:s29+$0x34C0] =	vst v7  }
0x1aa: {  	[tilespmem:s30+$0x5140] =	vst v13;
	v7 =	vld.idx.msk [tilespmem:v14+s3+$0x0], $0xffff  }
0x1ab: {  	v13 =	vld.idx.msk [tilespmem:v15+s3+$0x0], $0xffff;
	v14 =	vadd.s32 $0x52D, v2;
	[tilespmem:s31+$0x2440] =	vst v16  }
0x1ac: {  	v15 =	vadd.s32 $0x70A, v3;
	[tilespmem:s15+$0x13C0] =	vst v17;
	v16 =	vld.idx.msk [tilespmem:v18+s3+$0x0], $0xffff  }
0x1ad: {  	v17 =	vld.idx.msk [tilespmem:v19+s3+$0x0], $0xffff;
	v18 =	vadd.s32 $0x350, v5  }
0x1ae: {  	v19 =	vadd.s32 $0x173, v6  }
0x1af: {  	[tilespmem:s29+$0x4140] =	vst v7  }
0x1b0: {  	[tilespmem:s30+$0x51C0] =	vst v13;
	v7 =	vld.idx.msk [tilespmem:v14+s3+$0x0], $0xffff  }
0x1b1: {  	v13 =	vld.idx.msk [tilespmem:v15+s3+$0x0], $0xffff;
	v14 =	vadd.s32 $0x562, v2;
	[tilespmem:s31+$0x24C0] =	vst v16  }
0x1b2: {  	v15 =	vadd.s32 $0x73F, v3;
	[tilespmem:s15+$0x1440] =	vst v17;
	v16 =	vld.idx.msk [tilespmem:v18+s3+$0x0], $0xffff  }
0x1b3: {  	v17 =	vld.idx.msk [tilespmem:v19+s3+$0x0], $0xffff;
	v18 =	vadd.s32 $0x385, v5  }
0x1b4: {  	v19 =	vadd.s32 $0x1A8, v6  }
0x1b5: {  	[tilespmem:s29+$0x41C0] =	vst v7  }
0x1b6: {  	[tilespmem:s30+$0x5240] =	vst v13;
	v7 =	vld.idx.msk [tilespmem:v14+s3+$0x0], $0xffff  }
0x1b7: {  	v13 =	vld.idx.msk [tilespmem:v15+s3+$0x0], $0xffff;
	v14 =	vadd.s32 $0x597, v2;
	[tilespmem:s31+$0x3140] =	vst v16  }
0x1b8: {  	v15 =	vadd.s32 $0x774, v3;
	[tilespmem:s15+$0x14C0] =	vst v17;
	v16 =	vld.idx.msk [tilespmem:v18+s3+$0x0], $0xffff  }
0x1b9: {  	v17 =	vld.idx.msk [tilespmem:v19+s3+$0x0], $0xffff;
	v18 =	vadd.s32 $0x3BA, v5  }
0x1ba: {  	[tilespmem:s1+$0x7440] =	vst v12;
	v12 =	vadd.s32 $0x1DD, v6  }
0x1bb: {  	[tilespmem:s29+$0x4240] =	vst v7  }
0x1bc: {  	[tilespmem:s30+$0x52C0] =	vst v13;
	v7 =	vadd.s32 $0x7A9, v1;
	v13 =	vld.idx.msk [tilespmem:v14+s3+$0x0], $0xffff  }
0x1bd: {  	v14 =	vld.idx.msk [tilespmem:v15+s3+$0x0], $0xffff;
	v15 =	vadd.s32 $0x5CC, v2;
	[tilespmem:s31+$0x31C0] =	vst v16  }
0x1be: {  	[tilespmem:s15+$0x2140] =	vst v17;
	v16 =	vadd.s32 $0x7A9, v3;
	v18 =	vld.idx.msk [tilespmem:v18+s3+$0x0], $0xffff  }
0x1bf: {  	[tilespmem:s0+$0x63C0] =	vst v9;
	v9 =	vld.idx.msk [tilespmem:v12+s3+$0x0], $0xffff;
	v12 =	vadd.s32 $0x3EF, v5  }
0x1c0: {  	v11 =	vld.idx.msk [tilespmem:v11+s3+$0x0], $0xffff;
	[tilespmem:s28+$0x5340] =	vst v10;
	v10 =	vadd.s32 $0x212, v6  }
0x1c1: {  	v7 =	vld.idx.msk [tilespmem:v7+s3+$0x0], $0xffff;
	[tilespmem:s29+$0x42C0] =	vst v13  }
0x1c2: {  	v13 =	vadd.s32 $0x7DE, v1;
	[tilespmem:s30+$0x5340] =	vst v14;
	v14 =	vld.idx.msk [tilespmem:v15+s3+$0x0], $0xffff  }
0x1c3: {  	v15 =	vld.idx.msk [tilespmem:v16+s3+$0x0], $0xffff;
	v16 =	vadd.s32 $0x601, v2;
	[tilespmem:s31+$0x3240] =	vst v18  }
0x1c4: {  	v17 =	vadd.s32 $0x7DE, v3;
	[tilespmem:s15+$0x21C0] =	vst v9;
	v12 =	vld.idx.msk [tilespmem:v12+s3+$0x0], $0xffff  }
0x1c5: {  	[tilespmem:s1+$0x74C0] =	vst v11;
	v9 =	vld.idx.msk [tilespmem:v10+s3+$0x0], $0xffff;
	v10 =	vadd.s32 $0x424, v5  }
0x1c6: {  	v8 =	vld.idx.msk [tilespmem:v8+s3+$0x0], $0xffff;
	[tilespmem:s28+$0x53C0] =	vst v7;
	v7 =	vadd.s32 $0x247, v6  }
0x1c7: {  	v11 =	vadd.s32 $0xB98, v4;
	v13 =	vld.idx.msk [tilespmem:v13+s3+$0x0], $0xffff;
	[tilespmem:s29+$0x4340] =	vst v14  }
0x1c8: {  	v14 =	vadd.s32 $0x813, v1;
	[tilespmem:s30+$0x53C0] =	vst v15;
	v15 =	vld.idx.msk [tilespmem:v16+s3+$0x0], $0xffff  }
0x1c9: {  	v16 =	vld.idx.msk [tilespmem:v17+s3+$0x0], $0xffff;
	[tilespmem:s31+$0x32C0] =	vst v12;
	v12 =	vadd.s32 $0x636, v2  }
0x1ca: {  	[tilespmem:s15+$0x2240] =	vst v9;
	v17 =	vadd.s32 $0x813, v3;
	v10 =	vld.idx.msk [tilespmem:v10+s3+$0x0], $0xffff  }
0x1cb: {  	[tilespmem:s0+$0x6440] =	vst v8;
	v8 =	vadd.s32 $0x459, v5;
	v7 =	vld.idx.msk [tilespmem:v7+s3+$0x0], $0xffff  }
0x1cc: {  	v9 =	vld.idx.msk [tilespmem:v11+s3+$0x0], $0xffff;
	v11 =	vadd.s32 $0x27C, v6;
	[tilespmem:s28+$0x5440] =	vst v13  }
0x1cd: {  	v13 =	vadd.s32 $0x9BB, v0;
	v14 =	vld.idx.msk [tilespmem:v14+s3+$0x0], $0xffff;
	[tilespmem:s29+$0x43C0] =	vst v15  }
0x1ce: {  	v15 =	vadd.s32 $0x848, v1;
	[tilespmem:s30+$0x5440] =	vst v16;
	v12 =	vld.idx.msk [tilespmem:v12+s3+$0x0], $0xffff  }
0x1cf: {  	v16 =	vld.idx.msk [tilespmem:v17+s3+$0x0], $0xffff;
	[tilespmem:s31+$0x3340] =	vst v10;
	v10 =	vadd.s32 $0x66B, v2  }
0x1d0: {  	v17 =	vadd.s32 $0x848, v3;
	[tilespmem:s15+$0x22C0] =	vst v7;
	v8 =	vld.idx.msk [tilespmem:v8+s3+$0x0], $0xffff  }
0x1d1: {  	[tilespmem:s1+$0x8140] =	vst v9;
	v9 =	vadd.s32 $0x48E, v5;
	v7 =	vld.idx.msk [tilespmem:v11+s3+$0x0], $0xffff  }
0x1d2: {  	v11 =	vld.idx.msk [tilespmem:v13+s3+$0x0], $0xffff;
	v13 =	vadd.s32 $0x2B1, v6;
	[tilespmem:s28+$0x54C0] =	vst v14  }
0x1d3: {  	v14 =	vadd.s32 $0xBCD, v4;
	v15 =	vld.idx.msk [tilespmem:v15+s3+$0x0], $0xffff;
	[tilespmem:s29+$0x4440] =	vst v12  }
0x1d4: {  	v12 =	vadd.s32 $0x87D, v1;
	[tilespmem:s30+$0x54C0] =	vst v16;
	v10 =	vld.idx.msk [tilespmem:v10+s3+$0x0], $0xffff  }
0x1d5: {  	v16 =	vld.idx.msk [tilespmem:v17+s3+$0x0], $0xffff;
	[tilespmem:s31+$0x33C0] =	vst v8;
	v8 =	vadd.s32 $0x6A0, v2  }
0x1d6: {  	v17 =	vadd.s32 $0x87D, v3;
	[tilespmem:s15+$0x2340] =	vst v7;
	v9 =	vld.idx.msk [tilespmem:v9+s3+$0x0], $0xffff  }
0x1d7: {  	[tilespmem:s0+$0x64C0] =	vst v11;
	v11 =	vadd.s32 $0x4C3, v5;
	v7 =	vld.idx.msk [tilespmem:v13+s3+$0x0], $0xffff  }
0x1d8: {  	v13 =	vld.idx.msk [tilespmem:v14+s3+$0x0], $0xffff;
	v14 =	vadd.s32 $0x2E6, v6;
	[tilespmem:s28+$0x6140] =	vst v15  }
0x1d9: {  	v15 =	vadd.s32 $0x9F0, v0;
	v12 =	vld.idx.msk [tilespmem:v12+s3+$0x0], $0xffff;
	[tilespmem:s29+$0x44C0] =	vst v10  }
0x1da: {  	v10 =	vadd.s32 $0x8B2, v1;
	[tilespmem:s30+$0x6140] =	vst v16;
	v8 =	vld.idx.msk [tilespmem:v8+s3+$0x0], $0xffff  }
0x1db: {  	v16 =	vld.idx.msk [tilespmem:v17+s3+$0x0], $0xffff;
	[tilespmem:s31+$0x3440] =	vst v9;
	v9 =	vadd.s32 $0x6D5, v2  }
0x1dc: {  	v17 =	vadd.s32 $0x8B2, v3;
	[tilespmem:s15+$0x23C0] =	vst v7;
	v11 =	vld.idx.msk [tilespmem:v11+s3+$0x0], $0xffff  }
0x1dd: {  	[tilespmem:s1+$0x81C0] =	vst v13;
	v13 =	vadd.s32 $0x4F8, v5;
	v7 =	vld.idx.msk [tilespmem:v14+s3+$0x0], $0xffff  }
0x1de: {  	v14 =	vld.idx.msk [tilespmem:v15+s3+$0x0], $0xffff;
	[tilespmem:s28+$0x61C0] =	vst v12;
	v12 =	vadd.s32 $0x31B, v6  }
0x1df: {  	v15 =	vadd.s32 $0xC02, v4;
	v10 =	vld.idx.msk [tilespmem:v10+s3+$0x0], $0xffff;
	[tilespmem:s29+$0x5140] =	vst v8  }
0x1e0: {  	v8 =	vadd.s32 $0x8E7, v1;
	[tilespmem:s30+$0x61C0] =	vst v16;
	v9 =	vld.idx.msk [tilespmem:v9+s3+$0x0], $0xffff  }
0x1e1: {  	v16 =	vld.idx.msk [tilespmem:v17+s3+$0x0], $0xffff;
	[tilespmem:s31+$0x34C0] =	vst v11;
	v11 =	vadd.s32 $0x70A, v2  }
0x1e2: {  	v17 =	vadd.s32 $0x8E7, v3;
	[tilespmem:s15+$0x2440] =	vst v7;
	v13 =	vld.idx.msk [tilespmem:v13+s3+$0x0], $0xffff  }
0x1e3: {  	[tilespmem:s0+$0x7140] =	vst v14;
	v7 =	vld.idx.msk [tilespmem:v12+s3+$0x0], $0xffff;
	v12 =	vadd.s32 $0x52D, v5  }
0x1e4: {  	v14 =	vld.idx.msk [tilespmem:v15+s3+$0x0], $0xffff;
	[tilespmem:s28+$0x6240] =	vst v10;
	v10 =	vadd.s32 $0x350, v6  }
0x1e5: {  	v15 =	vadd.s32 $0xA25, v0;
	v8 =	vld.idx.msk [tilespmem:v8+s3+$0x0], $0xffff;
	[tilespmem:s29+$0x51C0] =	vst v9  }
0x1e6: {  	v9 =	vadd.s32 $0x91C, v1;
	[tilespmem:s30+$0x6240] =	vst v16;
	v11 =	vld.idx.msk [tilespmem:v11+s3+$0x0], $0xffff  }
0x1e7: {  	v16 =	vld.idx.msk [tilespmem:v17+s3+$0x0], $0xffff;
	[tilespmem:s31+$0x4140] =	vst v13;
	v13 =	vadd.s32 $0x73F, v2  }
0x1e8: {  	v17 =	vadd.s32 $0x91C, v3;
	[tilespmem:s15+$0x24C0] =	vst v7;
	v12 =	vld.idx.msk [tilespmem:v12+s3+$0x0], $0xffff  }
0x1e9: {  	[tilespmem:s1+$0x8240] =	vst v14;
	v7 =	vld.idx.msk [tilespmem:v10+s3+$0x0], $0xffff;
	v10 =	vadd.s32 $0x562, v5  }
0x1ea: {  	v14 =	vld.idx.msk [tilespmem:v15+s3+$0x0], $0xffff;
	[tilespmem:s28+$0x62C0] =	vst v8;
	v8 =	vadd.s32 $0x385, v6  }
0x1eb: {  	v15 =	vadd.s32 $0xC37, v4;
	v9 =	vld.idx.msk [tilespmem:v9+s3+$0x0], $0xffff;
	[tilespmem:s29+$0x5240] =	vst v11  }
0x1ec: {  	v11 =	vadd.s32 $0x951, v1;
	[tilespmem:s30+$0x62C0] =	vst v16;
	v13 =	vld.idx.msk [tilespmem:v13+s3+$0x0], $0xffff  }
0x1ed: {  	v16 =	vld.idx.msk [tilespmem:v17+s3+$0x0], $0xffff;
	[tilespmem:s31+$0x41C0] =	vst v12;
	v12 =	vadd.s32 $0x774, v2  }
0x1ee: {  	v17 =	vadd.s32 $0x951, v3;
	[tilespmem:s15+$0x3140] =	vst v7;
	v10 =	vld.idx.msk [tilespmem:v10+s3+$0x0], $0xffff  }
0x1ef: {  	[tilespmem:s0+$0x71C0] =	vst v14;
	v7 =	vld.idx.msk [tilespmem:v8+s3+$0x0], $0xffff;
	v8 =	vadd.s32 $0x597, v5  }
0x1f0: {  	v14 =	vld.idx.msk [tilespmem:v15+s3+$0x0], $0xffff;
	[tilespmem:s28+$0x6340] =	vst v9;
	v9 =	vadd.s32 $0x3BA, v6  }
0x1f1: {  	v15 =	vadd.s32 $0xA5A, v0;
	v11 =	vld.idx.msk [tilespmem:v11+s3+$0x0], $0xffff;
	[tilespmem:s29+$0x52C0] =	vst v13  }
0x1f2: {  	v13 =	vadd.s32 $0x986, v1;
	[tilespmem:s30+$0x6340] =	vst v16;
	v12 =	vld.idx.msk [tilespmem:v12+s3+$0x0], $0xffff  }
0x1f3: {  	v16 =	vld.idx.msk [tilespmem:v17+s3+$0x0], $0xffff;
	[tilespmem:s31+$0x4240] =	vst v10;
	v10 =	vadd.s32 $0x7A9, v2  }
0x1f4: {  	v17 =	vadd.s32 $0x986, v3;
	[tilespmem:s15+$0x31C0] =	vst v7;
	v8 =	vld.idx.msk [tilespmem:v8+s3+$0x0], $0xffff  }
0x1f5: {  	[tilespmem:s1+$0x82C0] =	vst v14;
	v7 =	vld.idx.msk [tilespmem:v9+s3+$0x0], $0xffff;
	v9 =	vadd.s32 $0x5CC, v5  }
0x1f6: {  	v14 =	vld.idx.msk [tilespmem:v15+s3+$0x0], $0xffff;
	[tilespmem:s28+$0x63C0] =	vst v11;
	v11 =	vadd.s32 $0x3EF, v6  }
0x1f7: {  	v15 =	vadd.s32 $0xC6C, v4;
	v13 =	vld.idx.msk [tilespmem:v13+s3+$0x0], $0xffff;
	[tilespmem:s29+$0x5340] =	vst v12  }
0x1f8: {  	v12 =	vadd.s32 $0x9BB, v1;
	[tilespmem:s30+$0x63C0] =	vst v16;
	v10 =	vld.idx.msk [tilespmem:v10+s3+$0x0], $0xffff  }
0x1f9: {  	v16 =	vld.idx.msk [tilespmem:v17+s3+$0x0], $0xffff;
	[tilespmem:s31+$0x42C0] =	vst v8;
	v8 =	vadd.s32 $0x7DE, v2  }
0x1fa: {  	v17 =	vadd.s32 $0x9BB, v3;
	[tilespmem:s15+$0x3240] =	vst v7;
	v9 =	vld.idx.msk [tilespmem:v9+s3+$0x0], $0xffff  }
0x1fb: {  	[tilespmem:s0+$0x7240] =	vst v14;
	v7 =	vld.idx.msk [tilespmem:v11+s3+$0x0], $0xffff;
	v11 =	vadd.s32 $0x601, v5  }
0x1fc: {  	v14 =	vld.idx.msk [tilespmem:v15+s3+$0x0], $0xffff;
	[tilespmem:s28+$0x6440] =	vst v13;
	v13 =	vadd.s32 $0x424, v6  }
0x1fd: {  	v15 =	vadd.s32 $0xA8F, v0;
	v12 =	vld.idx.msk [tilespmem:v12+s3+$0x0], $0xffff;
	[tilespmem:s29+$0x53C0] =	vst v10  }
0x1fe: {  	v10 =	vadd.s32 $0x9F0, v1;
	[tilespmem:s30+$0x6440] =	vst v16;
	v8 =	vld.idx.msk [tilespmem:v8+s3+$0x0], $0xffff  }
0x1ff: {  	v16 =	vld.idx.msk [tilespmem:v17+s3+$0x0], $0xffff;
	[tilespmem:s31+$0x4340] =	vst v9;
	v9 =	vadd.s32 $0x813, v2  }
0x200: {  	v17 =	vadd.s32 $0x9F0, v3;
	[tilespmem:s15+$0x32C0] =	vst v7;
	v11 =	vld.idx.msk [tilespmem:v11+s3+$0x0], $0xffff  }
0x201: {  	[tilespmem:s1+$0x8340] =	vst v14;
	v7 =	vld.idx.msk [tilespmem:v13+s3+$0x0], $0xffff;
	v13 =	vadd.s32 $0x636, v5  }
0x202: {  	v14 =	vld.idx.msk [tilespmem:v15+s3+$0x0], $0xffff;
	[tilespmem:s28+$0x64C0] =	vst v12;
	v12 =	vadd.s32 $0x459, v6  }
0x203: {  	v15 =	vadd.s32 $0xCA1, v4;
	v10 =	vld.idx.msk [tilespmem:v10+s3+$0x0], $0xffff;
	[tilespmem:s29+$0x5440] =	vst v8  }
0x204: {  	v8 =	vadd.s32 $0xA25, v1;
	[tilespmem:s30+$0x64C0] =	vst v16;
	v9 =	vld.idx.msk [tilespmem:v9+s3+$0x0], $0xffff  }
0x205: {  	v16 =	vld.idx.msk [tilespmem:v17+s3+$0x0], $0xffff;
	[tilespmem:s31+$0x43C0] =	vst v11;
	v11 =	vadd.s32 $0x848, v2  }
0x206: {  	v17 =	vadd.s32 $0xA25, v3;
	[tilespmem:s15+$0x3340] =	vst v7;
	v13 =	vld.idx.msk [tilespmem:v13+s3+$0x0], $0xffff  }
0x207: {  	[tilespmem:s0+$0x72C0] =	vst v14;
	v7 =	vld.idx.msk [tilespmem:v12+s3+$0x0], $0xffff;
	v12 =	vadd.s32 $0x66B, v5  }
0x208: {  	v14 =	vld.idx.msk [tilespmem:v15+s3+$0x0], $0xffff;
	[tilespmem:s28+$0x7140] =	vst v10;
	v10 =	vadd.s32 $0x48E, v6  }
0x209: {  	v15 =	vadd.s32 $0xAC4, v0;
	v8 =	vld.idx.msk [tilespmem:v8+s3+$0x0], $0xffff;
	[tilespmem:s29+$0x54C0] =	vst v9  }
0x20a: {  	v9 =	vadd.s32 $0xA5A, v1;
	[tilespmem:s30+$0x7140] =	vst v16;
	v11 =	vld.idx.msk [tilespmem:v11+s3+$0x0], $0xffff  }
0x20b: {  	v16 =	vld.idx.msk [tilespmem:v17+s3+$0x0], $0xffff;
	[tilespmem:s31+$0x4440] =	vst v13;
	v13 =	vadd.s32 $0x87D, v2  }
0x20c: {  	v17 =	vadd.s32 $0xA5A, v3;
	[tilespmem:s15+$0x33C0] =	vst v7;
	v12 =	vld.idx.msk [tilespmem:v12+s3+$0x0], $0xffff  }
0x20d: {  	[tilespmem:s1+$0x83C0] =	vst v14;
	v7 =	vld.idx.msk [tilespmem:v10+s3+$0x0], $0xffff;
	v10 =	vadd.s32 $0x6A0, v5  }
0x20e: {  	v14 =	vld.idx.msk [tilespmem:v15+s3+$0x0], $0xffff;
	[tilespmem:s28+$0x71C0] =	vst v8;
	v8 =	vadd.s32 $0x4C3, v6  }
0x20f: {  	v15 =	vadd.s32 $0xCD6, v4;
	v9 =	vld.idx.msk [tilespmem:v9+s3+$0x0], $0xffff;
	[tilespmem:s29+$0x6140] =	vst v11  }
0x210: {  	v11 =	vadd.s32 $0xA8F, v1;
	[tilespmem:s30+$0x71C0] =	vst v16;
	v13 =	vld.idx.msk [tilespmem:v13+s3+$0x0], $0xffff  }
0x211: {  	v16 =	vld.idx.msk [tilespmem:v17+s3+$0x0], $0xffff;
	[tilespmem:s31+$0x44C0] =	vst v12;
	v12 =	vadd.s32 $0x8B2, v2  }
0x212: {  	v17 =	vadd.s32 $0xA8F, v3;
	[tilespmem:s15+$0x3440] =	vst v7;
	v10 =	vld.idx.msk [tilespmem:v10+s3+$0x0], $0xffff  }
0x213: {  	[tilespmem:s0+$0x7340] =	vst v14;
	v7 =	vld.idx.msk [tilespmem:v8+s3+$0x0], $0xffff;
	v8 =	vadd.s32 $0x6D5, v5  }
0x214: {  	v14 =	vld.idx.msk [tilespmem:v15+s3+$0x0], $0xffff;
	[tilespmem:s28+$0x7240] =	vst v9;
	v9 =	vadd.s32 $0x4F8, v6  }
0x215: {  	v15 =	vadd.s32 $0xAF9, v0;
	v11 =	vld.idx.msk [tilespmem:v11+s3+$0x0], $0xffff;
	[tilespmem:s29+$0x61C0] =	vst v13  }
0x216: {  	v13 =	vadd.s32 $0xAC4, v1;
	[tilespmem:s30+$0x7240] =	vst v16;
	v12 =	vld.idx.msk [tilespmem:v12+s3+$0x0], $0xffff  }
0x217: {  	v16 =	vld.idx.msk [tilespmem:v17+s3+$0x0], $0xffff;
	[tilespmem:s31+$0x5140] =	vst v10;
	v10 =	vadd.s32 $0x8E7, v2  }
0x218: {  	v17 =	vadd.s32 $0xAC4, v3;
	[tilespmem:s15+$0x34C0] =	vst v7;
	v8 =	vld.idx.msk [tilespmem:v8+s3+$0x0], $0xffff  }
0x219: {  	[tilespmem:s1+$0x8440] =	vst v14;
	v7 =	vld.idx.msk [tilespmem:v9+s3+$0x0], $0xffff;
	v9 =	vadd.s32 $0x70A, v5  }
0x21a: {  	v14 =	vld.idx.msk [tilespmem:v15+s3+$0x0], $0xffff;
	[tilespmem:s28+$0x72C0] =	vst v11;
	v11 =	vadd.s32 $0x52D, v6  }
0x21b: {  	v4 =	vadd.s32 $0xD0B, v4;
	v13 =	vld.idx.msk [tilespmem:v13+s3+$0x0], $0xffff;
	[tilespmem:s29+$0x6240] =	vst v12  }
0x21c: {  	v12 =	vadd.s32 $0xAF9, v1;
	[tilespmem:s30+$0x72C0] =	vst v16;
	v10 =	vld.idx.msk [tilespmem:v10+s3+$0x0], $0xffff  }
0x21d: {  	v15 =	vld.idx.msk [tilespmem:v17+s3+$0x0], $0xffff;
	[tilespmem:s31+$0x51C0] =	vst v8;
	v8 =	vadd.s32 $0x91C, v2  }
0x21e: {  	v16 =	vadd.s32 $0xAF9, v3;
	[tilespmem:s15+$0x4140] =	vst v7;
	v9 =	vld.idx.msk [tilespmem:v9+s3+$0x0], $0xffff  }
0x21f: {  	[tilespmem:s0+$0x73C0] =	vst v14;
	v7 =	vld.idx.msk [tilespmem:v11+s3+$0x0], $0xffff;
	v11 =	vadd.s32 $0x73F, v5  }
0x220: {  	v4 =	vld.idx.msk [tilespmem:v4+s3+$0x0], $0xffff;
	[tilespmem:s28+$0x7340] =	vst v13;
	v13 =	vadd.s32 $0x562, v6  }
0x221: {  	v14 =	vadd.s32 $0xB2E, v0;
	v12 =	vld.idx.msk [tilespmem:v12+s3+$0x0], $0xffff;
	[tilespmem:s29+$0x62C0] =	vst v10  }
0x222: {  	v10 =	vadd.s32 $0xB2E, v1;
	[tilespmem:s30+$0x7340] =	vst v15;
	v8 =	vld.idx.msk [tilespmem:v8+s3+$0x0], $0xffff  }
0x223: {  	v15 =	vld.idx.msk [tilespmem:v16+s3+$0x0], $0xffff;
	[tilespmem:s31+$0x5240] =	vst v9;
	v9 =	vadd.s32 $0x951, v2  }
0x224: {  	v16 =	vadd.s32 $0xB2E, v3;
	[tilespmem:s15+$0x41C0] =	vst v7;
	v11 =	vld.idx.msk [tilespmem:v11+s3+$0x0], $0xffff  }
0x225: {  	[tilespmem:s1+$0x84C0] =	vst v4;
	v7 =	vadd.s32 $0x774, v5;
	v4 =	vld.idx.msk [tilespmem:v13+s3+$0x0], $0xffff  }
0x226: {  	v13 =	vld.idx.msk [tilespmem:v14+s3+$0x0], $0xffff;
	[tilespmem:s28+$0x73C0] =	vst v12;
	v12 =	vadd.s32 $0x597, v6  }
0x227: {  	v14 =	vadd.s32 $0xB63, v0;
	v10 =	vld.idx.msk [tilespmem:v10+s3+$0x0], $0xffff;
	[tilespmem:s29+$0x6340] =	vst v8  }
0x228: {  	v8 =	vadd.s32 $0xB63, v1;
	[tilespmem:s30+$0x73C0] =	vst v15;
	v9 =	vld.idx.msk [tilespmem:v9+s3+$0x0], $0xffff  }
0x229: {  	v15 =	vld.idx.msk [tilespmem:v16+s3+$0x0], $0xffff;
	[tilespmem:s31+$0x52C0] =	vst v11;
	v11 =	vadd.s32 $0x986, v2  }
0x22a: {  	v16 =	vadd.s32 $0xB63, v3;
	[tilespmem:s15+$0x4240] =	vst v4;
	v7 =	vld.idx.msk [tilespmem:v7+s3+$0x0], $0xffff  }
0x22b: {  	[tilespmem:s0+$0x7440] =	vst v13;
	v4 =	vld.idx.msk [tilespmem:v12+s3+$0x0], $0xffff;
	v12 =	vadd.s32 $0x7A9, v5  }
0x22c: {  	v13 =	vld.idx.msk [tilespmem:v14+s3+$0x0], $0xffff;
	[tilespmem:s28+$0x7440] =	vst v10;
	v10 =	vadd.s32 $0x5CC, v6  }
0x22d: {  	v14 =	vadd.s32 $0xB98, v0;
	v8 =	vld.idx.msk [tilespmem:v8+s3+$0x0], $0xffff;
	[tilespmem:s29+$0x63C0] =	vst v9  }
0x22e: {  	v9 =	vadd.s32 $0xB98, v1;
	[tilespmem:s30+$0x7440] =	vst v15;
	v11 =	vld.idx.msk [tilespmem:v11+s3+$0x0], $0xffff  }
0x22f: {  	v15 =	vld.idx.msk [tilespmem:v16+s3+$0x0], $0xffff;
	[tilespmem:s31+$0x5340] =	vst v7;
	v7 =	vadd.s32 $0x9BB, v2  }
0x230: {  	v16 =	vadd.s32 $0xB98, v3;
	[tilespmem:s15+$0x42C0] =	vst v4;
	v12 =	vld.idx.msk [tilespmem:v12+s3+$0x0], $0xffff  }
0x231: {  	[tilespmem:s0+$0x74C0] =	vst v13;
	v4 =	vld.idx.msk [tilespmem:v10+s3+$0x0], $0xffff;
	v10 =	vadd.s32 $0x7DE, v5  }
0x232: {  	v13 =	vld.idx.msk [tilespmem:v14+s3+$0x0], $0xffff;
	[tilespmem:s28+$0x74C0] =	vst v8;
	v8 =	vadd.s32 $0x601, v6  }
0x233: {  	v14 =	vadd.s32 $0xBCD, v0;
	v9 =	vld.idx.msk [tilespmem:v9+s3+$0x0], $0xffff;
	[tilespmem:s29+$0x6440] =	vst v11  }
0x234: {  	v11 =	vadd.s32 $0xBCD, v1;
	[tilespmem:s30+$0x74C0] =	vst v15;
	v7 =	vld.idx.msk [tilespmem:v7+s3+$0x0], $0xffff  }
0x235: {  	v15 =	vld.idx.msk [tilespmem:v16+s3+$0x0], $0xffff;
	[tilespmem:s31+$0x53C0] =	vst v12;
	v12 =	vadd.s32 $0x9F0, v2  }
0x236: {  	v16 =	vadd.s32 $0xBCD, v3;
	[tilespmem:s15+$0x4340] =	vst v4;
	v10 =	vld.idx.msk [tilespmem:v10+s3+$0x0], $0xffff  }
0x237: {  	[tilespmem:s0+$0x8140] =	vst v13;
	v4 =	vld.idx.msk [tilespmem:v8+s3+$0x0], $0xffff;
	v8 =	vadd.s32 $0x813, v5  }
0x238: {  	v13 =	vld.idx.msk [tilespmem:v14+s3+$0x0], $0xffff;
	[tilespmem:s28+$0x8140] =	vst v9;
	v9 =	vadd.s32 $0x636, v6  }
0x239: {  	v14 =	vadd.s32 $0xC02, v0;
	v11 =	vld.idx.msk [tilespmem:v11+s3+$0x0], $0xffff;
	[tilespmem:s29+$0x64C0] =	vst v7  }
0x23a: {  	v7 =	vadd.s32 $0xC02, v1;
	[tilespmem:s30+$0x8140] =	vst v15;
	v12 =	vld.idx.msk [tilespmem:v12+s3+$0x0], $0xffff  }
0x23b: {  	v15 =	vld.idx.msk [tilespmem:v16+s3+$0x0], $0xffff;
	[tilespmem:s31+$0x5440] =	vst v10;
	v10 =	vadd.s32 $0xA25, v2  }
0x23c: {  	v16 =	vadd.s32 $0xC02, v3;
	[tilespmem:s15+$0x43C0] =	vst v4;
	v8 =	vld.idx.msk [tilespmem:v8+s3+$0x0], $0xffff  }
0x23d: {  	[tilespmem:s0+$0x81C0] =	vst v13;
	v4 =	vld.idx.msk [tilespmem:v9+s3+$0x0], $0xffff;
	v9 =	vadd.s32 $0x848, v5  }
0x23e: {  	v13 =	vld.idx.msk [tilespmem:v14+s3+$0x0], $0xffff;
	[tilespmem:s28+$0x81C0] =	vst v11;
	v11 =	vadd.s32 $0x66B, v6  }
0x23f: {  	v14 =	vadd.s32 $0xC37, v0;
	v7 =	vld.idx.msk [tilespmem:v7+s3+$0x0], $0xffff;
	[tilespmem:s29+$0x7140] =	vst v12  }
0x240: {  	v12 =	vadd.s32 $0xC37, v1;
	[tilespmem:s30+$0x81C0] =	vst v15;
	v10 =	vld.idx.msk [tilespmem:v10+s3+$0x0], $0xffff  }
0x241: {  	v15 =	vld.idx.msk [tilespmem:v16+s3+$0x0], $0xffff;
	[tilespmem:s31+$0x54C0] =	vst v8;
	v8 =	vadd.s32 $0xA5A, v2  }
0x242: {  	v16 =	vadd.s32 $0xC37, v3;
	[tilespmem:s15+$0x4440] =	vst v4;
	v9 =	vld.idx.msk [tilespmem:v9+s3+$0x0], $0xffff  }
0x243: {  	[tilespmem:s0+$0x8240] =	vst v13;
	v4 =	vld.idx.msk [tilespmem:v11+s3+$0x0], $0xffff;
	v11 =	vadd.s32 $0x87D, v5  }
0x244: {  	v13 =	vld.idx.msk [tilespmem:v14+s3+$0x0], $0xffff;
	[tilespmem:s28+$0x8240] =	vst v7;
	v7 =	vadd.s32 $0x6A0, v6  }
0x245: {  	v14 =	vadd.s32 $0xC6C, v0;
	v12 =	vld.idx.msk [tilespmem:v12+s3+$0x0], $0xffff;
	[tilespmem:s29+$0x71C0] =	vst v10  }
0x246: {  	v10 =	vadd.s32 $0xC6C, v1;
	[tilespmem:s30+$0x8240] =	vst v15;
	v8 =	vld.idx.msk [tilespmem:v8+s3+$0x0], $0xffff  }
0x247: {  	v15 =	vld.idx.msk [tilespmem:v16+s3+$0x0], $0xffff;
	[tilespmem:s31+$0x6140] =	vst v9;
	v9 =	vadd.s32 $0xA8F, v2  }
0x248: {  	v16 =	vadd.s32 $0xC6C, v3;
	[tilespmem:s15+$0x44C0] =	vst v4;
	v11 =	vld.idx.msk [tilespmem:v11+s3+$0x0], $0xffff  }
0x249: {  	[tilespmem:s0+$0x82C0] =	vst v13;
	v4 =	vld.idx.msk [tilespmem:v7+s3+$0x0], $0xffff;
	v7 =	vadd.s32 $0x8B2, v5  }
0x24a: {  	v13 =	vld.idx.msk [tilespmem:v14+s3+$0x0], $0xffff;
	[tilespmem:s28+$0x82C0] =	vst v12;
	v12 =	vadd.s32 $0x6D5, v6  }
0x24b: {  	v14 =	vadd.s32 $0xCA1, v0;
	v10 =	vld.idx.msk [tilespmem:v10+s3+$0x0], $0xffff;
	[tilespmem:s29+$0x7240] =	vst v8  }
0x24c: {  	v8 =	vadd.s32 $0xCA1, v1;
	[tilespmem:s30+$0x82C0] =	vst v15;
	v9 =	vld.idx.msk [tilespmem:v9+s3+$0x0], $0xffff  }
0x24d: {  	v15 =	vld.idx.msk [tilespmem:v16+s3+$0x0], $0xffff;
	[tilespmem:s31+$0x61C0] =	vst v11;
	v11 =	vadd.s32 $0xAC4, v2  }
0x24e: {  	v16 =	vadd.s32 $0xCA1, v3;
	[tilespmem:s15+$0x5140] =	vst v4;
	v7 =	vld.idx.msk [tilespmem:v7+s3+$0x0], $0xffff  }
0x24f: {  	[tilespmem:s0+$0x8340] =	vst v13;
	v4 =	vld.idx.msk [tilespmem:v12+s3+$0x0], $0xffff;
	v12 =	vadd.s32 $0x8E7, v5  }
0x250: {  	v13 =	vld.idx.msk [tilespmem:v14+s3+$0x0], $0xffff;
	[tilespmem:s28+$0x8340] =	vst v10;
	v10 =	vadd.s32 $0x70A, v6  }
0x251: {  	v14 =	vadd.s32 $0xCD6, v0;
	v8 =	vld.idx.msk [tilespmem:v8+s3+$0x0], $0xffff;
	[tilespmem:s29+$0x72C0] =	vst v9  }
0x252: {  	v9 =	vadd.s32 $0xCD6, v1;
	[tilespmem:s30+$0x8340] =	vst v15;
	v11 =	vld.idx.msk [tilespmem:v11+s3+$0x0], $0xffff  }
0x253: {  	v15 =	vld.idx.msk [tilespmem:v16+s3+$0x0], $0xffff;
	[tilespmem:s31+$0x6240] =	vst v7;
	v7 =	vadd.s32 $0xAF9, v2  }
0x254: {  	v16 =	vadd.s32 $0xCD6, v3;
	[tilespmem:s15+$0x51C0] =	vst v4;
	v12 =	vld.idx.msk [tilespmem:v12+s3+$0x0], $0xffff  }
0x255: {  	[tilespmem:s0+$0x83C0] =	vst v13;
	v4 =	vld.idx.msk [tilespmem:v10+s3+$0x0], $0xffff;
	v10 =	vadd.s32 $0x91C, v5  }
0x256: {  	v13 =	vld.idx.msk [tilespmem:v14+s3+$0x0], $0xffff;
	[tilespmem:s28+$0x83C0] =	vst v8;
	v8 =	vadd.s32 $0x73F, v6  }
0x257: {  	v0 =	vadd.s32 $0xD0B, v0;
	v9 =	vld.idx.msk [tilespmem:v9+s3+$0x0], $0xffff;
	[tilespmem:s29+$0x7340] =	vst v11  }
0x258: {  	v1 =	vadd.s32 $0xD0B, v1;
	[tilespmem:s30+$0x83C0] =	vst v15;
	v7 =	vld.idx.msk [tilespmem:v7+s3+$0x0], $0xffff  }
0x259: {  	v11 =	vld.idx.msk [tilespmem:v16+s3+$0x0], $0xffff;
	[tilespmem:s31+$0x62C0] =	vst v12;
	v12 =	vadd.s32 $0xB2E, v2  }
0x25a: {  	v3 =	vadd.s32 $0xD0B, v3;
	[tilespmem:s15+$0x5240] =	vst v4;
	v10 =	vld.idx.msk [tilespmem:v10+s3+$0x0], $0xffff  }
0x25b: {  	[tilespmem:s0+$0x8440] =	vst v13;
	v4 =	vld.idx.msk [tilespmem:v8+s3+$0x0], $0xffff;
	v8 =	vadd.s32 $0x951, v5  }
0x25c: {  	v0 =	vld.idx.msk [tilespmem:v0+s3+$0x0], $0xffff;
	[tilespmem:s28+$0x8440] =	vst v9;
	v9 =	vadd.s32 $0x774, v6  }
0x25d: {  	v1 =	vld.idx.msk [tilespmem:v1+s3+$0x0], $0xffff;
	[tilespmem:s29+$0x73C0] =	vst v7  }
0x25e: {  	[tilespmem:s30+$0x8440] =	vst v11;
	v7 =	vld.idx.msk [tilespmem:v12+s3+$0x0], $0xffff  }
0x25f: {  	v3 =	vld.idx.msk [tilespmem:v3+s3+$0x0], $0xffff;
	[tilespmem:s31+$0x6340] =	vst v10  }
0x260: {  	v10 =	vadd.s32 $0xB63, v2;
	[tilespmem:s15+$0x52C0] =	vst v4;
	v8 =	vld.idx.msk [tilespmem:v8+s3+$0x0], $0xffff  }
0x261: {  	[tilespmem:s0+$0x84C0] =	vst v0;
	v0 =	vld.idx.msk [tilespmem:v9+s3+$0x0], $0xffff  }
0x262: {  	[tilespmem:s28+$0x84C0] =	vst v1;
	v1 =	vadd.s32 $0x7A9, v6  }
0x263: {  	[tilespmem:s29+$0x7440] =	vst v7  }
0x264: {  	[tilespmem:s30+$0x84C0] =	vst v3  }
0x265: {  	v3 =	vld.idx.msk [tilespmem:v10+s3+$0x0], $0xffff;
	[tilespmem:s31+$0x63C0] =	vst v8  }
0x266: {  	[tilespmem:s15+$0x5340] =	vst v0  }
0x267: {  	v0 =	vld.idx.msk [tilespmem:v1+s3+$0x0], $0xffff  }
0x268: {  	v1 =	vadd.s32 $0x7DE, v6;
	_ =	sdelay $0x3  }
0x269: {  	[tilespmem:s15+$0x53C0] =	vst v0  }
0x26a: {  	v0 =	vld.idx.msk [tilespmem:v1+s3+$0x0], $0xffff  }
0x26b: {  	v1 =	vadd.s32 $0x813, v6;
	_ =	sdelay $0x3  }
0x26c: {  	[tilespmem:s15+$0x5440] =	vst v0  }
0x26d: {  	v0 =	vld.idx.msk [tilespmem:v1+s3+$0x0], $0xffff  }
0x26e: {  	v1 =	vadd.s32 $0x848, v6;
	_ =	sdelay $0x3  }
0x26f: {  	[tilespmem:s15+$0x54C0] =	vst v0  }
0x270: {  	v0 =	vld.idx.msk [tilespmem:v1+s3+$0x0], $0xffff  }
0x271: {  	v1 =	vadd.s32 $0x87D, v6;
	_ =	sdelay $0x3  }
0x272: {  	[tilespmem:s15+$0x6140] =	vst v0  }
0x273: {  	v0 =	vld.idx.msk [tilespmem:v1+s3+$0x0], $0xffff  }
0x274: {  	v1 =	vadd.s32 $0x8B2, v6;
	_ =	sdelay $0x3  }
0x275: {  	[tilespmem:s15+$0x61C0] =	vst v0  }
0x276: {  	v0 =	vld.idx.msk [tilespmem:v1+s3+$0x0], $0xffff  }
0x277: {  	v1 =	vadd.s32 $0x8E7, v6;
	_ =	sdelay $0x3  }
0x278: {  	[tilespmem:s15+$0x6240] =	vst v0  }
0x279: {  	v0 =	vld.idx.msk [tilespmem:v1+s3+$0x0], $0xffff  }
0x27a: {  	v1 =	vadd.s32 $0x91C, v6;
	_ =	sdelay $0x3  }
0x27b: {  	[tilespmem:s15+$0x62C0] =	vst v0  }
0x27c: {  	v0 =	vld.idx.msk [tilespmem:v1+s3+$0x0], $0xffff  }
0x27d: {  	v1 =	vadd.s32 $0x951, v6;
	_ =	sdelay $0x3  }
0x27e: {  	[tilespmem:s15+$0x6340] =	vst v0  }
0x27f: {  	v0 =	vadd.s32 $0x986, v5;
	v1 =	vld.idx.msk [tilespmem:v1+s3+$0x0], $0xffff  }
0x280: {  	v4 =	vadd.s32 $0x986, v6;
	_ =	sdelay $0x3  }
0x281: {  	v0 =	vld.idx.msk [tilespmem:v0+s3+$0x0], $0xffff;
	[tilespmem:s15+$0x63C0] =	vst v1  }
0x282: {  	v1 =	vadd.s32 $0x9BB, v5;
	v4 =	vld.idx.msk [tilespmem:v4+s3+$0x0], $0xffff  }
0x283: {  	v7 =	vadd.s32 $0x9BB, v6;
	_ =	sdelay $0x2  }
0x284: {  	[tilespmem:s31+$0x6440] =	vst v0  }
0x285: {  	v0 =	vld.idx.msk [tilespmem:v1+s3+$0x0], $0xffff;
	[tilespmem:s15+$0x6440] =	vst v4  }
0x286: {  	v1 =	vadd.s32 $0x9F0, v5;
	v4 =	vld.idx.msk [tilespmem:v7+s3+$0x0], $0xffff  }
0x287: {  	v7 =	vadd.s32 $0x9F0, v6;
	_ =	sdelay $0x2  }
0x288: {  	[tilespmem:s31+$0x64C0] =	vst v0  }
0x289: {  	v0 =	vld.idx.msk [tilespmem:v1+s3+$0x0], $0xffff;
	[tilespmem:s15+$0x64C0] =	vst v4  }
0x28a: {  	v1 =	vadd.s32 $0xA25, v5;
	v4 =	vld.idx.msk [tilespmem:v7+s3+$0x0], $0xffff  }
0x28b: {  	v7 =	vadd.s32 $0xA25, v6;
	_ =	sdelay $0x2  }
0x28c: {  	[tilespmem:s31+$0x7140] =	vst v0  }
0x28d: {  	v0 =	vld.idx.msk [tilespmem:v1+s3+$0x0], $0xffff;
	[tilespmem:s15+$0x7140] =	vst v4  }
0x28e: {  	v1 =	vadd.s32 $0xA5A, v5;
	v4 =	vld.idx.msk [tilespmem:v7+s3+$0x0], $0xffff  }
0x28f: {  	v7 =	vadd.s32 $0xA5A, v6;
	_ =	sdelay $0x2  }
0x290: {  	[tilespmem:s31+$0x71C0] =	vst v0  }
0x291: {  	v0 =	vld.idx.msk [tilespmem:v1+s3+$0x0], $0xffff;
	[tilespmem:s15+$0x71C0] =	vst v4  }
0x292: {  	v1 =	vadd.s32 $0xA8F, v5;
	v4 =	vld.idx.msk [tilespmem:v7+s3+$0x0], $0xffff  }
0x293: {  	v7 =	vadd.s32 $0xA8F, v6;
	_ =	sdelay $0x2  }
0x294: {  	[tilespmem:s31+$0x7240] =	vst v0  }
0x295: {  	v0 =	vld.idx.msk [tilespmem:v1+s3+$0x0], $0xffff;
	[tilespmem:s15+$0x7240] =	vst v4  }
0x296: {  	v1 =	vadd.s32 $0xAC4, v5;
	v4 =	vld.idx.msk [tilespmem:v7+s3+$0x0], $0xffff  }
0x297: {  	v7 =	vadd.s32 $0xAC4, v6;
	_ =	sdelay $0x2  }
0x298: {  	[tilespmem:s31+$0x72C0] =	vst v0  }
0x299: {  	v0 =	vld.idx.msk [tilespmem:v1+s3+$0x0], $0xffff;
	[tilespmem:s15+$0x72C0] =	vst v4  }
0x29a: {  	v1 =	vadd.s32 $0xAF9, v5;
	v4 =	vld.idx.msk [tilespmem:v7+s3+$0x0], $0xffff  }
0x29b: {  	v7 =	vadd.s32 $0xAF9, v6;
	_ =	sdelay $0x2  }
0x29c: {  	[tilespmem:s31+$0x7340] =	vst v0  }
0x29d: {  	v0 =	vld.idx.msk [tilespmem:v1+s3+$0x0], $0xffff;
	[tilespmem:s15+$0x7340] =	vst v4  }
0x29e: {  	v1 =	vadd.s32 $0xB2E, v5;
	v4 =	vld.idx.msk [tilespmem:v7+s3+$0x0], $0xffff  }
0x29f: {  	v7 =	vadd.s32 $0xB2E, v6;
	_ =	sdelay $0x2  }
0x2a0: {  	[tilespmem:s31+$0x73C0] =	vst v0  }
0x2a1: {  	v0 =	vld.idx.msk [tilespmem:v1+s3+$0x0], $0xffff;
	[tilespmem:s15+$0x73C0] =	vst v4  }
0x2a2: {  	v1 =	vadd.s32 $0xB63, v5;
	v4 =	vld.idx.msk [tilespmem:v7+s3+$0x0], $0xffff  }
0x2a3: {  	v7 =	vadd.s32 $0xB63, v6;
	_ =	sdelay $0x2  }
0x2a4: {  	[tilespmem:s31+$0x7440] =	vst v0  }
0x2a5: {  	v0 =	vadd.s32 $0xB98, v2;
	v1 =	vld.idx.msk [tilespmem:v1+s3+$0x0], $0xffff;
	[tilespmem:s15+$0x7440] =	vst v4  }
0x2a6: {  	v4 =	vadd.s32 $0xB98, v5;
	v7 =	vld.idx.msk [tilespmem:v7+s3+$0x0], $0xffff  }
0x2a7: {  	v8 =	vadd.s32 $0xB98, v6;
	_ =	sdelay $0x1  }
0x2a8: {  	[tilespmem:s29+$0x74C0] =	vst v3  }
0x2a9: {  	v0 =	vld.idx.msk [tilespmem:v0+s3+$0x0], $0xffff;
	[tilespmem:s31+$0x74C0] =	vst v1  }
0x2aa: {  	v1 =	vadd.s32 $0xBCD, v2;
	v3 =	vld.idx.msk [tilespmem:v4+s3+$0x0], $0xffff;
	[tilespmem:s15+$0x74C0] =	vst v7  }
0x2ab: {  	v4 =	vadd.s32 $0xBCD, v5;
	v7 =	vld.idx.msk [tilespmem:v8+s3+$0x0], $0xffff  }
0x2ac: {  	v8 =	vadd.s32 $0xBCD, v6;
	_ =	sdelay $0x1  }
0x2ad: {  	[tilespmem:s29+$0x8140] =	vst v0  }
0x2ae: {  	v0 =	vld.idx.msk [tilespmem:v1+s3+$0x0], $0xffff;
	[tilespmem:s31+$0x8140] =	vst v3  }
0x2af: {  	v1 =	vadd.s32 $0xC02, v2;
	v3 =	vld.idx.msk [tilespmem:v4+s3+$0x0], $0xffff;
	[tilespmem:s15+$0x8140] =	vst v7  }
0x2b0: {  	v4 =	vadd.s32 $0xC02, v5;
	v7 =	vld.idx.msk [tilespmem:v8+s3+$0x0], $0xffff  }
0x2b1: {  	v8 =	vadd.s32 $0xC02, v6;
	_ =	sdelay $0x1  }
0x2b2: {  	[tilespmem:s29+$0x81C0] =	vst v0  }
0x2b3: {  	v0 =	vld.idx.msk [tilespmem:v1+s3+$0x0], $0xffff;
	[tilespmem:s31+$0x81C0] =	vst v3  }
0x2b4: {  	v1 =	vadd.s32 $0xC37, v2;
	v3 =	vld.idx.msk [tilespmem:v4+s3+$0x0], $0xffff;
	[tilespmem:s15+$0x81C0] =	vst v7  }
0x2b5: {  	v4 =	vadd.s32 $0xC37, v5;
	v7 =	vld.idx.msk [tilespmem:v8+s3+$0x0], $0xffff  }
0x2b6: {  	v8 =	vadd.s32 $0xC37, v6;
	_ =	sdelay $0x1  }
0x2b7: {  	[tilespmem:s29+$0x8240] =	vst v0  }
0x2b8: {  	v0 =	vld.idx.msk [tilespmem:v1+s3+$0x0], $0xffff;
	[tilespmem:s31+$0x8240] =	vst v3  }
0x2b9: {  	v1 =	vadd.s32 $0xC6C, v2;
	v3 =	vld.idx.msk [tilespmem:v4+s3+$0x0], $0xffff;
	[tilespmem:s15+$0x8240] =	vst v7  }
0x2ba: {  	v4 =	vadd.s32 $0xC6C, v5;
	v7 =	vld.idx.msk [tilespmem:v8+s3+$0x0], $0xffff  }
0x2bb: {  	v8 =	vadd.s32 $0xC6C, v6;
	_ =	sdelay $0x1  }
0x2bc: {  	[tilespmem:s29+$0x82C0] =	vst v0  }
0x2bd: {  	v0 =	vld.idx.msk [tilespmem:v1+s3+$0x0], $0xffff;
	[tilespmem:s31+$0x82C0] =	vst v3  }
0x2be: {  	v1 =	vadd.s32 $0xCA1, v2;
	v3 =	vld.idx.msk [tilespmem:v4+s3+$0x0], $0xffff;
	[tilespmem:s15+$0x82C0] =	vst v7  }
0x2bf: {  	v4 =	vadd.s32 $0xCA1, v5;
	v7 =	vld.idx.msk [tilespmem:v8+s3+$0x0], $0xffff  }
0x2c0: {  	v8 =	vadd.s32 $0xCA1, v6;
	_ =	sdelay $0x1  }
0x2c1: {  	[tilespmem:s29+$0x8340] =	vst v0  }
0x2c2: {  	v0 =	vld.idx.msk [tilespmem:v1+s3+$0x0], $0xffff;
	[tilespmem:s31+$0x8340] =	vst v3  }
0x2c3: {  	v1 =	vadd.s32 $0xCD6, v2;
	v3 =	vld.idx.msk [tilespmem:v4+s3+$0x0], $0xffff;
	[tilespmem:s15+$0x8340] =	vst v7  }
0x2c4: {  	v4 =	vadd.s32 $0xCD6, v5;
	v7 =	vld.idx.msk [tilespmem:v8+s3+$0x0], $0xffff  }
0x2c5: {  	v8 =	vadd.s32 $0xCD6, v6;
	_ =	sdelay $0x1  }
0x2c6: {  	[tilespmem:s29+$0x83C0] =	vst v0  }
0x2c7: {  	v0 =	vld.idx.msk [tilespmem:v1+s3+$0x0], $0xffff;
	[tilespmem:s31+$0x83C0] =	vst v3  }
0x2c8: {  	v1 =	vadd.s32 $0xD0B, v2;
	v2 =	vld.idx.msk [tilespmem:v4+s3+$0x0], $0xffff;
	[tilespmem:s15+$0x83C0] =	vst v7  }
0x2c9: {  	v3 =	vadd.s32 $0xD0B, v5;
	v4 =	vld.idx.msk [tilespmem:v8+s3+$0x0], $0xffff  }
0x2ca: {  	v5 =	vadd.s32 $0xD0B, v6;
	_ =	sdelay $0x1  }
0x2cb: {  	[tilespmem:s29+$0x8440] =	vst v0  }
0x2cc: {  	v0 =	vld.idx.msk [tilespmem:v1+s3+$0x0], $0xffff;
	[tilespmem:s31+$0x8440] =	vst v2  }
0x2cd: {  	v1 =	vld.idx.msk [tilespmem:v3+s3+$0x0], $0xffff;
	[tilespmem:s15+$0x8440] =	vst v4  }
0x2ce: {  	v2 =	vld.idx.msk [tilespmem:v5+s3+$0x0], $0xffff;
	_ =	sdelay $0x1  }
0x2cf: {  	p0 =	seq.s32 s25, $0x63  }
0x2d0: {  	s0 =	sadd.s32 @!p0 s9, s26;
	[tilespmem:s29+$0x84C0] =	vst v0  }
0x2d1: {  	s0 =	sshrl.u32 @!p0 s0, $0x3;
	[tilespmem:s31+$0x84C0] =	vst v1  }
0x2d2: {  	s5 =	simm.s32 @!p0 $0xD40;
	s1 =	simm.s32 @!p0 $0x0;
	s0 =	sadd.s32 @!p0 s4, s0;
	[tilespmem:s15+$0x84C0] =	vst v2  }
0x2d3: {  	[tilespmem:s5], [sflag:$0x1] =	stream.linear.gather @!p0 [hbm4b:s0+s1], $0x200, $0x38;
	[tilespmem:$0x11140] =	vst v63  }
0x2d4: {  	s5 =	sshll.u32 s25, $0x12  }
0x2d5: {  	s28 =	sor.u32 s6, s5  }
0x2d6: {  	s0 =	sadd.s32 s2, s28  }
0x2d7: {  	[hbm4b:s0+s17] =	stream.strided.scatter [tilespmem:s19], [sflag:$0x3], $0x8000, s18, s17, $0x38;
	[tilespmem:$0x11140] =	vst v63  }
0x2d8: {  	s0 =	simm.s32 @!p1 $0x4  }
0x2d9: {  	_ =	swait.ge @!p1 [sflag:s0], $0x8000  }
0x2da: {  	[sflag:s0] =	ssyncset.done @!p1 $0x0  }
0x2db: {  	[sflag:s0] =	ssyncadd.s32 @!p1 $0xFFFF8000  }
0x2dc: {  	_ =	swait.ge [sflag:s20], $0x200  }
0x2dd: {  	[sflag:s20] =	ssyncset.done $0x0  }
0x2de: {  	s7 =	simm.s32 $0xF40;
	[sflag:s20] =	ssyncadd.s32 $0xFFFFFE00  }
0x2df: {  	v3 =	vld [tilespmem:s7+$0x0];
	_ =	sdelay $0x7  }
0x2e0: {  	v0 =	vld.idx.msk [tilespmem:v3+s3+$0x0], $0xffff  }
0x2e1: {  	v1 =	vadd.s32 $0x35, v3  }
0x2e2: {  	s8 =	simm.s32 $0x0  }
0x2e3: {  	s12 =	sand.u32 $0x70, s8;
	s0 =	sand.u32 $0xC00, s8  }
0x2e4: {  	s31 =	sor.u32 s12, s0  }
0x2e5: {  	[tilespmem:s31+$0x9140] =	vst v0  }
0x2e6: {  	v0 =	vld.idx.msk [tilespmem:v1+s3+$0x0], $0xffff  }
0x2e7: {  	v1 =	vadd.s32 $0x6A, v3;
	_ =	sdelay $0x3  }
0x2e8: {  	[tilespmem:s31+$0x91C0] =	vst v0  }
0x2e9: {  	v0 =	vld.idx.msk [tilespmem:v1+s3+$0x0], $0xffff  }
0x2ea: {  	v1 =	vadd.s32 $0x9F, v3;
	_ =	sdelay $0x3  }
0x2eb: {  	[tilespmem:s31+$0x9240] =	vst v0  }
0x2ec: {  	v0 =	vld.idx.msk [tilespmem:v1+s3+$0x0], $0xffff  }
0x2ed: {  	v1 =	vadd.s32 $0xD4, v3;
	_ =	sdelay $0x3  }
0x2ee: {  	[tilespmem:s31+$0x92C0] =	vst v0  }
0x2ef: {  	v0 =	vld.idx.msk [tilespmem:v1+s3+$0x0], $0xffff  }
0x2f0: {  	v1 =	vadd.s32 $0x109, v3;
	_ =	sdelay $0x3  }
0x2f1: {  	[tilespmem:s31+$0x9340] =	vst v0  }
0x2f2: {  	v0 =	vld.idx.msk [tilespmem:v1+s3+$0x0], $0xffff  }
0x2f3: {  	v1 =	vadd.s32 $0x13E, v3;
	_ =	sdelay $0x3  }
0x2f4: {  	[tilespmem:s31+$0x93C0] =	vst v0  }
0x2f5: {  	v0 =	vld.idx.msk [tilespmem:v1+s3+$0x0], $0xffff  }
0x2f6: {  	v1 =	vadd.s32 $0x173, v3;
	_ =	sdelay $0x3  }
0x2f7: {  	[tilespmem:s31+$0x9440] =	vst v0  }
0x2f8: {  	v1 =	vld.idx.msk [tilespmem:v1+s3+$0x0], $0xffff  }
0x2f9: {  	v2 =	vadd.s32 $0x1A8, v3;
	_ =	sdelay $0x2  }
0x2fa: {  	s13 =	simm.s32 $0xF50  }
0x2fb: {  	v0 =	vld [tilespmem:s13+$0x0];
	[tilespmem:s31+$0x94C0] =	vst v1  }
0x2fc: {  	v1 =	vld.idx.msk [tilespmem:v2+s3+$0x0], $0xffff  }
0x2fd: {  	v2 =	vadd.s32 $0x1DD, v3;
	_ =	sdelay $0x3  }
0x2fe: {  	[tilespmem:s31+$0xA140] =	vst v1  }
0x2ff: {  	v1 =	vld.idx.msk [tilespmem:v2+s3+$0x0], $0xffff  }
0x300: {  	v4 =	vld.idx.msk [tilespmem:v0+s3+$0x0], $0xffff;
	v2 =	vadd.s32 $0x212, v3  }
0x301: {  	v5 =	vadd.s32 $0x35, v0  }
0x302: {  	s14 =	simm.s32 $0x80;
	s15 =	simm.s32 $0x10  }
0x303: {  	s1 =	sand.u32 $0x70, s15;
	s0 =	sand.u32 $0xC00, s14  }
0x304: {  	s29 =	sor.u32 s1, s0;
	[tilespmem:s31+$0xA1C0] =	vst v1  }
0x305: {  	[tilespmem:s29+$0x9140] =	vst v4;
	v1 =	vld.idx.msk [tilespmem:v2+s3+$0x0], $0xffff  }
0x306: {  	v4 =	vld.idx.msk [tilespmem:v5+s3+$0x0], $0xffff;
	v2 =	vadd.s32 $0x247, v3  }
0x307: {  	v5 =	vadd.s32 $0x6A, v0;
	_ =	sdelay $0x2  }
0x308: {  	[tilespmem:s31+$0xA240] =	vst v1  }
0x309: {  	[tilespmem:s29+$0x91C0] =	vst v4;
	v1 =	vld.idx.msk [tilespmem:v2+s3+$0x0], $0xffff  }
0x30a: {  	v4 =	vld.idx.msk [tilespmem:v5+s3+$0x0], $0xffff;
	v2 =	vadd.s32 $0x27C, v3  }
0x30b: {  	v5 =	vadd.s32 $0x9F, v0;
	_ =	sdelay $0x2  }
0x30c: {  	[tilespmem:s31+$0xA2C0] =	vst v1  }
0x30d: {  	[tilespmem:s29+$0x9240] =	vst v4;
	v1 =	vld.idx.msk [tilespmem:v2+s3+$0x0], $0xffff  }
0x30e: {  	v4 =	vld.idx.msk [tilespmem:v5+s3+$0x0], $0xffff;
	v2 =	vadd.s32 $0x2B1, v3  }
0x30f: {  	v5 =	vadd.s32 $0xD4, v0;
	_ =	sdelay $0x2  }
0x310: {  	[tilespmem:s31+$0xA340] =	vst v1  }
0x311: {  	[tilespmem:s29+$0x92C0] =	vst v4;
	v1 =	vld.idx.msk [tilespmem:v2+s3+$0x0], $0xffff  }
0x312: {  	v4 =	vld.idx.msk [tilespmem:v5+s3+$0x0], $0xffff;
	v2 =	vadd.s32 $0x2E6, v3  }
0x313: {  	v5 =	vadd.s32 $0x109, v0;
	_ =	sdelay $0x2  }
0x314: {  	[tilespmem:s31+$0xA3C0] =	vst v1  }
0x315: {  	[tilespmem:s29+$0x9340] =	vst v4;
	v1 =	vld.idx.msk [tilespmem:v2+s3+$0x0], $0xffff  }
0x316: {  	v4 =	vld.idx.msk [tilespmem:v5+s3+$0x0], $0xffff;
	v2 =	vadd.s32 $0x31B, v3  }
0x317: {  	v5 =	vadd.s32 $0x13E, v0;
	_ =	sdelay $0x2  }
0x318: {  	[tilespmem:s31+$0xA440] =	vst v1  }
0x319: {  	[tilespmem:s29+$0x93C0] =	vst v4;
	v1 =	vld.idx.msk [tilespmem:v2+s3+$0x0], $0xffff  }
0x31a: {  	v4 =	vld.idx.msk [tilespmem:v5+s3+$0x0], $0xffff;
	v2 =	vadd.s32 $0x350, v3  }
0x31b: {  	v5 =	vadd.s32 $0x173, v0;
	_ =	sdelay $0x2  }
0x31c: {  	[tilespmem:s31+$0xA4C0] =	vst v1  }
0x31d: {  	[tilespmem:s29+$0x9440] =	vst v4;
	v1 =	vld.idx.msk [tilespmem:v2+s3+$0x0], $0xffff  }
0x31e: {  	v4 =	vld.idx.msk [tilespmem:v5+s3+$0x0], $0xffff;
	v2 =	vadd.s32 $0x385, v3  }
0x31f: {  	v5 =	vadd.s32 $0x1A8, v0;
	_ =	sdelay $0x2  }
0x320: {  	[tilespmem:s31+$0xB140] =	vst v1  }
0x321: {  	[tilespmem:s29+$0x94C0] =	vst v4;
	v2 =	vld.idx.msk [tilespmem:v2+s3+$0x0], $0xffff  }
0x322: {  	s1 =	simm.s32 $0xF60;
	v4 =	vadd.s32 $0x3BA, v3;
	v5 =	vld.idx.msk [tilespmem:v5+s3+$0x0], $0xffff  }
0x323: {  	v1 =	vld [tilespmem:s1+$0x0]  }
0x324: {  	v6 =	vadd.s32 $0x1DD, v0;
	_ =	sdelay $0x1  }
0x325: {  	[tilespmem:s31+$0xB1C0] =	vst v2  }
0x326: {  	v2 =	vld.idx.msk [tilespmem:v4+s3+$0x0], $0xffff  }
0x327: {  	[tilespmem:s29+$0xA140] =	vst v5;
	v4 =	vadd.s32 $0x3EF, v3  }
0x328: {  	v5 =	vld.idx.msk [tilespmem:v6+s3+$0x0], $0xffff  }
0x329: {  	v6 =	vadd.s32 $0x212, v0  }
0x32a: {  	v7 =	vld.idx.msk [tilespmem:v1+s3+$0x0], $0xffff  }
0x32b: {  	v8 =	vadd.s32 $0x35, v1;
	[tilespmem:s31+$0xB240] =	vst v2  }
0x32c: {  	s5 =	simm.s32 $0x100;
	s7 =	simm.s32 $0x20;
	v2 =	vld.idx.msk [tilespmem:v4+s3+$0x0], $0xffff  }
0x32d: {  	s0 =	sand.u32 $0xC00, s5;
	s1 =	sand.u32 $0x70, s7;
	[tilespmem:s29+$0xA1C0] =	vst v5;
	v4 =	vadd.s32 $0x424, v3  }
0x32e: {  	s30 =	sor.u32 s1, s0;
	v5 =	vld.idx.msk [tilespmem:v6+s3+$0x0], $0xffff  }
0x32f: {  	v6 =	vadd.s32 $0x247, v0;
	[tilespmem:s30+$0x9140] =	vst v7  }
0x330: {  	v7 =	vld.idx.msk [tilespmem:v8+s3+$0x0], $0xffff  }
0x331: {  	v8 =	vadd.s32 $0x6A, v1;
	[tilespmem:s31+$0xB2C0] =	vst v2  }
0x332: {  	v2 =	vld.idx.msk [tilespmem:v4+s3+$0x0], $0xffff  }
0x333: {  	[tilespmem:s29+$0xA240] =	vst v5;
	v4 =	vadd.s32 $0x459, v3  }
0x334: {  	v5 =	vld.idx.msk [tilespmem:v6+s3+$0x0], $0xffff  }
0x335: {  	v6 =	vadd.s32 $0x27C, v0;
	[tilespmem:s30+$0x91C0] =	vst v7  }
0x336: {  	v7 =	vld.idx.msk [tilespmem:v8+s3+$0x0], $0xffff  }
0x337: {  	v8 =	vadd.s32 $0x9F, v1;
	[tilespmem:s31+$0xB340] =	vst v2  }
0x338: {  	v2 =	vld.idx.msk [tilespmem:v4+s3+$0x0], $0xffff  }
0x339: {  	[tilespmem:s29+$0xA2C0] =	vst v5;
	v4 =	vadd.s32 $0x48E, v3  }
0x33a: {  	v5 =	vld.idx.msk [tilespmem:v6+s3+$0x0], $0xffff  }
0x33b: {  	v6 =	vadd.s32 $0x2B1, v0;
	[tilespmem:s30+$0x9240] =	vst v7  }
0x33c: {  	v7 =	vld.idx.msk [tilespmem:v8+s3+$0x0], $0xffff  }
0x33d: {  	v8 =	vadd.s32 $0xD4, v1;
	[tilespmem:s31+$0xB3C0] =	vst v2  }
0x33e: {  	v2 =	vld.idx.msk [tilespmem:v4+s3+$0x0], $0xffff  }
0x33f: {  	[tilespmem:s29+$0xA340] =	vst v5;
	v4 =	vadd.s32 $0x4C3, v3  }
0x340: {  	v5 =	vld.idx.msk [tilespmem:v6+s3+$0x0], $0xffff  }
0x341: {  	v6 =	vadd.s32 $0x2E6, v0;
	[tilespmem:s30+$0x92C0] =	vst v7  }
0x342: {  	v7 =	vld.idx.msk [tilespmem:v8+s3+$0x0], $0xffff  }
0x343: {  	v8 =	vadd.s32 $0x109, v1;
	[tilespmem:s31+$0xB440] =	vst v2  }
0x344: {  	v2 =	vld.idx.msk [tilespmem:v4+s3+$0x0], $0xffff  }
0x345: {  	[tilespmem:s29+$0xA3C0] =	vst v5;
	v4 =	vadd.s32 $0x4F8, v3  }
0x346: {  	v5 =	vld.idx.msk [tilespmem:v6+s3+$0x0], $0xffff  }
0x347: {  	v6 =	vadd.s32 $0x31B, v0;
	[tilespmem:s30+$0x9340] =	vst v7  }
0x348: {  	v7 =	vld.idx.msk [tilespmem:v8+s3+$0x0], $0xffff  }
0x349: {  	v8 =	vadd.s32 $0x13E, v1;
	[tilespmem:s31+$0xB4C0] =	vst v2  }
0x34a: {  	v2 =	vld.idx.msk [tilespmem:v4+s3+$0x0], $0xffff  }
0x34b: {  	[tilespmem:s29+$0xA440] =	vst v5;
	v4 =	vadd.s32 $0x52D, v3  }
0x34c: {  	v5 =	vld.idx.msk [tilespmem:v6+s3+$0x0], $0xffff  }
0x34d: {  	v6 =	vadd.s32 $0x350, v0;
	[tilespmem:s30+$0x93C0] =	vst v7  }
0x34e: {  	v7 =	vld.idx.msk [tilespmem:v8+s3+$0x0], $0xffff  }
0x34f: {  	v8 =	vadd.s32 $0x173, v1;
	[tilespmem:s31+$0xC140] =	vst v2  }
0x350: {  	v2 =	vld.idx.msk [tilespmem:v4+s3+$0x0], $0xffff  }
0x351: {  	[tilespmem:s29+$0xA4C0] =	vst v5;
	v4 =	vadd.s32 $0x562, v3  }
0x352: {  	v5 =	vld.idx.msk [tilespmem:v6+s3+$0x0], $0xffff  }
0x353: {  	v6 =	vadd.s32 $0x385, v0;
	[tilespmem:s30+$0x9440] =	vst v7  }
0x354: {  	v7 =	vld.idx.msk [tilespmem:v8+s3+$0x0], $0xffff  }
0x355: {  	v8 =	vadd.s32 $0x1A8, v1;
	[tilespmem:s31+$0xC1C0] =	vst v2  }
0x356: {  	v4 =	vld.idx.msk [tilespmem:v4+s3+$0x0], $0xffff  }
0x357: {  	[tilespmem:s29+$0xB140] =	vst v5;
	v5 =	vadd.s32 $0x597, v3  }
0x358: {  	s8 =	simm.s32 $0xF70;
	v6 =	vld.idx.msk [tilespmem:v6+s3+$0x0], $0xffff  }
0x359: {  	v2 =	vld [tilespmem:s8+$0x0];
	[tilespmem:s30+$0x94C0] =	vst v7;
	v7 =	vadd.s32 $0x3BA, v0  }
0x35a: {  	v8 =	vld.idx.msk [tilespmem:v8+s3+$0x0], $0xffff  }
0x35b: {  	v9 =	vadd.s32 $0x1DD, v1;
	[tilespmem:s31+$0xC240] =	vst v4  }
0x35c: {  	v4 =	vld.idx.msk [tilespmem:v5+s3+$0x0], $0xffff  }
0x35d: {  	[tilespmem:s29+$0xB1C0] =	vst v6;
	v5 =	vadd.s32 $0x5CC, v3  }
0x35e: {  	v6 =	vld.idx.msk [tilespmem:v7+s3+$0x0], $0xffff  }
0x35f: {  	v7 =	vadd.s32 $0x3EF, v0;
	[tilespmem:s30+$0xA140] =	vst v8  }
0x360: {  	v8 =	vld.idx.msk [tilespmem:v9+s3+$0x0], $0xffff  }
0x361: {  	v10 =	vadd.s32 $0x212, v1;
	v9 =	vld.idx.msk [tilespmem:v2+s3+$0x0], $0xffff;
	[tilespmem:s31+$0xC2C0] =	vst v4  }
0x362: {  	v4 =	vld.idx.msk [tilespmem:v5+s3+$0x0], $0xffff;
	v5 =	vadd.s32 $0x35, v2  }
0x363: {  	s12 =	simm.s32 $0x180;
	s13 =	simm.s32 $0x30;
	[tilespmem:s29+$0xB240] =	vst v6;
	v6 =	vadd.s32 $0x601, v3  }
0x364: {  	s1 =	sand.u32 $0x70, s13;
	s0 =	sand.u32 $0xC00, s12;
	v7 =	vld.idx.msk [tilespmem:v7+s3+$0x0], $0xffff  }
0x365: {  	s0 =	sor.u32 s1, s0;
	[tilespmem:s30+$0xA1C0] =	vst v8;
	v8 =	vadd.s32 $0x424, v0  }
0x366: {  	[tilespmem:s0+$0x9140] =	vst v9;
	v10 =	vld.idx.msk [tilespmem:v10+s3+$0x0], $0xffff  }
0x367: {  	v9 =	vadd.s32 $0x247, v1;
	v5 =	vld.idx.msk [tilespmem:v5+s3+$0x0], $0xffff;
	[tilespmem:s31+$0xC340] =	vst v4  }
0x368: {  	v4 =	vld.idx.msk [tilespmem:v6+s3+$0x0], $0xffff;
	v6 =	vadd.s32 $0x6A, v2  }
0x369: {  	[tilespmem:s29+$0xB2C0] =	vst v7;
	v7 =	vadd.s32 $0x636, v3  }
0x36a: {  	v8 =	vld.idx.msk [tilespmem:v8+s3+$0x0], $0xffff  }
0x36b: {  	[tilespmem:s30+$0xA240] =	vst v10;
	v10 =	vadd.s32 $0x459, v0  }
0x36c: {  	v9 =	vld.idx.msk [tilespmem:v9+s3+$0x0], $0xffff;
	[tilespmem:s0+$0x91C0] =	vst v5  }
0x36d: {  	v5 =	vld.idx.msk [tilespmem:v6+s3+$0x0], $0xffff;
	v6 =	vadd.s32 $0x27C, v1;
	[tilespmem:s31+$0xC3C0] =	vst v4  }
0x36e: {  	v4 =	vld.idx.msk [tilespmem:v7+s3+$0x0], $0xffff;
	v7 =	vadd.s32 $0x9F, v2  }
0x36f: {  	[tilespmem:s29+$0xB340] =	vst v8;
	v8 =	vadd.s32 $0x66B, v3  }
0x370: {  	v10 =	vld.idx.msk [tilespmem:v10+s3+$0x0], $0xffff  }
0x371: {  	[tilespmem:s30+$0xA2C0] =	vst v9;
	v9 =	vadd.s32 $0x48E, v0  }
0x372: {  	v6 =	vld.idx.msk [tilespmem:v6+s3+$0x0], $0xffff;
	[tilespmem:s0+$0x9240] =	vst v5  }
0x373: {  	v5 =	vld.idx.msk [tilespmem:v7+s3+$0x0], $0xffff;
	v7 =	vadd.s32 $0x2B1, v1;
	[tilespmem:s31+$0xC440] =	vst v4  }
0x374: {  	v4 =	vld.idx.msk [tilespmem:v8+s3+$0x0], $0xffff;
	v8 =	vadd.s32 $0xD4, v2  }
0x375: {  	[tilespmem:s29+$0xB3C0] =	vst v10;
	v10 =	vadd.s32 $0x6A0, v3  }
0x376: {  	v9 =	vld.idx.msk [tilespmem:v9+s3+$0x0], $0xffff  }
0x377: {  	[tilespmem:s30+$0xA340] =	vst v6;
	v6 =	vadd.s32 $0x4C3, v0  }
0x378: {  	v7 =	vld.idx.msk [tilespmem:v7+s3+$0x0], $0xffff;
	[tilespmem:s0+$0x92C0] =	vst v5  }
0x379: {  	v5 =	vld.idx.msk [tilespmem:v8+s3+$0x0], $0xffff;
	v8 =	vadd.s32 $0x2E6, v1;
	[tilespmem:s31+$0xC4C0] =	vst v4  }
0x37a: {  	v4 =	vld.idx.msk [tilespmem:v10+s3+$0x0], $0xffff;
	v10 =	vadd.s32 $0x109, v2  }
0x37b: {  	[tilespmem:s29+$0xB440] =	vst v9;
	v9 =	vadd.s32 $0x6D5, v3  }
0x37c: {  	v6 =	vld.idx.msk [tilespmem:v6+s3+$0x0], $0xffff  }
0x37d: {  	[tilespmem:s30+$0xA3C0] =	vst v7;
	v7 =	vadd.s32 $0x4F8, v0  }
0x37e: {  	v8 =	vld.idx.msk [tilespmem:v8+s3+$0x0], $0xffff;
	[tilespmem:s0+$0x9340] =	vst v5  }
0x37f: {  	v5 =	vld.idx.msk [tilespmem:v10+s3+$0x0], $0xffff;
	v10 =	vadd.s32 $0x31B, v1;
	[tilespmem:s31+$0xD140] =	vst v4  }
0x380: {  	v4 =	vld.idx.msk [tilespmem:v9+s3+$0x0], $0xffff;
	v9 =	vadd.s32 $0x13E, v2  }
0x381: {  	[tilespmem:s29+$0xB4C0] =	vst v6;
	v6 =	vadd.s32 $0x70A, v3  }
0x382: {  	v7 =	vld.idx.msk [tilespmem:v7+s3+$0x0], $0xffff  }
0x383: {  	[tilespmem:s30+$0xA440] =	vst v8;
	v8 =	vadd.s32 $0x52D, v0  }
0x384: {  	v10 =	vld.idx.msk [tilespmem:v10+s3+$0x0], $0xffff;
	[tilespmem:s0+$0x93C0] =	vst v5  }
0x385: {  	v5 =	vld.idx.msk [tilespmem:v9+s3+$0x0], $0xffff;
	v9 =	vadd.s32 $0x350, v1;
	[tilespmem:s31+$0xD1C0] =	vst v4  }
0x386: {  	v4 =	vld.idx.msk [tilespmem:v6+s3+$0x0], $0xffff;
	v6 =	vadd.s32 $0x173, v2  }
0x387: {  	[tilespmem:s29+$0xC140] =	vst v7;
	v7 =	vadd.s32 $0x73F, v3  }
0x388: {  	v8 =	vld.idx.msk [tilespmem:v8+s3+$0x0], $0xffff  }
0x389: {  	[tilespmem:s30+$0xA4C0] =	vst v10;
	v10 =	vadd.s32 $0x562, v0  }
0x38a: {  	v9 =	vld.idx.msk [tilespmem:v9+s3+$0x0], $0xffff;
	[tilespmem:s0+$0x9440] =	vst v5  }
0x38b: {  	v5 =	vld.idx.msk [tilespmem:v6+s3+$0x0], $0xffff;
	v6 =	vadd.s32 $0x385, v1;
	[tilespmem:s31+$0xD240] =	vst v4  }
0x38c: {  	s14 =	simm.s32 $0xF80;
	v11 =	vadd.s32 $0x1A8, v2;
	v7 =	vld.idx.msk [tilespmem:v7+s3+$0x0], $0xffff  }
0x38d: {  	v4 =	vld [tilespmem:s14+$0x0];
	[tilespmem:s29+$0xC1C0] =	vst v8;
	v8 =	vadd.s32 $0x774, v3  }
0x38e: {  	v10 =	vld.idx.msk [tilespmem:v10+s3+$0x0], $0xffff  }
0x38f: {  	[tilespmem:s30+$0xB140] =	vst v9;
	v9 =	vadd.s32 $0x597, v0  }
0x390: {  	v6 =	vld.idx.msk [tilespmem:v6+s3+$0x0], $0xffff;
	[tilespmem:s0+$0x94C0] =	vst v5  }
0x391: {  	v5 =	vld.idx.msk [tilespmem:v11+s3+$0x0], $0xffff;
	v11 =	vadd.s32 $0x3BA, v1;
	[tilespmem:s31+$0xD2C0] =	vst v7  }
0x392: {  	v7 =	vld.idx.msk [tilespmem:v8+s3+$0x0], $0xffff;
	v8 =	vadd.s32 $0x1DD, v2  }
0x393: {  	[tilespmem:s29+$0xC240] =	vst v10;
	v10 =	vadd.s32 $0x7A9, v3  }
0x394: {  	v9 =	vld.idx.msk [tilespmem:v9+s3+$0x0], $0xffff  }
0x395: {  	v12 =	vld.idx.msk [tilespmem:v4+s3+$0x0], $0xffff;
	[tilespmem:s30+$0xB1C0] =	vst v6;
	v6 =	vadd.s32 $0x5CC, v0  }
0x396: {  	v13 =	vadd.s32 $0x35, v4;
	v11 =	vld.idx.msk [tilespmem:v11+s3+$0x0], $0xffff;
	[tilespmem:s0+$0xA140] =	vst v5  }
0x397: {  	s15 =	simm.s32 $0x200;
	s7 =	simm.s32 $0x40;
	v5 =	vld.idx.msk [tilespmem:v8+s3+$0x0], $0xffff;
	v8 =	vadd.s32 $0x3EF, v1;
	[tilespmem:s31+$0xD340] =	vst v7  }
0x398: {  	s5 =	sand.u32 $0x70, s7;
	s1 =	sand.u32 $0xC00, s15;
	v7 =	vld.idx.msk [tilespmem:v10+s3+$0x0], $0xffff;
	v10 =	vadd.s32 $0x212, v2  }
0x399: {  	s1 =	sor.u32 s5, s1;
	[tilespmem:s29+$0xC2C0] =	vst v9;
	v9 =	vadd.s32 $0x7DE, v3  }
0x39a: {  	[tilespmem:s1+$0x9140] =	vst v12;
	v6 =	vld.idx.msk [tilespmem:v6+s3+$0x0], $0xffff  }
0x39b: {  	v12 =	vld.idx.msk [tilespmem:v13+s3+$0x0], $0xffff;
	[tilespmem:s30+$0xB240] =	vst v11;
	v11 =	vadd.s32 $0x601, v0  }
0x39c: {  	v13 =	vadd.s32 $0x6A, v4;
	v8 =	vld.idx.msk [tilespmem:v8+s3+$0x0], $0xffff;
	[tilespmem:s0+$0xA1C0] =	vst v5  }
0x39d: {  	v5 =	vld.idx.msk [tilespmem:v10+s3+$0x0], $0xffff;
	v10 =	vadd.s32 $0x424, v1;
	[tilespmem:s31+$0xD3C0] =	vst v7  }
0x39e: {  	v7 =	vld.idx.msk [tilespmem:v9+s3+$0x0], $0xffff;
	v9 =	vadd.s32 $0x247, v2  }
0x39f: {  	[tilespmem:s29+$0xC340] =	vst v6;
	v6 =	vadd.s32 $0x813, v3  }
0x3a0: {  	[tilespmem:s1+$0x91C0] =	vst v12;
	v11 =	vld.idx.msk [tilespmem:v11+s3+$0x0], $0xffff  }
0x3a1: {  	v12 =	vld.idx.msk [tilespmem:v13+s3+$0x0], $0xffff;
	[tilespmem:s30+$0xB2C0] =	vst v8;
	v8 =	vadd.s32 $0x636, v0  }
0x3a2: {  	v13 =	vadd.s32 $0x9F, v4;
	v10 =	vld.idx.msk [tilespmem:v10+s3+$0x0], $0xffff;
	[tilespmem:s0+$0xA240] =	vst v5  }
0x3a3: {  	v5 =	vld.idx.msk [tilespmem:v9+s3+$0x0], $0xffff;
	v9 =	vadd.s32 $0x459, v1;
	[tilespmem:s31+$0xD440] =	vst v7  }
0x3a4: {  	v7 =	vadd.s32 $0x27C, v2;
	v6 =	vld.idx.msk [tilespmem:v6+s3+$0x0], $0xffff  }
0x3a5: {  	[tilespmem:s29+$0xC3C0] =	vst v11;
	v11 =	vadd.s32 $0x848, v3  }
0x3a6: {  	[tilespmem:s1+$0x9240] =	vst v12;
	v8 =	vld.idx.msk [tilespmem:v8+s3+$0x0], $0xffff  }
0x3a7: {  	v12 =	vld.idx.msk [tilespmem:v13+s3+$0x0], $0xffff;
	[tilespmem:s30+$0xB340] =	vst v10;
	v10 =	vadd.s32 $0x66B, v0  }
0x3a8: {  	v13 =	vadd.s32 $0xD4, v4;
	v9 =	vld.idx.msk [tilespmem:v9+s3+$0x0], $0xffff;
	[tilespmem:s0+$0xA2C0] =	vst v5  }
0x3a9: {  	v5 =	vld.idx.msk [tilespmem:v7+s3+$0x0], $0xffff;
	v7 =	vadd.s32 $0x48E, v1;
	[tilespmem:s31+$0xD4C0] =	vst v6  }
0x3aa: {  	v6 =	vld.idx.msk [tilespmem:v11+s3+$0x0], $0xffff;
	v11 =	vadd.s32 $0x2B1, v2  }
0x3ab: {  	[tilespmem:s29+$0xC440] =	vst v8;
	v8 =	vadd.s32 $0x87D, v3  }
0x3ac: {  	[tilespmem:s1+$0x92C0] =	vst v12;
	v10 =	vld.idx.msk [tilespmem:v10+s3+$0x0], $0xffff  }
0x3ad: {  	v12 =	vld.idx.msk [tilespmem:v13+s3+$0x0], $0xffff;
	[tilespmem:s30+$0xB3C0] =	vst v9;
	v9 =	vadd.s32 $0x6A0, v0  }
0x3ae: {  	v13 =	vadd.s32 $0x109, v4;
	v7 =	vld.idx.msk [tilespmem:v7+s3+$0x0], $0xffff;
	[tilespmem:s0+$0xA340] =	vst v5  }
0x3af: {  	v5 =	vld.idx.msk [tilespmem:v11+s3+$0x0], $0xffff;
	v11 =	vadd.s32 $0x4C3, v1;
	[tilespmem:s31+$0xE140] =	vst v6  }
0x3b0: {  	v6 =	vld.idx.msk [tilespmem:v8+s3+$0x0], $0xffff;
	v8 =	vadd.s32 $0x2E6, v2  }
0x3b1: {  	[tilespmem:s29+$0xC4C0] =	vst v10;
	v10 =	vadd.s32 $0x8B2, v3  }
0x3b2: {  	[tilespmem:s1+$0x9340] =	vst v12;
	v9 =	vld.idx.msk [tilespmem:v9+s3+$0x0], $0xffff  }
0x3b3: {  	v12 =	vld.idx.msk [tilespmem:v13+s3+$0x0], $0xffff;
	[tilespmem:s30+$0xB440] =	vst v7;
	v7 =	vadd.s32 $0x6D5, v0  }
0x3b4: {  	v13 =	vadd.s32 $0x13E, v4;
	v11 =	vld.idx.msk [tilespmem:v11+s3+$0x0], $0xffff;
	[tilespmem:s0+$0xA3C0] =	vst v5  }
0x3b5: {  	v5 =	vld.idx.msk [tilespmem:v8+s3+$0x0], $0xffff;
	v8 =	vadd.s32 $0x4F8, v1;
	[tilespmem:s31+$0xE1C0] =	vst v6  }
0x3b6: {  	v6 =	vld.idx.msk [tilespmem:v10+s3+$0x0], $0xffff;
	v10 =	vadd.s32 $0x31B, v2  }
0x3b7: {  	[tilespmem:s29+$0xD140] =	vst v9;
	v9 =	vadd.s32 $0x8E7, v3  }
0x3b8: {  	[tilespmem:s1+$0x93C0] =	vst v12;
	v7 =	vld.idx.msk [tilespmem:v7+s3+$0x0], $0xffff  }
0x3b9: {  	v12 =	vld.idx.msk [tilespmem:v13+s3+$0x0], $0xffff;
	[tilespmem:s30+$0xB4C0] =	vst v11;
	v11 =	vadd.s32 $0x70A, v0  }
0x3ba: {  	v13 =	vadd.s32 $0x173, v4;
	v8 =	vld.idx.msk [tilespmem:v8+s3+$0x0], $0xffff;
	[tilespmem:s0+$0xA440] =	vst v5  }
0x3bb: {  	v5 =	vld.idx.msk [tilespmem:v10+s3+$0x0], $0xffff;
	v10 =	vadd.s32 $0x52D, v1;
	[tilespmem:s31+$0xE240] =	vst v6  }
0x3bc: {  	v6 =	vld.idx.msk [tilespmem:v9+s3+$0x0], $0xffff;
	v9 =	vadd.s32 $0x350, v2  }
0x3bd: {  	[tilespmem:s29+$0xD1C0] =	vst v7;
	v7 =	vadd.s32 $0x91C, v3  }
0x3be: {  	[tilespmem:s1+$0x9440] =	vst v12;
	v11 =	vld.idx.msk [tilespmem:v11+s3+$0x0], $0xffff  }
0x3bf: {  	v12 =	vld.idx.msk [tilespmem:v13+s3+$0x0], $0xffff;
	[tilespmem:s30+$0xC140] =	vst v8;
	v8 =	vadd.s32 $0x73F, v0  }
0x3c0: {  	v10 =	vld.idx.msk [tilespmem:v10+s3+$0x0], $0xffff;
	[tilespmem:s0+$0xA4C0] =	vst v5  }
0x3c1: {  	v14 =	vadd.s32 $0x562, v1;
	v9 =	vld.idx.msk [tilespmem:v9+s3+$0x0], $0xffff;
	[tilespmem:s31+$0xE2C0] =	vst v6  }
0x3c2: {  	s8 =	simm.s32 $0xF90;
	v6 =	vld.idx.msk [tilespmem:v7+s3+$0x0], $0xffff;
	v7 =	vadd.s32 $0x385, v2  }
0x3c3: {  	v5 =	vld [tilespmem:s8+$0x0];
	[tilespmem:s29+$0xD240] =	vst v11;
	v11 =	vadd.s32 $0x951, v3  }
0x3c4: {  	v13 =	vadd.s32 $0x1A8, v4;
	v8 =	vld.idx.msk [tilespmem:v8+s3+$0x0], $0xffff  }
0x3c5: {  	[tilespmem:s30+$0xC1C0] =	vst v10;
	v10 =	vadd.s32 $0x774, v0  }
0x3c6: {  	v14 =	vld.idx.msk [tilespmem:v14+s3+$0x0], $0xffff;
	[tilespmem:s0+$0xB140] =	vst v9  }
0x3c7: {  	v9 =	vadd.s32 $0x597, v1;
	v7 =	vld.idx.msk [tilespmem:v7+s3+$0x0], $0xffff;
	[tilespmem:s31+$0xE340] =	vst v6  }
0x3c8: {  	[tilespmem:s1+$0x94C0] =	vst v12;
	v12 =	vadd.s32 $0x3BA, v2;
	v11 =	vld.idx.msk [tilespmem:v11+s3+$0x0], $0xffff  }
0x3c9: {  	v13 =	vld.idx.msk [tilespmem:v13+s3+$0x0], $0xffff;
	[tilespmem:s29+$0xD2C0] =	vst v8;
	v8 =	vadd.s32 $0x986, v3  }
0x3ca: {  	v15 =	vadd.s32 $0x1DD, v4;
	v10 =	vld.idx.msk [tilespmem:v10+s3+$0x0], $0xffff  }
0x3cb: {  	v16 =	vld.idx.msk [tilespmem:v5+s3+$0x0], $0xffff;
	[tilespmem:s30+$0xC240] =	vst v14;
	v14 =	vadd.s32 $0x7A9, v0  }
0x3cc: {  	v17 =	vadd.s32 $0x35, v5;
	v9 =	vld.idx.msk [tilespmem:v9+s3+$0x0], $0xffff;
	[tilespmem:s0+$0xB1C0] =	vst v7  }
0x3cd: {  	s13 =	simm.s32 $0x280;
	s15 =	simm.s32 $0x50;
	v7 =	vld.idx.msk [tilespmem:v12+s3+$0x0], $0xffff;
	v12 =	vadd.s32 $0x5CC, v1;
	[tilespmem:s31+$0xE3C0] =	vst v11  }
0x3ce: {  	s5 =	sand.u32 $0xC00, s13;
	s14 =	sand.u32 $0x70, s15;
	[tilespmem:s1+$0xA140] =	vst v13;
	v11 =	vadd.s32 $0x3EF, v2;
	v8 =	vld.idx.msk [tilespmem:v8+s3+$0x0], $0xffff  }
0x3cf: {  	s14 =	sor.u32 s14, s5;
	v13 =	vld.idx.msk [tilespmem:v15+s3+$0x0], $0xffff;
	[tilespmem:s29+$0xD340] =	vst v10;
	v10 =	vadd.s32 $0x9BB, v3  }
0x3d0: {  	v15 =	vadd.s32 $0x212, v4;
	[tilespmem:s14+$0x9140] =	vst v16;
	v14 =	vld.idx.msk [tilespmem:v14+s3+$0x0], $0xffff  }
0x3d1: {  	v16 =	vld.idx.msk [tilespmem:v17+s3+$0x0], $0xffff;
	[tilespmem:s30+$0xC2C0] =	vst v9;
	v9 =	vadd.s32 $0x7DE, v0  }
0x3d2: {  	v17 =	vadd.s32 $0x6A, v5;
	v12 =	vld.idx.msk [tilespmem:v12+s3+$0x0], $0xffff;
	[tilespmem:s0+$0xB240] =	vst v7  }
0x3d3: {  	v7 =	vld.idx.msk [tilespmem:v11+s3+$0x0], $0xffff;
	v11 =	vadd.s32 $0x601, v1;
	[tilespmem:s31+$0xE440] =	vst v8  }
0x3d4: {  	[tilespmem:s1+$0xA1C0] =	vst v13;
	v8 =	vld.idx.msk [tilespmem:v10+s3+$0x0], $0xffff;
	v10 =	vadd.s32 $0x424, v2  }
0x3d5: {  	v13 =	vld.idx.msk [tilespmem:v15+s3+$0x0], $0xffff;
	[tilespmem:s29+$0xD3C0] =	vst v14;
	v14 =	vadd.s32 $0x9F0, v3  }
0x3d6: {  	v15 =	vadd.s32 $0x247, v4;
	[tilespmem:s14+$0x91C0] =	vst v16;
	v9 =	vld.idx.msk [tilespmem:v9+s3+$0x0], $0xffff  }
0x3d7: {  	v16 =	vld.idx.msk [tilespmem:v17+s3+$0x0], $0xffff;
	[tilespmem:s30+$0xC340] =	vst v12;
	v12 =	vadd.s32 $0x813, v0  }
0x3d8: {  	v17 =	vadd.s32 $0x9F, v5;
	v11 =	vld.idx.msk [tilespmem:v11+s3+$0x0], $0xffff;
	[tilespmem:s0+$0xB2C0] =	vst v7  }
0x3d9: {  	v7 =	vld.idx.msk [tilespmem:v10+s3+$0x0], $0xffff;
	v10 =	vadd.s32 $0x636, v1;
	[tilespmem:s31+$0xE4C0] =	vst v8  }
0x3da: {  	[tilespmem:s1+$0xA240] =	vst v13;
	v13 =	vadd.s32 $0x459, v2;
	v8 =	vld.idx.msk [tilespmem:v14+s3+$0x0], $0xffff  }
0x3db: {  	v14 =	vld.idx.msk [tilespmem:v15+s3+$0x0], $0xffff;
	[tilespmem:s29+$0xD440] =	vst v9;
	v9 =	vadd.s32 $0xA25, v3  }
0x3dc: {  	[tilespmem:s14+$0x9240] =	vst v16;
	v15 =	vadd.s32 $0x27C, v4;
	v12 =	vld.idx.msk [tilespmem:v12+s3+$0x0], $0xffff  }
0x3dd: {  	v16 =	vld.idx.msk [tilespmem:v17+s3+$0x0], $0xffff;
	[tilespmem:s30+$0xC3C0] =	vst v11;
	v11 =	vadd.s32 $0x848, v0  }
0x3de: {  	v17 =	vadd.s32 $0xD4, v5;
	v10 =	vld.idx.msk [tilespmem:v10+s3+$0x0], $0xffff;
	[tilespmem:s0+$0xB340] =	vst v7  }
0x3df: {  	v7 =	vld.idx.msk [tilespmem:v13+s3+$0x0], $0xffff;
	v13 =	vadd.s32 $0x66B, v1;
	[tilespmem:s31+$0xF140] =	vst v8  }
0x3e0: {  	[tilespmem:s1+$0xA2C0] =	vst v14;
	v8 =	vld.idx.msk [tilespmem:v9+s3+$0x0], $0xffff;
	v9 =	vadd.s32 $0x48E, v2  }
0x3e1: {  	v14 =	vld.idx.msk [tilespmem:v15+s3+$0x0], $0xffff;
	[tilespmem:s29+$0xD4C0] =	vst v12;
	v12 =	vadd.s32 $0xA5A, v3  }
0x3e2: {  	[tilespmem:s14+$0x92C0] =	vst v16;
	v15 =	vadd.s32 $0x2B1, v4;
	v11 =	vld.idx.msk [tilespmem:v11+s3+$0x0], $0xffff  }
0x3e3: {  	v16 =	vld.idx.msk [tilespmem:v17+s3+$0x0], $0xffff;
	[tilespmem:s30+$0xC440] =	vst v10;
	v10 =	vadd.s32 $0x87D, v0  }
0x3e4: {  	v17 =	vadd.s32 $0x109, v5;
	v13 =	vld.idx.msk [tilespmem:v13+s3+$0x0], $0xffff;
	[tilespmem:s0+$0xB3C0] =	vst v7  }
0x3e5: {  	v7 =	vld.idx.msk [tilespmem:v9+s3+$0x0], $0xffff;
	v9 =	vadd.s32 $0x6A0, v1;
	[tilespmem:s31+$0xF1C0] =	vst v8  }
0x3e6: {  	[tilespmem:s1+$0xA340] =	vst v14;
	v8 =	vld.idx.msk [tilespmem:v12+s3+$0x0], $0xffff;
	v12 =	vadd.s32 $0x4C3, v2  }
0x3e7: {  	v14 =	vld.idx.msk [tilespmem:v15+s3+$0x0], $0xffff;
	[tilespmem:s29+$0xE140] =	vst v11;
	v11 =	vadd.s32 $0xA8F, v3  }
0x3e8: {  	[tilespmem:s14+$0x9340] =	vst v16;
	v15 =	vadd.s32 $0x2E6, v4;
	v10 =	vld.idx.msk [tilespmem:v10+s3+$0x0], $0xffff  }
0x3e9: {  	v16 =	vld.idx.msk [tilespmem:v17+s3+$0x0], $0xffff;
	[tilespmem:s30+$0xC4C0] =	vst v13;
	v13 =	vadd.s32 $0x8B2, v0  }
0x3ea: {  	v17 =	vadd.s32 $0x13E, v5;
	v9 =	vld.idx.msk [tilespmem:v9+s3+$0x0], $0xffff;
	[tilespmem:s0+$0xB440] =	vst v7  }
0x3eb: {  	v7 =	vld.idx.msk [tilespmem:v12+s3+$0x0], $0xffff;
	v12 =	vadd.s32 $0x6D5, v1;
	[tilespmem:s31+$0xF240] =	vst v8  }
0x3ec: {  	[tilespmem:s1+$0xA3C0] =	vst v14;
	v8 =	vld.idx.msk [tilespmem:v11+s3+$0x0], $0xffff;
	v11 =	vadd.s32 $0x4F8, v2  }
0x3ed: {  	v14 =	vld.idx.msk [tilespmem:v15+s3+$0x0], $0xffff;
	[tilespmem:s29+$0xE1C0] =	vst v10;
	v10 =	vadd.s32 $0xAC4, v3  }
0x3ee: {  	[tilespmem:s14+$0x93C0] =	vst v16;
	v15 =	vadd.s32 $0x31B, v4;
	v13 =	vld.idx.msk [tilespmem:v13+s3+$0x0], $0xffff  }
0x3ef: {  	v16 =	vld.idx.msk [tilespmem:v17+s3+$0x0], $0xffff;
	[tilespmem:s30+$0xD140] =	vst v9;
	v9 =	vadd.s32 $0x8E7, v0  }
0x3f0: {  	v17 =	vadd.s32 $0x173, v5;
	v12 =	vld.idx.msk [tilespmem:v12+s3+$0x0], $0xffff;
	[tilespmem:s0+$0xB4C0] =	vst v7  }
0x3f1: {  	v7 =	vld.idx.msk [tilespmem:v11+s3+$0x0], $0xffff;
	v11 =	vadd.s32 $0x70A, v1;
	[tilespmem:s31+$0xF2C0] =	vst v8  }
0x3f2: {  	[tilespmem:s1+$0xA440] =	vst v14;
	v8 =	vld.idx.msk [tilespmem:v10+s3+$0x0], $0xffff;
	v10 =	vadd.s32 $0x52D, v2  }
0x3f3: {  	v14 =	vld.idx.msk [tilespmem:v15+s3+$0x0], $0xffff;
	[tilespmem:s29+$0xE240] =	vst v13;
	v13 =	vadd.s32 $0xAF9, v3  }
0x3f4: {  	[tilespmem:s14+$0x9440] =	vst v16;
	v15 =	vadd.s32 $0x350, v4;
	v9 =	vld.idx.msk [tilespmem:v9+s3+$0x0], $0xffff  }
0x3f5: {  	v17 =	vld.idx.msk [tilespmem:v17+s3+$0x0], $0xffff;
	[tilespmem:s30+$0xD1C0] =	vst v12;
	v12 =	vadd.s32 $0x91C, v0  }
0x3f6: {  	v11 =	vld.idx.msk [tilespmem:v11+s3+$0x0], $0xffff;
	[tilespmem:s0+$0xC140] =	vst v7  }
0x3f7: {  	v7 =	vld.idx.msk [tilespmem:v10+s3+$0x0], $0xffff;
	v10 =	vadd.s32 $0x73F, v1;
	[tilespmem:s31+$0xF340] =	vst v8  }
0x3f8: {  	[tilespmem:s1+$0xA4C0] =	vst v14;
	v8 =	vld.idx.msk [tilespmem:v13+s3+$0x0], $0xffff;
	v13 =	vadd.s32 $0x562, v2  }
0x3f9: {  	v14 =	vld.idx.msk [tilespmem:v15+s3+$0x0], $0xffff;
	[tilespmem:s29+$0xE2C0] =	vst v9;
	v9 =	vadd.s32 $0xB2E, v3  }
0x3fa: {  	s12 =	simm.s32 $0xFA0;
	v16 =	vadd.s32 $0x385, v4;
	[tilespmem:s14+$0x94C0] =	vst v17;
	v15 =	vld.idx.msk [tilespmem:v12+s3+$0x0], $0xffff  }
0x3fb: {  	v18 =	vadd.s32 $0x951, v0;
	v6 =	vld [tilespmem:s12+$0x0];
	[tilespmem:s30+$0xD240] =	vst v11  }
0x3fc: {  	v19 =	vld.idx.msk [tilespmem:v10+s3+$0x0], $0xffff;
	v10 =	vadd.s32 $0x1A8, v5;
	[tilespmem:s0+$0xC1C0] =	vst v7  }
0x3fd: {  	v7 =	vadd.s32 $0x774, v1;
	v11 =	vld.idx.msk [tilespmem:v13+s3+$0x0], $0xffff;
	[tilespmem:s31+$0xF3C0] =	vst v8  }
0x3fe: {  	[tilespmem:s1+$0xB140] =	vst v14;
	v12 =	vld.idx.msk [tilespmem:v9+s3+$0x0], $0xffff  }
0x3ff: {  	v17 =	vadd.s32 $0x597, v2;
	v9 =	vld.idx.msk [tilespmem:v16+s3+$0x0], $0xffff;
	[tilespmem:s29+$0xE340] =	vst v15  }
0x400: {  	v14 =	vadd.s32 $0xB63, v3;
	v8 =	vld.idx.msk [tilespmem:v18+s3+$0x0], $0xffff  }
0x401: {  	v15 =	vadd.s32 $0x3BA, v4;
	v10 =	vld.idx.msk [tilespmem:v10+s3+$0x0], $0xffff;
	[tilespmem:s30+$0xD2C0] =	vst v19  }
0x402: {  	s5 =	simm.s32 $0x300;
	s8 =	simm.s32 $0xFB0;
	s12 =	simm.s32 $0x380;
	v16 =	vadd.s32 $0x986, v0;
	v13 =	vld.idx.msk [tilespmem:v7+s3+$0x0], $0xffff  }
.LBB2_5:
0x403: {  	v7 =	vld [tilespmem:s8+$0x0];
	p1 =	sne.s32 s12, $0xF80;
	v18 =	vadd.s32 $0x1DD, v5;
	[tilespmem:s0+$0xC240] =	vst v11;
	s7 =	smov.u32 s29;
	s29 =	smov.u32 s30  }
0x404: {  	s30 =	smov.u32 s0;
	s0 =	smov.u32 s1;
	s1 =	smov.u32 s14;
	v11 =	vld.idx.msk [tilespmem:v17+s3+$0x0], $0xffff;
	v17 =	vadd.s32 $0x7A9, v1;
	[tilespmem:s31+$0xF440] =	vst v12  }
0x405: {  	[tilespmem:s0+$0xB1C0] =	vst v9;
	v9 =	vld.idx.msk [tilespmem:v14+s3+$0x0], $0xffff  }
0x406: {  	v14 =	vadd.s32 $0x5CC, v2;
	v12 =	vld.idx.msk [tilespmem:v15+s3+$0x0], $0xffff;
	[tilespmem:s7+$0xE3C0] =	vst v8  }
0x407: {  	[tilespmem:s1+$0xA140] =	vst v10;
	v8 =	vld.idx.msk [tilespmem:v16+s3+$0x0], $0xffff;
	v10 =	vadd.s32 $0xB98, v3  }
0x408: {  	v16 =	vadd.s32 $0x3EF, v4;
	v15 =	vld.idx.msk [tilespmem:v18+s3+$0x0], $0xffff;
	[tilespmem:s29+$0xD340] =	vst v13  }
0x409: {  	v13 =	vld.idx.msk [tilespmem:v17+s3+$0x0], $0xffff;
	v17 =	vadd.s32 $0x9BB, v0  }
0x40a: {  	v19 =	vadd.s32 $0x212, v5;
	v18 =	vld.idx.msk [tilespmem:v6+s3+$0x0], $0xffff;
	[tilespmem:s30+$0xC2C0] =	vst v11  }
0x40b: {  	v11 =	vld.idx.msk [tilespmem:v14+s3+$0x0], $0xffff;
	v14 =	vadd.s32 $0x7DE, v1;
	[tilespmem:s31+$0xF4C0] =	vst v9  }
0x40c: {  	v9 =	vadd.s32 $0x35, v6;
	[tilespmem:s0+$0xB240] =	vst v12;
	v10 =	vld.idx.msk [tilespmem:v10+s3+$0x0], $0xffff  }
0x40d: {  	s15 =	sadd.s32 $0x10, s15;
	v12 =	vld.idx.msk [tilespmem:v16+s3+$0x0], $0xffff;
	v16 =	vadd.s32 $0x601, v2;
	[tilespmem:s7+$0xE440] =	vst v8  }
0x40e: {  	s13 =	sand.u32 $0xC00, s5;
	s5 =	smov.u32 s12;
	s14 =	sand.u32 $0x70, s15;
	[tilespmem:s1+$0xA1C0] =	vst v15;
	v8 =	vld.idx.msk [tilespmem:v17+s3+$0x0], $0xffff;
	v15 =	vadd.s32 $0xBCD, v3  }
0x40f: {  	s14 =	sor.u32 s14, s13;
	v17 =	vld.idx.msk [tilespmem:v19+s3+$0x0], $0xffff;
	v19 =	vadd.s32 $0x424, v4;
	[tilespmem:s29+$0xD3C0] =	vst v13  }
0x410: {  	[tilespmem:s14+$0x9140] =	vst v18;
	v13 =	vld.idx.msk [tilespmem:v14+s3+$0x0], $0xffff;
	v14 =	vadd.s32 $0x9F0, v0  }
0x411: {  	v18 =	vadd.s32 $0x247, v5;
	v9 =	vld.idx.msk [tilespmem:v9+s3+$0x0], $0xffff;
	[tilespmem:s30+$0xC340] =	vst v11  }
0x412: {  	v11 =	vld.idx.msk [tilespmem:v16+s3+$0x0], $0xffff;
	v16 =	vadd.s32 $0x813, v1;
	[tilespmem:s31+$0x10140] =	vst v10  }
0x413: {  	v10 =	vadd.s32 $0x6A, v6;
	[tilespmem:s0+$0xB2C0] =	vst v12;
	v12 =	vld.idx.msk [tilespmem:v15+s3+$0x0], $0xffff  }
0x414: {  	v15 =	vld.idx.msk [tilespmem:v19+s3+$0x0], $0xffff;
	v19 =	vadd.s32 $0x636, v2;
	[tilespmem:s7+$0xE4C0] =	vst v8  }
0x415: {  	[tilespmem:s1+$0xA240] =	vst v17;
	v8 =	vld.idx.msk [tilespmem:v14+s3+$0x0], $0xffff;
	v14 =	vadd.s32 $0xC02, v3  }
0x416: {  	v17 =	vld.idx.msk [tilespmem:v18+s3+$0x0], $0xffff;
	v18 =	vadd.s32 $0x459, v4;
	[tilespmem:s29+$0xD440] =	vst v13  }
0x417: {  	v13 =	vadd.s32 $0xA25, v0;
	[tilespmem:s14+$0x91C0] =	vst v9;
	v9 =	vld.idx.msk [tilespmem:v16+s3+$0x0], $0xffff  }
0x418: {  	v16 =	vadd.s32 $0x27C, v5;
	v10 =	vld.idx.msk [tilespmem:v10+s3+$0x0], $0xffff;
	[tilespmem:s30+$0xC3C0] =	vst v11  }
0x419: {  	v11 =	vld.idx.msk [tilespmem:v19+s3+$0x0], $0xffff;
	v19 =	vadd.s32 $0x848, v1;
	[tilespmem:s31+$0x101C0] =	vst v12  }
0x41a: {  	v12 =	vadd.s32 $0x9F, v6;
	[tilespmem:s0+$0xB340] =	vst v15;
	v14 =	vld.idx.msk [tilespmem:v14+s3+$0x0], $0xffff  }
0x41b: {  	v15 =	vld.idx.msk [tilespmem:v18+s3+$0x0], $0xffff;
	v18 =	vadd.s32 $0x66B, v2;
	[tilespmem:s7+$0xF140] =	vst v8  }
0x41c: {  	[tilespmem:s1+$0xA2C0] =	vst v17;
	v8 =	vld.idx.msk [tilespmem:v13+s3+$0x0], $0xffff;
	v13 =	vadd.s32 $0xC37, v3  }
0x41d: {  	v17 =	vadd.s32 $0x48E, v4;
	v16 =	vld.idx.msk [tilespmem:v16+s3+$0x0], $0xffff;
	[tilespmem:s29+$0xD4C0] =	vst v9  }
0x41e: {  	[tilespmem:s14+$0x9240] =	vst v10;
	v9 =	vld.idx.msk [tilespmem:v19+s3+$0x0], $0xffff;
	v10 =	vadd.s32 $0xA5A, v0  }
0x41f: {  	v19 =	vadd.s32 $0x2B1, v5;
	v12 =	vld.idx.msk [tilespmem:v12+s3+$0x0], $0xffff;
	[tilespmem:s30+$0xC440] =	vst v11  }
0x420: {  	v11 =	vld.idx.msk [tilespmem:v18+s3+$0x0], $0xffff;
	v18 =	vadd.s32 $0x87D, v1;
	[tilespmem:s31+$0x10240] =	vst v14  }
0x421: {  	v14 =	vadd.s32 $0xD4, v6;
	[tilespmem:s0+$0xB3C0] =	vst v15;
	v13 =	vld.idx.msk [tilespmem:v13+s3+$0x0], $0xffff  }
0x422: {  	v15 =	vld.idx.msk [tilespmem:v17+s3+$0x0], $0xffff;
	v17 =	vadd.s32 $0x6A0, v2;
	[tilespmem:s7+$0xF1C0] =	vst v8  }
0x423: {  	[tilespmem:s1+$0xA340] =	vst v16;
	v8 =	vld.idx.msk [tilespmem:v10+s3+$0x0], $0xffff;
	v10 =	vadd.s32 $0xC6C, v3  }
0x424: {  	v16 =	vld.idx.msk [tilespmem:v19+s3+$0x0], $0xffff;
	v19 =	vadd.s32 $0x4C3, v4;
	[tilespmem:s29+$0xE140] =	vst v9  }
0x425: {  	[tilespmem:s14+$0x92C0] =	vst v12;
	v9 =	vld.idx.msk [tilespmem:v18+s3+$0x0], $0xffff;
	v12 =	vadd.s32 $0xA8F, v0  }
0x426: {  	v18 =	vadd.s32 $0x2E6, v5;
	v14 =	vld.idx.msk [tilespmem:v14+s3+$0x0], $0xffff;
	[tilespmem:s30+$0xC4C0] =	vst v11  }
0x427: {  	v11 =	vld.idx.msk [tilespmem:v17+s3+$0x0], $0xffff;
	v17 =	vadd.s32 $0x8B2, v1;
	[tilespmem:s31+$0x102C0] =	vst v13  }
0x428: {  	v13 =	vadd.s32 $0x109, v6;
	[tilespmem:s0+$0xB440] =	vst v15;
	v10 =	vld.idx.msk [tilespmem:v10+s3+$0x0], $0xffff  }
0x429: {  	v15 =	vld.idx.msk [tilespmem:v19+s3+$0x0], $0xffff;
	v19 =	vadd.s32 $0x6D5, v2;
	[tilespmem:s7+$0xF240] =	vst v8  }
0x42a: {  	[tilespmem:s1+$0xA3C0] =	vst v16;
	v8 =	vld.idx.msk [tilespmem:v12+s3+$0x0], $0xffff;
	v12 =	vadd.s32 $0xCA1, v3  }
0x42b: {  	v16 =	vld.idx.msk [tilespmem:v18+s3+$0x0], $0xffff;
	v18 =	vadd.s32 $0x4F8, v4;
	[tilespmem:s29+$0xE1C0] =	vst v9  }
0x42c: {  	[tilespmem:s14+$0x9340] =	vst v14;
	v9 =	vld.idx.msk [tilespmem:v17+s3+$0x0], $0xffff;
	v14 =	vadd.s32 $0xAC4, v0  }
0x42d: {  	v17 =	vadd.s32 $0x31B, v5;
	v13 =	vld.idx.msk [tilespmem:v13+s3+$0x0], $0xffff;
	[tilespmem:s30+$0xD140] =	vst v11  }
0x42e: {  	v11 =	vld.idx.msk [tilespmem:v19+s3+$0x0], $0xffff;
	v19 =	vadd.s32 $0x8E7, v1;
	[tilespmem:s31+$0x10340] =	vst v10  }
0x42f: {  	v10 =	vadd.s32 $0x13E, v6;
	[tilespmem:s0+$0xB4C0] =	vst v15;
	v12 =	vld.idx.msk [tilespmem:v12+s3+$0x0], $0xffff  }
0x430: {  	v15 =	vld.idx.msk [tilespmem:v18+s3+$0x0], $0xffff;
	v18 =	vadd.s32 $0x70A, v2;
	[tilespmem:s7+$0xF2C0] =	vst v8  }
0x431: {  	[tilespmem:s1+$0xA440] =	vst v16;
	v8 =	vld.idx.msk [tilespmem:v14+s3+$0x0], $0xffff;
	v14 =	vadd.s32 $0xCD6, v3  }
0x432: {  	v16 =	vld.idx.msk [tilespmem:v17+s3+$0x0], $0xffff;
	v17 =	vadd.s32 $0x52D, v4;
	[tilespmem:s29+$0xE240] =	vst v9  }
0x433: {  	[tilespmem:s14+$0x93C0] =	vst v13;
	v9 =	vld.idx.msk [tilespmem:v19+s3+$0x0], $0xffff;
	v13 =	vadd.s32 $0xAF9, v0  }
0x434: {  	v19 =	vadd.s32 $0x350, v5;
	v10 =	vld.idx.msk [tilespmem:v10+s3+$0x0], $0xffff;
	[tilespmem:s30+$0xD1C0] =	vst v11  }
0x435: {  	v11 =	vld.idx.msk [tilespmem:v18+s3+$0x0], $0xffff;
	v18 =	vadd.s32 $0x91C, v1;
	[tilespmem:s31+$0x103C0] =	vst v12  }
0x436: {  	v12 =	vadd.s32 $0x173, v6;
	[tilespmem:s0+$0xC140] =	vst v15;
	v14 =	vld.idx.msk [tilespmem:v14+s3+$0x0], $0xffff  }
0x437: {  	v15 =	vld.idx.msk [tilespmem:v17+s3+$0x0], $0xffff;
	v17 =	vadd.s32 $0x73F, v2;
	[tilespmem:s7+$0xF340] =	vst v8  }
0x438: {  	[tilespmem:s1+$0xA4C0] =	vst v16;
	v8 =	vld.idx.msk [tilespmem:v13+s3+$0x0], $0xffff;
	v13 =	vadd.s32 $0xD0B, v3;
	v3 =	vmovc v0;
	v0 =	vmovc v1;
	v1 =	vmov v2;
	v2 =	vmov v4  }
0x439: {  	v4 =	vmovc v5;
	v5 =	vmov v6;
	v6 =	vmov v7;
	v16 =	vld.idx.msk [tilespmem:v19+s3+$0x0], $0xffff;
	v19 =	vadd.s32 $0x562, v2;
	[tilespmem:s29+$0xE2C0] =	vst v9  }
0x43a: {  	v9 =	vadd.s32 $0xB2E, v3;
	[tilespmem:s14+$0x9440] =	vst v10;
	v7 =	vld.idx.msk [tilespmem:v18+s3+$0x0], $0xffff  }
0x43b: {  	v18 =	vadd.s32 $0x385, v4;
	v10 =	vld.idx.msk [tilespmem:v12+s3+$0x0], $0xffff;
	[tilespmem:s30+$0xD240] =	vst v11  }
0x43c: {  	v21 =	vadd.s32 $0x951, v0;
	v20 =	vld.idx.msk [tilespmem:v17+s3+$0x0], $0xffff;
	[tilespmem:s31+$0x10440] =	vst v14  }
0x43d: {  	v22 =	vadd.s32 $0x1A8, v5;
	[tilespmem:s0+$0xC1C0] =	vst v15;
	v23 =	vld.idx.msk [tilespmem:v13+s3+$0x0], $0xffff  }
0x43e: {  	v13 =	vadd.s32 $0x774, v1;
	v11 =	vld.idx.msk [tilespmem:v19+s3+$0x0], $0xffff;
	[tilespmem:s7+$0xF3C0] =	vst v8  }
.Ltmp1:
0x43f: {  	[tilespmem:s1+$0xB140] =	vst v16;
	v12 =	vld.idx.msk [tilespmem:v9+s3+$0x0], $0xffff;
	(pc) =	sbr.rel @p1 .LBB2_5-.Ltmp1, $4  }
0x440: {  	v17 =	vadd.s32 $0x597, v2;
	v9 =	vld.idx.msk [tilespmem:v18+s3+$0x0], $0xffff;
	[tilespmem:s29+$0xE340] =	vst v7  }
0x441: {  	v14 =	vadd.s32 $0xB63, v3;
	[tilespmem:s14+$0x94C0] =	vst v10;
	v8 =	vld.idx.msk [tilespmem:v21+s3+$0x0], $0xffff  }
0x442: {  	v15 =	vadd.s32 $0x3BA, v4;
	v10 =	vld.idx.msk [tilespmem:v22+s3+$0x0], $0xffff;
	[tilespmem:s30+$0xD2C0] =	vst v20  }
0x443: {  	s8 =	sadd.s32 $0x10, s8;
	s12 =	sadd.s32 $0x80, s12;
	v16 =	vadd.s32 $0x986, v0;
	v13 =	vld.idx.msk [tilespmem:v13+s3+$0x0], $0xffff;
	[tilespmem:s31+$0x104C0] =	vst v23;
	s31 =	smov.u32 s7  }
0x444: {  	_ =	sdelay $0x2  }
0x445: {  	v7 =	vadd.s32 $0x1DD, v5;
	[tilespmem:s0+$0xC240] =	vst v11  }
0x446: {  	[tilespmem:s31+$0xF440] =	vst v12;
	v11 =	vld.idx.msk [tilespmem:v17+s3+$0x0], $0xffff  }
0x447: {  	v53 =	vadd.s32 $0x7A9, v1;
	[tilespmem:s1+$0xB1C0] =	vst v9;
	v12 =	vld.idx.msk [tilespmem:v14+s3+$0x0], $0xffff  }
0x448: {  	v55 =	vadd.s32 $0x5CC, v2;
	v54 =	vld.idx.msk [tilespmem:v15+s3+$0x0], $0xffff;
	[tilespmem:s29+$0xE3C0] =	vst v8  }
0x449: {  	v57 =	vadd.s32 $0xB98, v3;
	[tilespmem:s14+$0xA140] =	vst v10;
	v56 =	vld.idx.msk [tilespmem:v16+s3+$0x0], $0xffff  }
0x44a: {  	v18 =	vadd.s32 $0x3EF, v4;
	[tilespmem:s30+$0xD340] =	vst v13;
	v58 =	vld.idx.msk [tilespmem:v7+s3+$0x0], $0xffff  }
0x44b: {  	v59 =	vld.idx.msk [tilespmem:v6+s3+$0x0], $0xffff;
	[tilespmem:s0+$0xC2C0] =	vst v11  }
0x44c: {  	v60 =	vadd.s32 $0x35, v6;
	v8 =	vld.idx.msk [tilespmem:v53+s3+$0x0], $0xffff;
	[tilespmem:s31+$0xF4C0] =	vst v12  }
0x44d: {  	s7 =	sadd.s32 $0x10, s15;
	v9 =	vld.idx.msk [tilespmem:v55+s3+$0x0], $0xffff;
	[tilespmem:s1+$0xB240] =	vst v54  }
0x44e: {  	s5 =	sand.u32 $0xC00, s5;
	s7 =	sand.u32 $0x70, s7;
	v7 =	vld.idx.msk [tilespmem:v57+s3+$0x0], $0xffff;
	[tilespmem:s29+$0xE440] =	vst v56  }
0x44f: {  	s13 =	sor.u32 s7, s5;
	v61 =	vld.idx.msk [tilespmem:v18+s3+$0x0], $0xffff;
	[tilespmem:s14+$0xA1C0] =	vst v58  }
0x450: {  	[tilespmem:s13+$0x9140] =	vst v59  }
0x451: {  	v62 =	vld.idx.msk [tilespmem:v60+s3+$0x0], $0xffff  }
0x452: {  	v63 =	vadd.s32 $0x6A, v6;
	_ =	sdelay $0x3  }
0x453: {  	[tilespmem:s13+$0x91C0] =	vst v62  }
0x454: {  	v10 =	vld.idx.msk [tilespmem:v63+s3+$0x0], $0xffff  }
0x455: {  	v13 =	vadd.s32 $0x9F, v6;
	_ =	sdelay $0x3  }
0x456: {  	[tilespmem:s13+$0x9240] =	vst v10  }
0x457: {  	v10 =	vld.idx.msk [tilespmem:v13+s3+$0x0], $0xffff  }
0x458: {  	v14 =	vadd.s32 $0xD4, v6;
	_ =	sdelay $0x3  }
0x459: {  	[tilespmem:s13+$0x92C0] =	vst v10  }
0x45a: {  	v10 =	vld.idx.msk [tilespmem:v14+s3+$0x0], $0xffff  }
0x45b: {  	v15 =	vadd.s32 $0x109, v6;
	_ =	sdelay $0x3  }
0x45c: {  	[tilespmem:s13+$0x9340] =	vst v10  }
0x45d: {  	v10 =	vld.idx.msk [tilespmem:v15+s3+$0x0], $0xffff  }
0x45e: {  	v16 =	vadd.s32 $0x13E, v6;
	_ =	sdelay $0x3  }
0x45f: {  	[tilespmem:s13+$0x93C0] =	vst v10  }
0x460: {  	v10 =	vld.idx.msk [tilespmem:v16+s3+$0x0], $0xffff  }
0x461: {  	v17 =	vadd.s32 $0x173, v6;
	_ =	sdelay $0x3  }
0x462: {  	[tilespmem:s13+$0x9440] =	vst v10  }
0x463: {  	v10 =	vld.idx.msk [tilespmem:v17+s3+$0x0], $0xffff  }
0x464: {  	v18 =	vadd.s32 $0x1A8, v6;
	_ =	sdelay $0x3  }
0x465: {  	[tilespmem:s13+$0x94C0] =	vst v10  }
0x466: {  	v10 =	vld.idx.msk [tilespmem:v18+s3+$0x0], $0xffff  }
0x467: {  	v19 =	vadd.s32 $0x1DD, v6;
	_ =	sdelay $0x3  }
0x468: {  	[tilespmem:s13+$0xA140] =	vst v10  }
0x469: {  	v20 =	vadd.s32 $0x212, v5;
	v11 =	vld.idx.msk [tilespmem:v19+s3+$0x0], $0xffff  }
0x46a: {  	v21 =	vadd.s32 $0x212, v6;
	_ =	sdelay $0x3  }
0x46b: {  	v10 =	vld.idx.msk [tilespmem:v20+s3+$0x0], $0xffff;
	[tilespmem:s13+$0xA1C0] =	vst v11  }
0x46c: {  	v22 =	vadd.s32 $0x247, v5;
	v13 =	vld.idx.msk [tilespmem:v21+s3+$0x0], $0xffff  }
0x46d: {  	v23 =	vadd.s32 $0x247, v6;
	_ =	sdelay $0x2  }
0x46e: {  	[tilespmem:s14+$0xA240] =	vst v10  }
0x46f: {  	v10 =	vld.idx.msk [tilespmem:v22+s3+$0x0], $0xffff;
	[tilespmem:s13+$0xA240] =	vst v13  }
0x470: {  	v24 =	vadd.s32 $0x27C, v5;
	v13 =	vld.idx.msk [tilespmem:v23+s3+$0x0], $0xffff  }
0x471: {  	v25 =	vadd.s32 $0x27C, v6;
	_ =	sdelay $0x2  }
0x472: {  	[tilespmem:s14+$0xA2C0] =	vst v10  }
0x473: {  	v10 =	vld.idx.msk [tilespmem:v24+s3+$0x0], $0xffff;
	[tilespmem:s13+$0xA2C0] =	vst v13  }
0x474: {  	v26 =	vadd.s32 $0x2B1, v5;
	v13 =	vld.idx.msk [tilespmem:v25+s3+$0x0], $0xffff  }
0x475: {  	v27 =	vadd.s32 $0x2B1, v6;
	_ =	sdelay $0x2  }
0x476: {  	[tilespmem:s14+$0xA340] =	vst v10  }
0x477: {  	v10 =	vld.idx.msk [tilespmem:v26+s3+$0x0], $0xffff;
	[tilespmem:s13+$0xA340] =	vst v13  }
0x478: {  	v28 =	vadd.s32 $0x2E6, v5;
	v13 =	vld.idx.msk [tilespmem:v27+s3+$0x0], $0xffff  }
0x479: {  	v29 =	vadd.s32 $0x2E6, v6;
	_ =	sdelay $0x2  }
0x47a: {  	[tilespmem:s14+$0xA3C0] =	vst v10  }
0x47b: {  	v10 =	vld.idx.msk [tilespmem:v28+s3+$0x0], $0xffff;
	[tilespmem:s13+$0xA3C0] =	vst v13  }
0x47c: {  	v30 =	vadd.s32 $0x31B, v5;
	v13 =	vld.idx.msk [tilespmem:v29+s3+$0x0], $0xffff  }
0x47d: {  	v31 =	vadd.s32 $0x31B, v6;
	_ =	sdelay $0x2  }
0x47e: {  	[tilespmem:s14+$0xA440] =	vst v10  }
0x47f: {  	v10 =	vld.idx.msk [tilespmem:v30+s3+$0x0], $0xffff;
	[tilespmem:s13+$0xA440] =	vst v13  }
0x480: {  	v32 =	vadd.s32 $0x350, v5;
	v13 =	vld.idx.msk [tilespmem:v31+s3+$0x0], $0xffff  }
0x481: {  	v33 =	vadd.s32 $0x350, v6;
	_ =	sdelay $0x2  }
0x482: {  	[tilespmem:s14+$0xA4C0] =	vst v10  }
0x483: {  	v10 =	vld.idx.msk [tilespmem:v32+s3+$0x0], $0xffff;
	[tilespmem:s13+$0xA4C0] =	vst v13  }
0x484: {  	v34 =	vadd.s32 $0x385, v5;
	v13 =	vld.idx.msk [tilespmem:v33+s3+$0x0], $0xffff  }
0x485: {  	v35 =	vadd.s32 $0x385, v6;
	_ =	sdelay $0x2  }
0x486: {  	[tilespmem:s14+$0xB140] =	vst v10  }
0x487: {  	v10 =	vld.idx.msk [tilespmem:v34+s3+$0x0], $0xffff;
	[tilespmem:s13+$0xB140] =	vst v13  }
0x488: {  	v36 =	vadd.s32 $0x3BA, v5;
	v13 =	vld.idx.msk [tilespmem:v35+s3+$0x0], $0xffff  }
0x489: {  	v37 =	vadd.s32 $0x3BA, v6;
	_ =	sdelay $0x2  }
0x48a: {  	[tilespmem:s14+$0xB1C0] =	vst v10  }
0x48b: {  	v10 =	vld.idx.msk [tilespmem:v36+s3+$0x0], $0xffff;
	[tilespmem:s13+$0xB1C0] =	vst v13  }
0x48c: {  	v38 =	vadd.s32 $0x3EF, v5;
	v13 =	vld.idx.msk [tilespmem:v37+s3+$0x0], $0xffff  }
0x48d: {  	v39 =	vadd.s32 $0x3EF, v6;
	_ =	sdelay $0x2  }
0x48e: {  	[tilespmem:s14+$0xB240] =	vst v10  }
0x48f: {  	v40 =	vadd.s32 $0x424, v4;
	v11 =	vld.idx.msk [tilespmem:v38+s3+$0x0], $0xffff;
	[tilespmem:s13+$0xB240] =	vst v13  }
0x490: {  	v41 =	vadd.s32 $0x424, v5;
	v14 =	vld.idx.msk [tilespmem:v39+s3+$0x0], $0xffff  }
0x491: {  	v42 =	vadd.s32 $0x424, v6;
	_ =	sdelay $0x1  }
0x492: {  	[tilespmem:s1+$0xB2C0] =	vst v61  }
0x493: {  	v10 =	vld.idx.msk [tilespmem:v40+s3+$0x0], $0xffff;
	[tilespmem:s14+$0xB2C0] =	vst v11  }
0x494: {  	v43 =	vadd.s32 $0x459, v4;
	v44 =	vld.idx.msk [tilespmem:v41+s3+$0x0], $0xffff;
	[tilespmem:s13+$0xB2C0] =	vst v14  }
0x495: {  	v45 =	vadd.s32 $0x459, v5;
	v14 =	vld.idx.msk [tilespmem:v42+s3+$0x0], $0xffff  }
0x496: {  	v46 =	vadd.s32 $0x459, v6;
	_ =	sdelay $0x1  }
0x497: {  	[tilespmem:s1+$0xB340] =	vst v10  }
0x498: {  	v10 =	vld.idx.msk [tilespmem:v43+s3+$0x0], $0xffff;
	[tilespmem:s14+$0xB340] =	vst v44  }
0x499: {  	v47 =	vadd.s32 $0x48E, v4;
	v12 =	vld.idx.msk [tilespmem:v45+s3+$0x0], $0xffff;
	[tilespmem:s13+$0xB340] =	vst v14  }
0x49a: {  	v48 =	vadd.s32 $0x48E, v5;
	v14 =	vld.idx.msk [tilespmem:v46+s3+$0x0], $0xffff  }
0x49b: {  	v49 =	vadd.s32 $0x48E, v6;
	_ =	sdelay $0x1  }
0x49c: {  	[tilespmem:s1+$0xB3C0] =	vst v10  }
0x49d: {  	v10 =	vld.idx.msk [tilespmem:v47+s3+$0x0], $0xffff;
	[tilespmem:s14+$0xB3C0] =	vst v12  }
0x49e: {  	v50 =	vadd.s32 $0x4C3, v4;
	v12 =	vld.idx.msk [tilespmem:v48+s3+$0x0], $0xffff;
	[tilespmem:s13+$0xB3C0] =	vst v14  }
0x49f: {  	v51 =	vadd.s32 $0x4C3, v5;
	v14 =	vld.idx.msk [tilespmem:v49+s3+$0x0], $0xffff  }
0x4a0: {  	v52 =	vadd.s32 $0x4C3, v6;
	_ =	sdelay $0x1  }
0x4a1: {  	[tilespmem:s1+$0xB440] =	vst v10  }
0x4a2: {  	v10 =	vld.idx.msk [tilespmem:v50+s3+$0x0], $0xffff;
	[tilespmem:s14+$0xB440] =	vst v12  }
0x4a3: {  	v53 =	vadd.s32 $0x4F8, v4;
	v12 =	vld.idx.msk [tilespmem:v51+s3+$0x0], $0xffff;
	[tilespmem:s13+$0xB440] =	vst v14  }
0x4a4: {  	v54 =	vadd.s32 $0x4F8, v5;
	v14 =	vld.idx.msk [tilespmem:v52+s3+$0x0], $0xffff  }
0x4a5: {  	v55 =	vadd.s32 $0x4F8, v6;
	_ =	sdelay $0x1  }
0x4a6: {  	[tilespmem:s1+$0xB4C0] =	vst v10  }
0x4a7: {  	v10 =	vld.idx.msk [tilespmem:v53+s3+$0x0], $0xffff;
	[tilespmem:s14+$0xB4C0] =	vst v12  }
0x4a8: {  	v56 =	vadd.s32 $0x52D, v4;
	v12 =	vld.idx.msk [tilespmem:v54+s3+$0x0], $0xffff;
	[tilespmem:s13+$0xB4C0] =	vst v14  }
0x4a9: {  	v57 =	vadd.s32 $0x52D, v5;
	v14 =	vld.idx.msk [tilespmem:v55+s3+$0x0], $0xffff  }
0x4aa: {  	v58 =	vadd.s32 $0x52D, v6;
	_ =	sdelay $0x1  }
0x4ab: {  	[tilespmem:s1+$0xC140] =	vst v10  }
0x4ac: {  	v10 =	vld.idx.msk [tilespmem:v56+s3+$0x0], $0xffff;
	[tilespmem:s14+$0xC140] =	vst v12  }
0x4ad: {  	v59 =	vadd.s32 $0x562, v4;
	v12 =	vld.idx.msk [tilespmem:v57+s3+$0x0], $0xffff;
	[tilespmem:s13+$0xC140] =	vst v14  }
0x4ae: {  	v60 =	vadd.s32 $0x562, v5;
	v14 =	vld.idx.msk [tilespmem:v58+s3+$0x0], $0xffff  }
0x4af: {  	v61 =	vadd.s32 $0x562, v6;
	_ =	sdelay $0x1  }
0x4b0: {  	[tilespmem:s1+$0xC1C0] =	vst v10  }
0x4b1: {  	v10 =	vld.idx.msk [tilespmem:v59+s3+$0x0], $0xffff;
	[tilespmem:s14+$0xC1C0] =	vst v12  }
0x4b2: {  	v62 =	vadd.s32 $0x597, v4;
	v12 =	vld.idx.msk [tilespmem:v60+s3+$0x0], $0xffff;
	[tilespmem:s13+$0xC1C0] =	vst v14  }
0x4b3: {  	v63 =	vadd.s32 $0x597, v5;
	v14 =	vld.idx.msk [tilespmem:v61+s3+$0x0], $0xffff  }
0x4b4: {  	v18 =	vadd.s32 $0x597, v6;
	_ =	sdelay $0x1  }
0x4b5: {  	[tilespmem:s1+$0xC240] =	vst v10  }
0x4b6: {  	v10 =	vld.idx.msk [tilespmem:v62+s3+$0x0], $0xffff;
	[tilespmem:s14+$0xC240] =	vst v12  }
0x4b7: {  	v19 =	vadd.s32 $0x5CC, v4;
	v12 =	vld.idx.msk [tilespmem:v63+s3+$0x0], $0xffff;
	[tilespmem:s13+$0xC240] =	vst v14  }
0x4b8: {  	v20 =	vadd.s32 $0x5CC, v5;
	v14 =	vld.idx.msk [tilespmem:v18+s3+$0x0], $0xffff  }
0x4b9: {  	v21 =	vadd.s32 $0x5CC, v6;
	_ =	sdelay $0x1  }
0x4ba: {  	[tilespmem:s1+$0xC2C0] =	vst v10  }
0x4bb: {  	v22 =	vadd.s32 $0x601, v2;
	v11 =	vld.idx.msk [tilespmem:v19+s3+$0x0], $0xffff;
	[tilespmem:s14+$0xC2C0] =	vst v12  }
0x4bc: {  	v23 =	vadd.s32 $0x601, v4;
	v13 =	vld.idx.msk [tilespmem:v20+s3+$0x0], $0xffff;
	[tilespmem:s13+$0xC2C0] =	vst v14  }
0x4bd: {  	v24 =	vadd.s32 $0x601, v5;
	v15 =	vld.idx.msk [tilespmem:v21+s3+$0x0], $0xffff  }
0x4be: {  	v25 =	vadd.s32 $0x601, v6  }
0x4bf: {  	[tilespmem:s0+$0xC340] =	vst v9  }
0x4c0: {  	v9 =	vld.idx.msk [tilespmem:v22+s3+$0x0], $0xffff;
	[tilespmem:s1+$0xC340] =	vst v11  }
0x4c1: {  	v26 =	vadd.s32 $0x636, v2;
	v11 =	vld.idx.msk [tilespmem:v23+s3+$0x0], $0xffff;
	[tilespmem:s14+$0xC340] =	vst v13  }
0x4c2: {  	v27 =	vadd.s32 $0x636, v4;
	v13 =	vld.idx.msk [tilespmem:v24+s3+$0x0], $0xffff;
	[tilespmem:s13+$0xC340] =	vst v15  }
0x4c3: {  	v28 =	vadd.s32 $0x636, v5;
	v15 =	vld.idx.msk [tilespmem:v25+s3+$0x0], $0xffff  }
0x4c4: {  	v29 =	vadd.s32 $0x636, v6  }
0x4c5: {  	[tilespmem:s0+$0xC3C0] =	vst v9  }
0x4c6: {  	v9 =	vld.idx.msk [tilespmem:v26+s3+$0x0], $0xffff;
	[tilespmem:s1+$0xC3C0] =	vst v11  }
0x4c7: {  	v30 =	vadd.s32 $0x66B, v2;
	v11 =	vld.idx.msk [tilespmem:v27+s3+$0x0], $0xffff;
	[tilespmem:s14+$0xC3C0] =	vst v13  }
0x4c8: {  	v31 =	vadd.s32 $0x66B, v4;
	v13 =	vld.idx.msk [tilespmem:v28+s3+$0x0], $0xffff;
	[tilespmem:s13+$0xC3C0] =	vst v15  }
0x4c9: {  	v32 =	vadd.s32 $0x66B, v5;
	v15 =	vld.idx.msk [tilespmem:v29+s3+$0x0], $0xffff  }
0x4ca: {  	v33 =	vadd.s32 $0x66B, v6  }
0x4cb: {  	[tilespmem:s0+$0xC440] =	vst v9  }
0x4cc: {  	v9 =	vld.idx.msk [tilespmem:v30+s3+$0x0], $0xffff;
	[tilespmem:s1+$0xC440] =	vst v11  }
0x4cd: {  	v34 =	vadd.s32 $0x6A0, v2;
	v11 =	vld.idx.msk [tilespmem:v31+s3+$0x0], $0xffff;
	[tilespmem:s14+$0xC440] =	vst v13  }
0x4ce: {  	v35 =	vadd.s32 $0x6A0, v4;
	v13 =	vld.idx.msk [tilespmem:v32+s3+$0x0], $0xffff;
	[tilespmem:s13+$0xC440] =	vst v15  }
0x4cf: {  	v36 =	vadd.s32 $0x6A0, v5;
	v15 =	vld.idx.msk [tilespmem:v33+s3+$0x0], $0xffff  }
0x4d0: {  	v37 =	vadd.s32 $0x6A0, v6  }
0x4d1: {  	[tilespmem:s0+$0xC4C0] =	vst v9  }
0x4d2: {  	v9 =	vld.idx.msk [tilespmem:v34+s3+$0x0], $0xffff;
	[tilespmem:s1+$0xC4C0] =	vst v11  }
0x4d3: {  	v38 =	vadd.s32 $0x6D5, v2;
	v11 =	vld.idx.msk [tilespmem:v35+s3+$0x0], $0xffff;
	[tilespmem:s14+$0xC4C0] =	vst v13  }
0x4d4: {  	v39 =	vadd.s32 $0x6D5, v4;
	v13 =	vld.idx.msk [tilespmem:v36+s3+$0x0], $0xffff;
	[tilespmem:s13+$0xC4C0] =	vst v15  }
0x4d5: {  	v40 =	vadd.s32 $0x6D5, v5;
	v15 =	vld.idx.msk [tilespmem:v37+s3+$0x0], $0xffff  }
0x4d6: {  	v41 =	vadd.s32 $0x6D5, v6  }
0x4d7: {  	[tilespmem:s0+$0xD140] =	vst v9  }
0x4d8: {  	v9 =	vld.idx.msk [tilespmem:v38+s3+$0x0], $0xffff;
	[tilespmem:s1+$0xD140] =	vst v11  }
0x4d9: {  	v42 =	vadd.s32 $0x70A, v2;
	v11 =	vld.idx.msk [tilespmem:v39+s3+$0x0], $0xffff;
	[tilespmem:s14+$0xD140] =	vst v13  }
0x4da: {  	v43 =	vadd.s32 $0x70A, v4;
	v13 =	vld.idx.msk [tilespmem:v40+s3+$0x0], $0xffff;
	[tilespmem:s13+$0xD140] =	vst v15  }
0x4db: {  	v44 =	vadd.s32 $0x70A, v5;
	v15 =	vld.idx.msk [tilespmem:v41+s3+$0x0], $0xffff  }
0x4dc: {  	v45 =	vadd.s32 $0x70A, v6  }
0x4dd: {  	[tilespmem:s0+$0xD1C0] =	vst v9  }
0x4de: {  	v9 =	vld.idx.msk [tilespmem:v42+s3+$0x0], $0xffff;
	[tilespmem:s1+$0xD1C0] =	vst v11  }
0x4df: {  	v46 =	vadd.s32 $0x73F, v2;
	v11 =	vld.idx.msk [tilespmem:v43+s3+$0x0], $0xffff;
	[tilespmem:s14+$0xD1C0] =	vst v13  }
0x4e0: {  	v47 =	vadd.s32 $0x73F, v4;
	v13 =	vld.idx.msk [tilespmem:v44+s3+$0x0], $0xffff;
	[tilespmem:s13+$0xD1C0] =	vst v15  }
0x4e1: {  	v48 =	vadd.s32 $0x73F, v5;
	v15 =	vld.idx.msk [tilespmem:v45+s3+$0x0], $0xffff  }
0x4e2: {  	v49 =	vadd.s32 $0x73F, v6  }
0x4e3: {  	[tilespmem:s0+$0xD240] =	vst v9  }
0x4e4: {  	v9 =	vld.idx.msk [tilespmem:v46+s3+$0x0], $0xffff;
	[tilespmem:s1+$0xD240] =	vst v11  }
0x4e5: {  	v50 =	vadd.s32 $0x774, v2;
	v11 =	vld.idx.msk [tilespmem:v47+s3+$0x0], $0xffff;
	[tilespmem:s14+$0xD240] =	vst v13  }
0x4e6: {  	v51 =	vadd.s32 $0x774, v4;
	v13 =	vld.idx.msk [tilespmem:v48+s3+$0x0], $0xffff;
	[tilespmem:s13+$0xD240] =	vst v15  }
0x4e7: {  	v52 =	vadd.s32 $0x774, v5;
	v15 =	vld.idx.msk [tilespmem:v49+s3+$0x0], $0xffff  }
0x4e8: {  	v53 =	vadd.s32 $0x774, v6  }
0x4e9: {  	[tilespmem:s0+$0xD2C0] =	vst v9  }
0x4ea: {  	v9 =	vld.idx.msk [tilespmem:v50+s3+$0x0], $0xffff;
	[tilespmem:s1+$0xD2C0] =	vst v11  }
0x4eb: {  	v54 =	vadd.s32 $0x7A9, v2;
	v11 =	vld.idx.msk [tilespmem:v51+s3+$0x0], $0xffff;
	[tilespmem:s14+$0xD2C0] =	vst v13  }
0x4ec: {  	v55 =	vadd.s32 $0x7A9, v4;
	v13 =	vld.idx.msk [tilespmem:v52+s3+$0x0], $0xffff;
	[tilespmem:s13+$0xD2C0] =	vst v15  }
0x4ed: {  	v56 =	vadd.s32 $0x7A9, v5;
	v15 =	vld.idx.msk [tilespmem:v53+s3+$0x0], $0xffff  }
0x4ee: {  	v57 =	vadd.s32 $0x7A9, v6  }
0x4ef: {  	[tilespmem:s0+$0xD340] =	vst v9  }
0x4f0: {  	v58 =	vadd.s32 $0x7DE, v1;
	v10 =	vld.idx.msk [tilespmem:v54+s3+$0x0], $0xffff;
	[tilespmem:s1+$0xD340] =	vst v11  }
0x4f1: {  	v59 =	vadd.s32 $0x7DE, v2;
	v12 =	vld.idx.msk [tilespmem:v55+s3+$0x0], $0xffff;
	[tilespmem:s14+$0xD340] =	vst v13  }
0x4f2: {  	v60 =	vadd.s32 $0x7DE, v4;
	v14 =	vld.idx.msk [tilespmem:v56+s3+$0x0], $0xffff;
	[tilespmem:s13+$0xD340] =	vst v15  }
0x4f3: {  	v61 =	vadd.s32 $0x7DE, v5;
	v16 =	vld.idx.msk [tilespmem:v57+s3+$0x0], $0xffff  }
0x4f4: {  	[tilespmem:s30+$0xD3C0] =	vst v8;
	v62 =	vadd.s32 $0x7DE, v6  }
0x4f5: {  	v9 =	vld.idx.msk [tilespmem:v58+s3+$0x0], $0xffff;
	[tilespmem:s0+$0xD3C0] =	vst v10  }
0x4f6: {  	v63 =	vadd.s32 $0x813, v1;
	v11 =	vld.idx.msk [tilespmem:v59+s3+$0x0], $0xffff;
	[tilespmem:s1+$0xD3C0] =	vst v12  }
0x4f7: {  	v20 =	vadd.s32 $0x813, v2;
	v13 =	vld.idx.msk [tilespmem:v60+s3+$0x0], $0xffff;
	[tilespmem:s14+$0xD3C0] =	vst v14  }
0x4f8: {  	v21 =	vadd.s32 $0x813, v4;
	v15 =	vld.idx.msk [tilespmem:v61+s3+$0x0], $0xffff;
	[tilespmem:s13+$0xD3C0] =	vst v16  }
0x4f9: {  	v22 =	vadd.s32 $0x813, v5;
	v8 =	vld.idx.msk [tilespmem:v62+s3+$0x0], $0xffff  }
0x4fa: {  	[tilespmem:s30+$0xD440] =	vst v9;
	v23 =	vadd.s32 $0x813, v6  }
0x4fb: {  	v10 =	vld.idx.msk [tilespmem:v63+s3+$0x0], $0xffff;
	v24 =	vadd.s32 $0x9BB, v0;
	[tilespmem:s0+$0xD440] =	vst v11  }
0x4fc: {  	v25 =	vadd.s32 $0x848, v1;
	v12 =	vld.idx.msk [tilespmem:v20+s3+$0x0], $0xffff;
	[tilespmem:s1+$0xD440] =	vst v13  }
0x4fd: {  	v26 =	vadd.s32 $0x848, v2;
	v14 =	vld.idx.msk [tilespmem:v21+s3+$0x0], $0xffff;
	[tilespmem:s14+$0xD440] =	vst v15  }
0x4fe: {  	v27 =	vadd.s32 $0x848, v4;
	v16 =	vld.idx.msk [tilespmem:v22+s3+$0x0], $0xffff;
	[tilespmem:s13+$0xD440] =	vst v8  }
0x4ff: {  	[tilespmem:s31+$0x10140] =	vst v7;
	v28 =	vadd.s32 $0x848, v5;
	v8 =	vld.idx.msk [tilespmem:v23+s3+$0x0], $0xffff  }
0x500: {  	v30 =	vadd.s32 $0x848, v6;
	[tilespmem:s30+$0xD4C0] =	vst v10;
	v29 =	vld.idx.msk [tilespmem:v24+s3+$0x0], $0xffff  }
0x501: {  	v31 =	vadd.s32 $0xBCD, v3;
	v11 =	vld.idx.msk [tilespmem:v25+s3+$0x0], $0xffff;
	[tilespmem:s0+$0xD4C0] =	vst v12  }
0x502: {  	v32 =	vadd.s32 $0x87D, v1;
	v13 =	vld.idx.msk [tilespmem:v26+s3+$0x0], $0xffff;
	[tilespmem:s1+$0xD4C0] =	vst v14  }
0x503: {  	v33 =	vadd.s32 $0x87D, v2;
	v15 =	vld.idx.msk [tilespmem:v27+s3+$0x0], $0xffff;
	[tilespmem:s14+$0xD4C0] =	vst v16  }
0x504: {  	v34 =	vadd.s32 $0x87D, v4;
	v7 =	vld.idx.msk [tilespmem:v28+s3+$0x0], $0xffff;
	[tilespmem:s13+$0xD4C0] =	vst v8  }
0x505: {  	v35 =	vadd.s32 $0x87D, v5;
	[tilespmem:s29+$0xE4C0] =	vst v29;
	v36 =	vld.idx.msk [tilespmem:v30+s3+$0x0], $0xffff  }
0x506: {  	v38 =	vadd.s32 $0x87D, v6;
	v37 =	vld.idx.msk [tilespmem:v31+s3+$0x0], $0xffff;
	[tilespmem:s30+$0xE140] =	vst v11  }
0x507: {  	v39 =	vadd.s32 $0x9F0, v0;
	v12 =	vld.idx.msk [tilespmem:v32+s3+$0x0], $0xffff;
	[tilespmem:s0+$0xE140] =	vst v13  }
0x508: {  	v40 =	vadd.s32 $0x8B2, v1;
	v14 =	vld.idx.msk [tilespmem:v33+s3+$0x0], $0xffff;
	[tilespmem:s1+$0xE140] =	vst v15  }
0x509: {  	v41 =	vadd.s32 $0x8B2, v2;
	v16 =	vld.idx.msk [tilespmem:v34+s3+$0x0], $0xffff;
	[tilespmem:s14+$0xE140] =	vst v7  }
0x50a: {  	v42 =	vadd.s32 $0x8B2, v4;
	v8 =	vld.idx.msk [tilespmem:v35+s3+$0x0], $0xffff;
	[tilespmem:s13+$0xE140] =	vst v36  }
0x50b: {  	v43 =	vadd.s32 $0x8B2, v5;
	[tilespmem:s31+$0x101C0] =	vst v37;
	v44 =	vld.idx.msk [tilespmem:v38+s3+$0x0], $0xffff  }
0x50c: {  	v46 =	vadd.s32 $0x8B2, v6;
	v45 =	vld.idx.msk [tilespmem:v39+s3+$0x0], $0xffff;
	[tilespmem:s30+$0xE1C0] =	vst v12  }
0x50d: {  	v47 =	vadd.s32 $0xC02, v3;
	v13 =	vld.idx.msk [tilespmem:v40+s3+$0x0], $0xffff;
	[tilespmem:s0+$0xE1C0] =	vst v14  }
0x50e: {  	v48 =	vadd.s32 $0x8E7, v1;
	v15 =	vld.idx.msk [tilespmem:v41+s3+$0x0], $0xffff;
	[tilespmem:s1+$0xE1C0] =	vst v16  }
0x50f: {  	v49 =	vadd.s32 $0x8E7, v2;
	v7 =	vld.idx.msk [tilespmem:v42+s3+$0x0], $0xffff;
	[tilespmem:s14+$0xE1C0] =	vst v8  }
0x510: {  	v50 =	vadd.s32 $0x8E7, v4;
	v9 =	vld.idx.msk [tilespmem:v43+s3+$0x0], $0xffff;
	[tilespmem:s13+$0xE1C0] =	vst v44  }
0x511: {  	v51 =	vadd.s32 $0x8E7, v5;
	[tilespmem:s29+$0xF140] =	vst v45;
	v52 =	vld.idx.msk [tilespmem:v46+s3+$0x0], $0xffff  }
0x512: {  	v54 =	vadd.s32 $0x8E7, v6;
	v53 =	vld.idx.msk [tilespmem:v47+s3+$0x0], $0xffff;
	[tilespmem:s30+$0xE240] =	vst v13  }
0x513: {  	v55 =	vadd.s32 $0xA25, v0;
	v14 =	vld.idx.msk [tilespmem:v48+s3+$0x0], $0xffff;
	[tilespmem:s0+$0xE240] =	vst v15  }
0x514: {  	v56 =	vadd.s32 $0x91C, v1;
	v16 =	vld.idx.msk [tilespmem:v49+s3+$0x0], $0xffff;
	[tilespmem:s1+$0xE240] =	vst v7  }
0x515: {  	v57 =	vadd.s32 $0x91C, v2;
	v8 =	vld.idx.msk [tilespmem:v50+s3+$0x0], $0xffff;
	[tilespmem:s14+$0xE240] =	vst v9  }
0x516: {  	v58 =	vadd.s32 $0x91C, v4;
	v10 =	vld.idx.msk [tilespmem:v51+s3+$0x0], $0xffff;
	[tilespmem:s13+$0xE240] =	vst v52  }
0x517: {  	v59 =	vadd.s32 $0x91C, v5;
	[tilespmem:s31+$0x10240] =	vst v53;
	v60 =	vld.idx.msk [tilespmem:v54+s3+$0x0], $0xffff  }
0x518: {  	v61 =	vld.idx.msk [tilespmem:v55+s3+$0x0], $0xffff;
	v62 =	vadd.s32 $0x91C, v6;
	[tilespmem:s30+$0xE2C0] =	vst v14  }
0x519: {  	v63 =	vadd.s32 $0xC37, v3;
	v15 =	vld.idx.msk [tilespmem:v56+s3+$0x0], $0xffff;
	[tilespmem:s0+$0xE2C0] =	vst v16  }
0x51a: {  	v20 =	vadd.s32 $0x951, v1;
	v7 =	vld.idx.msk [tilespmem:v57+s3+$0x0], $0xffff;
	[tilespmem:s1+$0xE2C0] =	vst v8  }
0x51b: {  	v21 =	vadd.s32 $0x951, v2;
	v9 =	vld.idx.msk [tilespmem:v58+s3+$0x0], $0xffff;
	[tilespmem:s14+$0xE2C0] =	vst v10  }
0x51c: {  	v22 =	vadd.s32 $0x951, v4;
	v11 =	vld.idx.msk [tilespmem:v59+s3+$0x0], $0xffff;
	[tilespmem:s13+$0xE2C0] =	vst v60  }
0x51d: {  	[tilespmem:s29+$0xF1C0] =	vst v61;
	v23 =	vadd.s32 $0x951, v5;
	v24 =	vld.idx.msk [tilespmem:v62+s3+$0x0], $0xffff  }
0x51e: {  	v26 =	vadd.s32 $0x951, v6;
	v25 =	vld.idx.msk [tilespmem:v63+s3+$0x0], $0xffff;
	[tilespmem:s30+$0xE340] =	vst v15  }
0x51f: {  	v27 =	vadd.s32 $0xA5A, v0;
	v16 =	vld.idx.msk [tilespmem:v20+s3+$0x0], $0xffff;
	[tilespmem:s0+$0xE340] =	vst v7  }
0x520: {  	v28 =	vadd.s32 $0x986, v1;
	v8 =	vld.idx.msk [tilespmem:v21+s3+$0x0], $0xffff;
	[tilespmem:s1+$0xE340] =	vst v9  }
0x521: {  	v29 =	vadd.s32 $0x986, v2;
	v10 =	vld.idx.msk [tilespmem:v22+s3+$0x0], $0xffff;
	[tilespmem:s14+$0xE340] =	vst v11  }
0x522: {  	v30 =	vadd.s32 $0x986, v4;
	v12 =	vld.idx.msk [tilespmem:v23+s3+$0x0], $0xffff;
	[tilespmem:s13+$0xE340] =	vst v24  }
0x523: {  	v31 =	vadd.s32 $0x986, v5;
	[tilespmem:s31+$0x102C0] =	vst v25;
	v32 =	vld.idx.msk [tilespmem:v26+s3+$0x0], $0xffff  }
0x524: {  	v33 =	vld.idx.msk [tilespmem:v27+s3+$0x0], $0xffff;
	v34 =	vadd.s32 $0x986, v6;
	[tilespmem:s30+$0xE3C0] =	vst v16  }
0x525: {  	v35 =	vadd.s32 $0xC6C, v3;
	v7 =	vld.idx.msk [tilespmem:v28+s3+$0x0], $0xffff;
	[tilespmem:s0+$0xE3C0] =	vst v8  }
0x526: {  	v36 =	vadd.s32 $0x9BB, v1;
	v9 =	vld.idx.msk [tilespmem:v29+s3+$0x0], $0xffff;
	[tilespmem:s1+$0xE3C0] =	vst v10  }
0x527: {  	v37 =	vadd.s32 $0x9BB, v2;
	v11 =	vld.idx.msk [tilespmem:v30+s3+$0x0], $0xffff;
	[tilespmem:s14+$0xE3C0] =	vst v12  }
0x528: {  	v38 =	vadd.s32 $0x9BB, v4;
	v13 =	vld.idx.msk [tilespmem:v31+s3+$0x0], $0xffff;
	[tilespmem:s13+$0xE3C0] =	vst v32  }
0x529: {  	v39 =	vadd.s32 $0x9BB, v5;
	[tilespmem:s29+$0xF240] =	vst v33;
	v40 =	vld.idx.msk [tilespmem:v34+s3+$0x0], $0xffff  }
0x52a: {  	v42 =	vadd.s32 $0x9BB, v6;
	v41 =	vld.idx.msk [tilespmem:v35+s3+$0x0], $0xffff;
	[tilespmem:s30+$0xE440] =	vst v7  }
0x52b: {  	v43 =	vadd.s32 $0xA8F, v0;
	v8 =	vld.idx.msk [tilespmem:v36+s3+$0x0], $0xffff;
	[tilespmem:s0+$0xE440] =	vst v9  }
0x52c: {  	v44 =	vadd.s32 $0x9F0, v1;
	v10 =	vld.idx.msk [tilespmem:v37+s3+$0x0], $0xffff;
	[tilespmem:s1+$0xE440] =	vst v11  }
0x52d: {  	v45 =	vadd.s32 $0x9F0, v2;
	v12 =	vld.idx.msk [tilespmem:v38+s3+$0x0], $0xffff;
	[tilespmem:s14+$0xE440] =	vst v13  }
0x52e: {  	v46 =	vadd.s32 $0x9F0, v4;
	v14 =	vld.idx.msk [tilespmem:v39+s3+$0x0], $0xffff;
	[tilespmem:s13+$0xE440] =	vst v40  }
0x52f: {  	v47 =	vadd.s32 $0x9F0, v5;
	[tilespmem:s31+$0x10340] =	vst v41;
	v7 =	vld.idx.msk [tilespmem:v42+s3+$0x0], $0xffff  }
0x530: {  	v49 =	vadd.s32 $0x9F0, v6;
	v48 =	vld.idx.msk [tilespmem:v43+s3+$0x0], $0xffff;
	[tilespmem:s30+$0xE4C0] =	vst v8  }
0x531: {  	v50 =	vadd.s32 $0xCA1, v3;
	v9 =	vld.idx.msk [tilespmem:v44+s3+$0x0], $0xffff;
	[tilespmem:s0+$0xE4C0] =	vst v10  }
0x532: {  	v51 =	vadd.s32 $0xA25, v1;
	v11 =	vld.idx.msk [tilespmem:v45+s3+$0x0], $0xffff;
	[tilespmem:s1+$0xE4C0] =	vst v12  }
0x533: {  	v52 =	vadd.s32 $0xA25, v2;
	v13 =	vld.idx.msk [tilespmem:v46+s3+$0x0], $0xffff;
	[tilespmem:s14+$0xE4C0] =	vst v14  }
0x534: {  	v53 =	vadd.s32 $0xA25, v4;
	v15 =	vld.idx.msk [tilespmem:v47+s3+$0x0], $0xffff;
	[tilespmem:s13+$0xE4C0] =	vst v7  }
0x535: {  	[tilespmem:s29+$0xF2C0] =	vst v48;
	v54 =	vadd.s32 $0xA25, v5;
	v8 =	vld.idx.msk [tilespmem:v49+s3+$0x0], $0xffff  }
0x536: {  	v56 =	vadd.s32 $0xA25, v6;
	v55 =	vld.idx.msk [tilespmem:v50+s3+$0x0], $0xffff;
	[tilespmem:s30+$0xF140] =	vst v9  }
0x537: {  	v20 =	vadd.s32 $0xCD6, v3;
	v10 =	vld.idx.msk [tilespmem:v51+s3+$0x0], $0xffff;
	[tilespmem:s0+$0xF140] =	vst v11  }
0x538: {  	v58 =	vadd.s32 $0xA5A, v1;
	v12 =	vld.idx.msk [tilespmem:v52+s3+$0x0], $0xffff;
	[tilespmem:s1+$0xF140] =	vst v13  }
0x539: {  	v59 =	vadd.s32 $0xA5A, v2;
	v14 =	vld.idx.msk [tilespmem:v53+s3+$0x0], $0xffff;
	[tilespmem:s14+$0xF140] =	vst v15  }
0x53a: {  	v60 =	vadd.s32 $0xA5A, v4;
	v7 =	vld.idx.msk [tilespmem:v54+s3+$0x0], $0xffff;
	[tilespmem:s13+$0xF140] =	vst v8  }
0x53b: {  	v61 =	vadd.s32 $0xA5A, v5;
	[tilespmem:s31+$0x103C0] =	vst v55;
	v9 =	vld.idx.msk [tilespmem:v56+s3+$0x0], $0xffff  }
0x53c: {  	v63 =	vadd.s32 $0xA5A, v6;
	v25 =	vld.idx.msk [tilespmem:v20+s3+$0x0], $0xffff;
	[tilespmem:s30+$0xF1C0] =	vst v10  }
0x53d: {  	v57 =	vadd.s32 $0xAC4, v0;
	v11 =	vld.idx.msk [tilespmem:v58+s3+$0x0], $0xffff;
	[tilespmem:s0+$0xF1C0] =	vst v12  }
0x53e: {  	v21 =	vadd.s32 $0xA8F, v1;
	v13 =	vld.idx.msk [tilespmem:v59+s3+$0x0], $0xffff;
	[tilespmem:s1+$0xF1C0] =	vst v14  }
0x53f: {  	v22 =	vadd.s32 $0xA8F, v2;
	v15 =	vld.idx.msk [tilespmem:v60+s3+$0x0], $0xffff;
	[tilespmem:s14+$0xF1C0] =	vst v7  }
0x540: {  	v23 =	vadd.s32 $0xA8F, v4;
	v8 =	vld.idx.msk [tilespmem:v61+s3+$0x0], $0xffff;
	[tilespmem:s13+$0xF1C0] =	vst v9  }
0x541: {  	[tilespmem:s31+$0x10440] =	vst v25;
	v24 =	vadd.s32 $0xA8F, v5;
	v10 =	vld.idx.msk [tilespmem:v63+s3+$0x0], $0xffff  }
0x542: {  	v62 =	vld.idx.msk [tilespmem:v57+s3+$0x0], $0xffff;
	v26 =	vadd.s32 $0xA8F, v6;
	[tilespmem:s30+$0xF240] =	vst v11  }
0x543: {  	v27 =	vadd.s32 $0xAF9, v0;
	v12 =	vld.idx.msk [tilespmem:v21+s3+$0x0], $0xffff;
	[tilespmem:s0+$0xF240] =	vst v13  }
0x544: {  	v28 =	vadd.s32 $0xAC4, v1;
	v14 =	vld.idx.msk [tilespmem:v22+s3+$0x0], $0xffff;
	[tilespmem:s1+$0xF240] =	vst v15  }
0x545: {  	v29 =	vadd.s32 $0xAC4, v2;
	v7 =	vld.idx.msk [tilespmem:v23+s3+$0x0], $0xffff;
	[tilespmem:s14+$0xF240] =	vst v8  }
0x546: {  	v30 =	vadd.s32 $0xAC4, v4;
	v9 =	vld.idx.msk [tilespmem:v24+s3+$0x0], $0xffff;
	[tilespmem:s13+$0xF240] =	vst v10  }
0x547: {  	[tilespmem:s29+$0xF340] =	vst v62;
	v31 =	vadd.s32 $0xAC4, v5;
	v11 =	vld.idx.msk [tilespmem:v26+s3+$0x0], $0xffff  }
0x548: {  	v33 =	vadd.s32 $0xAC4, v6;
	v32 =	vld.idx.msk [tilespmem:v27+s3+$0x0], $0xffff;
	[tilespmem:s30+$0xF2C0] =	vst v12  }
0x549: {  	v34 =	vadd.s32 $0xD0B, v3;
	v13 =	vld.idx.msk [tilespmem:v28+s3+$0x0], $0xffff;
	[tilespmem:s0+$0xF2C0] =	vst v14  }
0x54a: {  	v35 =	vadd.s32 $0xAF9, v1;
	v15 =	vld.idx.msk [tilespmem:v29+s3+$0x0], $0xffff;
	[tilespmem:s1+$0xF2C0] =	vst v7  }
0x54b: {  	v36 =	vadd.s32 $0xAF9, v2;
	v8 =	vld.idx.msk [tilespmem:v30+s3+$0x0], $0xffff;
	[tilespmem:s14+$0xF2C0] =	vst v9  }
0x54c: {  	v37 =	vadd.s32 $0xAF9, v4;
	v10 =	vld.idx.msk [tilespmem:v31+s3+$0x0], $0xffff;
	[tilespmem:s13+$0xF2C0] =	vst v11  }
0x54d: {  	v38 =	vadd.s32 $0xAF9, v5;
	[tilespmem:s29+$0xF3C0] =	vst v32;
	v12 =	vld.idx.msk [tilespmem:v33+s3+$0x0], $0xffff  }
0x54e: {  	v39 =	vadd.s32 $0xAF9, v6;
	v3 =	vld.idx.msk [tilespmem:v34+s3+$0x0], $0xffff;
	[tilespmem:s30+$0xF340] =	vst v13  }
0x54f: {  	v40 =	vadd.s32 $0xB2E, v0;
	v14 =	vld.idx.msk [tilespmem:v35+s3+$0x0], $0xffff;
	[tilespmem:s0+$0xF340] =	vst v15  }
0x550: {  	v41 =	vadd.s32 $0xB2E, v1;
	v7 =	vld.idx.msk [tilespmem:v36+s3+$0x0], $0xffff;
	[tilespmem:s1+$0xF340] =	vst v8  }
0x551: {  	v42 =	vadd.s32 $0xB2E, v2;
	v9 =	vld.idx.msk [tilespmem:v37+s3+$0x0], $0xffff;
	[tilespmem:s14+$0xF340] =	vst v10  }
0x552: {  	v43 =	vadd.s32 $0xB2E, v4;
	v11 =	vld.idx.msk [tilespmem:v38+s3+$0x0], $0xffff;
	[tilespmem:s13+$0xF340] =	vst v12  }
0x553: {  	v44 =	vadd.s32 $0xB2E, v5;
	[tilespmem:s31+$0x104C0] =	vst v3;
	v12 =	vld.idx.msk [tilespmem:v39+s3+$0x0], $0xffff  }
0x554: {  	v46 =	vadd.s32 $0xB2E, v6;
	v45 =	vld.idx.msk [tilespmem:v40+s3+$0x0], $0xffff;
	[tilespmem:s30+$0xF3C0] =	vst v14  }
0x555: {  	v47 =	vadd.s32 $0xB63, v0;
	v15 =	vld.idx.msk [tilespmem:v41+s3+$0x0], $0xffff;
	[tilespmem:s0+$0xF3C0] =	vst v7  }
0x556: {  	v48 =	vadd.s32 $0xB63, v1;
	v8 =	vld.idx.msk [tilespmem:v42+s3+$0x0], $0xffff;
	[tilespmem:s1+$0xF3C0] =	vst v9  }
0x557: {  	v49 =	vadd.s32 $0xB63, v2;
	v10 =	vld.idx.msk [tilespmem:v43+s3+$0x0], $0xffff;
	[tilespmem:s14+$0xF3C0] =	vst v11  }
0x558: {  	v50 =	vadd.s32 $0xB63, v4;
	v3 =	vld.idx.msk [tilespmem:v44+s3+$0x0], $0xffff;
	[tilespmem:s13+$0xF3C0] =	vst v12  }
0x559: {  	v51 =	vadd.s32 $0xB63, v5;
	[tilespmem:s29+$0xF440] =	vst v45;
	v52 =	vld.idx.msk [tilespmem:v46+s3+$0x0], $0xffff  }
0x55a: {  	v54 =	vadd.s32 $0xB63, v6;
	v53 =	vld.idx.msk [tilespmem:v47+s3+$0x0], $0xffff;
	[tilespmem:s30+$0xF440] =	vst v15  }
0x55b: {  	v55 =	vadd.s32 $0xB98, v0;
	v7 =	vld.idx.msk [tilespmem:v48+s3+$0x0], $0xffff;
	[tilespmem:s0+$0xF440] =	vst v8  }
0x55c: {  	v56 =	vadd.s32 $0xB98, v1;
	v9 =	vld.idx.msk [tilespmem:v49+s3+$0x0], $0xffff;
	[tilespmem:s1+$0xF440] =	vst v10  }
0x55d: {  	v57 =	vadd.s32 $0xB98, v2;
	v11 =	vld.idx.msk [tilespmem:v50+s3+$0x0], $0xffff;
	[tilespmem:s14+$0xF440] =	vst v3  }
0x55e: {  	v58 =	vadd.s32 $0xB98, v4;
	v12 =	vld.idx.msk [tilespmem:v51+s3+$0x0], $0xffff;
	[tilespmem:s13+$0xF440] =	vst v52  }
0x55f: {  	v59 =	vadd.s32 $0xB98, v5;
	[tilespmem:s29+$0xF4C0] =	vst v53;
	v60 =	vld.idx.msk [tilespmem:v54+s3+$0x0], $0xffff  }
0x560: {  	v62 =	vadd.s32 $0xB98, v6;
	v61 =	vld.idx.msk [tilespmem:v55+s3+$0x0], $0xffff;
	[tilespmem:s30+$0xF4C0] =	vst v7  }
0x561: {  	v63 =	vadd.s32 $0xBCD, v0;
	v8 =	vld.idx.msk [tilespmem:v56+s3+$0x0], $0xffff;
	[tilespmem:s0+$0xF4C0] =	vst v9  }
0x562: {  	v20 =	vadd.s32 $0xBCD, v1;
	v10 =	vld.idx.msk [tilespmem:v57+s3+$0x0], $0xffff;
	[tilespmem:s1+$0xF4C0] =	vst v11  }
0x563: {  	v21 =	vadd.s32 $0xBCD, v2;
	v3 =	vld.idx.msk [tilespmem:v58+s3+$0x0], $0xffff;
	[tilespmem:s14+$0xF4C0] =	vst v12  }
0x564: {  	v22 =	vadd.s32 $0xBCD, v4;
	v13 =	vld.idx.msk [tilespmem:v59+s3+$0x0], $0xffff;
	[tilespmem:s13+$0xF4C0] =	vst v60  }
0x565: {  	v23 =	vadd.s32 $0xBCD, v5;
	[tilespmem:s29+$0x10140] =	vst v61;
	v7 =	vld.idx.msk [tilespmem:v62+s3+$0x0], $0xffff  }
0x566: {  	v24 =	vadd.s32 $0xBCD, v6;
	v15 =	vld.idx.msk [tilespmem:v63+s3+$0x0], $0xffff;
	[tilespmem:s30+$0x10140] =	vst v8  }
0x567: {  	v25 =	vadd.s32 $0xC02, v0;
	v9 =	vld.idx.msk [tilespmem:v20+s3+$0x0], $0xffff;
	[tilespmem:s0+$0x10140] =	vst v10  }
0x568: {  	v26 =	vadd.s32 $0xC02, v1;
	v11 =	vld.idx.msk [tilespmem:v21+s3+$0x0], $0xffff;
	[tilespmem:s1+$0x10140] =	vst v3  }
0x569: {  	v27 =	vadd.s32 $0xC02, v2;
	v12 =	vld.idx.msk [tilespmem:v22+s3+$0x0], $0xffff;
	[tilespmem:s14+$0x10140] =	vst v13  }
0x56a: {  	v28 =	vadd.s32 $0xC02, v4;
	v14 =	vld.idx.msk [tilespmem:v23+s3+$0x0], $0xffff;
	[tilespmem:s13+$0x10140] =	vst v7  }
0x56b: {  	v29 =	vadd.s32 $0xC02, v5;
	[tilespmem:s29+$0x101C0] =	vst v15;
	v8 =	vld.idx.msk [tilespmem:v24+s3+$0x0], $0xffff  }
0x56c: {  	v30 =	vadd.s32 $0xC02, v6;
	v15 =	vld.idx.msk [tilespmem:v25+s3+$0x0], $0xffff;
	[tilespmem:s30+$0x101C0] =	vst v9  }
0x56d: {  	v31 =	vadd.s32 $0xC37, v0;
	v10 =	vld.idx.msk [tilespmem:v26+s3+$0x0], $0xffff;
	[tilespmem:s0+$0x101C0] =	vst v11  }
0x56e: {  	v32 =	vadd.s32 $0xC37, v1;
	v3 =	vld.idx.msk [tilespmem:v27+s3+$0x0], $0xffff;
	[tilespmem:s1+$0x101C0] =	vst v12  }
0x56f: {  	v33 =	vadd.s32 $0xC37, v2;
	v13 =	vld.idx.msk [tilespmem:v28+s3+$0x0], $0xffff;
	[tilespmem:s14+$0x101C0] =	vst v14  }
0x570: {  	v34 =	vadd.s32 $0xC37, v4;
	v7 =	vld.idx.msk [tilespmem:v29+s3+$0x0], $0xffff;
	[tilespmem:s13+$0x101C0] =	vst v8  }
0x571: {  	v35 =	vadd.s32 $0xC37, v5;
	[tilespmem:s29+$0x10240] =	vst v15;
	v9 =	vld.idx.msk [tilespmem:v30+s3+$0x0], $0xffff  }
0x572: {  	v36 =	vadd.s32 $0xC37, v6;
	v15 =	vld.idx.msk [tilespmem:v31+s3+$0x0], $0xffff;
	[tilespmem:s30+$0x10240] =	vst v10  }
0x573: {  	v37 =	vadd.s32 $0xC6C, v0;
	v11 =	vld.idx.msk [tilespmem:v32+s3+$0x0], $0xffff;
	[tilespmem:s0+$0x10240] =	vst v3  }
0x574: {  	v38 =	vadd.s32 $0xC6C, v1;
	v12 =	vld.idx.msk [tilespmem:v33+s3+$0x0], $0xffff;
	[tilespmem:s1+$0x10240] =	vst v13  }
0x575: {  	v39 =	vadd.s32 $0xC6C, v2;
	v14 =	vld.idx.msk [tilespmem:v34+s3+$0x0], $0xffff;
	[tilespmem:s14+$0x10240] =	vst v7  }
0x576: {  	v40 =	vadd.s32 $0xC6C, v4;
	v8 =	vld.idx.msk [tilespmem:v35+s3+$0x0], $0xffff;
	[tilespmem:s13+$0x10240] =	vst v9  }
0x577: {  	v41 =	vadd.s32 $0xC6C, v5;
	[tilespmem:s29+$0x102C0] =	vst v15;
	v10 =	vld.idx.msk [tilespmem:v36+s3+$0x0], $0xffff  }
0x578: {  	v42 =	vadd.s32 $0xC6C, v6;
	v15 =	vld.idx.msk [tilespmem:v37+s3+$0x0], $0xffff;
	[tilespmem:s30+$0x102C0] =	vst v11  }
0x579: {  	v43 =	vadd.s32 $0xCA1, v0;
	v3 =	vld.idx.msk [tilespmem:v38+s3+$0x0], $0xffff;
	[tilespmem:s0+$0x102C0] =	vst v12  }
0x57a: {  	v44 =	vadd.s32 $0xCA1, v1;
	v13 =	vld.idx.msk [tilespmem:v39+s3+$0x0], $0xffff;
	[tilespmem:s1+$0x102C0] =	vst v14  }
0x57b: {  	v45 =	vadd.s32 $0xCA1, v2;
	v7 =	vld.idx.msk [tilespmem:v40+s3+$0x0], $0xffff;
	[tilespmem:s14+$0x102C0] =	vst v8  }
0x57c: {  	v46 =	vadd.s32 $0xCA1, v4;
	v9 =	vld.idx.msk [tilespmem:v41+s3+$0x0], $0xffff;
	[tilespmem:s13+$0x102C0] =	vst v10  }
0x57d: {  	v47 =	vadd.s32 $0xCA1, v5;
	[tilespmem:s29+$0x10340] =	vst v15;
	v11 =	vld.idx.msk [tilespmem:v42+s3+$0x0], $0xffff  }
0x57e: {  	v48 =	vadd.s32 $0xCA1, v6;
	v15 =	vld.idx.msk [tilespmem:v43+s3+$0x0], $0xffff;
	[tilespmem:s30+$0x10340] =	vst v3  }
0x57f: {  	v49 =	vadd.s32 $0xCD6, v0;
	v12 =	vld.idx.msk [tilespmem:v44+s3+$0x0], $0xffff;
	[tilespmem:s0+$0x10340] =	vst v13  }
0x580: {  	v50 =	vadd.s32 $0xCD6, v1;
	v14 =	vld.idx.msk [tilespmem:v45+s3+$0x0], $0xffff;
	[tilespmem:s1+$0x10340] =	vst v7  }
0x581: {  	v51 =	vadd.s32 $0xCD6, v2;
	v8 =	vld.idx.msk [tilespmem:v46+s3+$0x0], $0xffff;
	[tilespmem:s14+$0x10340] =	vst v9  }
0x582: {  	v52 =	vadd.s32 $0xCD6, v4;
	v10 =	vld.idx.msk [tilespmem:v47+s3+$0x0], $0xffff;
	[tilespmem:s13+$0x10340] =	vst v11  }
0x583: {  	v53 =	vadd.s32 $0xCD6, v5;
	[tilespmem:s29+$0x103C0] =	vst v15;
	v3 =	vld.idx.msk [tilespmem:v48+s3+$0x0], $0xffff  }
0x584: {  	v54 =	vadd.s32 $0xCD6, v6;
	v15 =	vld.idx.msk [tilespmem:v49+s3+$0x0], $0xffff;
	[tilespmem:s30+$0x103C0] =	vst v12  }
0x585: {  	v55 =	vadd.s32 $0xD0B, v0;
	v13 =	vld.idx.msk [tilespmem:v50+s3+$0x0], $0xffff;
	[tilespmem:s0+$0x103C0] =	vst v14  }
0x586: {  	v56 =	vadd.s32 $0xD0B, v1;
	v7 =	vld.idx.msk [tilespmem:v51+s3+$0x0], $0xffff;
	[tilespmem:s1+$0x103C0] =	vst v8  }
0x587: {  	v57 =	vadd.s32 $0xD0B, v2;
	v8 =	vld.idx.msk [tilespmem:v52+s3+$0x0], $0xffff;
	[tilespmem:s14+$0x103C0] =	vst v10  }
0x588: {  	v58 =	vadd.s32 $0xD0B, v4;
	v59 =	vld.idx.msk [tilespmem:v53+s3+$0x0], $0xffff;
	[tilespmem:s13+$0x103C0] =	vst v3  }
0x589: {  	v60 =	vadd.s32 $0xD0B, v5;
	[tilespmem:s29+$0x10440] =	vst v15;
	v61 =	vld.idx.msk [tilespmem:v54+s3+$0x0], $0xffff  }
0x58a: {  	v62 =	vadd.s32 $0xD0B, v6;
	v0 =	vld.idx.msk [tilespmem:v55+s3+$0x0], $0xffff;
	[tilespmem:s30+$0x10440] =	vst v13  }
0x58b: {  	v1 =	vld.idx.msk [tilespmem:v56+s3+$0x0], $0xffff;
	[tilespmem:s0+$0x10440] =	vst v7  }
0x58c: {  	v2 =	vld.idx.msk [tilespmem:v57+s3+$0x0], $0xffff;
	[tilespmem:s1+$0x10440] =	vst v8  }
0x58d: {  	v4 =	vld.idx.msk [tilespmem:v58+s3+$0x0], $0xffff;
	[tilespmem:s14+$0x10440] =	vst v59  }
0x58e: {  	v3 =	vld.idx.msk [tilespmem:v60+s3+$0x0], $0xffff;
	[tilespmem:s13+$0x10440] =	vst v61  }
0x58f: {  	[tilespmem:s29+$0x104C0] =	vst v0;
	v63 =	vld.idx.msk [tilespmem:v62+s3+$0x0], $0xffff  }
0x590: {  	[tilespmem:s30+$0x104C0] =	vst v1  }
0x591: {  	[tilespmem:s0+$0x104C0] =	vst v2  }
0x592: {  	s0 =	sadd.s32 @!p0 s10, s26;
	[tilespmem:s1+$0x104C0] =	vst v4  }
0x593: {  	s25 =	sadd.s32 $0x1, s25;
	s0 =	sshrl.u32 @!p0 s0, $0x3;
	[tilespmem:s14+$0x104C0] =	vst v3  }
0x594: {  	s5 =	simm.s32 @!p0 $0xF40;
	s0 =	sadd.s32 @!p0 s4, s0;
	s1 =	simm.s32 @!p0 $0x0;
	[tilespmem:s13+$0x104C0] =	vst v63  }
0x595: {  	[tilespmem:s5], [sflag:$0x2] =	stream.linear.gather @!p0 [hbm4b:s0+s1], $0x200, $0x38;
	[tilespmem:$0x11140] =	vst v63  }
0x596: {  	p0 =	sne.s32 s25, $0x64  }
.Ltmp2:
0x597: {  	_ = 	snop;
	(pc) =	sbr.rel @p0 .LBB2_2-.Ltmp2, $3  }
0x598: {  	_ =	sdelay $0x1  }
0x599: {  	s31 =	sadd.s32 s28, s11  }
0x59a: {  	[hbm4b:s31+s17] =	stream.strided.scatter [tilespmem:s21], [sflag:$0x4], $0x8000, s18, s17, $0x38;
	[tilespmem:$0x11140] =	vst v63  }
0x59b: {  	_ =	swait.ge [sflag:s22], $0x8000  }
0x59c: {  	[sflag:s22] =	ssyncset.done $0x0  }
0x59d: {  	[sflag:s22] =	ssyncadd.s32 $0xFFFF8000  }
0x59e: {  	_ =	swait.ge [sflag:s23], $0x8000  }
0x59f: {  	s24 =	sadd.s32 $0x1, s24;
	s0 =	rddreg [dreg:$0x6]  }
0x5a0: {  	p0 =	sne.s32 s24, s0  }
.Ltmp3:
0x5a1: {  	_ = 	snop;
	(pc) =	sbr.rel @p0 .LBB2_1-.Ltmp3, $3  }
0x5a2: {  	_ =	sdelay $0x1  }
0x5a3: {  	[sflag:s23] =	ssyncset.done $0x0  }
0x5a4: {  	[sflag:s23] =	ssyncadd.s32 $0xFFFF8000  }
0x5a5: {  	_ =	sfence.sel $0x180000  }
0x5a6: {  	[bflag:$0x0] =	sbarrier.arrive $0xFFFF  }
0x5a7: {  	_ =	strace $0x90000047  }
0x5a8: {  	s0 =	stileid.u32;
	[bflag:$0x2] =	sbarrier.arrive $0xFFFF  }
0x5a9: {  	p0 =	sne.s32 s0, $0x0;
	s0 =	rddreg [dreg:$0x2]  }
0x5aa: {  	s0 =	sadd.s32 @!p0 $0x100000, s0  }
0x5ab: {  	[sflag:s0] =	ssyncadd.tile.s32 @!p0 $0x1;
	_ =	shalt  }
.Lfunc_end2:
_tile_overlayer_lowered:
.L_overlay_start_2:
0x5ac: {  	(tag) =	ssettag $0x2  }
0x5ad: {  	s0 =	rddreg [dreg:$0x0];
	s2 =	stileid.u32  }
0x5ae: {  	s1 =	rddreg [dreg:$0x1];
	p0 =	sne.s32 s2, $0x0  }
0x5af: {  	s3 =	rddreg [dreg:$0x2];
	[bflag:$0x3] =	sbarrier.arrive $0xFFFF;
	s2 =	simm.s32 @!p0 $0x1C05  }
0x5b0: {  	[timem:s3], [sflag:s2] =	dma.local @!p0 [hbm:s0], s1  }
0x5b1: {  	s0 =	simm.s32 @!p0 $0x5  }
0x5b2: {  	_ =	swait.ge @!p0 [sflag:s0], s1  }
0x5b3: {  	s1 =	ssub.s32 @!p0 $0x0, s1;
	[sflag:s0] =	ssyncset.done @!p0 $0x0  }
0x5b4: {  	[sflag:s0] =	ssyncadd.s32 @!p0 s1  }
0x5b5: {  	[bflag:$0x3] =	sbarrier.arrive $0xFFFF  }
0x5b6: {  	_ =	shalt  }

</sc_bundles>
